<compile_context>
chip_gen: v7x
topology: tpu7x:2x2x1
jax: 0.10.2.dev20260603
libtpu: 0.0.44.dev20260713+nightly
codegen_flags: <defaults>
</compile_context>

<pallas_src>
import functools
import numpy as np
import jax
import jax.numpy as jnp
from jax import lax
from jax.experimental import pallas as pl
from jax.experimental.pallas import tpu as pltpu
from jax.experimental.pallas import tpu_sc as plsc

R = 200
B = 50
N = R * B
E = 320000
INDIM = 128
DIM1 = 32
DIM2 = 32
DIM3 = 512
K = 8
NCLASS = 2
KEEP1 = 100
KEEP2 = 50
EPG = E // B
NSC = 2
NSUB = 16
GPC = B // NSC
EPS_SUB = EPG // NSUB
EB = 80
NB = EPS_SUB // EB
CPB = EB // 16

_F32 = jnp.float32
_HI = lax.Precision.HIGHEST


_BLK1 = 400


def _k1_body(x_ref, pos_ref, hw_ref, w2_ref, xt_ref, h2_ref):
    hcat = jnp.maximum(
        jnp.dot(pos_ref[...], hw_ref[...], preferred_element_type=_F32,
                precision=_HI), 0.0)
    h2_ref[...] = hcat[:, K:]
    y = jnp.dot(x_ref[...], w2_ref[...], preferred_element_type=_F32,
                precision=_HI)
    xt = y[:, K * DIM1:(K + 1) * DIM1]
    for k in range(K):
        xt = xt + hcat[:, k:k + 1] * y[:, k * DIM1:(k + 1) * DIM1]
    xt_ref[...] = xt


def _k1(x_s, pos_s, hw, w2cat1):
    return pl.pallas_call(
        _k1_body,
        grid=(N // _BLK1,),
        in_specs=[
            pl.BlockSpec((_BLK1, INDIM), lambda i: (i, 0)),
            pl.BlockSpec((_BLK1, R), lambda i: (i, 0)),
            pl.BlockSpec((R, 2 * K), lambda i: (0, 0)),
            pl.BlockSpec((INDIM, (K + 1) * DIM1), lambda i: (0, 0)),
        ],
        out_specs=[
            pl.BlockSpec((_BLK1, DIM1), lambda i: (i, 0)),
            pl.BlockSpec((_BLK1, K), lambda i: (i, 0)),
        ],
        out_shape=[
            jax.ShapeDtypeStruct((N, DIM1), _F32),
            jax.ShapeDtypeStruct((N, K), _F32),
        ],
    )(x_s, pos_s, hw, w2cat1)


def _sc_wt_call(src, dst, ew):
    mesh = plsc.VectorSubcoreMesh(core_axis_name="c", subcore_axis_name="s")

    @functools.partial(
        pl.kernel, mesh=mesh,
        out_type=[
            jax.ShapeDtypeStruct((B * R * R,), _F32),
            jax.ShapeDtypeStruct((N,), _F32),
        ],
        scratch_types=[
            pltpu.VMEM_SHARED((GPC * R * R,), _F32),
            pltpu.VMEM_SHARED((GPC * R,), _F32),
            pltpu.VMEM((R * R,), _F32),
            pltpu.VMEM((EPS_SUB,), jnp.int32),
            pltpu.VMEM((EPS_SUB,), jnp.int32),
            pltpu.VMEM((EPS_SUB,), _F32),
            pltpu.VMEM((EB,), jnp.int32),
            pltpu.VMEM((EB,), jnp.int32),
            pltpu.VMEM((EB,), _F32),
            pltpu.VMEM((EB,), _F32),
        ],
    )
    def sck1(src_h, dst_h, ew_h, wt_out, cnt_out, wt_sp, cnt_sp, buf_v,
             src_v, dst_v, ew_v, widx_v, cidx_v, wval_v, ones_v):
        c = lax.axis_index("c")
        s = lax.axis_index("s")

        def zb(i, carry):
            buf_v[pl.ds(i * 16, 16)] = jnp.zeros((16,), _F32)
            return carry
        lax.fori_loop(0, R * R // 16, zb, 0)
        for gl in range(GPC):
            @pl.when(gl % NSUB == s)
            def _():
                pltpu.sync_copy(buf_v, wt_sp.at[pl.ds(gl * R * R, R * R)])
        @pl.when(s == 0)
        def _():
            pltpu.sync_copy(buf_v.at[pl.ds(0, GPC * R)], cnt_sp)
        for t in range(CPB):
            ones_v[pl.ds(t * 16, 16)] = jnp.ones((16,), _F32)
        plsc.subcore_barrier()

        def body(gl, carry):
            g_abs = c * GPC + gl
            ebase = g_abs * EPG + s * EPS_SUB
            pltpu.sync_copy(src_h.at[pl.ds(ebase, EPS_SUB)], src_v)
            pltpu.sync_copy(dst_h.at[pl.ds(ebase, EPS_SUB)], dst_v)
            pltpu.sync_copy(ew_h.at[pl.ds(ebase, EPS_SUB)], ew_v)
            nb = g_abs * R
            cb = c * (GPC * R)
            for b in range(NB):
                for t in range(CPB):
                    j = b * CPB + t
                    sv = src_v[pl.ds(j * 16, 16)]
                    dv = dst_v[pl.ds(j * 16, 16)]
                    sl = sv - nb
                    dl = dv - nb
                    widx_v[pl.ds(t * 16, 16)] = gl * (R * R) + dl * R + sl
                    cidx_v[pl.ds(t * 16, 16)] = dv - cb
                    wval_v[pl.ds(t * 16, 16)] = ew_v[pl.ds(j * 16, 16)]
                pltpu.sync_copy(wval_v, wt_sp.at[widx_v], add=True)
                pltpu.sync_copy(ones_v, cnt_sp.at[cidx_v], add=True)
            return carry

        lax.fori_loop(0, GPC, body, 0)
        plsc.subcore_barrier()
        for gl in range(GPC):
            @pl.when(gl % NSUB == s)
            def _():
                g_abs = c * GPC + gl
                pltpu.sync_copy(wt_sp.at[pl.ds(gl * R * R, R * R)], buf_v)
                pltpu.sync_copy(buf_v,
                                wt_out.at[pl.ds(g_abs * R * R, R * R)])
        @pl.when(s == 0)
        def _():
            pltpu.sync_copy(cnt_sp, buf_v.at[pl.ds(0, GPC * R)])
            pltpu.sync_copy(buf_v.at[pl.ds(0, GPC * R)],
                            cnt_out.at[pl.ds(c * GPC * R, GPC * R)])

    return sck1(src, dst, ew)


G23 = 5


def _rank_and_perm(x, w_row, nrm, n, keep):
    zrow = lax.dot_general(w_row, x, (((1,), (1,)), ((), ())),
                           preferred_element_type=_F32, precision=_HI) / nrm
    one_n = jnp.ones((1, n), _F32)
    si = lax.dot_general(zrow, one_n, (((0,), (0,)), ((), ())),
                         preferred_element_type=_F32, precision=_HI)
    sj = lax.dot_general(one_n, zrow, (((0,), (0,)), ((), ())),
                         preferred_element_type=_F32, precision=_HI)
    si = jax.nn.sigmoid(si)
    sj = jax.nn.sigmoid(sj)
    i0 = lax.broadcasted_iota(jnp.int32, (n, n), 0)
    i1 = lax.broadcasted_iota(jnp.int32, (n, n), 1)
    beats = ((sj > si) | ((sj == si) & (i1 < i0))).astype(_F32)
    rank = jnp.sum(beats, axis=1, keepdims=True)
    rmat = lax.dot_general(jnp.ones((keep, 1), _F32), rank,
                           (((1,), (1,)), ((), ())),
                           preferred_element_type=_F32, precision=_HI)
    piota = lax.broadcasted_iota(jnp.int32, (keep, n), 0).astype(_F32)
    perm = (rmat == piota).astype(_F32)
    return si[:, 0:1], perm


def _k23_body(wt_ref, xt_ref, cnt_ref, h2_ref, pw1_ref, cb1_ref, w2_ref,
              cb2_ref, pw2_ref, f1w_ref, f1b_ref, g1_ref, b1_ref, f2w_ref,
              f2b_ref, g2_ref, b2_ref, f3w_ref, f3b_ref,
              logp_ref, sig1_ref, sig2_ref):
    pw1 = pw1_ref[...]
    nrm1 = jnp.sqrt(jnp.sum(pw1 * pw1))
    pw2 = pw2_ref[...]
    nrm2 = jnp.sqrt(jnp.sum(pw2 * pw2))
    ey0 = lax.broadcasted_iota(jnp.int32, (KEEP1, KEEP1), 0)
    ey1 = lax.broadcasted_iota(jnp.int32, (KEEP1, KEEP1), 1)
    eye = (ey0 == ey1).astype(_F32)
    inv_bn = 1.0 / jnp.sqrt(_F32(1.0 + 1e-5))
    for i in range(G23):
        wt = wt_ref[i]
        agg = jnp.dot(wt, xt_ref[pl.ds(i * R, R), :],
                      preferred_element_type=_F32, precision=_HI)
        cnt = cnt_ref[i]
        x1 = jnp.where(cnt > 0, agg / jnp.maximum(cnt, 1.0), 0.0) \
            + cb1_ref[...]
        scol, perm = _rank_and_perm(x1, pw1, nrm1, R, KEEP1)
        xp = jnp.dot(perm, x1 * scol, preferred_element_type=_F32,
                     precision=_HI)
        h2s = jnp.dot(perm, h2_ref[pl.ds(i * R, R), :],
                      preferred_element_type=_F32, precision=_HI)
        sc1 = jnp.dot(perm, scol, preferred_element_type=_F32, precision=_HI)
        sig1_ref[i] = jax.nn.sigmoid(sc1)
        mx1 = jnp.max(xp, axis=0, keepdims=True)
        mn1 = jnp.sum(xp, axis=0, keepdims=True) / _F32(KEEP1)
        pwt = jnp.dot(perm, wt, preferred_element_type=_F32, precision=_HI)
        at = lax.dot_general(pwt, perm, (((1,), (1,)), ((), ())),
                             preferred_element_type=_F32, precision=_HI)
        aaug = at + eye
        a2 = jnp.dot(aaug, aaug, preferred_element_type=_F32, precision=_HI)
        a2 = a2 * (1.0 - eye)
        cnt2 = jnp.sum((a2 != 0.0).astype(_F32), axis=1, keepdims=True)
        y2 = jnp.dot(xp, w2_ref[...], preferred_element_type=_F32,
                     precision=_HI)
        xt2 = y2[:, K * DIM2:(K + 1) * DIM2]
        for k in range(K):
            xt2 = xt2 + h2s[:, k:k + 1] * y2[:, k * DIM2:(k + 1) * DIM2]
        num = jnp.dot(a2, xt2, preferred_element_type=_F32, precision=_HI)
        x2 = jnp.where(cnt2 > 0, num / jnp.maximum(cnt2, 1.0), 0.0) \
            + cb2_ref[...]
        scol2, perm2 = _rank_and_perm(x2, pw2, nrm2, KEEP1, KEEP2)
        xp2 = jnp.dot(perm2, x2 * scol2, preferred_element_type=_F32,
                      precision=_HI)
        sc2 = jnp.dot(perm2, scol2, preferred_element_type=_F32,
                      precision=_HI)
        sig2_ref[i] = jax.nn.sigmoid(sc2)
        mx2 = jnp.max(xp2, axis=0, keepdims=True)
        mn2 = jnp.sum(xp2, axis=0, keepdims=True) / _F32(KEEP2)
        xg = jnp.concatenate([mx1, mn1, mx2, mn2], axis=1)
        t = jnp.maximum(jnp.dot(xg, f1w_ref[...], preferred_element_type=_F32,
                                precision=_HI) + f1b_ref[...], 0.0)
        t = (t * inv_bn) * g1_ref[...] + b1_ref[...]
        t = jnp.maximum(jnp.dot(t, f2w_ref[...], preferred_element_type=_F32,
                                precision=_HI) + f2b_ref[...], 0.0)
        t = (t * inv_bn) * g2_ref[...] + b2_ref[...]
        logits = jnp.dot(t, f3w_ref[...], preferred_element_type=_F32,
                         precision=_HI) + f3b_ref[...]
        m = jnp.max(logits, axis=1, keepdims=True)
        lse = m + jnp.log(jnp.sum(jnp.exp(logits - m), axis=1, keepdims=True))
        logp_ref[i] = logits - lse


def _k23(WT, xt1, cnt3, h2full, pw1, cb1, w2cat2, cb2, pw2, f1w, f1b, g1, b1,
         f2w, f2b, g2, b2, f3w, f3b):
    full = lambda a, b: pl.BlockSpec((a, b), lambda g: (0, 0))
    return pl.pallas_call(
        _k23_body,
        grid=(B // G23,),
        in_specs=[
            pl.BlockSpec((G23, R, R), lambda g: (g, 0, 0)),
            pl.BlockSpec((G23 * R, DIM1), lambda g: (g, 0)),
            pl.BlockSpec((G23, R, 1), lambda g: (g, 0, 0)),
            pl.BlockSpec((G23 * R, K), lambda g: (g, 0)),
            full(1, DIM1),
            full(1, DIM1),
            full(DIM1, (K + 1) * DIM2),
            full(1, DIM2),
            full(1, DIM2),
            full(2 * (DIM1 + DIM2), DIM2),
            full(1, DIM2),
            full(1, DIM2),
            full(1, DIM2),
            full(DIM2, DIM3),
            full(1, DIM3),
            full(1, DIM3),
            full(1, DIM3),
            full(DIM3, NCLASS),
            full(1, NCLASS),
        ],
        out_specs=[
            pl.BlockSpec((G23, 1, NCLASS), lambda g: (g, 0, 0)),
            pl.BlockSpec((G23, KEEP1, 1), lambda g: (g, 0, 0)),
            pl.BlockSpec((G23, KEEP2, 1), lambda g: (g, 0, 0)),
        ],
        out_shape=[
            jax.ShapeDtypeStruct((B, 1, NCLASS), _F32),
            jax.ShapeDtypeStruct((B, KEEP1, 1), _F32),
            jax.ShapeDtypeStruct((B, KEEP2, 1), _F32),
        ],
    )(WT, xt1, cnt3, h2full, pw1, cb1, w2cat2, cb2, pw2, f1w, f1b, g1, b1,
      f2w, f2b, g2, b2, f3w, f3b)


def kernel(x_s, edge_index_s, batch, edge_attr_s, pos_s, n1_w1, n1_w2, n1_b2,
           conv1_bias, pool1_w, n2_w1, n2_w2, n2_b2, conv2_bias, pool2_w,
           fc1_w, fc1_b, bn1_g, bn1_b, fc2_w, fc2_b, bn2_g, bn2_b,
           fc3_w, fc3_b):
    src = edge_index_s[0]
    dst = edge_index_s[1]
    ew = edge_attr_s.reshape(E)
    hw = jnp.concatenate([n1_w1, n2_w1], axis=1)
    w2cat1 = jnp.concatenate([n1_w2, n1_b2[None, :]], axis=0) \
        .reshape(K + 1, INDIM, DIM1).transpose(1, 0, 2) \
        .reshape(INDIM, (K + 1) * DIM1)
    w2cat2 = jnp.concatenate([n2_w2, n2_b2[None, :]], axis=0) \
        .reshape(K + 1, DIM1, DIM2).transpose(1, 0, 2) \
        .reshape(DIM1, (K + 1) * DIM2)
    xt1, h2full = _k1(x_s, pos_s, hw, w2cat1)
    wt_flat, cnt1 = _sc_wt_call(src, dst, ew)
    WT = wt_flat.reshape(B, R, R)
    cnt3 = cnt1.reshape(B, R, 1)
    logp3, sig1, sig2 = _k23(
        WT, xt1, cnt3, h2full, pool1_w.reshape(1, DIM1),
        conv1_bias.reshape(1, DIM1), w2cat2, conv2_bias.reshape(1, DIM2),
        pool2_w.reshape(1, DIM2), fc1_w, fc1_b.reshape(1, DIM2),
        bn1_g.reshape(1, DIM2), bn1_b.reshape(1, DIM2), fc2_w,
        fc2_b.reshape(1, DIM3), bn2_g.reshape(1, DIM3),
        bn2_b.reshape(1, DIM3), fc3_w, fc3_b.reshape(1, NCLASS))
    return (logp3.reshape(B, NCLASS), pool1_w, pool2_w,
            sig1.reshape(B, KEEP1), sig2.reshape(B, KEEP2))

# --- scband reference (transcript-rebuilt; emitter-appended) ---
"""Pipeline reference for scband-network-4964982194321 (READ-ONLY COPY).

The authoritative reference and input builder live on the scoring server;
editing this copy changes nothing except your own understanding.
"""

import jax, jax.numpy as jnp
import numpy as np
import math

R = 200
B = 50
N = R * B
E = 320000
INDIM = 128
DIM1 = 32
DIM2 = 32
DIM3 = 512
K = 8
NCLASS = 2
RATIO = 0.5
KEEP1 = math.ceil(RATIO * R)
KEEP2 = math.ceil(RATIO * KEEP1)


def setup_inputs(seed: int = 0) -> dict:
    key = jax.random.key(seed)
    ks = jax.random.split(key, 16)
    x_s = jax.random.normal(ks[0], (N, INDIM), dtype=jnp.float32)
    epg = E // B
    g = jnp.arange(E) // epg
    src_l = jax.random.randint(ks[1], (E,), 0, R)
    dst_l = jax.random.randint(ks[2], (E,), 0, R)
    edge_index_s = jnp.stack([g * R + src_l, g * R + dst_l]).astype(jnp.int32)
    batch = (jnp.arange(N) // R).astype(jnp.int32)
    edge_attr_s = jax.random.uniform(ks[3], (E, 1), dtype=jnp.float32)
    pos_s = jax.random.uniform(ks[4], (N, R), dtype=jnp.float32)

    def lin(k, fin, fout):
        return jax.random.normal(k, (fin, fout), dtype=jnp.float32) / np.sqrt(fin).astype(np.float32)

    inp = dict(x_s=x_s, edge_index_s=edge_index_s, batch=batch, edge_attr_s=edge_attr_s, pos_s=pos_s)
    inp['n1_w1'] = lin(ks[5], R, K)
    inp['n1_w2'] = lin(ks[6], K, DIM1 * INDIM)
    inp['n1_b2'] = jnp.zeros((DIM1 * INDIM,), jnp.float32)
    inp['conv1_bias'] = jnp.zeros((DIM1,), jnp.float32)
    inp['pool1_w'] = jax.random.normal(ks[7], (DIM1,), dtype=jnp.float32)
    inp['n2_w1'] = lin(ks[8], R, K)
    inp['n2_w2'] = lin(ks[9], K, DIM2 * DIM1)
    inp['n2_b2'] = jnp.zeros((DIM2 * DIM1,), jnp.float32)
    inp['conv2_bias'] = jnp.zeros((DIM2,), jnp.float32)
    inp['pool2_w'] = jax.random.normal(ks[10], (DIM2,), dtype=jnp.float32)
    inp['fc1_w'] = lin(ks[11], (DIM1 + DIM2) * 2, DIM2)
    inp['fc1_b'] = jnp.zeros((DIM2,), jnp.float32)
    inp['bn1_g'] = jnp.ones((DIM2,), jnp.float32)
    inp['bn1_b'] = jnp.zeros((DIM2,), jnp.float32)
    inp['fc2_w'] = lin(ks[12], DIM2, DIM3)
    inp['fc2_b'] = jnp.zeros((DIM3,), jnp.float32)
    inp['bn2_g'] = jnp.ones((DIM3,), jnp.float32)
    inp['bn2_b'] = jnp.zeros((DIM3,), jnp.float32)
    inp['fc3_w'] = lin(ks[13], DIM3, NCLASS)
    inp['fc3_b'] = jnp.zeros((NCLASS,), jnp.float32)
    return inp


def _gmp(x, seg, nseg):
    return jax.ops.segment_max(x, seg, num_segments=nseg)


def _gap(x, seg, nseg):
    s = jax.ops.segment_sum(x, seg, num_segments=nseg)
    c = jax.ops.segment_sum(jnp.ones(x.shape[0], jnp.float32), seg, num_segments=nseg)
    return s / jnp.maximum(c, 1.0)[:, None]


def _mynnconv_sparse(x, src, dst, ew, pos, w1, w2, b2, bias, in_c, out_c):
    # MyNNConv (BrainGNN): per-node weight from nn(pos); aggr='mean'; msg = w_e * x_j
    h = jax.nn.relu(pos @ w1)
    w = (h @ w2 + b2).reshape(-1, in_c, out_c)
    xt = jnp.einsum('ni,nio->no', x, w)
    n = x.shape[0]
    msg = ew.reshape(-1, 1) * xt[src]
    agg = jax.ops.segment_sum(msg, dst, num_segments=n)
    cnt = jax.ops.segment_sum(jnp.ones(src.shape[0], jnp.float32), dst, num_segments=n)
    out = jnp.where(cnt[:, None] > 0, agg / jnp.maximum(cnt, 1.0)[:, None], 0.0)
    return out + bias


def _topk_pool(x, w, nodes_per_graph, keep):
    # TopKPooling(ratio, multiplier=1, nonlinearity=sigmoid); equal-size graphs
    s = jax.nn.sigmoid((x @ w) / jnp.linalg.norm(w))
    idx = jax.lax.top_k(s.reshape(-1, nodes_per_graph), keep)[1]
    nb = idx.shape[0]
    perm = (jnp.arange(nb)[:, None] * nodes_per_graph + idx).reshape(-1)
    xn = x[perm] * s[perm][:, None]
    return xn, perm, s[perm]


def _forward(x_s, edge_index_s, batch, edge_attr_s, pos_s, n1_w1, n1_w2, n1_b2, conv1_bias, pool1_w, n2_w1, n2_w2, n2_b2, conv2_bias, pool2_w, fc1_w, fc1_b, bn1_g, bn1_b, fc2_w, fc2_b, bn2_g, bn2_b, fc3_w, fc3_b):
    src, dst = edge_index_s[0], edge_index_s[1]
    x = _mynnconv_sparse(x_s, src, dst, edge_attr_s, pos_s, n1_w1, n1_w2, n1_b2, conv1_bias, INDIM, DIM1)
    x, perm1, score1 = _topk_pool(x, pool1_w, R, KEEP1)
    n1 = x.shape[0]
    batch1 = jnp.arange(n1) // KEEP1
    pos1 = pos_s[perm1]
    x1_s = jnp.concatenate([_gmp(x, batch1, B), _gap(x, batch1, B)], axis=1)
    # filter_adj: keep edges with both endpoints surviving, remap ids
    node_mask = jnp.zeros(N, dtype=bool).at[perm1].set(True)
    new_id = jnp.zeros(N, dtype=jnp.int32).at[perm1].set(jnp.arange(n1, dtype=jnp.int32))
    emask = node_mask[src] & node_mask[dst]
    src1 = new_id[src]
    dst1 = new_id[dst]
    ew1 = jnp.where(emask, edge_attr_s.reshape(-1), 0.0)
    # augment_adj: add_self_loops -> coalesce -> spspmm(A, A) -> remove_self_loops
    # graphs are disjoint, so A is block-diagonal: do dense per-graph block matmul
    ge = src1 // KEEP1
    A = jnp.zeros((B, KEEP1, KEEP1), jnp.float32).at[ge, src1 % KEEP1, dst1 % KEEP1].add(ew1)
    A = A + jnp.eye(KEEP1, dtype=jnp.float32)[None]
    A2 = jnp.einsum('bij,bjk->bik', A, A)
    A2 = A2 * (1.0 - jnp.eye(KEEP1, dtype=jnp.float32))[None]
    # conv2 (MyNNConv) over the dense augmented adjacency, mean aggregation
    h = jax.nn.relu(pos1 @ n2_w1)
    w = (h @ n2_w2 + n2_b2).reshape(n1, DIM1, DIM2)
    xt = jnp.einsum('ni,nio->no', x, w).reshape(B, KEEP1, DIM2)
    num = jnp.einsum('bij,bid->bjd', A2, xt)
    cnt = (A2 != 0).astype(jnp.float32).sum(axis=1)
    x = jnp.where(cnt[..., None] > 0, num / jnp.maximum(cnt, 1.0)[..., None], 0.0).reshape(n1, DIM2) + conv2_bias
    x, perm2, score2 = _topk_pool(x, pool2_w, KEEP1, KEEP2)
    ntot2 = x.shape[0]
    batch2 = jnp.arange(ntot2) // KEEP2
    x2_s = jnp.concatenate([_gmp(x, batch2, B), _gap(x, batch2, B)], axis=1)
    xg = jnp.concatenate([x1_s, x2_s], axis=1)
    eps = 1e-5
    xg = jax.nn.relu(xg @ fc1_w + fc1_b)
    xg = (xg / jnp.sqrt(1.0 + eps)) * bn1_g + bn1_b  # eval-mode BN (running mean 0, var 1)
    xg = jax.nn.relu(xg @ fc2_w + fc2_b)
    xg = (xg / jnp.sqrt(1.0 + eps)) * bn2_g + bn2_b
    logits = xg @ fc3_w + fc3_b
    logp = jax.nn.log_softmax(logits, axis=-1)
    return (logp, pool1_w, pool2_w, jax.nn.sigmoid(score1).reshape(B, KEEP1), jax.nn.sigmoid(score2).reshape(B, KEEP2))


def reference(x_s, edge_index_s, batch, edge_attr_s, pos_s, n1_w1, n1_w2, n1_b2, conv1_bias, pool1_w, n2_w1, n2_w2, n2_b2, conv2_bias, pool2_w, fc1_w, fc1_b, bn1_g, bn1_b, fc2_w, fc2_b, bn2_g, bn2_b, fc3_w, fc3_b):
    return _forward(x_s, edge_index_s, batch, edge_attr_s, pos_s, n1_w1, n1_w2, n1_b2, conv1_bias, pool1_w, n2_w1, n2_w2, n2_b2, conv2_bias, pool2_w, fc1_w, fc1_b, bn1_g, bn1_b, fc2_w, fc2_b, bn2_g, bn2_b, fc3_w, fc3_b)


if False:  # reference __main__ guard neutralized (emitter)
    out = reference(**setup_inputs())
    print([o.shape for o in out])

if __name__ == "__main__":
    import jax
    _d = setup_inputs()
    print(jax.jit(kernel)(*tuple(_d.values())))

</pallas_src>

<mosaic_0001>
#map = affine_map<(d0, d1) -> (0)>
module attributes {stable_mosaic.version = 14 : i64} {
  func.func @sck1(%arg0: i32, %arg1: i32, %arg2: memref<320000xi32, #tpu.memory_space<hbm>>, %arg3: memref<320000xi32, #tpu.memory_space<hbm>>, %arg4: memref<320000xf32, #tpu.memory_space<hbm>>, %arg5: memref<2000000xf32, #tpu.memory_space<hbm>>, %arg6: memref<10000xf32, #tpu.memory_space<hbm>>, %arg7: memref<1000000xf32, #tpu.memory_space<vmem_shared>>, %arg8: memref<5000xf32, #tpu.memory_space<vmem_shared>>, %arg9: memref<40000xf32, #tpu.memory_space<vmem>>, %arg10: memref<400xi32, #tpu.memory_space<vmem>>, %arg11: memref<400xi32, #tpu.memory_space<vmem>>, %arg12: memref<400xf32, #tpu.memory_space<vmem>>, %arg13: memref<80xi32, #tpu.memory_space<vmem>>, %arg14: memref<80xi32, #tpu.memory_space<vmem>>, %arg15: memref<80xf32, #tpu.memory_space<vmem>>, %arg16: memref<80xf32, #tpu.memory_space<vmem>>) attributes {dimension_semantics = [#tpu.dimension_semantics<core_parallel>, #tpu.dimension_semantics<subcore_parallel>], iteration_bounds = array<i64: 2, 16>, scalar_prefetch = 0 : i64, scratch_operands = 10 : i64, tpu.core_type = #tpu.core_type<sc_vector_subcore>, window_params = [{transform_indices = #map}, {transform_indices = #map}, {transform_indices = #map}, {transform_indices = #map}, {transform_indices = #map}]} {
    %scan3A = arith.constant 0 : i32
    %scan3A_0 = arith.constant 0 : i32
    %scan3A_1 = arith.constant 2500 : i32
    %scan3A_2 = arith.addi %scan3A_0, %scan3A_1 : i32
    %scan3A_3 = arith.constant 1 : i32
    scf.for %scan3A_297 = %scan3A_0 to %scan3A_2 step %scan3A_3  : i32 {
      %broadcast_in_dim3A_298 = arith.constant 0.000000e+00 : f32
      %broadcast_in_dim3A_299 = vector.broadcast %broadcast_in_dim3A_298 : f32 to vector<16xf32>
      %mul3A = arith.constant 16 : i32
      %mul3A_300 = arith.muli %scan3A_297, %mul3A : i32
      %swap3A_301 = arith.index_cast %mul3A_300 : i32 to index
      %swap3A_302 = tpu.vector_load %arg9[%swap3A_301] {strides = array<i32>} : memref<40000xf32, #tpu.memory_space<vmem>>, vector<16xf32>,
      %swap3A_303 = vector.shape_cast %swap3A_302 : vector<16xf32> to vector<16xf32>
      %swap3A_304 = vector.shape_cast %broadcast_in_dim3A_299 : vector<16xf32> to vector<16xf32>
      tpu.vector_store %arg9[%swap3A_301], %swap3A_304 {strides = array<i32>} : memref<40000xf32, #tpu.memory_space<vmem>>, vector<16xf32>,
    }
    %scan3A_4 = arith.constant 2500 : i32
    %eq3A = arith.constant 0 : i32
    %eq3A_5 = arith.cmpi eq, %arg1, %eq3A : i32
    %convert_element_type3A = arith.extui %eq3A_5 : i1 to i32
    %cond3A = arith.constant 0 : i32
    %cond3A_6 = arith.cmpi ne, %convert_element_type3A, %cond3A : i32
    scf.if %cond3A_6 {
      "tpu.region"() ({
        %run_scoped3A = tpu.sem_alloc : memref<!tpu.dma_semaphore, #tpu.memory_space<semaphore_mem>>
        %dma_start3A = arith.constant 0 : i32
        %dma_start3A_297 = tpu.memref_slice %arg7[%dma_start3A] : memref<1000000xf32, #tpu.memory_space<vmem_shared>> -> memref<40000xf32, #tpu.memory_space<vmem_shared>>
        %dma_start3A_298 = arith.constant 0 : i32
        %dma_start3A_299 = tpu.memref_slice %arg7[%dma_start3A_298] : memref<1000000xf32, #tpu.memory_space<vmem_shared>> -> memref<40000xf32, #tpu.memory_space<vmem_shared>>
        tpu.enqueue_dma source(%arg9 : memref<40000xf32, #tpu.memory_space<vmem>>) target(%dma_start3A_299 : memref<40000xf32, #tpu.memory_space<vmem_shared>>) target_semaphore(%run_scoped3A : memref<!tpu.dma_semaphore, #tpu.memory_space<semaphore_mem>>)
        %dma_wait3A = arith.constant 0 : i32
        %dma_wait3A_300 = tpu.memref_slice %arg7[%dma_wait3A] : memref<1000000xf32, #tpu.memory_space<vmem_shared>> -> memref<40000xf32, #tpu.memory_space<vmem_shared>>
        %dma_wait3A_301 = arith.constant 0 : i32
        %dma_wait3A_302 = tpu.memref_slice %arg7[%dma_wait3A_301] : memref<1000000xf32, #tpu.memory_space<vmem_shared>> -> memref<40000xf32, #tpu.memory_space<vmem_shared>>
        tpu.wait_dma2 semaphore(%run_scoped3A : memref<!tpu.dma_semaphore, #tpu.memory_space<semaphore_mem>>) src(%arg9 : memref<40000xf32, #tpu.memory_space<vmem>>) dst(%dma_wait3A_302 : memref<40000xf32, #tpu.memory_space<vmem_shared>>)
        tpu.yield
      }) : () -> ()
    } else {
    }
    %eq3A_7 = arith.constant 1 : i32
    %eq3A_8 = arith.cmpi eq, %arg1, %eq3A_7 : i32
    %convert_element_type3A_9 = arith.extui %eq3A_8 : i1 to i32
    %cond3A_10 = arith.constant 0 : i32
    %cond3A_11 = arith.cmpi ne, %convert_element_type3A_9, %cond3A_10 : i32
    scf.if %cond3A_11 {
      "tpu.region"() ({
        %run_scoped3A = tpu.sem_alloc : memref<!tpu.dma_semaphore, #tpu.memory_space<semaphore_mem>>
        %dma_start3A = arith.constant 40000 : i32
        %dma_start3A_297 = tpu.memref_slice %arg7[%dma_start3A] : memref<1000000xf32, #tpu.memory_space<vmem_shared>> -> memref<40000xf32, #tpu.memory_space<vmem_shared>>
        %dma_start3A_298 = arith.constant 40000 : i32
        %dma_start3A_299 = tpu.memref_slice %arg7[%dma_start3A_298] : memref<1000000xf32, #tpu.memory_space<vmem_shared>> -> memref<40000xf32, #tpu.memory_space<vmem_shared>>
        tpu.enqueue_dma source(%arg9 : memref<40000xf32, #tpu.memory_space<vmem>>) target(%dma_start3A_299 : memref<40000xf32, #tpu.memory_space<vmem_shared>>) target_semaphore(%run_scoped3A : memref<!tpu.dma_semaphore, #tpu.memory_space<semaphore_mem>>)
        %dma_wait3A = arith.constant 40000 : i32
        %dma_wait3A_300 = tpu.memref_slice %arg7[%dma_wait3A] : memref<1000000xf32, #tpu.memory_space<vmem_shared>> -> memref<40000xf32, #tpu.memory_space<vmem_shared>>
        %dma_wait3A_301 = arith.constant 40000 : i32
        %dma_wait3A_302 = tpu.memref_slice %arg7[%dma_wait3A_301] : memref<1000000xf32, #tpu.memory_space<vmem_shared>> -> memref<40000xf32, #tpu.memory_space<vmem_shared>>
        tpu.wait_dma2 semaphore(%run_scoped3A : memref<!tpu.dma_semaphore, #tpu.memory_space<semaphore_mem>>) src(%arg9 : memref<40000xf32, #tpu.memory_space<vmem>>) dst(%dma_wait3A_302 : memref<40000xf32, #tpu.memory_space<vmem_shared>>)
        tpu.yield
      }) : () -> ()
    } else {
    }
    %eq3A_12 = arith.constant 2 : i32
    %eq3A_13 = arith.cmpi eq, %arg1, %eq3A_12 : i32
    %convert_element_type3A_14 = arith.extui %eq3A_13 : i1 to i32
    %cond3A_15 = arith.constant 0 : i32
    %cond3A_16 = arith.cmpi ne, %convert_element_type3A_14, %cond3A_15 : i32
    scf.if %cond3A_16 {
      "tpu.region"() ({
        %run_scoped3A = tpu.sem_alloc : memref<!tpu.dma_semaphore, #tpu.memory_space<semaphore_mem>>
        %dma_start3A = arith.constant 80000 : i32
        %dma_start3A_297 = tpu.memref_slice %arg7[%dma_start3A] : memref<1000000xf32, #tpu.memory_space<vmem_shared>> -> memref<40000xf32, #tpu.memory_space<vmem_shared>>
        %dma_start3A_298 = arith.constant 80000 : i32
        %dma_start3A_299 = tpu.memref_slice %arg7[%dma_start3A_298] : memref<1000000xf32, #tpu.memory_space<vmem_shared>> -> memref<40000xf32, #tpu.memory_space<vmem_shared>>
        tpu.enqueue_dma source(%arg9 : memref<40000xf32, #tpu.memory_space<vmem>>) target(%dma_start3A_299 : memref<40000xf32, #tpu.memory_space<vmem_shared>>) target_semaphore(%run_scoped3A : memref<!tpu.dma_semaphore, #tpu.memory_space<semaphore_mem>>)
        %dma_wait3A = arith.constant 80000 : i32
        %dma_wait3A_300 = tpu.memref_slice %arg7[%dma_wait3A] : memref<1000000xf32, #tpu.memory_space<vmem_shared>> -> memref<40000xf32, #tpu.memory_space<vmem_shared>>
        %dma_wait3A_301 = arith.constant 80000 : i32
        %dma_wait3A_302 = tpu.memref_slice %arg7[%dma_wait3A_301] : memref<1000000xf32, #tpu.memory_space<vmem_shared>> -> memref<40000xf32, #tpu.memory_space<vmem_shared>>
        tpu.wait_dma2 semaphore(%run_scoped3A : memref<!tpu.dma_semaphore, #tpu.memory_space<semaphore_mem>>) src(%arg9 : memref<40000xf32, #tpu.memory_space<vmem>>) dst(%dma_wait3A_302 : memref<40000xf32, #tpu.memory_space<vmem_shared>>)
        tpu.yield
      }) : () -> ()
    } else {
    }
    %eq3A_17 = arith.constant 3 : i32
    %eq3A_18 = arith.cmpi eq, %arg1, %eq3A_17 : i32
    %convert_element_type3A_19 = arith.extui %eq3A_18 : i1 to i32
    %cond3A_20 = arith.constant 0 : i32
    %cond3A_21 = arith.cmpi ne, %convert_element_type3A_19, %cond3A_20 : i32
    scf.if %cond3A_21 {
      "tpu.region"() ({
        %run_scoped3A = tpu.sem_alloc : memref<!tpu.dma_semaphore, #tpu.memory_space<semaphore_mem>>
        %dma_start3A = arith.constant 120000 : i32
        %dma_start3A_297 = tpu.memref_slice %arg7[%dma_start3A] : memref<1000000xf32, #tpu.memory_space<vmem_shared>> -> memref<40000xf32, #tpu.memory_space<vmem_shared>>
        %dma_start3A_298 = arith.constant 120000 : i32
        %dma_start3A_299 = tpu.memref_slice %arg7[%dma_start3A_298] : memref<1000000xf32, #tpu.memory_space<vmem_shared>> -> memref<40000xf32, #tpu.memory_space<vmem_shared>>
        tpu.enqueue_dma source(%arg9 : memref<40000xf32, #tpu.memory_space<vmem>>) target(%dma_start3A_299 : memref<40000xf32, #tpu.memory_space<vmem_shared>>) target_semaphore(%run_scoped3A : memref<!tpu.dma_semaphore, #tpu.memory_space<semaphore_mem>>)
        %dma_wait3A = arith.constant 120000 : i32
        %dma_wait3A_300 = tpu.memref_slice %arg7[%dma_wait3A] : memref<1000000xf32, #tpu.memory_space<vmem_shared>> -> memref<40000xf32, #tpu.memory_space<vmem_shared>>
        %dma_wait3A_301 = arith.constant 120000 : i32
        %dma_wait3A_302 = tpu.memref_slice %arg7[%dma_wait3A_301] : memref<1000000xf32, #tpu.memory_space<vmem_shared>> -> memref<40000xf32, #tpu.memory_space<vmem_shared>>
        tpu.wait_dma2 semaphore(%run_scoped3A : memref<!tpu.dma_semaphore, #tpu.memory_space<semaphore_mem>>) src(%arg9 : memref<40000xf32, #tpu.memory_space<vmem>>) dst(%dma_wait3A_302 : memref<40000xf32, #tpu.memory_space<vmem_shared>>)
        tpu.yield
      }) : () -> ()
    } else {
    }
    %eq3A_22 = arith.constant 4 : i32
    %eq3A_23 = arith.cmpi eq, %arg1, %eq3A_22 : i32
    %convert_element_type3A_24 = arith.extui %eq3A_23 : i1 to i32
    %cond3A_25 = arith.constant 0 : i32
    %cond3A_26 = arith.cmpi ne, %convert_element_type3A_24, %cond3A_25 : i32
    scf.if %cond3A_26 {
      "tpu.region"() ({
        %run_scoped3A = tpu.sem_alloc : memref<!tpu.dma_semaphore, #tpu.memory_space<semaphore_mem>>
        %dma_start3A = arith.constant 160000 : i32
        %dma_start3A_297 = tpu.memref_slice %arg7[%dma_start3A] : memref<1000000xf32, #tpu.memory_space<vmem_shared>> -> memref<40000xf32, #tpu.memory_space<vmem_shared>>
        %dma_start3A_298 = arith.constant 160000 : i32
        %dma_start3A_299 = tpu.memref_slice %arg7[%dma_start3A_298] : memref<1000000xf32, #tpu.memory_space<vmem_shared>> -> memref<40000xf32, #tpu.memory_space<vmem_shared>>
        tpu.enqueue_dma source(%arg9 : memref<40000xf32, #tpu.memory_space<vmem>>) target(%dma_start3A_299 : memref<40000xf32, #tpu.memory_space<vmem_shared>>) target_semaphore(%run_scoped3A : memref<!tpu.dma_semaphore, #tpu.memory_space<semaphore_mem>>)
        %dma_wait3A = arith.constant 160000 : i32
        %dma_wait3A_300 = tpu.memref_slice %arg7[%dma_wait3A] : memref<1000000xf32, #tpu.memory_space<vmem_shared>> -> memref<40000xf32, #tpu.memory_space<vmem_shared>>
        %dma_wait3A_301 = arith.constant 160000 : i32
        %dma_wait3A_302 = tpu.memref_slice %arg7[%dma_wait3A_301] : memref<1000000xf32, #tpu.memory_space<vmem_shared>> -> memref<40000xf32, #tpu.memory_space<vmem_shared>>
        tpu.wait_dma2 semaphore(%run_scoped3A : memref<!tpu.dma_semaphore, #tpu.memory_space<semaphore_mem>>) src(%arg9 : memref<40000xf32, #tpu.memory_space<vmem>>) dst(%dma_wait3A_302 : memref<40000xf32, #tpu.memory_space<vmem_shared>>)
        tpu.yield
      }) : () -> ()
    } else {
    }
    %eq3A_27 = arith.constant 5 : i32
    %eq3A_28 = arith.cmpi eq, %arg1, %eq3A_27 : i32
    %convert_element_type3A_29 = arith.extui %eq3A_28 : i1 to i32
    %cond3A_30 = arith.constant 0 : i32
    %cond3A_31 = arith.cmpi ne, %convert_element_type3A_29, %cond3A_30 : i32
    scf.if %cond3A_31 {
      "tpu.region"() ({
        %run_scoped3A = tpu.sem_alloc : memref<!tpu.dma_semaphore, #tpu.memory_space<semaphore_mem>>
        %dma_start3A = arith.constant 200000 : i32
        %dma_start3A_297 = tpu.memref_slice %arg7[%dma_start3A] : memref<1000000xf32, #tpu.memory_space<vmem_shared>> -> memref<40000xf32, #tpu.memory_space<vmem_shared>>
        %dma_start3A_298 = arith.constant 200000 : i32
        %dma_start3A_299 = tpu.memref_slice %arg7[%dma_start3A_298] : memref<1000000xf32, #tpu.memory_space<vmem_shared>> -> memref<40000xf32, #tpu.memory_space<vmem_shared>>
        tpu.enqueue_dma source(%arg9 : memref<40000xf32, #tpu.memory_space<vmem>>) target(%dma_start3A_299 : memref<40000xf32, #tpu.memory_space<vmem_shared>>) target_semaphore(%run_scoped3A : memref<!tpu.dma_semaphore, #tpu.memory_space<semaphore_mem>>)
        %dma_wait3A = arith.constant 200000 : i32
        %dma_wait3A_300 = tpu.memref_slice %arg7[%dma_wait3A] : memref<1000000xf32, #tpu.memory_space<vmem_shared>> -> memref<40000xf32, #tpu.memory_space<vmem_shared>>
        %dma_wait3A_301 = arith.constant 200000 : i32
        %dma_wait3A_302 = tpu.memref_slice %arg7[%dma_wait3A_301] : memref<1000000xf32, #tpu.memory_space<vmem_shared>> -> memref<40000xf32, #tpu.memory_space<vmem_shared>>
        tpu.wait_dma2 semaphore(%run_scoped3A : memref<!tpu.dma_semaphore, #tpu.memory_space<semaphore_mem>>) src(%arg9 : memref<40000xf32, #tpu.memory_space<vmem>>) dst(%dma_wait3A_302 : memref<40000xf32, #tpu.memory_space<vmem_shared>>)
        tpu.yield
      }) : () -> ()
    } else {
    }
    %eq3A_32 = arith.constant 6 : i32
    %eq3A_33 = arith.cmpi eq, %arg1, %eq3A_32 : i32
    %convert_element_type3A_34 = arith.extui %eq3A_33 : i1 to i32
    %cond3A_35 = arith.constant 0 : i32
    %cond3A_36 = arith.cmpi ne, %convert_element_type3A_34, %cond3A_35 : i32
    scf.if %cond3A_36 {
      "tpu.region"() ({
        %run_scoped3A = tpu.sem_alloc : memref<!tpu.dma_semaphore, #tpu.memory_space<semaphore_mem>>
        %dma_start3A = arith.constant 240000 : i32
        %dma_start3A_297 = tpu.memref_slice %arg7[%dma_start3A] : memref<1000000xf32, #tpu.memory_space<vmem_shared>> -> memref<40000xf32, #tpu.memory_space<vmem_shared>>
        %dma_start3A_298 = arith.constant 240000 : i32
        %dma_start3A_299 = tpu.memref_slice %arg7[%dma_start3A_298] : memref<1000000xf32, #tpu.memory_space<vmem_shared>> -> memref<40000xf32, #tpu.memory_space<vmem_shared>>
        tpu.enqueue_dma source(%arg9 : memref<40000xf32, #tpu.memory_space<vmem>>) target(%dma_start3A_299 : memref<40000xf32, #tpu.memory_space<vmem_shared>>) target_semaphore(%run_scoped3A : memref<!tpu.dma_semaphore, #tpu.memory_space<semaphore_mem>>)
        %dma_wait3A = arith.constant 240000 : i32
        %dma_wait3A_300 = tpu.memref_slice %arg7[%dma_wait3A] : memref<1000000xf32, #tpu.memory_space<vmem_shared>> -> memref<40000xf32, #tpu.memory_space<vmem_shared>>
        %dma_wait3A_301 = arith.constant 240000 : i32
        %dma_wait3A_302 = tpu.memref_slice %arg7[%dma_wait3A_301] : memref<1000000xf32, #tpu.memory_space<vmem_shared>> -> memref<40000xf32, #tpu.memory_space<vmem_shared>>
        tpu.wait_dma2 semaphore(%run_scoped3A : memref<!tpu.dma_semaphore, #tpu.memory_space<semaphore_mem>>) src(%arg9 : memref<40000xf32, #tpu.memory_space<vmem>>) dst(%dma_wait3A_302 : memref<40000xf32, #tpu.memory_space<vmem_shared>>)
        tpu.yield
      }) : () -> ()
    } else {
    }
    %eq3A_37 = arith.constant 7 : i32
    %eq3A_38 = arith.cmpi eq, %arg1, %eq3A_37 : i32
    %convert_element_type3A_39 = arith.extui %eq3A_38 : i1 to i32
    %cond3A_40 = arith.constant 0 : i32
    %cond3A_41 = arith.cmpi ne, %convert_element_type3A_39, %cond3A_40 : i32
    scf.if %cond3A_41 {
      "tpu.region"() ({
        %run_scoped3A = tpu.sem_alloc : memref<!tpu.dma_semaphore, #tpu.memory_space<semaphore_mem>>
        %dma_start3A = arith.constant 280000 : i32
        %dma_start3A_297 = tpu.memref_slice %arg7[%dma_start3A] : memref<1000000xf32, #tpu.memory_space<vmem_shared>> -> memref<40000xf32, #tpu.memory_space<vmem_shared>>
        %dma_start3A_298 = arith.constant 280000 : i32
        %dma_start3A_299 = tpu.memref_slice %arg7[%dma_start3A_298] : memref<1000000xf32, #tpu.memory_space<vmem_shared>> -> memref<40000xf32, #tpu.memory_space<vmem_shared>>
        tpu.enqueue_dma source(%arg9 : memref<40000xf32, #tpu.memory_space<vmem>>) target(%dma_start3A_299 : memref<40000xf32, #tpu.memory_space<vmem_shared>>) target_semaphore(%run_scoped3A : memref<!tpu.dma_semaphore, #tpu.memory_space<semaphore_mem>>)
        %dma_wait3A = arith.constant 280000 : i32
        %dma_wait3A_300 = tpu.memref_slice %arg7[%dma_wait3A] : memref<1000000xf32, #tpu.memory_space<vmem_shared>> -> memref<40000xf32, #tpu.memory_space<vmem_shared>>
        %dma_wait3A_301 = arith.constant 280000 : i32
        %dma_wait3A_302 = tpu.memref_slice %arg7[%dma_wait3A_301] : memref<1000000xf32, #tpu.memory_space<vmem_shared>> -> memref<40000xf32, #tpu.memory_space<vmem_shared>>
        tpu.wait_dma2 semaphore(%run_scoped3A : memref<!tpu.dma_semaphore, #tpu.memory_space<semaphore_mem>>) src(%arg9 : memref<40000xf32, #tpu.memory_space<vmem>>) dst(%dma_wait3A_302 : memref<40000xf32, #tpu.memory_space<vmem_shared>>)
        tpu.yield
      }) : () -> ()
    } else {
    }
    %eq3A_42 = arith.constant 8 : i32
    %eq3A_43 = arith.cmpi eq, %arg1, %eq3A_42 : i32
    %convert_element_type3A_44 = arith.extui %eq3A_43 : i1 to i32
    %cond3A_45 = arith.constant 0 : i32
    %cond3A_46 = arith.cmpi ne, %convert_element_type3A_44, %cond3A_45 : i32
    scf.if %cond3A_46 {
      "tpu.region"() ({
        %run_scoped3A = tpu.sem_alloc : memref<!tpu.dma_semaphore, #tpu.memory_space<semaphore_mem>>
        %dma_start3A = arith.constant 320000 : i32
        %dma_start3A_297 = tpu.memref_slice %arg7[%dma_start3A] : memref<1000000xf32, #tpu.memory_space<vmem_shared>> -> memref<40000xf32, #tpu.memory_space<vmem_shared>>
        %dma_start3A_298 = arith.constant 320000 : i32
        %dma_start3A_299 = tpu.memref_slice %arg7[%dma_start3A_298] : memref<1000000xf32, #tpu.memory_space<vmem_shared>> -> memref<40000xf32, #tpu.memory_space<vmem_shared>>
        tpu.enqueue_dma source(%arg9 : memref<40000xf32, #tpu.memory_space<vmem>>) target(%dma_start3A_299 : memref<40000xf32, #tpu.memory_space<vmem_shared>>) target_semaphore(%run_scoped3A : memref<!tpu.dma_semaphore, #tpu.memory_space<semaphore_mem>>)
        %dma_wait3A = arith.constant 320000 : i32
        %dma_wait3A_300 = tpu.memref_slice %arg7[%dma_wait3A] : memref<1000000xf32, #tpu.memory_space<vmem_shared>> -> memref<40000xf32, #tpu.memory_space<vmem_shared>>
        %dma_wait3A_301 = arith.constant 320000 : i32
        %dma_wait3A_302 = tpu.memref_slice %arg7[%dma_wait3A_301] : memref<1000000xf32, #tpu.memory_space<vmem_shared>> -> memref<40000xf32, #tpu.memory_space<vmem_shared>>
        tpu.wait_dma2 semaphore(%run_scoped3A : memref<!tpu.dma_semaphore, #tpu.memory_space<semaphore_mem>>) src(%arg9 : memref<40000xf32, #tpu.memory_space<vmem>>) dst(%dma_wait3A_302 : memref<40000xf32, #tpu.memory_space<vmem_shared>>)
        tpu.yield
      }) : () -> ()
    } else {
    }
    %eq3A_47 = arith.constant 9 : i32
    %eq3A_48 = arith.cmpi eq, %arg1, %eq3A_47 : i32
    %convert_element_type3A_49 = arith.extui %eq3A_48 : i1 to i32
    %cond3A_50 = arith.constant 0 : i32
    %cond3A_51 = arith.cmpi ne, %convert_element_type3A_49, %cond3A_50 : i32
    scf.if %cond3A_51 {
      "tpu.region"() ({
        %run_scoped3A = tpu.sem_alloc : memref<!tpu.dma_semaphore, #tpu.memory_space<semaphore_mem>>
        %dma_start3A = arith.constant 360000 : i32
        %dma_start3A_297 = tpu.memref_slice %arg7[%dma_start3A] : memref<1000000xf32, #tpu.memory_space<vmem_shared>> -> memref<40000xf32, #tpu.memory_space<vmem_shared>>
        %dma_start3A_298 = arith.constant 360000 : i32
        %dma_start3A_299 = tpu.memref_slice %arg7[%dma_start3A_298] : memref<1000000xf32, #tpu.memory_space<vmem_shared>> -> memref<40000xf32, #tpu.memory_space<vmem_shared>>
        tpu.enqueue_dma source(%arg9 : memref<40000xf32, #tpu.memory_space<vmem>>) target(%dma_start3A_299 : memref<40000xf32, #tpu.memory_space<vmem_shared>>) target_semaphore(%run_scoped3A : memref<!tpu.dma_semaphore, #tpu.memory_space<semaphore_mem>>)
        %dma_wait3A = arith.constant 360000 : i32
        %dma_wait3A_300 = tpu.memref_slice %arg7[%dma_wait3A] : memref<1000000xf32, #tpu.memory_space<vmem_shared>> -> memref<40000xf32, #tpu.memory_space<vmem_shared>>
        %dma_wait3A_301 = arith.constant 360000 : i32
        %dma_wait3A_302 = tpu.memref_slice %arg7[%dma_wait3A_301] : memref<1000000xf32, #tpu.memory_space<vmem_shared>> -> memref<40000xf32, #tpu.memory_space<vmem_shared>>
        tpu.wait_dma2 semaphore(%run_scoped3A : memref<!tpu.dma_semaphore, #tpu.memory_space<semaphore_mem>>) src(%arg9 : memref<40000xf32, #tpu.memory_space<vmem>>) dst(%dma_wait3A_302 : memref<40000xf32, #tpu.memory_space<vmem_shared>>)
        tpu.yield
      }) : () -> ()
    } else {
    }
    %eq3A_52 = arith.constant 10 : i32
    %eq3A_53 = arith.cmpi eq, %arg1, %eq3A_52 : i32
    %convert_element_type3A_54 = arith.extui %eq3A_53 : i1 to i32
    %cond3A_55 = arith.constant 0 : i32
    %cond3A_56 = arith.cmpi ne, %convert_element_type3A_54, %cond3A_55 : i32
    scf.if %cond3A_56 {
      "tpu.region"() ({
        %run_scoped3A = tpu.sem_alloc : memref<!tpu.dma_semaphore, #tpu.memory_space<semaphore_mem>>
        %dma_start3A = arith.constant 400000 : i32
        %dma_start3A_297 = tpu.memref_slice %arg7[%dma_start3A] : memref<1000000xf32, #tpu.memory_space<vmem_shared>> -> memref<40000xf32, #tpu.memory_space<vmem_shared>>
        %dma_start3A_298 = arith.constant 400000 : i32
        %dma_start3A_299 = tpu.memref_slice %arg7[%dma_start3A_298] : memref<1000000xf32, #tpu.memory_space<vmem_shared>> -> memref<40000xf32, #tpu.memory_space<vmem_shared>>
        tpu.enqueue_dma source(%arg9 : memref<40000xf32, #tpu.memory_space<vmem>>) target(%dma_start3A_299 : memref<40000xf32, #tpu.memory_space<vmem_shared>>) target_semaphore(%run_scoped3A : memref<!tpu.dma_semaphore, #tpu.memory_space<semaphore_mem>>)
        %dma_wait3A = arith.constant 400000 : i32
        %dma_wait3A_300 = tpu.memref_slice %arg7[%dma_wait3A] : memref<1000000xf32, #tpu.memory_space<vmem_shared>> -> memref<40000xf32, #tpu.memory_space<vmem_shared>>
        %dma_wait3A_301 = arith.constant 400000 : i32
        %dma_wait3A_302 = tpu.memref_slice %arg7[%dma_wait3A_301] : memref<1000000xf32, #tpu.memory_space<vmem_shared>> -> memref<40000xf32, #tpu.memory_space<vmem_shared>>
        tpu.wait_dma2 semaphore(%run_scoped3A : memref<!tpu.dma_semaphore, #tpu.memory_space<semaphore_mem>>) src(%arg9 : memref<40000xf32, #tpu.memory_space<vmem>>) dst(%dma_wait3A_302 : memref<40000xf32, #tpu.memory_space<vmem_shared>>)
        tpu.yield
      }) : () -> ()
    } else {
    }
    %eq3A_57 = arith.constant 11 : i32
    %eq3A_58 = arith.cmpi eq, %arg1, %eq3A_57 : i32
    %convert_element_type3A_59 = arith.extui %eq3A_58 : i1 to i32
    %cond3A_60 = arith.constant 0 : i32
    %cond3A_61 = arith.cmpi ne, %convert_element_type3A_59, %cond3A_60 : i32
    scf.if %cond3A_61 {
      "tpu.region"() ({
        %run_scoped3A = tpu.sem_alloc : memref<!tpu.dma_semaphore, #tpu.memory_space<semaphore_mem>>
        %dma_start3A = arith.constant 440000 : i32
        %dma_start3A_297 = tpu.memref_slice %arg7[%dma_start3A] : memref<1000000xf32, #tpu.memory_space<vmem_shared>> -> memref<40000xf32, #tpu.memory_space<vmem_shared>>
        %dma_start3A_298 = arith.constant 440000 : i32
        %dma_start3A_299 = tpu.memref_slice %arg7[%dma_start3A_298] : memref<1000000xf32, #tpu.memory_space<vmem_shared>> -> memref<40000xf32, #tpu.memory_space<vmem_shared>>
        tpu.enqueue_dma source(%arg9 : memref<40000xf32, #tpu.memory_space<vmem>>) target(%dma_start3A_299 : memref<40000xf32, #tpu.memory_space<vmem_shared>>) target_semaphore(%run_scoped3A : memref<!tpu.dma_semaphore, #tpu.memory_space<semaphore_mem>>)
        %dma_wait3A = arith.constant 440000 : i32
        %dma_wait3A_300 = tpu.memref_slice %arg7[%dma_wait3A] : memref<1000000xf32, #tpu.memory_space<vmem_shared>> -> memref<40000xf32, #tpu.memory_space<vmem_shared>>
        %dma_wait3A_301 = arith.constant 440000 : i32
        %dma_wait3A_302 = tpu.memref_slice %arg7[%dma_wait3A_301] : memref<1000000xf32, #tpu.memory_space<vmem_shared>> -> memref<40000xf32, #tpu.memory_space<vmem_shared>>
        tpu.wait_dma2 semaphore(%run_scoped3A : memref<!tpu.dma_semaphore, #tpu.memory_space<semaphore_mem>>) src(%arg9 : memref<40000xf32, #tpu.memory_space<vmem>>) dst(%dma_wait3A_302 : memref<40000xf32, #tpu.memory_space<vmem_shared>>)
        tpu.yield
      }) : () -> ()
    } else {
    }
    %eq3A_62 = arith.constant 12 : i32
    %eq3A_63 = arith.cmpi eq, %arg1, %eq3A_62 : i32
    %convert_element_type3A_64 = arith.extui %eq3A_63 : i1 to i32
    %cond3A_65 = arith.constant 0 : i32
    %cond3A_66 = arith.cmpi ne, %convert_element_type3A_64, %cond3A_65 : i32
    scf.if %cond3A_66 {
      "tpu.region"() ({
        %run_scoped3A = tpu.sem_alloc : memref<!tpu.dma_semaphore, #tpu.memory_space<semaphore_mem>>
        %dma_start3A = arith.constant 480000 : i32
        %dma_start3A_297 = tpu.memref_slice %arg7[%dma_start3A] : memref<1000000xf32, #tpu.memory_space<vmem_shared>> -> memref<40000xf32, #tpu.memory_space<vmem_shared>>
        %dma_start3A_298 = arith.constant 480000 : i32
        %dma_start3A_299 = tpu.memref_slice %arg7[%dma_start3A_298] : memref<1000000xf32, #tpu.memory_space<vmem_shared>> -> memref<40000xf32, #tpu.memory_space<vmem_shared>>
        tpu.enqueue_dma source(%arg9 : memref<40000xf32, #tpu.memory_space<vmem>>) target(%dma_start3A_299 : memref<40000xf32, #tpu.memory_space<vmem_shared>>) target_semaphore(%run_scoped3A : memref<!tpu.dma_semaphore, #tpu.memory_space<semaphore_mem>>)
        %dma_wait3A = arith.constant 480000 : i32
        %dma_wait3A_300 = tpu.memref_slice %arg7[%dma_wait3A] : memref<1000000xf32, #tpu.memory_space<vmem_shared>> -> memref<40000xf32, #tpu.memory_space<vmem_shared>>
        %dma_wait3A_301 = arith.constant 480000 : i32
        %dma_wait3A_302 = tpu.memref_slice %arg7[%dma_wait3A_301] : memref<1000000xf32, #tpu.memory_space<vmem_shared>> -> memref<40000xf32, #tpu.memory_space<vmem_shared>>
        tpu.wait_dma2 semaphore(%run_scoped3A : memref<!tpu.dma_semaphore, #tpu.memory_space<semaphore_mem>>) src(%arg9 : memref<40000xf32, #tpu.memory_space<vmem>>) dst(%dma_wait3A_302 : memref<40000xf32, #tpu.memory_space<vmem_shared>>)
        tpu.yield
      }) : () -> ()
    } else {
    }
    %eq3A_67 = arith.constant 13 : i32
    %eq3A_68 = arith.cmpi eq, %arg1, %eq3A_67 : i32
    %convert_element_type3A_69 = arith.extui %eq3A_68 : i1 to i32
    %cond3A_70 = arith.constant 0 : i32
    %cond3A_71 = arith.cmpi ne, %convert_element_type3A_69, %cond3A_70 : i32
    scf.if %cond3A_71 {
      "tpu.region"() ({
        %run_scoped3A = tpu.sem_alloc : memref<!tpu.dma_semaphore, #tpu.memory_space<semaphore_mem>>
        %dma_start3A = arith.constant 520000 : i32
        %dma_start3A_297 = tpu.memref_slice %arg7[%dma_start3A] : memref<1000000xf32, #tpu.memory_space<vmem_shared>> -> memref<40000xf32, #tpu.memory_space<vmem_shared>>
        %dma_start3A_298 = arith.constant 520000 : i32
        %dma_start3A_299 = tpu.memref_slice %arg7[%dma_start3A_298] : memref<1000000xf32, #tpu.memory_space<vmem_shared>> -> memref<40000xf32, #tpu.memory_space<vmem_shared>>
        tpu.enqueue_dma source(%arg9 : memref<40000xf32, #tpu.memory_space<vmem>>) target(%dma_start3A_299 : memref<40000xf32, #tpu.memory_space<vmem_shared>>) target_semaphore(%run_scoped3A : memref<!tpu.dma_semaphore, #tpu.memory_space<semaphore_mem>>)
        %dma_wait3A = arith.constant 520000 : i32
        %dma_wait3A_300 = tpu.memref_slice %arg7[%dma_wait3A] : memref<1000000xf32, #tpu.memory_space<vmem_shared>> -> memref<40000xf32, #tpu.memory_space<vmem_shared>>
        %dma_wait3A_301 = arith.constant 520000 : i32
        %dma_wait3A_302 = tpu.memref_slice %arg7[%dma_wait3A_301] : memref<1000000xf32, #tpu.memory_space<vmem_shared>> -> memref<40000xf32, #tpu.memory_space<vmem_shared>>
        tpu.wait_dma2 semaphore(%run_scoped3A : memref<!tpu.dma_semaphore, #tpu.memory_space<semaphore_mem>>) src(%arg9 : memref<40000xf32, #tpu.memory_space<vmem>>) dst(%dma_wait3A_302 : memref<40000xf32, #tpu.memory_space<vmem_shared>>)
        tpu.yield
      }) : () -> ()
    } else {
    }
    %eq3A_72 = arith.constant 14 : i32
    %eq3A_73 = arith.cmpi eq, %arg1, %eq3A_72 : i32
    %convert_element_type3A_74 = arith.extui %eq3A_73 : i1 to i32
    %cond3A_75 = arith.constant 0 : i32
    %cond3A_76 = arith.cmpi ne, %convert_element_type3A_74, %cond3A_75 : i32
    scf.if %cond3A_76 {
      "tpu.region"() ({
        %run_scoped3A = tpu.sem_alloc : memref<!tpu.dma_semaphore, #tpu.memory_space<semaphore_mem>>
        %dma_start3A = arith.constant 560000 : i32
        %dma_start3A_297 = tpu.memref_slice %arg7[%dma_start3A] : memref<1000000xf32, #tpu.memory_space<vmem_shared>> -> memref<40000xf32, #tpu.memory_space<vmem_shared>>
        %dma_start3A_298 = arith.constant 560000 : i32
        %dma_start3A_299 = tpu.memref_slice %arg7[%dma_start3A_298] : memref<1000000xf32, #tpu.memory_space<vmem_shared>> -> memref<40000xf32, #tpu.memory_space<vmem_shared>>
        tpu.enqueue_dma source(%arg9 : memref<40000xf32, #tpu.memory_space<vmem>>) target(%dma_start3A_299 : memref<40000xf32, #tpu.memory_space<vmem_shared>>) target_semaphore(%run_scoped3A : memref<!tpu.dma_semaphore, #tpu.memory_space<semaphore_mem>>)
        %dma_wait3A = arith.constant 560000 : i32
        %dma_wait3A_300 = tpu.memref_slice %arg7[%dma_wait3A] : memref<1000000xf32, #tpu.memory_space<vmem_shared>> -> memref<40000xf32, #tpu.memory_space<vmem_shared>>
        %dma_wait3A_301 = arith.constant 560000 : i32
        %dma_wait3A_302 = tpu.memref_slice %arg7[%dma_wait3A_301] : memref<1000000xf32, #tpu.memory_space<vmem_shared>> -> memref<40000xf32, #tpu.memory_space<vmem_shared>>
        tpu.wait_dma2 semaphore(%run_scoped3A : memref<!tpu.dma_semaphore, #tpu.memory_space<semaphore_mem>>) src(%arg9 : memref<40000xf32, #tpu.memory_space<vmem>>) dst(%dma_wait3A_302 : memref<40000xf32, #tpu.memory_space<vmem_shared>>)
        tpu.yield
      }) : () -> ()
    } else {
    }
    %eq3A_77 = arith.constant 15 : i32
    %eq3A_78 = arith.cmpi eq, %arg1, %eq3A_77 : i32
    %convert_element_type3A_79 = arith.extui %eq3A_78 : i1 to i32
    %cond3A_80 = arith.constant 0 : i32
    %cond3A_81 = arith.cmpi ne, %convert_element_type3A_79, %cond3A_80 : i32
    scf.if %cond3A_81 {
      "tpu.region"() ({
        %run_scoped3A = tpu.sem_alloc : memref<!tpu.dma_semaphore, #tpu.memory_space<semaphore_mem>>
        %dma_start3A = arith.constant 600000 : i32
        %dma_start3A_297 = tpu.memref_slice %arg7[%dma_start3A] : memref<1000000xf32, #tpu.memory_space<vmem_shared>> -> memref<40000xf32, #tpu.memory_space<vmem_shared>>
        %dma_start3A_298 = arith.constant 600000 : i32
        %dma_start3A_299 = tpu.memref_slice %arg7[%dma_start3A_298] : memref<1000000xf32, #tpu.memory_space<vmem_shared>> -> memref<40000xf32, #tpu.memory_space<vmem_shared>>
        tpu.enqueue_dma source(%arg9 : memref<40000xf32, #tpu.memory_space<vmem>>) target(%dma_start3A_299 : memref<40000xf32, #tpu.memory_space<vmem_shared>>) target_semaphore(%run_scoped3A : memref<!tpu.dma_semaphore, #tpu.memory_space<semaphore_mem>>)
        %dma_wait3A = arith.constant 600000 : i32
        %dma_wait3A_300 = tpu.memref_slice %arg7[%dma_wait3A] : memref<1000000xf32, #tpu.memory_space<vmem_shared>> -> memref<40000xf32, #tpu.memory_space<vmem_shared>>
        %dma_wait3A_301 = arith.constant 600000 : i32
        %dma_wait3A_302 = tpu.memref_slice %arg7[%dma_wait3A_301] : memref<1000000xf32, #tpu.memory_space<vmem_shared>> -> memref<40000xf32, #tpu.memory_space<vmem_shared>>
        tpu.wait_dma2 semaphore(%run_scoped3A : memref<!tpu.dma_semaphore, #tpu.memory_space<semaphore_mem>>) src(%arg9 : memref<40000xf32, #tpu.memory_space<vmem>>) dst(%dma_wait3A_302 : memref<40000xf32, #tpu.memory_space<vmem_shared>>)
        tpu.yield
      }) : () -> ()
    } else {
    }
    %eq3A_82 = arith.constant 0 : i32
    %eq3A_83 = arith.cmpi eq, %arg1, %eq3A_82 : i32
    %convert_element_type3A_84 = arith.extui %eq3A_83 : i1 to i32
    %cond3A_85 = arith.constant 0 : i32
    %cond3A_86 = arith.cmpi ne, %convert_element_type3A_84, %cond3A_85 : i32
    scf.if %cond3A_86 {
      "tpu.region"() ({
        %run_scoped3A = tpu.sem_alloc : memref<!tpu.dma_semaphore, #tpu.memory_space<semaphore_mem>>
        %dma_start3A = arith.constant 640000 : i32
        %dma_start3A_297 = tpu.memref_slice %arg7[%dma_start3A] : memref<1000000xf32, #tpu.memory_space<vmem_shared>> -> memref<40000xf32, #tpu.memory_space<vmem_shared>>
        %dma_start3A_298 = arith.constant 640000 : i32
        %dma_start3A_299 = tpu.memref_slice %arg7[%dma_start3A_298] : memref<1000000xf32, #tpu.memory_space<vmem_shared>> -> memref<40000xf32, #tpu.memory_space<vmem_shared>>
        tpu.enqueue_dma source(%arg9 : memref<40000xf32, #tpu.memory_space<vmem>>) target(%dma_start3A_299 : memref<40000xf32, #tpu.memory_space<vmem_shared>>) target_semaphore(%run_scoped3A : memref<!tpu.dma_semaphore, #tpu.memory_space<semaphore_mem>>)
        %dma_wait3A = arith.constant 640000 : i32
        %dma_wait3A_300 = tpu.memref_slice %arg7[%dma_wait3A] : memref<1000000xf32, #tpu.memory_space<vmem_shared>> -> memref<40000xf32, #tpu.memory_space<vmem_shared>>
        %dma_wait3A_301 = arith.constant 640000 : i32
        %dma_wait3A_302 = tpu.memref_slice %arg7[%dma_wait3A_301] : memref<1000000xf32, #tpu.memory_space<vmem_shared>> -> memref<40000xf32, #tpu.memory_space<vmem_shared>>
        tpu.wait_dma2 semaphore(%run_scoped3A : memref<!tpu.dma_semaphore, #tpu.memory_space<semaphore_mem>>) src(%arg9 : memref<40000xf32, #tpu.memory_space<vmem>>) dst(%dma_wait3A_302 : memref<40000xf32, #tpu.memory_space<vmem_shared>>)
        tpu.yield
      }) : () -> ()
    } else {
    }
    %eq3A_87 = arith.constant 1 : i32
    %eq3A_88 = arith.cmpi eq, %arg1, %eq3A_87 : i32
    %convert_element_type3A_89 = arith.extui %eq3A_88 : i1 to i32
    %cond3A_90 = arith.constant 0 : i32
    %cond3A_91 = arith.cmpi ne, %convert_element_type3A_89, %cond3A_90 : i32
    scf.if %cond3A_91 {
      "tpu.region"() ({
        %run_scoped3A = tpu.sem_alloc : memref<!tpu.dma_semaphore, #tpu.memory_space<semaphore_mem>>
        %dma_start3A = arith.constant 680000 : i32
        %dma_start3A_297 = tpu.memref_slice %arg7[%dma_start3A] : memref<1000000xf32, #tpu.memory_space<vmem_shared>> -> memref<40000xf32, #tpu.memory_space<vmem_shared>>
        %dma_start3A_298 = arith.constant 680000 : i32
        %dma_start3A_299 = tpu.memref_slice %arg7[%dma_start3A_298] : memref<1000000xf32, #tpu.memory_space<vmem_shared>> -> memref<40000xf32, #tpu.memory_space<vmem_shared>>
        tpu.enqueue_dma source(%arg9 : memref<40000xf32, #tpu.memory_space<vmem>>) target(%dma_start3A_299 : memref<40000xf32, #tpu.memory_space<vmem_shared>>) target_semaphore(%run_scoped3A : memref<!tpu.dma_semaphore, #tpu.memory_space<semaphore_mem>>)
        %dma_wait3A = arith.constant 680000 : i32
        %dma_wait3A_300 = tpu.memref_slice %arg7[%dma_wait3A] : memref<1000000xf32, #tpu.memory_space<vmem_shared>> -> memref<40000xf32, #tpu.memory_space<vmem_shared>>
        %dma_wait3A_301 = arith.constant 680000 : i32
        %dma_wait3A_302 = tpu.memref_slice %arg7[%dma_wait3A_301] : memref<1000000xf32, #tpu.memory_space<vmem_shared>> -> memref<40000xf32, #tpu.memory_space<vmem_shared>>
        tpu.wait_dma2 semaphore(%run_scoped3A : memref<!tpu.dma_semaphore, #tpu.memory_space<semaphore_mem>>) src(%arg9 : memref<40000xf32, #tpu.memory_space<vmem>>) dst(%dma_wait3A_302 : memref<40000xf32, #tpu.memory_space<vmem_shared>>)
        tpu.yield
      }) : () -> ()
    } else {
    }
    %eq3A_92 = arith.constant 2 : i32
    %eq3A_93 = arith.cmpi eq, %arg1, %eq3A_92 : i32
    %convert_element_type3A_94 = arith.extui %eq3A_93 : i1 to i32
    %cond3A_95 = arith.constant 0 : i32
    %cond3A_96 = arith.cmpi ne, %convert_element_type3A_94, %cond3A_95 : i32
    scf.if %cond3A_96 {
      "tpu.region"() ({
        %run_scoped3A = tpu.sem_alloc : memref<!tpu.dma_semaphore, #tpu.memory_space<semaphore_mem>>
        %dma_start3A = arith.constant 720000 : i32
        %dma_start3A_297 = tpu.memref_slice %arg7[%dma_start3A] : memref<1000000xf32, #tpu.memory_space<vmem_shared>> -> memref<40000xf32, #tpu.memory_space<vmem_shared>>
        %dma_start3A_298 = arith.constant 720000 : i32
        %dma_start3A_299 = tpu.memref_slice %arg7[%dma_start3A_298] : memref<1000000xf32, #tpu.memory_space<vmem_shared>> -> memref<40000xf32, #tpu.memory_space<vmem_shared>>
        tpu.enqueue_dma source(%arg9 : memref<40000xf32, #tpu.memory_space<vmem>>) target(%dma_start3A_299 : memref<40000xf32, #tpu.memory_space<vmem_shared>>) target_semaphore(%run_scoped3A : memref<!tpu.dma_semaphore, #tpu.memory_space<semaphore_mem>>)
        %dma_wait3A = arith.constant 720000 : i32
        %dma_wait3A_300 = tpu.memref_slice %arg7[%dma_wait3A] : memref<1000000xf32, #tpu.memory_space<vmem_shared>> -> memref<40000xf32, #tpu.memory_space<vmem_shared>>
        %dma_wait3A_301 = arith.constant 720000 : i32
        %dma_wait3A_302 = tpu.memref_slice %arg7[%dma_wait3A_301] : memref<1000000xf32, #tpu.memory_space<vmem_shared>> -> memref<40000xf32, #tpu.memory_space<vmem_shared>>
        tpu.wait_dma2 semaphore(%run_scoped3A : memref<!tpu.dma_semaphore, #tpu.memory_space<semaphore_mem>>) src(%arg9 : memref<40000xf32, #tpu.memory_space<vmem>>) dst(%dma_wait3A_302 : memref<40000xf32, #tpu.memory_space<vmem_shared>>)
        tpu.yield
      }) : () -> ()
    } else {
    }
    %eq3A_97 = arith.constant 3 : i32
    %eq3A_98 = arith.cmpi eq, %arg1, %eq3A_97 : i32
    %convert_element_type3A_99 = arith.extui %eq3A_98 : i1 to i32
    %cond3A_100 = arith.constant 0 : i32
    %cond3A_101 = arith.cmpi ne, %convert_element_type3A_99, %cond3A_100 : i32
    scf.if %cond3A_101 {
      "tpu.region"() ({
        %run_scoped3A = tpu.sem_alloc : memref<!tpu.dma_semaphore, #tpu.memory_space<semaphore_mem>>
        %dma_start3A = arith.constant 760000 : i32
        %dma_start3A_297 = tpu.memref_slice %arg7[%dma_start3A] : memref<1000000xf32, #tpu.memory_space<vmem_shared>> -> memref<40000xf32, #tpu.memory_space<vmem_shared>>
        %dma_start3A_298 = arith.constant 760000 : i32
        %dma_start3A_299 = tpu.memref_slice %arg7[%dma_start3A_298] : memref<1000000xf32, #tpu.memory_space<vmem_shared>> -> memref<40000xf32, #tpu.memory_space<vmem_shared>>
        tpu.enqueue_dma source(%arg9 : memref<40000xf32, #tpu.memory_space<vmem>>) target(%dma_start3A_299 : memref<40000xf32, #tpu.memory_space<vmem_shared>>) target_semaphore(%run_scoped3A : memref<!tpu.dma_semaphore, #tpu.memory_space<semaphore_mem>>)
        %dma_wait3A = arith.constant 760000 : i32
        %dma_wait3A_300 = tpu.memref_slice %arg7[%dma_wait3A] : memref<1000000xf32, #tpu.memory_space<vmem_shared>> -> memref<40000xf32, #tpu.memory_space<vmem_shared>>
        %dma_wait3A_301 = arith.constant 760000 : i32
        %dma_wait3A_302 = tpu.memref_slice %arg7[%dma_wait3A_301] : memref<1000000xf32, #tpu.memory_space<vmem_shared>> -> memref<40000xf32, #tpu.memory_space<vmem_shared>>
        tpu.wait_dma2 semaphore(%run_scoped3A : memref<!tpu.dma_semaphore, #tpu.memory_space<semaphore_mem>>) src(%arg9 : memref<40000xf32, #tpu.memory_space<vmem>>) dst(%dma_wait3A_302 : memref<40000xf32, #tpu.memory_space<vmem_shared>>)
        tpu.yield
      }) : () -> ()
    } else {
    }
    %eq3A_102 = arith.constant 4 : i32
    %eq3A_103 = arith.cmpi eq, %arg1, %eq3A_102 : i32
    %convert_element_type3A_104 = arith.extui %eq3A_103 : i1 to i32
    %cond3A_105 = arith.constant 0 : i32
    %cond3A_106 = arith.cmpi ne, %convert_element_type3A_104, %cond3A_105 : i32
    scf.if %cond3A_106 {
      "tpu.region"() ({
        %run_scoped3A = tpu.sem_alloc : memref<!tpu.dma_semaphore, #tpu.memory_space<semaphore_mem>>
        %dma_start3A = arith.constant 800000 : i32
        %dma_start3A_297 = tpu.memref_slice %arg7[%dma_start3A] : memref<1000000xf32, #tpu.memory_space<vmem_shared>> -> memref<40000xf32, #tpu.memory_space<vmem_shared>>
        %dma_start3A_298 = arith.constant 800000 : i32
        %dma_start3A_299 = tpu.memref_slice %arg7[%dma_start3A_298] : memref<1000000xf32, #tpu.memory_space<vmem_shared>> -> memref<40000xf32, #tpu.memory_space<vmem_shared>>
        tpu.enqueue_dma source(%arg9 : memref<40000xf32, #tpu.memory_space<vmem>>) target(%dma_start3A_299 : memref<40000xf32, #tpu.memory_space<vmem_shared>>) target_semaphore(%run_scoped3A : memref<!tpu.dma_semaphore, #tpu.memory_space<semaphore_mem>>)
        %dma_wait3A = arith.constant 800000 : i32
        %dma_wait3A_300 = tpu.memref_slice %arg7[%dma_wait3A] : memref<1000000xf32, #tpu.memory_space<vmem_shared>> -> memref<40000xf32, #tpu.memory_space<vmem_shared>>
        %dma_wait3A_301 = arith.constant 800000 : i32
        %dma_wait3A_302 = tpu.memref_slice %arg7[%dma_wait3A_301] : memref<1000000xf32, #tpu.memory_space<vmem_shared>> -> memref<40000xf32, #tpu.memory_space<vmem_shared>>
        tpu.wait_dma2 semaphore(%run_scoped3A : memref<!tpu.dma_semaphore, #tpu.memory_space<semaphore_mem>>) src(%arg9 : memref<40000xf32, #tpu.memory_space<vmem>>) dst(%dma_wait3A_302 : memref<40000xf32, #tpu.memory_space<vmem_shared>>)
        tpu.yield
      }) : () -> ()
    } else {
    }
    %eq3A_107 = arith.constant 5 : i32
    %eq3A_108 = arith.cmpi eq, %arg1, %eq3A_107 : i32
    %convert_element_type3A_109 = arith.extui %eq3A_108 : i1 to i32
    %cond3A_110 = arith.constant 0 : i32
    %cond3A_111 = arith.cmpi ne, %convert_element_type3A_109, %cond3A_110 : i32
    scf.if %cond3A_111 {
      "tpu.region"() ({
        %run_scoped3A = tpu.sem_alloc : memref<!tpu.dma_semaphore, #tpu.memory_space<semaphore_mem>>
        %dma_start3A = arith.constant 840000 : i32
        %dma_start3A_297 = tpu.memref_slice %arg7[%dma_start3A] : memref<1000000xf32, #tpu.memory_space<vmem_shared>> -> memref<40000xf32, #tpu.memory_space<vmem_shared>>
        %dma_start3A_298 = arith.constant 840000 : i32
        %dma_start3A_299 = tpu.memref_slice %arg7[%dma_start3A_298] : memref<1000000xf32, #tpu.memory_space<vmem_shared>> -> memref<40000xf32, #tpu.memory_space<vmem_shared>>
        tpu.enqueue_dma source(%arg9 : memref<40000xf32, #tpu.memory_space<vmem>>) target(%dma_start3A_299 : memref<40000xf32, #tpu.memory_space<vmem_shared>>) target_semaphore(%run_scoped3A : memref<!tpu.dma_semaphore, #tpu.memory_space<semaphore_mem>>)
        %dma_wait3A = arith.constant 840000 : i32
        %dma_wait3A_300 = tpu.memref_slice %arg7[%dma_wait3A] : memref<1000000xf32, #tpu.memory_space<vmem_shared>> -> memref<40000xf32, #tpu.memory_space<vmem_shared>>
        %dma_wait3A_301 = arith.constant 840000 : i32
        %dma_wait3A_302 = tpu.memref_slice %arg7[%dma_wait3A_301] : memref<1000000xf32, #tpu.memory_space<vmem_shared>> -> memref<40000xf32, #tpu.memory_space<vmem_shared>>
        tpu.wait_dma2 semaphore(%run_scoped3A : memref<!tpu.dma_semaphore, #tpu.memory_space<semaphore_mem>>) src(%arg9 : memref<40000xf32, #tpu.memory_space<vmem>>) dst(%dma_wait3A_302 : memref<40000xf32, #tpu.memory_space<vmem_shared>>)
        tpu.yield
      }) : () -> ()
    } else {
    }
    %eq3A_112 = arith.constant 6 : i32
    %eq3A_113 = arith.cmpi eq, %arg1, %eq3A_112 : i32
    %convert_element_type3A_114 = arith.extui %eq3A_113 : i1 to i32
    %cond3A_115 = arith.constant 0 : i32
    %cond3A_116 = arith.cmpi ne, %convert_element_type3A_114, %cond3A_115 : i32
    scf.if %cond3A_116 {
      "tpu.region"() ({
        %run_scoped3A = tpu.sem_alloc : memref<!tpu.dma_semaphore, #tpu.memory_space<semaphore_mem>>
        %dma_start3A = arith.constant 880000 : i32
        %dma_start3A_297 = tpu.memref_slice %arg7[%dma_start3A] : memref<1000000xf32, #tpu.memory_space<vmem_shared>> -> memref<40000xf32, #tpu.memory_space<vmem_shared>>
        %dma_start3A_298 = arith.constant 880000 : i32
        %dma_start3A_299 = tpu.memref_slice %arg7[%dma_start3A_298] : memref<1000000xf32, #tpu.memory_space<vmem_shared>> -> memref<40000xf32, #tpu.memory_space<vmem_shared>>
        tpu.enqueue_dma source(%arg9 : memref<40000xf32, #tpu.memory_space<vmem>>) target(%dma_start3A_299 : memref<40000xf32, #tpu.memory_space<vmem_shared>>) target_semaphore(%run_scoped3A : memref<!tpu.dma_semaphore, #tpu.memory_space<semaphore_mem>>)
        %dma_wait3A = arith.constant 880000 : i32
        %dma_wait3A_300 = tpu.memref_slice %arg7[%dma_wait3A] : memref<1000000xf32, #tpu.memory_space<vmem_shared>> -> memref<40000xf32, #tpu.memory_space<vmem_shared>>
        %dma_wait3A_301 = arith.constant 880000 : i32
        %dma_wait3A_302 = tpu.memref_slice %arg7[%dma_wait3A_301] : memref<1000000xf32, #tpu.memory_space<vmem_shared>> -> memref<40000xf32, #tpu.memory_space<vmem_shared>>
        tpu.wait_dma2 semaphore(%run_scoped3A : memref<!tpu.dma_semaphore, #tpu.memory_space<semaphore_mem>>) src(%arg9 : memref<40000xf32, #tpu.memory_space<vmem>>) dst(%dma_wait3A_302 : memref<40000xf32, #tpu.memory_space<vmem_shared>>)
        tpu.yield
      }) : () -> ()
    } else {
    }
    %eq3A_117 = arith.constant 7 : i32
    %eq3A_118 = arith.cmpi eq, %arg1, %eq3A_117 : i32
    %convert_element_type3A_119 = arith.extui %eq3A_118 : i1 to i32
    %cond3A_120 = arith.constant 0 : i32
    %cond3A_121 = arith.cmpi ne, %convert_element_type3A_119, %cond3A_120 : i32
    scf.if %cond3A_121 {
      "tpu.region"() ({
        %run_scoped3A = tpu.sem_alloc : memref<!tpu.dma_semaphore, #tpu.memory_space<semaphore_mem>>
        %dma_start3A = arith.constant 920000 : i32
        %dma_start3A_297 = tpu.memref_slice %arg7[%dma_start3A] : memref<1000000xf32, #tpu.memory_space<vmem_shared>> -> memref<40000xf32, #tpu.memory_space<vmem_shared>>
        %dma_start3A_298 = arith.constant 920000 : i32
        %dma_start3A_299 = tpu.memref_slice %arg7[%dma_start3A_298] : memref<1000000xf32, #tpu.memory_space<vmem_shared>> -> memref<40000xf32, #tpu.memory_space<vmem_shared>>
        tpu.enqueue_dma source(%arg9 : memref<40000xf32, #tpu.memory_space<vmem>>) target(%dma_start3A_299 : memref<40000xf32, #tpu.memory_space<vmem_shared>>) target_semaphore(%run_scoped3A : memref<!tpu.dma_semaphore, #tpu.memory_space<semaphore_mem>>)
        %dma_wait3A = arith.constant 920000 : i32
        %dma_wait3A_300 = tpu.memref_slice %arg7[%dma_wait3A] : memref<1000000xf32, #tpu.memory_space<vmem_shared>> -> memref<40000xf32, #tpu.memory_space<vmem_shared>>
        %dma_wait3A_301 = arith.constant 920000 : i32
        %dma_wait3A_302 = tpu.memref_slice %arg7[%dma_wait3A_301] : memref<1000000xf32, #tpu.memory_space<vmem_shared>> -> memref<40000xf32, #tpu.memory_space<vmem_shared>>
        tpu.wait_dma2 semaphore(%run_scoped3A : memref<!tpu.dma_semaphore, #tpu.memory_space<semaphore_mem>>) src(%arg9 : memref<40000xf32, #tpu.memory_space<vmem>>) dst(%dma_wait3A_302 : memref<40000xf32, #tpu.memory_space<vmem_shared>>)
        tpu.yield
      }) : () -> ()
    } else {
    }
    %eq3A_122 = arith.constant 8 : i32
    %eq3A_123 = arith.cmpi eq, %arg1, %eq3A_122 : i32
    %convert_element_type3A_124 = arith.extui %eq3A_123 : i1 to i32
    %cond3A_125 = arith.constant 0 : i32
    %cond3A_126 = arith.cmpi ne, %convert_element_type3A_124, %cond3A_125 : i32
    scf.if %cond3A_126 {
      "tpu.region"() ({
        %run_scoped3A = tpu.sem_alloc : memref<!tpu.dma_semaphore, #tpu.memory_space<semaphore_mem>>
        %dma_start3A = arith.constant 960000 : i32
        %dma_start3A_297 = tpu.memref_slice %arg7[%dma_start3A] : memref<1000000xf32, #tpu.memory_space<vmem_shared>> -> memref<40000xf32, #tpu.memory_space<vmem_shared>>
        %dma_start3A_298 = arith.constant 960000 : i32
        %dma_start3A_299 = tpu.memref_slice %arg7[%dma_start3A_298] : memref<1000000xf32, #tpu.memory_space<vmem_shared>> -> memref<40000xf32, #tpu.memory_space<vmem_shared>>
        tpu.enqueue_dma source(%arg9 : memref<40000xf32, #tpu.memory_space<vmem>>) target(%dma_start3A_299 : memref<40000xf32, #tpu.memory_space<vmem_shared>>) target_semaphore(%run_scoped3A : memref<!tpu.dma_semaphore, #tpu.memory_space<semaphore_mem>>)
        %dma_wait3A = arith.constant 960000 : i32
        %dma_wait3A_300 = tpu.memref_slice %arg7[%dma_wait3A] : memref<1000000xf32, #tpu.memory_space<vmem_shared>> -> memref<40000xf32, #tpu.memory_space<vmem_shared>>
        %dma_wait3A_301 = arith.constant 960000 : i32
        %dma_wait3A_302 = tpu.memref_slice %arg7[%dma_wait3A_301] : memref<1000000xf32, #tpu.memory_space<vmem_shared>> -> memref<40000xf32, #tpu.memory_space<vmem_shared>>
        tpu.wait_dma2 semaphore(%run_scoped3A : memref<!tpu.dma_semaphore, #tpu.memory_space<semaphore_mem>>) src(%arg9 : memref<40000xf32, #tpu.memory_space<vmem>>) dst(%dma_wait3A_302 : memref<40000xf32, #tpu.memory_space<vmem_shared>>)
        tpu.yield
      }) : () -> ()
    } else {
    }
    %eq3A_127 = arith.constant 0 : i32
    %eq3A_128 = arith.cmpi eq, %arg1, %eq3A_127 : i32
    %convert_element_type3A_129 = arith.extui %eq3A_128 : i1 to i32
    %cond3A_130 = arith.constant 0 : i32
    %cond3A_131 = arith.cmpi ne, %convert_element_type3A_129, %cond3A_130 : i32
    scf.if %cond3A_131 {
      "tpu.region"() ({
        %run_scoped3A = tpu.sem_alloc : memref<!tpu.dma_semaphore, #tpu.memory_space<semaphore_mem>>
        %dma_start3A = arith.constant 0 : i32
        %dma_start3A_297 = tpu.memref_slice %arg9[%dma_start3A] : memref<40000xf32, #tpu.memory_space<vmem>> -> memref<5000xf32, #tpu.memory_space<vmem>>
        %dma_start3A_298 = arith.constant 0 : i32
        %dma_start3A_299 = tpu.memref_slice %arg9[%dma_start3A_298] : memref<40000xf32, #tpu.memory_space<vmem>> -> memref<5000xf32, #tpu.memory_space<vmem>>
        tpu.enqueue_dma source(%dma_start3A_299 : memref<5000xf32, #tpu.memory_space<vmem>>) target(%arg8 : memref<5000xf32, #tpu.memory_space<vmem_shared>>) target_semaphore(%run_scoped3A : memref<!tpu.dma_semaphore, #tpu.memory_space<semaphore_mem>>)
        %dma_wait3A = arith.constant 0 : i32
        %dma_wait3A_300 = tpu.memref_slice %arg9[%dma_wait3A] : memref<40000xf32, #tpu.memory_space<vmem>> -> memref<5000xf32, #tpu.memory_space<vmem>>
        %dma_wait3A_301 = arith.constant 0 : i32
        %dma_wait3A_302 = tpu.memref_slice %arg9[%dma_wait3A_301] : memref<40000xf32, #tpu.memory_space<vmem>> -> memref<5000xf32, #tpu.memory_space<vmem>>
        tpu.wait_dma2 semaphore(%run_scoped3A : memref<!tpu.dma_semaphore, #tpu.memory_space<semaphore_mem>>) src(%dma_wait3A_302 : memref<5000xf32, #tpu.memory_space<vmem>>) dst(%arg8 : memref<5000xf32, #tpu.memory_space<vmem_shared>>)
        tpu.yield
      }) : () -> ()
    } else {
    }
    %broadcast_in_dim3A = arith.constant 1.000000e+00 : f32
    %broadcast_in_dim3A_132 = vector.broadcast %broadcast_in_dim3A : f32 to vector<16xf32>
    %swap3A = arith.constant 0 : index
    %swap3A_133 = tpu.vector_load %arg16[%swap3A] {strides = array<i32>} : memref<80xf32, #tpu.memory_space<vmem>>, vector<16xf32>,
    %swap3A_134 = vector.shape_cast %swap3A_133 : vector<16xf32> to vector<16xf32>
    %swap3A_135 = vector.shape_cast %broadcast_in_dim3A_132 : vector<16xf32> to vector<16xf32>
    tpu.vector_store %arg16[%swap3A], %swap3A_135 {strides = array<i32>} : memref<80xf32, #tpu.memory_space<vmem>>, vector<16xf32>,
    %broadcast_in_dim3A_136 = arith.constant 1.000000e+00 : f32
    %broadcast_in_dim3A_137 = vector.broadcast %broadcast_in_dim3A_136 : f32 to vector<16xf32>
    %swap3A_138 = arith.constant 16 : index
    %swap3A_139 = tpu.vector_load %arg16[%swap3A_138] {strides = array<i32>} : memref<80xf32, #tpu.memory_space<vmem>>, vector<16xf32>,
    %swap3A_140 = vector.shape_cast %swap3A_139 : vector<16xf32> to vector<16xf32>
    %swap3A_141 = vector.shape_cast %broadcast_in_dim3A_137 : vector<16xf32> to vector<16xf32>
    tpu.vector_store %arg16[%swap3A_138], %swap3A_141 {strides = array<i32>} : memref<80xf32, #tpu.memory_space<vmem>>, vector<16xf32>,
    %broadcast_in_dim3A_142 = arith.constant 1.000000e+00 : f32
    %broadcast_in_dim3A_143 = vector.broadcast %broadcast_in_dim3A_142 : f32 to vector<16xf32>
    %swap3A_144 = arith.constant 32 : index
    %swap3A_145 = tpu.vector_load %arg16[%swap3A_144] {strides = array<i32>} : memref<80xf32, #tpu.memory_space<vmem>>, vector<16xf32>,
    %swap3A_146 = vector.shape_cast %swap3A_145 : vector<16xf32> to vector<16xf32>
    %swap3A_147 = vector.shape_cast %broadcast_in_dim3A_143 : vector<16xf32> to vector<16xf32>
    tpu.vector_store %arg16[%swap3A_144], %swap3A_147 {strides = array<i32>} : memref<80xf32, #tpu.memory_space<vmem>>, vector<16xf32>,
    %broadcast_in_dim3A_148 = arith.constant 1.000000e+00 : f32
    %broadcast_in_dim3A_149 = vector.broadcast %broadcast_in_dim3A_148 : f32 to vector<16xf32>
    %swap3A_150 = arith.constant 48 : index
    %swap3A_151 = tpu.vector_load %arg16[%swap3A_150] {strides = array<i32>} : memref<80xf32, #tpu.memory_space<vmem>>, vector<16xf32>,
    %swap3A_152 = vector.shape_cast %swap3A_151 : vector<16xf32> to vector<16xf32>
    %swap3A_153 = vector.shape_cast %broadcast_in_dim3A_149 : vector<16xf32> to vector<16xf32>
    tpu.vector_store %arg16[%swap3A_150], %swap3A_153 {strides = array<i32>} : memref<80xf32, #tpu.memory_space<vmem>>, vector<16xf32>,
    %broadcast_in_dim3A_154 = arith.constant 1.000000e+00 : f32
    %broadcast_in_dim3A_155 = vector.broadcast %broadcast_in_dim3A_154 : f32 to vector<16xf32>
    %swap3A_156 = arith.constant 64 : index
    %swap3A_157 = tpu.vector_load %arg16[%swap3A_156] {strides = array<i32>} : memref<80xf32, #tpu.memory_space<vmem>>, vector<16xf32>,
    %swap3A_158 = vector.shape_cast %swap3A_157 : vector<16xf32> to vector<16xf32>
    %swap3A_159 = vector.shape_cast %broadcast_in_dim3A_155 : vector<16xf32> to vector<16xf32>
    tpu.vector_store %arg16[%swap3A_156], %swap3A_159 {strides = array<i32>} : memref<80xf32, #tpu.memory_space<vmem>>, vector<16xf32>,
    %barrier3A = arith.constant 0 : index
    tpu.barrier barrier_id(%barrier3A)
    %scan3A_160 = arith.constant 0 : i32
    %scan3A_161 = arith.constant 0 : i32
    %scan3A_162 = arith.constant 25 : i32
    %scan3A_163 = arith.addi %scan3A_161, %scan3A_162 : i32
    %scan3A_164 = arith.constant 1 : i32
    scf.for %scan3A_297 = %scan3A_161 to %scan3A_163 step %scan3A_164  : i32 {
      %mul3A = arith.constant 25 : i32
      %mul3A_298 = arith.muli %arg0, %mul3A : i32
      %add3A = arith.addi %mul3A_298, %scan3A_297 : i32
      %mul3A_299 = arith.constant 6400 : i32
      %mul3A_300 = arith.muli %add3A, %mul3A_299 : i32
      %mul3A_301 = arith.constant 400 : i32
      %mul3A_302 = arith.muli %arg1, %mul3A_301 : i32
      %add3A_303 = arith.addi %mul3A_300, %mul3A_302 : i32
      "tpu.region"() ({
        %run_scoped3A = tpu.sem_alloc : memref<!tpu.dma_semaphore, #tpu.memory_space<semaphore_mem>>
        %dma_start3A = tpu.memref_slice %arg2[%add3A_303] : memref<320000xi32, #tpu.memory_space<hbm>> -> memref<400xi32, #tpu.memory_space<hbm>>
        %dma_start3A_1181 = tpu.memref_slice %arg2[%add3A_303] : memref<320000xi32, #tpu.memory_space<hbm>> -> memref<400xi32, #tpu.memory_space<hbm>>
        tpu.enqueue_dma source(%dma_start3A_1181 : memref<400xi32, #tpu.memory_space<hbm>>) target(%arg10 : memref<400xi32, #tpu.memory_space<vmem>>) target_semaphore(%run_scoped3A : memref<!tpu.dma_semaphore, #tpu.memory_space<semaphore_mem>>)
        %dma_wait3A = tpu.memref_slice %arg2[%add3A_303] : memref<320000xi32, #tpu.memory_space<hbm>> -> memref<400xi32, #tpu.memory_space<hbm>>
        %dma_wait3A_1182 = tpu.memref_slice %arg2[%add3A_303] : memref<320000xi32, #tpu.memory_space<hbm>> -> memref<400xi32, #tpu.memory_space<hbm>>
        tpu.wait_dma2 semaphore(%run_scoped3A : memref<!tpu.dma_semaphore, #tpu.memory_space<semaphore_mem>>) src(%dma_wait3A_1182 : memref<400xi32, #tpu.memory_space<hbm>>) dst(%arg10 : memref<400xi32, #tpu.memory_space<vmem>>)
        tpu.yield
      }) : () -> ()
      "tpu.region"() ({
        %run_scoped3A = tpu.sem_alloc : memref<!tpu.dma_semaphore, #tpu.memory_space<semaphore_mem>>
        %dma_start3A = tpu.memref_slice %arg3[%add3A_303] : memref<320000xi32, #tpu.memory_space<hbm>> -> memref<400xi32, #tpu.memory_space<hbm>>
        %dma_start3A_1181 = tpu.memref_slice %arg3[%add3A_303] : memref<320000xi32, #tpu.memory_space<hbm>> -> memref<400xi32, #tpu.memory_space<hbm>>
        tpu.enqueue_dma source(%dma_start3A_1181 : memref<400xi32, #tpu.memory_space<hbm>>) target(%arg11 : memref<400xi32, #tpu.memory_space<vmem>>) target_semaphore(%run_scoped3A : memref<!tpu.dma_semaphore, #tpu.memory_space<semaphore_mem>>)
        %dma_wait3A = tpu.memref_slice %arg3[%add3A_303] : memref<320000xi32, #tpu.memory_space<hbm>> -> memref<400xi32, #tpu.memory_space<hbm>>
        %dma_wait3A_1182 = tpu.memref_slice %arg3[%add3A_303] : memref<320000xi32, #tpu.memory_space<hbm>> -> memref<400xi32, #tpu.memory_space<hbm>>
        tpu.wait_dma2 semaphore(%run_scoped3A : memref<!tpu.dma_semaphore, #tpu.memory_space<semaphore_mem>>) src(%dma_wait3A_1182 : memref<400xi32, #tpu.memory_space<hbm>>) dst(%arg11 : memref<400xi32, #tpu.memory_space<vmem>>)
        tpu.yield
      }) : () -> ()
      "tpu.region"() ({
        %run_scoped3A = tpu.sem_alloc : memref<!tpu.dma_semaphore, #tpu.memory_space<semaphore_mem>>
        %dma_start3A = tpu.memref_slice %arg4[%add3A_303] : memref<320000xf32, #tpu.memory_space<hbm>> -> memref<400xf32, #tpu.memory_space<hbm>>
        %dma_start3A_1181 = tpu.memref_slice %arg4[%add3A_303] : memref<320000xf32, #tpu.memory_space<hbm>> -> memref<400xf32, #tpu.memory_space<hbm>>
        tpu.enqueue_dma source(%dma_start3A_1181 : memref<400xf32, #tpu.memory_space<hbm>>) target(%arg12 : memref<400xf32, #tpu.memory_space<vmem>>) target_semaphore(%run_scoped3A : memref<!tpu.dma_semaphore, #tpu.memory_space<semaphore_mem>>)
        %dma_wait3A = tpu.memref_slice %arg4[%add3A_303] : memref<320000xf32, #tpu.memory_space<hbm>> -> memref<400xf32, #tpu.memory_space<hbm>>
        %dma_wait3A_1182 = tpu.memref_slice %arg4[%add3A_303] : memref<320000xf32, #tpu.memory_space<hbm>> -> memref<400xf32, #tpu.memory_space<hbm>>
        tpu.wait_dma2 semaphore(%run_scoped3A : memref<!tpu.dma_semaphore, #tpu.memory_space<semaphore_mem>>) src(%dma_wait3A_1182 : memref<400xf32, #tpu.memory_space<hbm>>) dst(%arg12 : memref<400xf32, #tpu.memory_space<vmem>>)
        tpu.yield
      }) : () -> ()
      %mul3A_304 = arith.constant 200 : i32
      %mul3A_305 = arith.muli %add3A, %mul3A_304 : i32
      %mul3A_306 = arith.constant 5000 : i32
      %mul3A_307 = arith.muli %arg0, %mul3A_306 : i32
      %get3A = arith.constant 0 : index
      %get3A_308 = tpu.vector_load %arg10[%get3A] {strides = array<i32>} : memref<400xi32, #tpu.memory_space<vmem>>, vector<16xi32>,
      %get3A_309 = vector.shape_cast %get3A_308 : vector<16xi32> to vector<16xi32>
      %get3A_310 = arith.constant 0 : index
      %get3A_311 = tpu.vector_load %arg11[%get3A_310] {strides = array<i32>} : memref<400xi32, #tpu.memory_space<vmem>>, vector<16xi32>,
      %get3A_312 = vector.shape_cast %get3A_311 : vector<16xi32> to vector<16xi32>
      %sub3A = vector.broadcast %mul3A_305 : i32 to vector<16xi32>
      %sub3A_313 = arith.subi %get3A_309, %sub3A : vector<16xi32>
      %sub3A_314 = vector.broadcast %mul3A_305 : i32 to vector<16xi32>
      %sub3A_315 = arith.subi %get3A_312, %sub3A_314 : vector<16xi32>
      %mul3A_316 = arith.constant 40000 : i32
      %mul3A_317 = arith.muli %scan3A_297, %mul3A_316 : i32
      %mul3A_318 = arith.constant 200 : i32
      %mul3A_319 = vector.broadcast %mul3A_318 : i32 to vector<16xi32>
      %mul3A_320 = arith.muli %sub3A_315, %mul3A_319 : vector<16xi32>
      %add3A_321 = vector.broadcast %mul3A_317 : i32 to vector<16xi32>
      %add3A_322 = arith.addi %add3A_321, %mul3A_320 : vector<16xi32>
      %add3A_323 = arith.addi %add3A_322, %sub3A_313 : vector<16xi32>
      %swap3A_324 = arith.constant 0 : index
      %swap3A_325 = tpu.vector_load %arg13[%swap3A_324] {strides = array<i32>} : memref<80xi32, #tpu.memory_space<vmem>>, vector<16xi32>,
      %swap3A_326 = vector.shape_cast %swap3A_325 : vector<16xi32> to vector<16xi32>
      %swap3A_327 = vector.shape_cast %add3A_323 : vector<16xi32> to vector<16xi32>
      tpu.vector_store %arg13[%swap3A_324], %swap3A_327 {strides = array<i32>} : memref<80xi32, #tpu.memory_space<vmem>>, vector<16xi32>,
      %sub3A_328 = vector.broadcast %mul3A_307 : i32 to vector<16xi32>
      %sub3A_329 = arith.subi %get3A_312, %sub3A_328 : vector<16xi32>
      %swap3A_330 = arith.constant 0 : index
      %swap3A_331 = tpu.vector_load %arg14[%swap3A_330] {strides = array<i32>} : memref<80xi32, #tpu.memory_space<vmem>>, vector<16xi32>,
      %swap3A_332 = vector.shape_cast %swap3A_331 : vector<16xi32> to vector<16xi32>
      %swap3A_333 = vector.shape_cast %sub3A_329 : vector<16xi32> to vector<16xi32>
      tpu.vector_store %arg14[%swap3A_330], %swap3A_333 {strides = array<i32>} : memref<80xi32, #tpu.memory_space<vmem>>, vector<16xi32>,
      %get3A_334 = arith.constant 0 : index
      %get3A_335 = tpu.vector_load %arg12[%get3A_334] {strides = array<i32>} : memref<400xf32, #tpu.memory_space<vmem>>, vector<16xf32>,
      %get3A_336 = vector.shape_cast %get3A_335 : vector<16xf32> to vector<16xf32>
      %swap3A_337 = arith.constant 0 : index
      %swap3A_338 = tpu.vector_load %arg15[%swap3A_337] {strides = array<i32>} : memref<80xf32, #tpu.memory_space<vmem>>, vector<16xf32>,
      %swap3A_339 = vector.shape_cast %swap3A_338 : vector<16xf32> to vector<16xf32>
      %swap3A_340 = vector.shape_cast %get3A_336 : vector<16xf32> to vector<16xf32>
      tpu.vector_store %arg15[%swap3A_337], %swap3A_340 {strides = array<i32>} : memref<80xf32, #tpu.memory_space<vmem>>, vector<16xf32>,
      %get3A_341 = arith.constant 16 : index
      %get3A_342 = tpu.vector_load %arg10[%get3A_341] {strides = array<i32>} : memref<400xi32, #tpu.memory_space<vmem>>, vector<16xi32>,
      %get3A_343 = vector.shape_cast %get3A_342 : vector<16xi32> to vector<16xi32>
      %get3A_344 = arith.constant 16 : index
      %get3A_345 = tpu.vector_load %arg11[%get3A_344] {strides = array<i32>} : memref<400xi32, #tpu.memory_space<vmem>>, vector<16xi32>,
      %get3A_346 = vector.shape_cast %get3A_345 : vector<16xi32> to vector<16xi32>
      %sub3A_347 = vector.broadcast %mul3A_305 : i32 to vector<16xi32>
      %sub3A_348 = arith.subi %get3A_343, %sub3A_347 : vector<16xi32>
      %sub3A_349 = vector.broadcast %mul3A_305 : i32 to vector<16xi32>
      %sub3A_350 = arith.subi %get3A_346, %sub3A_349 : vector<16xi32>
      %mul3A_351 = arith.constant 40000 : i32
      %mul3A_352 = arith.muli %scan3A_297, %mul3A_351 : i32
      %mul3A_353 = arith.constant 200 : i32
      %mul3A_354 = vector.broadcast %mul3A_353 : i32 to vector<16xi32>
      %mul3A_355 = arith.muli %sub3A_350, %mul3A_354 : vector<16xi32>
      %add3A_356 = vector.broadcast %mul3A_352 : i32 to vector<16xi32>
      %add3A_357 = arith.addi %add3A_356, %mul3A_355 : vector<16xi32>
      %add3A_358 = arith.addi %add3A_357, %sub3A_348 : vector<16xi32>
      %swap3A_359 = arith.constant 16 : index
      %swap3A_360 = tpu.vector_load %arg13[%swap3A_359] {strides = array<i32>} : memref<80xi32, #tpu.memory_space<vmem>>, vector<16xi32>,
      %swap3A_361 = vector.shape_cast %swap3A_360 : vector<16xi32> to vector<16xi32>
      %swap3A_362 = vector.shape_cast %add3A_358 : vector<16xi32> to vector<16xi32>
      tpu.vector_store %arg13[%swap3A_359], %swap3A_362 {strides = array<i32>} : memref<80xi32, #tpu.memory_space<vmem>>, vector<16xi32>,
      %sub3A_363 = vector.broadcast %mul3A_307 : i32 to vector<16xi32>
      %sub3A_364 = arith.subi %get3A_346, %sub3A_363 : vector<16xi32>
      %swap3A_365 = arith.constant 16 : index
      %swap3A_366 = tpu.vector_load %arg14[%swap3A_365] {strides = array<i32>} : memref<80xi32, #tpu.memory_space<vmem>>, vector<16xi32>,
      %swap3A_367 = vector.shape_cast %swap3A_366 : vector<16xi32> to vector<16xi32>
      %swap3A_368 = vector.shape_cast %sub3A_364 : vector<16xi32> to vector<16xi32>
      tpu.vector_store %arg14[%swap3A_365], %swap3A_368 {strides = array<i32>} : memref<80xi32, #tpu.memory_space<vmem>>, vector<16xi32>,
      %get3A_369 = arith.constant 16 : index
      %get3A_370 = tpu.vector_load %arg12[%get3A_369] {strides = array<i32>} : memref<400xf32, #tpu.memory_space<vmem>>, vector<16xf32>,
      %get3A_371 = vector.shape_cast %get3A_370 : vector<16xf32> to vector<16xf32>
      %swap3A_372 = arith.constant 16 : index
      %swap3A_373 = tpu.vector_load %arg15[%swap3A_372] {strides = array<i32>} : memref<80xf32, #tpu.memory_space<vmem>>, vector<16xf32>,
      %swap3A_374 = vector.shape_cast %swap3A_373 : vector<16xf32> to vector<16xf32>
      %swap3A_375 = vector.shape_cast %get3A_371 : vector<16xf32> to vector<16xf32>
      tpu.vector_store %arg15[%swap3A_372], %swap3A_375 {strides = array<i32>} : memref<80xf32, #tpu.memory_space<vmem>>, vector<16xf32>,
      %get3A_376 = arith.constant 32 : index
      %get3A_377 = tpu.vector_load %arg10[%get3A_376] {strides = array<i32>} : memref<400xi32, #tpu.memory_space<vmem>>, vector<16xi32>,
      %get3A_378 = vector.shape_cast %get3A_377 : vector<16xi32> to vector<16xi32>
      %get3A_379 = arith.constant 32 : index
      %get3A_380 = tpu.vector_load %arg11[%get3A_379] {strides = array<i32>} : memref<400xi32, #tpu.memory_space<vmem>>, vector<16xi32>,
      %get3A_381 = vector.shape_cast %get3A_380 : vector<16xi32> to vector<16xi32>
      %sub3A_382 = vector.broadcast %mul3A_305 : i32 to vector<16xi32>
      %sub3A_383 = arith.subi %get3A_378, %sub3A_382 : vector<16xi32>
      %sub3A_384 = vector.broadcast %mul3A_305 : i32 to vector<16xi32>
      %sub3A_385 = arith.subi %get3A_381, %sub3A_384 : vector<16xi32>
      %mul3A_386 = arith.constant 40000 : i32
      %mul3A_387 = arith.muli %scan3A_297, %mul3A_386 : i32
      %mul3A_388 = arith.constant 200 : i32
      %mul3A_389 = vector.broadcast %mul3A_388 : i32 to vector<16xi32>
      %mul3A_390 = arith.muli %sub3A_385, %mul3A_389 : vector<16xi32>
      %add3A_391 = vector.broadcast %mul3A_387 : i32 to vector<16xi32>
      %add3A_392 = arith.addi %add3A_391, %mul3A_390 : vector<16xi32>
      %add3A_393 = arith.addi %add3A_392, %sub3A_383 : vector<16xi32>
      %swap3A_394 = arith.constant 32 : index
      %swap3A_395 = tpu.vector_load %arg13[%swap3A_394] {strides = array<i32>} : memref<80xi32, #tpu.memory_space<vmem>>, vector<16xi32>,
      %swap3A_396 = vector.shape_cast %swap3A_395 : vector<16xi32> to vector<16xi32>
      %swap3A_397 = vector.shape_cast %add3A_393 : vector<16xi32> to vector<16xi32>
      tpu.vector_store %arg13[%swap3A_394], %swap3A_397 {strides = array<i32>} : memref<80xi32, #tpu.memory_space<vmem>>, vector<16xi32>,
      %sub3A_398 = vector.broadcast %mul3A_307 : i32 to vector<16xi32>
      %sub3A_399 = arith.subi %get3A_381, %sub3A_398 : vector<16xi32>
      %swap3A_400 = arith.constant 32 : index
      %swap3A_401 = tpu.vector_load %arg14[%swap3A_400] {strides = array<i32>} : memref<80xi32, #tpu.memory_space<vmem>>, vector<16xi32>,
      %swap3A_402 = vector.shape_cast %swap3A_401 : vector<16xi32> to vector<16xi32>
      %swap3A_403 = vector.shape_cast %sub3A_399 : vector<16xi32> to vector<16xi32>
      tpu.vector_store %arg14[%swap3A_400], %swap3A_403 {strides = array<i32>} : memref<80xi32, #tpu.memory_space<vmem>>, vector<16xi32>,
      %get3A_404 = arith.constant 32 : index
      %get3A_405 = tpu.vector_load %arg12[%get3A_404] {strides = array<i32>} : memref<400xf32, #tpu.memory_space<vmem>>, vector<16xf32>,
      %get3A_406 = vector.shape_cast %get3A_405 : vector<16xf32> to vector<16xf32>
      %swap3A_407 = arith.constant 32 : index
      %swap3A_408 = tpu.vector_load %arg15[%swap3A_407] {strides = array<i32>} : memref<80xf32, #tpu.memory_space<vmem>>, vector<16xf32>,
      %swap3A_409 = vector.shape_cast %swap3A_408 : vector<16xf32> to vector<16xf32>
      %swap3A_410 = vector.shape_cast %get3A_406 : vector<16xf32> to vector<16xf32>
      tpu.vector_store %arg15[%swap3A_407], %swap3A_410 {strides = array<i32>} : memref<80xf32, #tpu.memory_space<vmem>>, vector<16xf32>,
      %get3A_411 = arith.constant 48 : index
      %get3A_412 = tpu.vector_load %arg10[%get3A_411] {strides = array<i32>} : memref<400xi32, #tpu.memory_space<vmem>>, vector<16xi32>,
      %get3A_413 = vector.shape_cast %get3A_412 : vector<16xi32> to vector<16xi32>
      %get3A_414 = arith.constant 48 : index
      %get3A_415 = tpu.vector_load %arg11[%get3A_414] {strides = array<i32>} : memref<400xi32, #tpu.memory_space<vmem>>, vector<16xi32>,
      %get3A_416 = vector.shape_cast %get3A_415 : vector<16xi32> to vector<16xi32>
      %sub3A_417 = vector.broadcast %mul3A_305 : i32 to vector<16xi32>
      %sub3A_418 = arith.subi %get3A_413, %sub3A_417 : vector<16xi32>
      %sub3A_419 = vector.broadcast %mul3A_305 : i32 to vector<16xi32>
      %sub3A_420 = arith.subi %get3A_416, %sub3A_419 : vector<16xi32>
      %mul3A_421 = arith.constant 40000 : i32
      %mul3A_422 = arith.muli %scan3A_297, %mul3A_421 : i32
      %mul3A_423 = arith.constant 200 : i32
      %mul3A_424 = vector.broadcast %mul3A_423 : i32 to vector<16xi32>
      %mul3A_425 = arith.muli %sub3A_420, %mul3A_424 : vector<16xi32>
      %add3A_426 = vector.broadcast %mul3A_422 : i32 to vector<16xi32>
      %add3A_427 = arith.addi %add3A_426, %mul3A_425 : vector<16xi32>
      %add3A_428 = arith.addi %add3A_427, %sub3A_418 : vector<16xi32>
      %swap3A_429 = arith.constant 48 : index
      %swap3A_430 = tpu.vector_load %arg13[%swap3A_429] {strides = array<i32>} : memref<80xi32, #tpu.memory_space<vmem>>, vector<16xi32>,
      %swap3A_431 = vector.shape_cast %swap3A_430 : vector<16xi32> to vector<16xi32>
      %swap3A_432 = vector.shape_cast %add3A_428 : vector<16xi32> to vector<16xi32>
      tpu.vector_store %arg13[%swap3A_429], %swap3A_432 {strides = array<i32>} : memref<80xi32, #tpu.memory_space<vmem>>, vector<16xi32>,
      %sub3A_433 = vector.broadcast %mul3A_307 : i32 to vector<16xi32>
      %sub3A_434 = arith.subi %get3A_416, %sub3A_433 : vector<16xi32>
      %swap3A_435 = arith.constant 48 : index
      %swap3A_436 = tpu.vector_load %arg14[%swap3A_435] {strides = array<i32>} : memref<80xi32, #tpu.memory_space<vmem>>, vector<16xi32>,
      %swap3A_437 = vector.shape_cast %swap3A_436 : vector<16xi32> to vector<16xi32>
      %swap3A_438 = vector.shape_cast %sub3A_434 : vector<16xi32> to vector<16xi32>
      tpu.vector_store %arg14[%swap3A_435], %swap3A_438 {strides = array<i32>} : memref<80xi32, #tpu.memory_space<vmem>>, vector<16xi32>,
      %get3A_439 = arith.constant 48 : index
      %get3A_440 = tpu.vector_load %arg12[%get3A_439] {strides = array<i32>} : memref<400xf32, #tpu.memory_space<vmem>>, vector<16xf32>,
      %get3A_441 = vector.shape_cast %get3A_440 : vector<16xf32> to vector<16xf32>
      %swap3A_442 = arith.constant 48 : index
      %swap3A_443 = tpu.vector_load %arg15[%swap3A_442] {strides = array<i32>} : memref<80xf32, #tpu.memory_space<vmem>>, vector<16xf32>,
      %swap3A_444 = vector.shape_cast %swap3A_443 : vector<16xf32> to vector<16xf32>
      %swap3A_445 = vector.shape_cast %get3A_441 : vector<16xf32> to vector<16xf32>
      tpu.vector_store %arg15[%swap3A_442], %swap3A_445 {strides = array<i32>} : memref<80xf32, #tpu.memory_space<vmem>>, vector<16xf32>,
      %get3A_446 = arith.constant 64 : index
      %get3A_447 = tpu.vector_load %arg10[%get3A_446] {strides = array<i32>} : memref<400xi32, #tpu.memory_space<vmem>>, vector<16xi32>,
      %get3A_448 = vector.shape_cast %get3A_447 : vector<16xi32> to vector<16xi32>
      %get3A_449 = arith.constant 64 : index
      %get3A_450 = tpu.vector_load %arg11[%get3A_449] {strides = array<i32>} : memref<400xi32, #tpu.memory_space<vmem>>, vector<16xi32>,
      %get3A_451 = vector.shape_cast %get3A_450 : vector<16xi32> to vector<16xi32>
      %sub3A_452 = vector.broadcast %mul3A_305 : i32 to vector<16xi32>
      %sub3A_453 = arith.subi %get3A_448, %sub3A_452 : vector<16xi32>
      %sub3A_454 = vector.broadcast %mul3A_305 : i32 to vector<16xi32>
      %sub3A_455 = arith.subi %get3A_451, %sub3A_454 : vector<16xi32>
      %mul3A_456 = arith.constant 40000 : i32
      %mul3A_457 = arith.muli %scan3A_297, %mul3A_456 : i32
      %mul3A_458 = arith.constant 200 : i32
      %mul3A_459 = vector.broadcast %mul3A_458 : i32 to vector<16xi32>
      %mul3A_460 = arith.muli %sub3A_455, %mul3A_459 : vector<16xi32>
      %add3A_461 = vector.broadcast %mul3A_457 : i32 to vector<16xi32>
      %add3A_462 = arith.addi %add3A_461, %mul3A_460 : vector<16xi32>
      %add3A_463 = arith.addi %add3A_462, %sub3A_453 : vector<16xi32>
      %swap3A_464 = arith.constant 64 : index
      %swap3A_465 = tpu.vector_load %arg13[%swap3A_464] {strides = array<i32>} : memref<80xi32, #tpu.memory_space<vmem>>, vector<16xi32>,
      %swap3A_466 = vector.shape_cast %swap3A_465 : vector<16xi32> to vector<16xi32>
      %swap3A_467 = vector.shape_cast %add3A_463 : vector<16xi32> to vector<16xi32>
      tpu.vector_store %arg13[%swap3A_464], %swap3A_467 {strides = array<i32>} : memref<80xi32, #tpu.memory_space<vmem>>, vector<16xi32>,
      %sub3A_468 = vector.broadcast %mul3A_307 : i32 to vector<16xi32>
      %sub3A_469 = arith.subi %get3A_451, %sub3A_468 : vector<16xi32>
      %swap3A_470 = arith.constant 64 : index
      %swap3A_471 = tpu.vector_load %arg14[%swap3A_470] {strides = array<i32>} : memref<80xi32, #tpu.memory_space<vmem>>, vector<16xi32>,
      %swap3A_472 = vector.shape_cast %swap3A_471 : vector<16xi32> to vector<16xi32>
      %swap3A_473 = vector.shape_cast %sub3A_469 : vector<16xi32> to vector<16xi32>
      tpu.vector_store %arg14[%swap3A_470], %swap3A_473 {strides = array<i32>} : memref<80xi32, #tpu.memory_space<vmem>>, vector<16xi32>,
      %get3A_474 = arith.constant 64 : index
      %get3A_475 = tpu.vector_load %arg12[%get3A_474] {strides = array<i32>} : memref<400xf32, #tpu.memory_space<vmem>>, vector<16xf32>,
      %get3A_476 = vector.shape_cast %get3A_475 : vector<16xf32> to vector<16xf32>
      %swap3A_477 = arith.constant 64 : index
      %swap3A_478 = tpu.vector_load %arg15[%swap3A_477] {strides = array<i32>} : memref<80xf32, #tpu.memory_space<vmem>>, vector<16xf32>,
      %swap3A_479 = vector.shape_cast %swap3A_478 : vector<16xf32> to vector<16xf32>
      %swap3A_480 = vector.shape_cast %get3A_476 : vector<16xf32> to vector<16xf32>
      tpu.vector_store %arg15[%swap3A_477], %swap3A_480 {strides = array<i32>} : memref<80xf32, #tpu.memory_space<vmem>>, vector<16xf32>,
      "tpu.region"() ({
        %run_scoped3A = tpu.sem_alloc : memref<!tpu.dma_semaphore, #tpu.memory_space<semaphore_mem>>
        %dma_start3A = arith.constant 0 : i32
        %dma_start3A_1181 = tpu.memref_slice %arg7[%dma_start3A] : memref<1000000xf32, #tpu.memory_space<vmem_shared>> -> memref<1000000xf32, #tpu.memory_space<vmem_shared>>
        tpu.enqueue_indirect_dma source(%arg15 : memref<80xf32, #tpu.memory_space<vmem>>) target(%dma_start3A_1181 : memref<1000000xf32, #tpu.memory_space<vmem_shared>>) offsets(%arg13 : memref<80xi32, #tpu.memory_space<vmem>>) semaphore(%run_scoped3A : memref<!tpu.dma_semaphore, #tpu.memory_space<semaphore_mem>>) {add = true}
        %dma_wait3A = arith.constant 0 : i32
        %dma_wait3A_1182 = tpu.memref_slice %arg7[%dma_wait3A] : memref<1000000xf32, #tpu.memory_space<vmem_shared>> -> memref<1000000xf32, #tpu.memory_space<vmem_shared>>
        tpu.wait_indirect_dma semaphore(%run_scoped3A : memref<!tpu.dma_semaphore, #tpu.memory_space<semaphore_mem>>) src(%arg15 : memref<80xf32, #tpu.memory_space<vmem>>) dst(%dma_wait3A_1182 : memref<1000000xf32, #tpu.memory_space<vmem_shared>>)
        tpu.yield
      }) : () -> ()
      "tpu.region"() ({
        %run_scoped3A = tpu.sem_alloc : memref<!tpu.dma_semaphore, #tpu.memory_space<semaphore_mem>>
        %dma_start3A = arith.constant 0 : i32
        %dma_start3A_1181 = tpu.memref_slice %arg8[%dma_start3A] : memref<5000xf32, #tpu.memory_space<vmem_shared>> -> memref<5000xf32, #tpu.memory_space<vmem_shared>>
        tpu.enqueue_indirect_dma source(%arg16 : memref<80xf32, #tpu.memory_space<vmem>>) target(%dma_start3A_1181 : memref<5000xf32, #tpu.memory_space<vmem_shared>>) offsets(%arg14 : memref<80xi32, #tpu.memory_space<vmem>>) semaphore(%run_scoped3A : memref<!tpu.dma_semaphore, #tpu.memory_space<semaphore_mem>>) {add = true}
        %dma_wait3A = arith.constant 0 : i32
        %dma_wait3A_1182 = tpu.memref_slice %arg8[%dma_wait3A] : memref<5000xf32, #tpu.memory_space<vmem_shared>> -> memref<5000xf32, #tpu.memory_space<vmem_shared>>
        tpu.wait_indirect_dma semaphore(%run_scoped3A : memref<!tpu.dma_semaphore, #tpu.memory_space<semaphore_mem>>) src(%arg16 : memref<80xf32, #tpu.memory_space<vmem>>) dst(%dma_wait3A_1182 : memref<5000xf32, #tpu.memory_space<vmem_shared>>)
        tpu.yield
      }) : () -> ()
      %get3A_481 = arith.constant 80 : index
      %get3A_482 = tpu.vector_load %arg10[%get3A_481] {strides = array<i32>} : memref<400xi32, #tpu.memory_space<vmem>>, vector<16xi32>,
      %get3A_483 = vector.shape_cast %get3A_482 : vector<16xi32> to vector<16xi32>
      %get3A_484 = arith.constant 80 : index
      %get3A_485 = tpu.vector_load %arg11[%get3A_484] {strides = array<i32>} : memref<400xi32, #tpu.memory_space<vmem>>, vector<16xi32>,
      %get3A_486 = vector.shape_cast %get3A_485 : vector<16xi32> to vector<16xi32>
      %sub3A_487 = vector.broadcast %mul3A_305 : i32 to vector<16xi32>
      %sub3A_488 = arith.subi %get3A_483, %sub3A_487 : vector<16xi32>
      %sub3A_489 = vector.broadcast %mul3A_305 : i32 to vector<16xi32>
      %sub3A_490 = arith.subi %get3A_486, %sub3A_489 : vector<16xi32>
      %mul3A_491 = arith.constant 40000 : i32
      %mul3A_492 = arith.muli %scan3A_297, %mul3A_491 : i32
      %mul3A_493 = arith.constant 200 : i32
      %mul3A_494 = vector.broadcast %mul3A_493 : i32 to vector<16xi32>
      %mul3A_495 = arith.muli %sub3A_490, %mul3A_494 : vector<16xi32>
      %add3A_496 = vector.broadcast %mul3A_492 : i32 to vector<16xi32>
      %add3A_497 = arith.addi %add3A_496, %mul3A_495 : vector<16xi32>
      %add3A_498 = arith.addi %add3A_497, %sub3A_488 : vector<16xi32>
      %swap3A_499 = arith.constant 0 : index
      %swap3A_500 = tpu.vector_load %arg13[%swap3A_499] {strides = array<i32>} : memref<80xi32, #tpu.memory_space<vmem>>, vector<16xi32>,
      %swap3A_501 = vector.shape_cast %swap3A_500 : vector<16xi32> to vector<16xi32>
      %swap3A_502 = vector.shape_cast %add3A_498 : vector<16xi32> to vector<16xi32>
      tpu.vector_store %arg13[%swap3A_499], %swap3A_502 {strides = array<i32>} : memref<80xi32, #tpu.memory_space<vmem>>, vector<16xi32>,
      %sub3A_503 = vector.broadcast %mul3A_307 : i32 to vector<16xi32>
      %sub3A_504 = arith.subi %get3A_486, %sub3A_503 : vector<16xi32>
      %swap3A_505 = arith.constant 0 : index
      %swap3A_506 = tpu.vector_load %arg14[%swap3A_505] {strides = array<i32>} : memref<80xi32, #tpu.memory_space<vmem>>, vector<16xi32>,
      %swap3A_507 = vector.shape_cast %swap3A_506 : vector<16xi32> to vector<16xi32>
      %swap3A_508 = vector.shape_cast %sub3A_504 : vector<16xi32> to vector<16xi32>
      tpu.vector_store %arg14[%swap3A_505], %swap3A_508 {strides = array<i32>} : memref<80xi32, #tpu.memory_space<vmem>>, vector<16xi32>,
      %get3A_509 = arith.constant 80 : index
      %get3A_510 = tpu.vector_load %arg12[%get3A_509] {strides = array<i32>} : memref<400xf32, #tpu.memory_space<vmem>>, vector<16xf32>,
      %get3A_511 = vector.shape_cast %get3A_510 : vector<16xf32> to vector<16xf32>
      %swap3A_512 = arith.constant 0 : index
      %swap3A_513 = tpu.vector_load %arg15[%swap3A_512] {strides = array<i32>} : memref<80xf32, #tpu.memory_space<vmem>>, vector<16xf32>,
      %swap3A_514 = vector.shape_cast %swap3A_513 : vector<16xf32> to vector<16xf32>
      %swap3A_515 = vector.shape_cast %get3A_511 : vector<16xf32> to vector<16xf32>
      tpu.vector_store %arg15[%swap3A_512], %swap3A_515 {strides = array<i32>} : memref<80xf32, #tpu.memory_space<vmem>>, vector<16xf32>,
      %get3A_516 = arith.constant 96 : index
      %get3A_517 = tpu.vector_load %arg10[%get3A_516] {strides = array<i32>} : memref<400xi32, #tpu.memory_space<vmem>>, vector<16xi32>,
      %get3A_518 = vector.shape_cast %get3A_517 : vector<16xi32> to vector<16xi32>
      %get3A_519 = arith.constant 96 : index
      %get3A_520 = tpu.vector_load %arg11[%get3A_519] {strides = array<i32>} : memref<400xi32, #tpu.memory_space<vmem>>, vector<16xi32>,
      %get3A_521 = vector.shape_cast %get3A_520 : vector<16xi32> to vector<16xi32>
      %sub3A_522 = vector.broadcast %mul3A_305 : i32 to vector<16xi32>
      %sub3A_523 = arith.subi %get3A_518, %sub3A_522 : vector<16xi32>
      %sub3A_524 = vector.broadcast %mul3A_305 : i32 to vector<16xi32>
      %sub3A_525 = arith.subi %get3A_521, %sub3A_524 : vector<16xi32>
      %mul3A_526 = arith.constant 40000 : i32
      %mul3A_527 = arith.muli %scan3A_297, %mul3A_526 : i32
      %mul3A_528 = arith.constant 200 : i32
      %mul3A_529 = vector.broadcast %mul3A_528 : i32 to vector<16xi32>
      %mul3A_530 = arith.muli %sub3A_525, %mul3A_529 : vector<16xi32>
      %add3A_531 = vector.broadcast %mul3A_527 : i32 to vector<16xi32>
      %add3A_532 = arith.addi %add3A_531, %mul3A_530 : vector<16xi32>
      %add3A_533 = arith.addi %add3A_532, %sub3A_523 : vector<16xi32>
      %swap3A_534 = arith.constant 16 : index
      %swap3A_535 = tpu.vector_load %arg13[%swap3A_534] {strides = array<i32>} : memref<80xi32, #tpu.memory_space<vmem>>, vector<16xi32>,
      %swap3A_536 = vector.shape_cast %swap3A_535 : vector<16xi32> to vector<16xi32>
      %swap3A_537 = vector.shape_cast %add3A_533 : vector<16xi32> to vector<16xi32>
      tpu.vector_store %arg13[%swap3A_534], %swap3A_537 {strides = array<i32>} : memref<80xi32, #tpu.memory_space<vmem>>, vector<16xi32>,
      %sub3A_538 = vector.broadcast %mul3A_307 : i32 to vector<16xi32>
      %sub3A_539 = arith.subi %get3A_521, %sub3A_538 : vector<16xi32>
      %swap3A_540 = arith.constant 16 : index
      %swap3A_541 = tpu.vector_load %arg14[%swap3A_540] {strides = array<i32>} : memref<80xi32, #tpu.memory_space<vmem>>, vector<16xi32>,
      %swap3A_542 = vector.shape_cast %swap3A_541 : vector<16xi32> to vector<16xi32>
      %swap3A_543 = vector.shape_cast %sub3A_539 : vector<16xi32> to vector<16xi32>
      tpu.vector_store %arg14[%swap3A_540], %swap3A_543 {strides = array<i32>} : memref<80xi32, #tpu.memory_space<vmem>>, vector<16xi32>,
      %get3A_544 = arith.constant 96 : index
      %get3A_545 = tpu.vector_load %arg12[%get3A_544] {strides = array<i32>} : memref<400xf32, #tpu.memory_space<vmem>>, vector<16xf32>,
      %get3A_546 = vector.shape_cast %get3A_545 : vector<16xf32> to vector<16xf32>
      %swap3A_547 = arith.constant 16 : index
      %swap3A_548 = tpu.vector_load %arg15[%swap3A_547] {strides = array<i32>} : memref<80xf32, #tpu.memory_space<vmem>>, vector<16xf32>,
      %swap3A_549 = vector.shape_cast %swap3A_548 : vector<16xf32> to vector<16xf32>
      %swap3A_550 = vector.shape_cast %get3A_546 : vector<16xf32> to vector<16xf32>
      tpu.vector_store %arg15[%swap3A_547], %swap3A_550 {strides = array<i32>} : memref<80xf32, #tpu.memory_space<vmem>>, vector<16xf32>,
      %get3A_551 = arith.constant 112 : index
      %get3A_552 = tpu.vector_load %arg10[%get3A_551] {strides = array<i32>} : memref<400xi32, #tpu.memory_space<vmem>>, vector<16xi32>,
      %get3A_553 = vector.shape_cast %get3A_552 : vector<16xi32> to vector<16xi32>
      %get3A_554 = arith.constant 112 : index
      %get3A_555 = tpu.vector_load %arg11[%get3A_554] {strides = array<i32>} : memref<400xi32, #tpu.memory_space<vmem>>, vector<16xi32>,
      %get3A_556 = vector.shape_cast %get3A_555 : vector<16xi32> to vector<16xi32>
      %sub3A_557 = vector.broadcast %mul3A_305 : i32 to vector<16xi32>
      %sub3A_558 = arith.subi %get3A_553, %sub3A_557 : vector<16xi32>
      %sub3A_559 = vector.broadcast %mul3A_305 : i32 to vector<16xi32>
      %sub3A_560 = arith.subi %get3A_556, %sub3A_559 : vector<16xi32>
      %mul3A_561 = arith.constant 40000 : i32
      %mul3A_562 = arith.muli %scan3A_297, %mul3A_561 : i32
      %mul3A_563 = arith.constant 200 : i32
      %mul3A_564 = vector.broadcast %mul3A_563 : i32 to vector<16xi32>
      %mul3A_565 = arith.muli %sub3A_560, %mul3A_564 : vector<16xi32>
      %add3A_566 = vector.broadcast %mul3A_562 : i32 to vector<16xi32>
      %add3A_567 = arith.addi %add3A_566, %mul3A_565 : vector<16xi32>
      %add3A_568 = arith.addi %add3A_567, %sub3A_558 : vector<16xi32>
      %swap3A_569 = arith.constant 32 : index
      %swap3A_570 = tpu.vector_load %arg13[%swap3A_569] {strides = array<i32>} : memref<80xi32, #tpu.memory_space<vmem>>, vector<16xi32>,
      %swap3A_571 = vector.shape_cast %swap3A_570 : vector<16xi32> to vector<16xi32>
      %swap3A_572 = vector.shape_cast %add3A_568 : vector<16xi32> to vector<16xi32>
      tpu.vector_store %arg13[%swap3A_569], %swap3A_572 {strides = array<i32>} : memref<80xi32, #tpu.memory_space<vmem>>, vector<16xi32>,
      %sub3A_573 = vector.broadcast %mul3A_307 : i32 to vector<16xi32>
      %sub3A_574 = arith.subi %get3A_556, %sub3A_573 : vector<16xi32>
      %swap3A_575 = arith.constant 32 : index
      %swap3A_576 = tpu.vector_load %arg14[%swap3A_575] {strides = array<i32>} : memref<80xi32, #tpu.memory_space<vmem>>, vector<16xi32>,
      %swap3A_577 = vector.shape_cast %swap3A_576 : vector<16xi32> to vector<16xi32>
      %swap3A_578 = vector.shape_cast %sub3A_574 : vector<16xi32> to vector<16xi32>
      tpu.vector_store %arg14[%swap3A_575], %swap3A_578 {strides = array<i32>} : memref<80xi32, #tpu.memory_space<vmem>>, vector<16xi32>,
      %get3A_579 = arith.constant 112 : index
      %get3A_580 = tpu.vector_load %arg12[%get3A_579] {strides = array<i32>} : memref<400xf32, #tpu.memory_space<vmem>>, vector<16xf32>,
      %get3A_581 = vector.shape_cast %get3A_580 : vector<16xf32> to vector<16xf32>
      %swap3A_582 = arith.constant 32 : index
      %swap3A_583 = tpu.vector_load %arg15[%swap3A_582] {strides = array<i32>} : memref<80xf32, #tpu.memory_space<vmem>>, vector<16xf32>,
      %swap3A_584 = vector.shape_cast %swap3A_583 : vector<16xf32> to vector<16xf32>
      %swap3A_585 = vector.shape_cast %get3A_581 : vector<16xf32> to vector<16xf32>
      tpu.vector_store %arg15[%swap3A_582], %swap3A_585 {strides = array<i32>} : memref<80xf32, #tpu.memory_space<vmem>>, vector<16xf32>,
      %get3A_586 = arith.constant 128 : index
      %get3A_587 = tpu.vector_load %arg10[%get3A_586] {strides = array<i32>} : memref<400xi32, #tpu.memory_space<vmem>>, vector<16xi32>,
      %get3A_588 = vector.shape_cast %get3A_587 : vector<16xi32> to vector<16xi32>
      %get3A_589 = arith.constant 128 : index
      %get3A_590 = tpu.vector_load %arg11[%get3A_589] {strides = array<i32>} : memref<400xi32, #tpu.memory_space<vmem>>, vector<16xi32>,
      %get3A_591 = vector.shape_cast %get3A_590 : vector<16xi32> to vector<16xi32>
      %sub3A_592 = vector.broadcast %mul3A_305 : i32 to vector<16xi32>
      %sub3A_593 = arith.subi %get3A_588, %sub3A_592 : vector<16xi32>
      %sub3A_594 = vector.broadcast %mul3A_305 : i32 to vector<16xi32>
      %sub3A_595 = arith.subi %get3A_591, %sub3A_594 : vector<16xi32>
      %mul3A_596 = arith.constant 40000 : i32
      %mul3A_597 = arith.muli %scan3A_297, %mul3A_596 : i32
      %mul3A_598 = arith.constant 200 : i32
      %mul3A_599 = vector.broadcast %mul3A_598 : i32 to vector<16xi32>
      %mul3A_600 = arith.muli %sub3A_595, %mul3A_599 : vector<16xi32>
      %add3A_601 = vector.broadcast %mul3A_597 : i32 to vector<16xi32>
      %add3A_602 = arith.addi %add3A_601, %mul3A_600 : vector<16xi32>
      %add3A_603 = arith.addi %add3A_602, %sub3A_593 : vector<16xi32>
      %swap3A_604 = arith.constant 48 : index
      %swap3A_605 = tpu.vector_load %arg13[%swap3A_604] {strides = array<i32>} : memref<80xi32, #tpu.memory_space<vmem>>, vector<16xi32>,
      %swap3A_606 = vector.shape_cast %swap3A_605 : vector<16xi32> to vector<16xi32>
      %swap3A_607 = vector.shape_cast %add3A_603 : vector<16xi32> to vector<16xi32>
      tpu.vector_store %arg13[%swap3A_604], %swap3A_607 {strides = array<i32>} : memref<80xi32, #tpu.memory_space<vmem>>, vector<16xi32>,
      %sub3A_608 = vector.broadcast %mul3A_307 : i32 to vector<16xi32>
      %sub3A_609 = arith.subi %get3A_591, %sub3A_608 : vector<16xi32>
      %swap3A_610 = arith.constant 48 : index
      %swap3A_611 = tpu.vector_load %arg14[%swap3A_610] {strides = array<i32>} : memref<80xi32, #tpu.memory_space<vmem>>, vector<16xi32>,
      %swap3A_612 = vector.shape_cast %swap3A_611 : vector<16xi32> to vector<16xi32>
      %swap3A_613 = vector.shape_cast %sub3A_609 : vector<16xi32> to vector<16xi32>
      tpu.vector_store %arg14[%swap3A_610], %swap3A_613 {strides = array<i32>} : memref<80xi32, #tpu.memory_space<vmem>>, vector<16xi32>,
      %get3A_614 = arith.constant 128 : index
      %get3A_615 = tpu.vector_load %arg12[%get3A_614] {strides = array<i32>} : memref<400xf32, #tpu.memory_space<vmem>>, vector<16xf32>,
      %get3A_616 = vector.shape_cast %get3A_615 : vector<16xf32> to vector<16xf32>
      %swap3A_617 = arith.constant 48 : index
      %swap3A_618 = tpu.vector_load %arg15[%swap3A_617] {strides = array<i32>} : memref<80xf32, #tpu.memory_space<vmem>>, vector<16xf32>,
      %swap3A_619 = vector.shape_cast %swap3A_618 : vector<16xf32> to vector<16xf32>
      %swap3A_620 = vector.shape_cast %get3A_616 : vector<16xf32> to vector<16xf32>
      tpu.vector_store %arg15[%swap3A_617], %swap3A_620 {strides = array<i32>} : memref<80xf32, #tpu.memory_space<vmem>>, vector<16xf32>,
      %get3A_621 = arith.constant 144 : index
      %get3A_622 = tpu.vector_load %arg10[%get3A_621] {strides = array<i32>} : memref<400xi32, #tpu.memory_space<vmem>>, vector<16xi32>,
      %get3A_623 = vector.shape_cast %get3A_622 : vector<16xi32> to vector<16xi32>
      %get3A_624 = arith.constant 144 : index
      %get3A_625 = tpu.vector_load %arg11[%get3A_624] {strides = array<i32>} : memref<400xi32, #tpu.memory_space<vmem>>, vector<16xi32>,
      %get3A_626 = vector.shape_cast %get3A_625 : vector<16xi32> to vector<16xi32>
      %sub3A_627 = vector.broadcast %mul3A_305 : i32 to vector<16xi32>
      %sub3A_628 = arith.subi %get3A_623, %sub3A_627 : vector<16xi32>
      %sub3A_629 = vector.broadcast %mul3A_305 : i32 to vector<16xi32>
      %sub3A_630 = arith.subi %get3A_626, %sub3A_629 : vector<16xi32>
      %mul3A_631 = arith.constant 40000 : i32
      %mul3A_632 = arith.muli %scan3A_297, %mul3A_631 : i32
      %mul3A_633 = arith.constant 200 : i32
      %mul3A_634 = vector.broadcast %mul3A_633 : i32 to vector<16xi32>
      %mul3A_635 = arith.muli %sub3A_630, %mul3A_634 : vector<16xi32>
      %add3A_636 = vector.broadcast %mul3A_632 : i32 to vector<16xi32>
      %add3A_637 = arith.addi %add3A_636, %mul3A_635 : vector<16xi32>
      %add3A_638 = arith.addi %add3A_637, %sub3A_628 : vector<16xi32>
      %swap3A_639 = arith.constant 64 : index
      %swap3A_640 = tpu.vector_load %arg13[%swap3A_639] {strides = array<i32>} : memref<80xi32, #tpu.memory_space<vmem>>, vector<16xi32>,
      %swap3A_641 = vector.shape_cast %swap3A_640 : vector<16xi32> to vector<16xi32>
      %swap3A_642 = vector.shape_cast %add3A_638 : vector<16xi32> to vector<16xi32>
      tpu.vector_store %arg13[%swap3A_639], %swap3A_642 {strides = array<i32>} : memref<80xi32, #tpu.memory_space<vmem>>, vector<16xi32>,
      %sub3A_643 = vector.broadcast %mul3A_307 : i32 to vector<16xi32>
      %sub3A_644 = arith.subi %get3A_626, %sub3A_643 : vector<16xi32>
      %swap3A_645 = arith.constant 64 : index
      %swap3A_646 = tpu.vector_load %arg14[%swap3A_645] {strides = array<i32>} : memref<80xi32, #tpu.memory_space<vmem>>, vector<16xi32>,
      %swap3A_647 = vector.shape_cast %swap3A_646 : vector<16xi32> to vector<16xi32>
      %swap3A_648 = vector.shape_cast %sub3A_644 : vector<16xi32> to vector<16xi32>
      tpu.vector_store %arg14[%swap3A_645], %swap3A_648 {strides = array<i32>} : memref<80xi32, #tpu.memory_space<vmem>>, vector<16xi32>,
      %get3A_649 = arith.constant 144 : index
      %get3A_650 = tpu.vector_load %arg12[%get3A_649] {strides = array<i32>} : memref<400xf32, #tpu.memory_space<vmem>>, vector<16xf32>,
      %get3A_651 = vector.shape_cast %get3A_650 : vector<16xf32> to vector<16xf32>
      %swap3A_652 = arith.constant 64 : index
      %swap3A_653 = tpu.vector_load %arg15[%swap3A_652] {strides = array<i32>} : memref<80xf32, #tpu.memory_space<vmem>>, vector<16xf32>,
      %swap3A_654 = vector.shape_cast %swap3A_653 : vector<16xf32> to vector<16xf32>
      %swap3A_655 = vector.shape_cast %get3A_651 : vector<16xf32> to vector<16xf32>
      tpu.vector_store %arg15[%swap3A_652], %swap3A_655 {strides = array<i32>} : memref<80xf32, #tpu.memory_space<vmem>>, vector<16xf32>,
      "tpu.region"() ({
        %run_scoped3A = tpu.sem_alloc : memref<!tpu.dma_semaphore, #tpu.memory_space<semaphore_mem>>
        %dma_start3A = arith.constant 0 : i32
        %dma_start3A_1181 = tpu.memref_slice %arg7[%dma_start3A] : memref<1000000xf32, #tpu.memory_space<vmem_shared>> -> memref<1000000xf32, #tpu.memory_space<vmem_shared>>
        tpu.enqueue_indirect_dma source(%arg15 : memref<80xf32, #tpu.memory_space<vmem>>) target(%dma_start3A_1181 : memref<1000000xf32, #tpu.memory_space<vmem_shared>>) offsets(%arg13 : memref<80xi32, #tpu.memory_space<vmem>>) semaphore(%run_scoped3A : memref<!tpu.dma_semaphore, #tpu.memory_space<semaphore_mem>>) {add = true}
        %dma_wait3A = arith.constant 0 : i32
        %dma_wait3A_1182 = tpu.memref_slice %arg7[%dma_wait3A] : memref<1000000xf32, #tpu.memory_space<vmem_shared>> -> memref<1000000xf32, #tpu.memory_space<vmem_shared>>
        tpu.wait_indirect_dma semaphore(%run_scoped3A : memref<!tpu.dma_semaphore, #tpu.memory_space<semaphore_mem>>) src(%arg15 : memref<80xf32, #tpu.memory_space<vmem>>) dst(%dma_wait3A_1182 : memref<1000000xf32, #tpu.memory_space<vmem_shared>>)
        tpu.yield
      }) : () -> ()
      "tpu.region"() ({
        %run_scoped3A = tpu.sem_alloc : memref<!tpu.dma_semaphore, #tpu.memory_space<semaphore_mem>>
        %dma_start3A = arith.constant 0 : i32
        %dma_start3A_1181 = tpu.memref_slice %arg8[%dma_start3A] : memref<5000xf32, #tpu.memory_space<vmem_shared>> -> memref<5000xf32, #tpu.memory_space<vmem_shared>>
        tpu.enqueue_indirect_dma source(%arg16 : memref<80xf32, #tpu.memory_space<vmem>>) target(%dma_start3A_1181 : memref<5000xf32, #tpu.memory_space<vmem_shared>>) offsets(%arg14 : memref<80xi32, #tpu.memory_space<vmem>>) semaphore(%run_scoped3A : memref<!tpu.dma_semaphore, #tpu.memory_space<semaphore_mem>>) {add = true}
        %dma_wait3A = arith.constant 0 : i32
        %dma_wait3A_1182 = tpu.memref_slice %arg8[%dma_wait3A] : memref<5000xf32, #tpu.memory_space<vmem_shared>> -> memref<5000xf32, #tpu.memory_space<vmem_shared>>
        tpu.wait_indirect_dma semaphore(%run_scoped3A : memref<!tpu.dma_semaphore, #tpu.memory_space<semaphore_mem>>) src(%arg16 : memref<80xf32, #tpu.memory_space<vmem>>) dst(%dma_wait3A_1182 : memref<5000xf32, #tpu.memory_space<vmem_shared>>)
        tpu.yield
      }) : () -> ()
      %get3A_656 = arith.constant 160 : index
      %get3A_657 = tpu.vector_load %arg10[%get3A_656] {strides = array<i32>} : memref<400xi32, #tpu.memory_space<vmem>>, vector<16xi32>,
      %get3A_658 = vector.shape_cast %get3A_657 : vector<16xi32> to vector<16xi32>
      %get3A_659 = arith.constant 160 : index
      %get3A_660 = tpu.vector_load %arg11[%get3A_659] {strides = array<i32>} : memref<400xi32, #tpu.memory_space<vmem>>, vector<16xi32>,
      %get3A_661 = vector.shape_cast %get3A_660 : vector<16xi32> to vector<16xi32>
      %sub3A_662 = vector.broadcast %mul3A_305 : i32 to vector<16xi32>
      %sub3A_663 = arith.subi %get3A_658, %sub3A_662 : vector<16xi32>
      %sub3A_664 = vector.broadcast %mul3A_305 : i32 to vector<16xi32>
      %sub3A_665 = arith.subi %get3A_661, %sub3A_664 : vector<16xi32>
      %mul3A_666 = arith.constant 40000 : i32
      %mul3A_667 = arith.muli %scan3A_297, %mul3A_666 : i32
      %mul3A_668 = arith.constant 200 : i32
      %mul3A_669 = vector.broadcast %mul3A_668 : i32 to vector<16xi32>
      %mul3A_670 = arith.muli %sub3A_665, %mul3A_669 : vector<16xi32>
      %add3A_671 = vector.broadcast %mul3A_667 : i32 to vector<16xi32>
      %add3A_672 = arith.addi %add3A_671, %mul3A_670 : vector<16xi32>
      %add3A_673 = arith.addi %add3A_672, %sub3A_663 : vector<16xi32>
      %swap3A_674 = arith.constant 0 : index
      %swap3A_675 = tpu.vector_load %arg13[%swap3A_674] {strides = array<i32>} : memref<80xi32, #tpu.memory_space<vmem>>, vector<16xi32>,
      %swap3A_676 = vector.shape_cast %swap3A_675 : vector<16xi32> to vector<16xi32>
      %swap3A_677 = vector.shape_cast %add3A_673 : vector<16xi32> to vector<16xi32>
      tpu.vector_store %arg13[%swap3A_674], %swap3A_677 {strides = array<i32>} : memref<80xi32, #tpu.memory_space<vmem>>, vector<16xi32>,
      %sub3A_678 = vector.broadcast %mul3A_307 : i32 to vector<16xi32>
      %sub3A_679 = arith.subi %get3A_661, %sub3A_678 : vector<16xi32>
      %swap3A_680 = arith.constant 0 : index
      %swap3A_681 = tpu.vector_load %arg14[%swap3A_680] {strides = array<i32>} : memref<80xi32, #tpu.memory_space<vmem>>, vector<16xi32>,
      %swap3A_682 = vector.shape_cast %swap3A_681 : vector<16xi32> to vector<16xi32>
      %swap3A_683 = vector.shape_cast %sub3A_679 : vector<16xi32> to vector<16xi32>
      tpu.vector_store %arg14[%swap3A_680], %swap3A_683 {strides = array<i32>} : memref<80xi32, #tpu.memory_space<vmem>>, vector<16xi32>,
      %get3A_684 = arith.constant 160 : index
      %get3A_685 = tpu.vector_load %arg12[%get3A_684] {strides = array<i32>} : memref<400xf32, #tpu.memory_space<vmem>>, vector<16xf32>,
      %get3A_686 = vector.shape_cast %get3A_685 : vector<16xf32> to vector<16xf32>
      %swap3A_687 = arith.constant 0 : index
      %swap3A_688 = tpu.vector_load %arg15[%swap3A_687] {strides = array<i32>} : memref<80xf32, #tpu.memory_space<vmem>>, vector<16xf32>,
      %swap3A_689 = vector.shape_cast %swap3A_688 : vector<16xf32> to vector<16xf32>
      %swap3A_690 = vector.shape_cast %get3A_686 : vector<16xf32> to vector<16xf32>
      tpu.vector_store %arg15[%swap3A_687], %swap3A_690 {strides = array<i32>} : memref<80xf32, #tpu.memory_space<vmem>>, vector<16xf32>,
      %get3A_691 = arith.constant 176 : index
      %get3A_692 = tpu.vector_load %arg10[%get3A_691] {strides = array<i32>} : memref<400xi32, #tpu.memory_space<vmem>>, vector<16xi32>,
      %get3A_693 = vector.shape_cast %get3A_692 : vector<16xi32> to vector<16xi32>
      %get3A_694 = arith.constant 176 : index
      %get3A_695 = tpu.vector_load %arg11[%get3A_694] {strides = array<i32>} : memref<400xi32, #tpu.memory_space<vmem>>, vector<16xi32>,
      %get3A_696 = vector.shape_cast %get3A_695 : vector<16xi32> to vector<16xi32>
      %sub3A_697 = vector.broadcast %mul3A_305 : i32 to vector<16xi32>
      %sub3A_698 = arith.subi %get3A_693, %sub3A_697 : vector<16xi32>
      %sub3A_699 = vector.broadcast %mul3A_305 : i32 to vector<16xi32>
      %sub3A_700 = arith.subi %get3A_696, %sub3A_699 : vector<16xi32>
      %mul3A_701 = arith.constant 40000 : i32
      %mul3A_702 = arith.muli %scan3A_297, %mul3A_701 : i32
      %mul3A_703 = arith.constant 200 : i32
      %mul3A_704 = vector.broadcast %mul3A_703 : i32 to vector<16xi32>
      %mul3A_705 = arith.muli %sub3A_700, %mul3A_704 : vector<16xi32>
      %add3A_706 = vector.broadcast %mul3A_702 : i32 to vector<16xi32>
      %add3A_707 = arith.addi %add3A_706, %mul3A_705 : vector<16xi32>
      %add3A_708 = arith.addi %add3A_707, %sub3A_698 : vector<16xi32>
      %swap3A_709 = arith.constant 16 : index
      %swap3A_710 = tpu.vector_load %arg13[%swap3A_709] {strides = array<i32>} : memref<80xi32, #tpu.memory_space<vmem>>, vector<16xi32>,
      %swap3A_711 = vector.shape_cast %swap3A_710 : vector<16xi32> to vector<16xi32>
      %swap3A_712 = vector.shape_cast %add3A_708 : vector<16xi32> to vector<16xi32>
      tpu.vector_store %arg13[%swap3A_709], %swap3A_712 {strides = array<i32>} : memref<80xi32, #tpu.memory_space<vmem>>, vector<16xi32>,
      %sub3A_713 = vector.broadcast %mul3A_307 : i32 to vector<16xi32>
      %sub3A_714 = arith.subi %get3A_696, %sub3A_713 : vector<16xi32>
      %swap3A_715 = arith.constant 16 : index
      %swap3A_716 = tpu.vector_load %arg14[%swap3A_715] {strides = array<i32>} : memref<80xi32, #tpu.memory_space<vmem>>, vector<16xi32>,
      %swap3A_717 = vector.shape_cast %swap3A_716 : vector<16xi32> to vector<16xi32>
      %swap3A_718 = vector.shape_cast %sub3A_714 : vector<16xi32> to vector<16xi32>
      tpu.vector_store %arg14[%swap3A_715], %swap3A_718 {strides = array<i32>} : memref<80xi32, #tpu.memory_space<vmem>>, vector<16xi32>,
      %get3A_719 = arith.constant 176 : index
      %get3A_720 = tpu.vector_load %arg12[%get3A_719] {strides = array<i32>} : memref<400xf32, #tpu.memory_space<vmem>>, vector<16xf32>,
      %get3A_721 = vector.shape_cast %get3A_720 : vector<16xf32> to vector<16xf32>
      %swap3A_722 = arith.constant 16 : index
      %swap3A_723 = tpu.vector_load %arg15[%swap3A_722] {strides = array<i32>} : memref<80xf32, #tpu.memory_space<vmem>>, vector<16xf32>,
      %swap3A_724 = vector.shape_cast %swap3A_723 : vector<16xf32> to vector<16xf32>
      %swap3A_725 = vector.shape_cast %get3A_721 : vector<16xf32> to vector<16xf32>
      tpu.vector_store %arg15[%swap3A_722], %swap3A_725 {strides = array<i32>} : memref<80xf32, #tpu.memory_space<vmem>>, vector<16xf32>,
      %get3A_726 = arith.constant 192 : index
      %get3A_727 = tpu.vector_load %arg10[%get3A_726] {strides = array<i32>} : memref<400xi32, #tpu.memory_space<vmem>>, vector<16xi32>,
      %get3A_728 = vector.shape_cast %get3A_727 : vector<16xi32> to vector<16xi32>
      %get3A_729 = arith.constant 192 : index
      %get3A_730 = tpu.vector_load %arg11[%get3A_729] {strides = array<i32>} : memref<400xi32, #tpu.memory_space<vmem>>, vector<16xi32>,
      %get3A_731 = vector.shape_cast %get3A_730 : vector<16xi32> to vector<16xi32>
      %sub3A_732 = vector.broadcast %mul3A_305 : i32 to vector<16xi32>
      %sub3A_733 = arith.subi %get3A_728, %sub3A_732 : vector<16xi32>
      %sub3A_734 = vector.broadcast %mul3A_305 : i32 to vector<16xi32>
      %sub3A_735 = arith.subi %get3A_731, %sub3A_734 : vector<16xi32>
      %mul3A_736 = arith.constant 40000 : i32
      %mul3A_737 = arith.muli %scan3A_297, %mul3A_736 : i32
      %mul3A_738 = arith.constant 200 : i32
      %mul3A_739 = vector.broadcast %mul3A_738 : i32 to vector<16xi32>
      %mul3A_740 = arith.muli %sub3A_735, %mul3A_739 : vector<16xi32>
      %add3A_741 = vector.broadcast %mul3A_737 : i32 to vector<16xi32>
      %add3A_742 = arith.addi %add3A_741, %mul3A_740 : vector<16xi32>
      %add3A_743 = arith.addi %add3A_742, %sub3A_733 : vector<16xi32>
      %swap3A_744 = arith.constant 32 : index
      %swap3A_745 = tpu.vector_load %arg13[%swap3A_744] {strides = array<i32>} : memref<80xi32, #tpu.memory_space<vmem>>, vector<16xi32>,
      %swap3A_746 = vector.shape_cast %swap3A_745 : vector<16xi32> to vector<16xi32>
      %swap3A_747 = vector.shape_cast %add3A_743 : vector<16xi32> to vector<16xi32>
      tpu.vector_store %arg13[%swap3A_744], %swap3A_747 {strides = array<i32>} : memref<80xi32, #tpu.memory_space<vmem>>, vector<16xi32>,
      %sub3A_748 = vector.broadcast %mul3A_307 : i32 to vector<16xi32>
      %sub3A_749 = arith.subi %get3A_731, %sub3A_748 : vector<16xi32>
      %swap3A_750 = arith.constant 32 : index
      %swap3A_751 = tpu.vector_load %arg14[%swap3A_750] {strides = array<i32>} : memref<80xi32, #tpu.memory_space<vmem>>, vector<16xi32>,
      %swap3A_752 = vector.shape_cast %swap3A_751 : vector<16xi32> to vector<16xi32>
      %swap3A_753 = vector.shape_cast %sub3A_749 : vector<16xi32> to vector<16xi32>
      tpu.vector_store %arg14[%swap3A_750], %swap3A_753 {strides = array<i32>} : memref<80xi32, #tpu.memory_space<vmem>>, vector<16xi32>,
      %get3A_754 = arith.constant 192 : index
      %get3A_755 = tpu.vector_load %arg12[%get3A_754] {strides = array<i32>} : memref<400xf32, #tpu.memory_space<vmem>>, vector<16xf32>,
      %get3A_756 = vector.shape_cast %get3A_755 : vector<16xf32> to vector<16xf32>
      %swap3A_757 = arith.constant 32 : index
      %swap3A_758 = tpu.vector_load %arg15[%swap3A_757] {strides = array<i32>} : memref<80xf32, #tpu.memory_space<vmem>>, vector<16xf32>,
      %swap3A_759 = vector.shape_cast %swap3A_758 : vector<16xf32> to vector<16xf32>
      %swap3A_760 = vector.shape_cast %get3A_756 : vector<16xf32> to vector<16xf32>
      tpu.vector_store %arg15[%swap3A_757], %swap3A_760 {strides = array<i32>} : memref<80xf32, #tpu.memory_space<vmem>>, vector<16xf32>,
      %get3A_761 = arith.constant 208 : index
      %get3A_762 = tpu.vector_load %arg10[%get3A_761] {strides = array<i32>} : memref<400xi32, #tpu.memory_space<vmem>>, vector<16xi32>,
      %get3A_763 = vector.shape_cast %get3A_762 : vector<16xi32> to vector<16xi32>
      %get3A_764 = arith.constant 208 : index
      %get3A_765 = tpu.vector_load %arg11[%get3A_764] {strides = array<i32>} : memref<400xi32, #tpu.memory_space<vmem>>, vector<16xi32>,
      %get3A_766 = vector.shape_cast %get3A_765 : vector<16xi32> to vector<16xi32>
      %sub3A_767 = vector.broadcast %mul3A_305 : i32 to vector<16xi32>
      %sub3A_768 = arith.subi %get3A_763, %sub3A_767 : vector<16xi32>
      %sub3A_769 = vector.broadcast %mul3A_305 : i32 to vector<16xi32>
      %sub3A_770 = arith.subi %get3A_766, %sub3A_769 : vector<16xi32>
      %mul3A_771 = arith.constant 40000 : i32
      %mul3A_772 = arith.muli %scan3A_297, %mul3A_771 : i32
      %mul3A_773 = arith.constant 200 : i32
      %mul3A_774 = vector.broadcast %mul3A_773 : i32 to vector<16xi32>
      %mul3A_775 = arith.muli %sub3A_770, %mul3A_774 : vector<16xi32>
      %add3A_776 = vector.broadcast %mul3A_772 : i32 to vector<16xi32>
      %add3A_777 = arith.addi %add3A_776, %mul3A_775 : vector<16xi32>
      %add3A_778 = arith.addi %add3A_777, %sub3A_768 : vector<16xi32>
      %swap3A_779 = arith.constant 48 : index
      %swap3A_780 = tpu.vector_load %arg13[%swap3A_779] {strides = array<i32>} : memref<80xi32, #tpu.memory_space<vmem>>, vector<16xi32>,
      %swap3A_781 = vector.shape_cast %swap3A_780 : vector<16xi32> to vector<16xi32>
      %swap3A_782 = vector.shape_cast %add3A_778 : vector<16xi32> to vector<16xi32>
      tpu.vector_store %arg13[%swap3A_779], %swap3A_782 {strides = array<i32>} : memref<80xi32, #tpu.memory_space<vmem>>, vector<16xi32>,
      %sub3A_783 = vector.broadcast %mul3A_307 : i32 to vector<16xi32>
      %sub3A_784 = arith.subi %get3A_766, %sub3A_783 : vector<16xi32>
      %swap3A_785 = arith.constant 48 : index
      %swap3A_786 = tpu.vector_load %arg14[%swap3A_785] {strides = array<i32>} : memref<80xi32, #tpu.memory_space<vmem>>, vector<16xi32>,
      %swap3A_787 = vector.shape_cast %swap3A_786 : vector<16xi32> to vector<16xi32>
      %swap3A_788 = vector.shape_cast %sub3A_784 : vector<16xi32> to vector<16xi32>
      tpu.vector_store %arg14[%swap3A_785], %swap3A_788 {strides = array<i32>} : memref<80xi32, #tpu.memory_space<vmem>>, vector<16xi32>,
      %get3A_789 = arith.constant 208 : index
      %get3A_790 = tpu.vector_load %arg12[%get3A_789] {strides = array<i32>} : memref<400xf32, #tpu.memory_space<vmem>>, vector<16xf32>,
      %get3A_791 = vector.shape_cast %get3A_790 : vector<16xf32> to vector<16xf32>
      %swap3A_792 = arith.constant 48 : index
      %swap3A_793 = tpu.vector_load %arg15[%swap3A_792] {strides = array<i32>} : memref<80xf32, #tpu.memory_space<vmem>>, vector<16xf32>,
      %swap3A_794 = vector.shape_cast %swap3A_793 : vector<16xf32> to vector<16xf32>
      %swap3A_795 = vector.shape_cast %get3A_791 : vector<16xf32> to vector<16xf32>
      tpu.vector_store %arg15[%swap3A_792], %swap3A_795 {strides = array<i32>} : memref<80xf32, #tpu.memory_space<vmem>>, vector<16xf32>,
      %get3A_796 = arith.constant 224 : index
      %get3A_797 = tpu.vector_load %arg10[%get3A_796] {strides = array<i32>} : memref<400xi32, #tpu.memory_space<vmem>>, vector<16xi32>,
      %get3A_798 = vector.shape_cast %get3A_797 : vector<16xi32> to vector<16xi32>
      %get3A_799 = arith.constant 224 : index
      %get3A_800 = tpu.vector_load %arg11[%get3A_799] {strides = array<i32>} : memref<400xi32, #tpu.memory_space<vmem>>, vector<16xi32>,
      %get3A_801 = vector.shape_cast %get3A_800 : vector<16xi32> to vector<16xi32>
      %sub3A_802 = vector.broadcast %mul3A_305 : i32 to vector<16xi32>
      %sub3A_803 = arith.subi %get3A_798, %sub3A_802 : vector<16xi32>
      %sub3A_804 = vector.broadcast %mul3A_305 : i32 to vector<16xi32>
      %sub3A_805 = arith.subi %get3A_801, %sub3A_804 : vector<16xi32>
      %mul3A_806 = arith.constant 40000 : i32
      %mul3A_807 = arith.muli %scan3A_297, %mul3A_806 : i32
      %mul3A_808 = arith.constant 200 : i32
      %mul3A_809 = vector.broadcast %mul3A_808 : i32 to vector<16xi32>
      %mul3A_810 = arith.muli %sub3A_805, %mul3A_809 : vector<16xi32>
      %add3A_811 = vector.broadcast %mul3A_807 : i32 to vector<16xi32>
      %add3A_812 = arith.addi %add3A_811, %mul3A_810 : vector<16xi32>
      %add3A_813 = arith.addi %add3A_812, %sub3A_803 : vector<16xi32>
      %swap3A_814 = arith.constant 64 : index
      %swap3A_815 = tpu.vector_load %arg13[%swap3A_814] {strides = array<i32>} : memref<80xi32, #tpu.memory_space<vmem>>, vector<16xi32>,
      %swap3A_816 = vector.shape_cast %swap3A_815 : vector<16xi32> to vector<16xi32>
      %swap3A_817 = vector.shape_cast %add3A_813 : vector<16xi32> to vector<16xi32>
      tpu.vector_store %arg13[%swap3A_814], %swap3A_817 {strides = array<i32>} : memref<80xi32, #tpu.memory_space<vmem>>, vector<16xi32>,
      %sub3A_818 = vector.broadcast %mul3A_307 : i32 to vector<16xi32>
      %sub3A_819 = arith.subi %get3A_801, %sub3A_818 : vector<16xi32>
      %swap3A_820 = arith.constant 64 : index
      %swap3A_821 = tpu.vector_load %arg14[%swap3A_820] {strides = array<i32>} : memref<80xi32, #tpu.memory_space<vmem>>, vector<16xi32>,
      %swap3A_822 = vector.shape_cast %swap3A_821 : vector<16xi32> to vector<16xi32>
      %swap3A_823 = vector.shape_cast %sub3A_819 : vector<16xi32> to vector<16xi32>
      tpu.vector_store %arg14[%swap3A_820], %swap3A_823 {strides = array<i32>} : memref<80xi32, #tpu.memory_space<vmem>>, vector<16xi32>,
      %get3A_824 = arith.constant 224 : index
      %get3A_825 = tpu.vector_load %arg12[%get3A_824] {strides = array<i32>} : memref<400xf32, #tpu.memory_space<vmem>>, vector<16xf32>,
      %get3A_826 = vector.shape_cast %get3A_825 : vector<16xf32> to vector<16xf32>
      %swap3A_827 = arith.constant 64 : index
      %swap3A_828 = tpu.vector_load %arg15[%swap3A_827] {strides = array<i32>} : memref<80xf32, #tpu.memory_space<vmem>>, vector<16xf32>,
      %swap3A_829 = vector.shape_cast %swap3A_828 : vector<16xf32> to vector<16xf32>
      %swap3A_830 = vector.shape_cast %get3A_826 : vector<16xf32> to vector<16xf32>
      tpu.vector_store %arg15[%swap3A_827], %swap3A_830 {strides = array<i32>} : memref<80xf32, #tpu.memory_space<vmem>>, vector<16xf32>,
      "tpu.region"() ({
        %run_scoped3A = tpu.sem_alloc : memref<!tpu.dma_semaphore, #tpu.memory_space<semaphore_mem>>
        %dma_start3A = arith.constant 0 : i32
        %dma_start3A_1181 = tpu.memref_slice %arg7[%dma_start3A] : memref<1000000xf32, #tpu.memory_space<vmem_shared>> -> memref<1000000xf32, #tpu.memory_space<vmem_shared>>
        tpu.enqueue_indirect_dma source(%arg15 : memref<80xf32, #tpu.memory_space<vmem>>) target(%dma_start3A_1181 : memref<1000000xf32, #tpu.memory_space<vmem_shared>>) offsets(%arg13 : memref<80xi32, #tpu.memory_space<vmem>>) semaphore(%run_scoped3A : memref<!tpu.dma_semaphore, #tpu.memory_space<semaphore_mem>>) {add = true}
        %dma_wait3A = arith.constant 0 : i32
        %dma_wait3A_1182 = tpu.memref_slice %arg7[%dma_wait3A] : memref<1000000xf32, #tpu.memory_space<vmem_shared>> -> memref<1000000xf32, #tpu.memory_space<vmem_shared>>
        tpu.wait_indirect_dma semaphore(%run_scoped3A : memref<!tpu.dma_semaphore, #tpu.memory_space<semaphore_mem>>) src(%arg15 : memref<80xf32, #tpu.memory_space<vmem>>) dst(%dma_wait3A_1182 : memref<1000000xf32, #tpu.memory_space<vmem_shared>>)
        tpu.yield
      }) : () -> ()
      "tpu.region"() ({
        %run_scoped3A = tpu.sem_alloc : memref<!tpu.dma_semaphore, #tpu.memory_space<semaphore_mem>>
        %dma_start3A = arith.constant 0 : i32
        %dma_start3A_1181 = tpu.memref_slice %arg8[%dma_start3A] : memref<5000xf32, #tpu.memory_space<vmem_shared>> -> memref<5000xf32, #tpu.memory_space<vmem_shared>>
        tpu.enqueue_indirect_dma source(%arg16 : memref<80xf32, #tpu.memory_space<vmem>>) target(%dma_start3A_1181 : memref<5000xf32, #tpu.memory_space<vmem_shared>>) offsets(%arg14 : memref<80xi32, #tpu.memory_space<vmem>>) semaphore(%run_scoped3A : memref<!tpu.dma_semaphore, #tpu.memory_space<semaphore_mem>>) {add = true}
        %dma_wait3A = arith.constant 0 : i32
        %dma_wait3A_1182 = tpu.memref_slice %arg8[%dma_wait3A] : memref<5000xf32, #tpu.memory_space<vmem_shared>> -> memref<5000xf32, #tpu.memory_space<vmem_shared>>
        tpu.wait_indirect_dma semaphore(%run_scoped3A : memref<!tpu.dma_semaphore, #tpu.memory_space<semaphore_mem>>) src(%arg16 : memref<80xf32, #tpu.memory_space<vmem>>) dst(%dma_wait3A_1182 : memref<5000xf32, #tpu.memory_space<vmem_shared>>)
        tpu.yield
      }) : () -> ()
      %get3A_831 = arith.constant 240 : index
      %get3A_832 = tpu.vector_load %arg10[%get3A_831] {strides = array<i32>} : memref<400xi32, #tpu.memory_space<vmem>>, vector<16xi32>,
      %get3A_833 = vector.shape_cast %get3A_832 : vector<16xi32> to vector<16xi32>
      %get3A_834 = arith.constant 240 : index
      %get3A_835 = tpu.vector_load %arg11[%get3A_834] {strides = array<i32>} : memref<400xi32, #tpu.memory_space<vmem>>, vector<16xi32>,
      %get3A_836 = vector.shape_cast %get3A_835 : vector<16xi32> to vector<16xi32>
      %sub3A_837 = vector.broadcast %mul3A_305 : i32 to vector<16xi32>
      %sub3A_838 = arith.subi %get3A_833, %sub3A_837 : vector<16xi32>
      %sub3A_839 = vector.broadcast %mul3A_305 : i32 to vector<16xi32>
      %sub3A_840 = arith.subi %get3A_836, %sub3A_839 : vector<16xi32>
      %mul3A_841 = arith.constant 40000 : i32
      %mul3A_842 = arith.muli %scan3A_297, %mul3A_841 : i32
      %mul3A_843 = arith.constant 200 : i32
      %mul3A_844 = vector.broadcast %mul3A_843 : i32 to vector<16xi32>
      %mul3A_845 = arith.muli %sub3A_840, %mul3A_844 : vector<16xi32>
      %add3A_846 = vector.broadcast %mul3A_842 : i32 to vector<16xi32>
      %add3A_847 = arith.addi %add3A_846, %mul3A_845 : vector<16xi32>
      %add3A_848 = arith.addi %add3A_847, %sub3A_838 : vector<16xi32>
      %swap3A_849 = arith.constant 0 : index
      %swap3A_850 = tpu.vector_load %arg13[%swap3A_849] {strides = array<i32>} : memref<80xi32, #tpu.memory_space<vmem>>, vector<16xi32>,
      %swap3A_851 = vector.shape_cast %swap3A_850 : vector<16xi32> to vector<16xi32>
      %swap3A_852 = vector.shape_cast %add3A_848 : vector<16xi32> to vector<16xi32>
      tpu.vector_store %arg13[%swap3A_849], %swap3A_852 {strides = array<i32>} : memref<80xi32, #tpu.memory_space<vmem>>, vector<16xi32>,
      %sub3A_853 = vector.broadcast %mul3A_307 : i32 to vector<16xi32>
      %sub3A_854 = arith.subi %get3A_836, %sub3A_853 : vector<16xi32>
      %swap3A_855 = arith.constant 0 : index
      %swap3A_856 = tpu.vector_load %arg14[%swap3A_855] {strides = array<i32>} : memref<80xi32, #tpu.memory_space<vmem>>, vector<16xi32>,
      %swap3A_857 = vector.shape_cast %swap3A_856 : vector<16xi32> to vector<16xi32>
      %swap3A_858 = vector.shape_cast %sub3A_854 : vector<16xi32> to vector<16xi32>
      tpu.vector_store %arg14[%swap3A_855], %swap3A_858 {strides = array<i32>} : memref<80xi32, #tpu.memory_space<vmem>>, vector<16xi32>,
      %get3A_859 = arith.constant 240 : index
      %get3A_860 = tpu.vector_load %arg12[%get3A_859] {strides = array<i32>} : memref<400xf32, #tpu.memory_space<vmem>>, vector<16xf32>,
      %get3A_861 = vector.shape_cast %get3A_860 : vector<16xf32> to vector<16xf32>
      %swap3A_862 = arith.constant 0 : index
      %swap3A_863 = tpu.vector_load %arg15[%swap3A_862] {strides = array<i32>} : memref<80xf32, #tpu.memory_space<vmem>>, vector<16xf32>,
      %swap3A_864 = vector.shape_cast %swap3A_863 : vector<16xf32> to vector<16xf32>
      %swap3A_865 = vector.shape_cast %get3A_861 : vector<16xf32> to vector<16xf32>
      tpu.vector_store %arg15[%swap3A_862], %swap3A_865 {strides = array<i32>} : memref<80xf32, #tpu.memory_space<vmem>>, vector<16xf32>,
      %get3A_866 = arith.constant 256 : index
      %get3A_867 = tpu.vector_load %arg10[%get3A_866] {strides = array<i32>} : memref<400xi32, #tpu.memory_space<vmem>>, vector<16xi32>,
      %get3A_868 = vector.shape_cast %get3A_867 : vector<16xi32> to vector<16xi32>
      %get3A_869 = arith.constant 256 : index
      %get3A_870 = tpu.vector_load %arg11[%get3A_869] {strides = array<i32>} : memref<400xi32, #tpu.memory_space<vmem>>, vector<16xi32>,
      %get3A_871 = vector.shape_cast %get3A_870 : vector<16xi32> to vector<16xi32>
      %sub3A_872 = vector.broadcast %mul3A_305 : i32 to vector<16xi32>
      %sub3A_873 = arith.subi %get3A_868, %sub3A_872 : vector<16xi32>
      %sub3A_874 = vector.broadcast %mul3A_305 : i32 to vector<16xi32>
      %sub3A_875 = arith.subi %get3A_871, %sub3A_874 : vector<16xi32>
      %mul3A_876 = arith.constant 40000 : i32
      %mul3A_877 = arith.muli %scan3A_297, %mul3A_876 : i32
      %mul3A_878 = arith.constant 200 : i32
      %mul3A_879 = vector.broadcast %mul3A_878 : i32 to vector<16xi32>
      %mul3A_880 = arith.muli %sub3A_875, %mul3A_879 : vector<16xi32>
      %add3A_881 = vector.broadcast %mul3A_877 : i32 to vector<16xi32>
      %add3A_882 = arith.addi %add3A_881, %mul3A_880 : vector<16xi32>
      %add3A_883 = arith.addi %add3A_882, %sub3A_873 : vector<16xi32>
      %swap3A_884 = arith.constant 16 : index
      %swap3A_885 = tpu.vector_load %arg13[%swap3A_884] {strides = array<i32>} : memref<80xi32, #tpu.memory_space<vmem>>, vector<16xi32>,
      %swap3A_886 = vector.shape_cast %swap3A_885 : vector<16xi32> to vector<16xi32>
      %swap3A_887 = vector.shape_cast %add3A_883 : vector<16xi32> to vector<16xi32>
      tpu.vector_store %arg13[%swap3A_884], %swap3A_887 {strides = array<i32>} : memref<80xi32, #tpu.memory_space<vmem>>, vector<16xi32>,
      %sub3A_888 = vector.broadcast %mul3A_307 : i32 to vector<16xi32>
      %sub3A_889 = arith.subi %get3A_871, %sub3A_888 : vector<16xi32>
      %swap3A_890 = arith.constant 16 : index
      %swap3A_891 = tpu.vector_load %arg14[%swap3A_890] {strides = array<i32>} : memref<80xi32, #tpu.memory_space<vmem>>, vector<16xi32>,
      %swap3A_892 = vector.shape_cast %swap3A_891 : vector<16xi32> to vector<16xi32>
      %swap3A_893 = vector.shape_cast %sub3A_889 : vector<16xi32> to vector<16xi32>
      tpu.vector_store %arg14[%swap3A_890], %swap3A_893 {strides = array<i32>} : memref<80xi32, #tpu.memory_space<vmem>>, vector<16xi32>,
      %get3A_894 = arith.constant 256 : index
      %get3A_895 = tpu.vector_load %arg12[%get3A_894] {strides = array<i32>} : memref<400xf32, #tpu.memory_space<vmem>>, vector<16xf32>,
      %get3A_896 = vector.shape_cast %get3A_895 : vector<16xf32> to vector<16xf32>
      %swap3A_897 = arith.constant 16 : index
      %swap3A_898 = tpu.vector_load %arg15[%swap3A_897] {strides = array<i32>} : memref<80xf32, #tpu.memory_space<vmem>>, vector<16xf32>,
      %swap3A_899 = vector.shape_cast %swap3A_898 : vector<16xf32> to vector<16xf32>
      %swap3A_900 = vector.shape_cast %get3A_896 : vector<16xf32> to vector<16xf32>
      tpu.vector_store %arg15[%swap3A_897], %swap3A_900 {strides = array<i32>} : memref<80xf32, #tpu.memory_space<vmem>>, vector<16xf32>,
      %get3A_901 = arith.constant 272 : index
      %get3A_902 = tpu.vector_load %arg10[%get3A_901] {strides = array<i32>} : memref<400xi32, #tpu.memory_space<vmem>>, vector<16xi32>,
      %get3A_903 = vector.shape_cast %get3A_902 : vector<16xi32> to vector<16xi32>
      %get3A_904 = arith.constant 272 : index
      %get3A_905 = tpu.vector_load %arg11[%get3A_904] {strides = array<i32>} : memref<400xi32, #tpu.memory_space<vmem>>, vector<16xi32>,
      %get3A_906 = vector.shape_cast %get3A_905 : vector<16xi32> to vector<16xi32>
      %sub3A_907 = vector.broadcast %mul3A_305 : i32 to vector<16xi32>
      %sub3A_908 = arith.subi %get3A_903, %sub3A_907 : vector<16xi32>
      %sub3A_909 = vector.broadcast %mul3A_305 : i32 to vector<16xi32>
      %sub3A_910 = arith.subi %get3A_906, %sub3A_909 : vector<16xi32>
      %mul3A_911 = arith.constant 40000 : i32
      %mul3A_912 = arith.muli %scan3A_297, %mul3A_911 : i32
      %mul3A_913 = arith.constant 200 : i32
      %mul3A_914 = vector.broadcast %mul3A_913 : i32 to vector<16xi32>
      %mul3A_915 = arith.muli %sub3A_910, %mul3A_914 : vector<16xi32>
      %add3A_916 = vector.broadcast %mul3A_912 : i32 to vector<16xi32>
      %add3A_917 = arith.addi %add3A_916, %mul3A_915 : vector<16xi32>
      %add3A_918 = arith.addi %add3A_917, %sub3A_908 : vector<16xi32>
      %swap3A_919 = arith.constant 32 : index
      %swap3A_920 = tpu.vector_load %arg13[%swap3A_919] {strides = array<i32>} : memref<80xi32, #tpu.memory_space<vmem>>, vector<16xi32>,
      %swap3A_921 = vector.shape_cast %swap3A_920 : vector<16xi32> to vector<16xi32>
      %swap3A_922 = vector.shape_cast %add3A_918 : vector<16xi32> to vector<16xi32>
      tpu.vector_store %arg13[%swap3A_919], %swap3A_922 {strides = array<i32>} : memref<80xi32, #tpu.memory_space<vmem>>, vector<16xi32>,
      %sub3A_923 = vector.broadcast %mul3A_307 : i32 to vector<16xi32>
      %sub3A_924 = arith.subi %get3A_906, %sub3A_923 : vector<16xi32>
      %swap3A_925 = arith.constant 32 : index
      %swap3A_926 = tpu.vector_load %arg14[%swap3A_925] {strides = array<i32>} : memref<80xi32, #tpu.memory_space<vmem>>, vector<16xi32>,
      %swap3A_927 = vector.shape_cast %swap3A_926 : vector<16xi32> to vector<16xi32>
      %swap3A_928 = vector.shape_cast %sub3A_924 : vector<16xi32> to vector<16xi32>
      tpu.vector_store %arg14[%swap3A_925], %swap3A_928 {strides = array<i32>} : memref<80xi32, #tpu.memory_space<vmem>>, vector<16xi32>,
      %get3A_929 = arith.constant 272 : index
      %get3A_930 = tpu.vector_load %arg12[%get3A_929] {strides = array<i32>} : memref<400xf32, #tpu.memory_space<vmem>>, vector<16xf32>,
      %get3A_931 = vector.shape_cast %get3A_930 : vector<16xf32> to vector<16xf32>
      %swap3A_932 = arith.constant 32 : index
      %swap3A_933 = tpu.vector_load %arg15[%swap3A_932] {strides = array<i32>} : memref<80xf32, #tpu.memory_space<vmem>>, vector<16xf32>,
      %swap3A_934 = vector.shape_cast %swap3A_933 : vector<16xf32> to vector<16xf32>
      %swap3A_935 = vector.shape_cast %get3A_931 : vector<16xf32> to vector<16xf32>
      tpu.vector_store %arg15[%swap3A_932], %swap3A_935 {strides = array<i32>} : memref<80xf32, #tpu.memory_space<vmem>>, vector<16xf32>,
      %get3A_936 = arith.constant 288 : index
      %get3A_937 = tpu.vector_load %arg10[%get3A_936] {strides = array<i32>} : memref<400xi32, #tpu.memory_space<vmem>>, vector<16xi32>,
      %get3A_938 = vector.shape_cast %get3A_937 : vector<16xi32> to vector<16xi32>
      %get3A_939 = arith.constant 288 : index
      %get3A_940 = tpu.vector_load %arg11[%get3A_939] {strides = array<i32>} : memref<400xi32, #tpu.memory_space<vmem>>, vector<16xi32>,
      %get3A_941 = vector.shape_cast %get3A_940 : vector<16xi32> to vector<16xi32>
      %sub3A_942 = vector.broadcast %mul3A_305 : i32 to vector<16xi32>
      %sub3A_943 = arith.subi %get3A_938, %sub3A_942 : vector<16xi32>
      %sub3A_944 = vector.broadcast %mul3A_305 : i32 to vector<16xi32>
      %sub3A_945 = arith.subi %get3A_941, %sub3A_944 : vector<16xi32>
      %mul3A_946 = arith.constant 40000 : i32
      %mul3A_947 = arith.muli %scan3A_297, %mul3A_946 : i32
      %mul3A_948 = arith.constant 200 : i32
      %mul3A_949 = vector.broadcast %mul3A_948 : i32 to vector<16xi32>
      %mul3A_950 = arith.muli %sub3A_945, %mul3A_949 : vector<16xi32>
      %add3A_951 = vector.broadcast %mul3A_947 : i32 to vector<16xi32>
      %add3A_952 = arith.addi %add3A_951, %mul3A_950 : vector<16xi32>
      %add3A_953 = arith.addi %add3A_952, %sub3A_943 : vector<16xi32>
      %swap3A_954 = arith.constant 48 : index
      %swap3A_955 = tpu.vector_load %arg13[%swap3A_954] {strides = array<i32>} : memref<80xi32, #tpu.memory_space<vmem>>, vector<16xi32>,
      %swap3A_956 = vector.shape_cast %swap3A_955 : vector<16xi32> to vector<16xi32>
      %swap3A_957 = vector.shape_cast %add3A_953 : vector<16xi32> to vector<16xi32>
      tpu.vector_store %arg13[%swap3A_954], %swap3A_957 {strides = array<i32>} : memref<80xi32, #tpu.memory_space<vmem>>, vector<16xi32>,
      %sub3A_958 = vector.broadcast %mul3A_307 : i32 to vector<16xi32>
      %sub3A_959 = arith.subi %get3A_941, %sub3A_958 : vector<16xi32>
      %swap3A_960 = arith.constant 48 : index
      %swap3A_961 = tpu.vector_load %arg14[%swap3A_960] {strides = array<i32>} : memref<80xi32, #tpu.memory_space<vmem>>, vector<16xi32>,
      %swap3A_962 = vector.shape_cast %swap3A_961 : vector<16xi32> to vector<16xi32>
      %swap3A_963 = vector.shape_cast %sub3A_959 : vector<16xi32> to vector<16xi32>
      tpu.vector_store %arg14[%swap3A_960], %swap3A_963 {strides = array<i32>} : memref<80xi32, #tpu.memory_space<vmem>>, vector<16xi32>,
      %get3A_964 = arith.constant 288 : index
      %get3A_965 = tpu.vector_load %arg12[%get3A_964] {strides = array<i32>} : memref<400xf32, #tpu.memory_space<vmem>>, vector<16xf32>,
      %get3A_966 = vector.shape_cast %get3A_965 : vector<16xf32> to vector<16xf32>
      %swap3A_967 = arith.constant 48 : index
      %swap3A_968 = tpu.vector_load %arg15[%swap3A_967] {strides = array<i32>} : memref<80xf32, #tpu.memory_space<vmem>>, vector<16xf32>,
      %swap3A_969 = vector.shape_cast %swap3A_968 : vector<16xf32> to vector<16xf32>
      %swap3A_970 = vector.shape_cast %get3A_966 : vector<16xf32> to vector<16xf32>
      tpu.vector_store %arg15[%swap3A_967], %swap3A_970 {strides = array<i32>} : memref<80xf32, #tpu.memory_space<vmem>>, vector<16xf32>,
      %get3A_971 = arith.constant 304 : index
      %get3A_972 = tpu.vector_load %arg10[%get3A_971] {strides = array<i32>} : memref<400xi32, #tpu.memory_space<vmem>>, vector<16xi32>,
      %get3A_973 = vector.shape_cast %get3A_972 : vector<16xi32> to vector<16xi32>
      %get3A_974 = arith.constant 304 : index
      %get3A_975 = tpu.vector_load %arg11[%get3A_974] {strides = array<i32>} : memref<400xi32, #tpu.memory_space<vmem>>, vector<16xi32>,
      %get3A_976 = vector.shape_cast %get3A_975 : vector<16xi32> to vector<16xi32>
      %sub3A_977 = vector.broadcast %mul3A_305 : i32 to vector<16xi32>
      %sub3A_978 = arith.subi %get3A_973, %sub3A_977 : vector<16xi32>
      %sub3A_979 = vector.broadcast %mul3A_305 : i32 to vector<16xi32>
      %sub3A_980 = arith.subi %get3A_976, %sub3A_979 : vector<16xi32>
      %mul3A_981 = arith.constant 40000 : i32
      %mul3A_982 = arith.muli %scan3A_297, %mul3A_981 : i32
      %mul3A_983 = arith.constant 200 : i32
      %mul3A_984 = vector.broadcast %mul3A_983 : i32 to vector<16xi32>
      %mul3A_985 = arith.muli %sub3A_980, %mul3A_984 : vector<16xi32>
      %add3A_986 = vector.broadcast %mul3A_982 : i32 to vector<16xi32>
      %add3A_987 = arith.addi %add3A_986, %mul3A_985 : vector<16xi32>
      %add3A_988 = arith.addi %add3A_987, %sub3A_978 : vector<16xi32>
      %swap3A_989 = arith.constant 64 : index
      %swap3A_990 = tpu.vector_load %arg13[%swap3A_989] {strides = array<i32>} : memref<80xi32, #tpu.memory_space<vmem>>, vector<16xi32>,
      %swap3A_991 = vector.shape_cast %swap3A_990 : vector<16xi32> to vector<16xi32>
      %swap3A_992 = vector.shape_cast %add3A_988 : vector<16xi32> to vector<16xi32>
      tpu.vector_store %arg13[%swap3A_989], %swap3A_992 {strides = array<i32>} : memref<80xi32, #tpu.memory_space<vmem>>, vector<16xi32>,
      %sub3A_993 = vector.broadcast %mul3A_307 : i32 to vector<16xi32>
      %sub3A_994 = arith.subi %get3A_976, %sub3A_993 : vector<16xi32>
      %swap3A_995 = arith.constant 64 : index
      %swap3A_996 = tpu.vector_load %arg14[%swap3A_995] {strides = array<i32>} : memref<80xi32, #tpu.memory_space<vmem>>, vector<16xi32>,
      %swap3A_997 = vector.shape_cast %swap3A_996 : vector<16xi32> to vector<16xi32>
      %swap3A_998 = vector.shape_cast %sub3A_994 : vector<16xi32> to vector<16xi32>
      tpu.vector_store %arg14[%swap3A_995], %swap3A_998 {strides = array<i32>} : memref<80xi32, #tpu.memory_space<vmem>>, vector<16xi32>,
      %get3A_999 = arith.constant 304 : index
      %get3A_1000 = tpu.vector_load %arg12[%get3A_999] {strides = array<i32>} : memref<400xf32, #tpu.memory_space<vmem>>, vector<16xf32>,
      %get3A_1001 = vector.shape_cast %get3A_1000 : vector<16xf32> to vector<16xf32>
      %swap3A_1002 = arith.constant 64 : index
      %swap3A_1003 = tpu.vector_load %arg15[%swap3A_1002] {strides = array<i32>} : memref<80xf32, #tpu.memory_space<vmem>>, vector<16xf32>,
      %swap3A_1004 = vector.shape_cast %swap3A_1003 : vector<16xf32> to vector<16xf32>
      %swap3A_1005 = vector.shape_cast %get3A_1001 : vector<16xf32> to vector<16xf32>
      tpu.vector_store %arg15[%swap3A_1002], %swap3A_1005 {strides = array<i32>} : memref<80xf32, #tpu.memory_space<vmem>>, vector<16xf32>,
      "tpu.region"() ({
        %run_scoped3A = tpu.sem_alloc : memref<!tpu.dma_semaphore, #tpu.memory_space<semaphore_mem>>
        %dma_start3A = arith.constant 0 : i32
        %dma_start3A_1181 = tpu.memref_slice %arg7[%dma_start3A] : memref<1000000xf32, #tpu.memory_space<vmem_shared>> -> memref<1000000xf32, #tpu.memory_space<vmem_shared>>
        tpu.enqueue_indirect_dma source(%arg15 : memref<80xf32, #tpu.memory_space<vmem>>) target(%dma_start3A_1181 : memref<1000000xf32, #tpu.memory_space<vmem_shared>>) offsets(%arg13 : memref<80xi32, #tpu.memory_space<vmem>>) semaphore(%run_scoped3A : memref<!tpu.dma_semaphore, #tpu.memory_space<semaphore_mem>>) {add = true}
        %dma_wait3A = arith.constant 0 : i32
        %dma_wait3A_1182 = tpu.memref_slice %arg7[%dma_wait3A] : memref<1000000xf32, #tpu.memory_space<vmem_shared>> -> memref<1000000xf32, #tpu.memory_space<vmem_shared>>
        tpu.wait_indirect_dma semaphore(%run_scoped3A : memref<!tpu.dma_semaphore, #tpu.memory_space<semaphore_mem>>) src(%arg15 : memref<80xf32, #tpu.memory_space<vmem>>) dst(%dma_wait3A_1182 : memref<1000000xf32, #tpu.memory_space<vmem_shared>>)
        tpu.yield
      }) : () -> ()
      "tpu.region"() ({
        %run_scoped3A = tpu.sem_alloc : memref<!tpu.dma_semaphore, #tpu.memory_space<semaphore_mem>>
        %dma_start3A = arith.constant 0 : i32
        %dma_start3A_1181 = tpu.memref_slice %arg8[%dma_start3A] : memref<5000xf32, #tpu.memory_space<vmem_shared>> -> memref<5000xf32, #tpu.memory_space<vmem_shared>>
        tpu.enqueue_indirect_dma source(%arg16 : memref<80xf32, #tpu.memory_space<vmem>>) target(%dma_start3A_1181 : memref<5000xf32, #tpu.memory_space<vmem_shared>>) offsets(%arg14 : memref<80xi32, #tpu.memory_space<vmem>>) semaphore(%run_scoped3A : memref<!tpu.dma_semaphore, #tpu.memory_space<semaphore_mem>>) {add = true}
        %dma_wait3A = arith.constant 0 : i32
        %dma_wait3A_1182 = tpu.memref_slice %arg8[%dma_wait3A] : memref<5000xf32, #tpu.memory_space<vmem_shared>> -> memref<5000xf32, #tpu.memory_space<vmem_shared>>
        tpu.wait_indirect_dma semaphore(%run_scoped3A : memref<!tpu.dma_semaphore, #tpu.memory_space<semaphore_mem>>) src(%arg16 : memref<80xf32, #tpu.memory_space<vmem>>) dst(%dma_wait3A_1182 : memref<5000xf32, #tpu.memory_space<vmem_shared>>)
        tpu.yield
      }) : () -> ()
      %get3A_1006 = arith.constant 320 : index
      %get3A_1007 = tpu.vector_load %arg10[%get3A_1006] {strides = array<i32>} : memref<400xi32, #tpu.memory_space<vmem>>, vector<16xi32>,
      %get3A_1008 = vector.shape_cast %get3A_1007 : vector<16xi32> to vector<16xi32>
      %get3A_1009 = arith.constant 320 : index
      %get3A_1010 = tpu.vector_load %arg11[%get3A_1009] {strides = array<i32>} : memref<400xi32, #tpu.memory_space<vmem>>, vector<16xi32>,
      %get3A_1011 = vector.shape_cast %get3A_1010 : vector<16xi32> to vector<16xi32>
      %sub3A_1012 = vector.broadcast %mul3A_305 : i32 to vector<16xi32>
      %sub3A_1013 = arith.subi %get3A_1008, %sub3A_1012 : vector<16xi32>
      %sub3A_1014 = vector.broadcast %mul3A_305 : i32 to vector<16xi32>
      %sub3A_1015 = arith.subi %get3A_1011, %sub3A_1014 : vector<16xi32>
      %mul3A_1016 = arith.constant 40000 : i32
      %mul3A_1017 = arith.muli %scan3A_297, %mul3A_1016 : i32
      %mul3A_1018 = arith.constant 200 : i32
      %mul3A_1019 = vector.broadcast %mul3A_1018 : i32 to vector<16xi32>
      %mul3A_1020 = arith.muli %sub3A_1015, %mul3A_1019 : vector<16xi32>
      %add3A_1021 = vector.broadcast %mul3A_1017 : i32 to vector<16xi32>
      %add3A_1022 = arith.addi %add3A_1021, %mul3A_1020 : vector<16xi32>
      %add3A_1023 = arith.addi %add3A_1022, %sub3A_1013 : vector<16xi32>
      %swap3A_1024 = arith.constant 0 : index
      %swap3A_1025 = tpu.vector_load %arg13[%swap3A_1024] {strides = array<i32>} : memref<80xi32, #tpu.memory_space<vmem>>, vector<16xi32>,
      %swap3A_1026 = vector.shape_cast %swap3A_1025 : vector<16xi32> to vector<16xi32>
      %swap3A_1027 = vector.shape_cast %add3A_1023 : vector<16xi32> to vector<16xi32>
      tpu.vector_store %arg13[%swap3A_1024], %swap3A_1027 {strides = array<i32>} : memref<80xi32, #tpu.memory_space<vmem>>, vector<16xi32>,
      %sub3A_1028 = vector.broadcast %mul3A_307 : i32 to vector<16xi32>
      %sub3A_1029 = arith.subi %get3A_1011, %sub3A_1028 : vector<16xi32>
      %swap3A_1030 = arith.constant 0 : index
      %swap3A_1031 = tpu.vector_load %arg14[%swap3A_1030] {strides = array<i32>} : memref<80xi32, #tpu.memory_space<vmem>>, vector<16xi32>,
      %swap3A_1032 = vector.shape_cast %swap3A_1031 : vector<16xi32> to vector<16xi32>
      %swap3A_1033 = vector.shape_cast %sub3A_1029 : vector<16xi32> to vector<16xi32>
      tpu.vector_store %arg14[%swap3A_1030], %swap3A_1033 {strides = array<i32>} : memref<80xi32, #tpu.memory_space<vmem>>, vector<16xi32>,
      %get3A_1034 = arith.constant 320 : index
      %get3A_1035 = tpu.vector_load %arg12[%get3A_1034] {strides = array<i32>} : memref<400xf32, #tpu.memory_space<vmem>>, vector<16xf32>,
      %get3A_1036 = vector.shape_cast %get3A_1035 : vector<16xf32> to vector<16xf32>
      %swap3A_1037 = arith.constant 0 : index
      %swap3A_1038 = tpu.vector_load %arg15[%swap3A_1037] {strides = array<i32>} : memref<80xf32, #tpu.memory_space<vmem>>, vector<16xf32>,
      %swap3A_1039 = vector.shape_cast %swap3A_1038 : vector<16xf32> to vector<16xf32>
      %swap3A_1040 = vector.shape_cast %get3A_1036 : vector<16xf32> to vector<16xf32>
      tpu.vector_store %arg15[%swap3A_1037], %swap3A_1040 {strides = array<i32>} : memref<80xf32, #tpu.memory_space<vmem>>, vector<16xf32>,
      %get3A_1041 = arith.constant 336 : index
      %get3A_1042 = tpu.vector_load %arg10[%get3A_1041] {strides = array<i32>} : memref<400xi32, #tpu.memory_space<vmem>>, vector<16xi32>,
      %get3A_1043 = vector.shape_cast %get3A_1042 : vector<16xi32> to vector<16xi32>
      %get3A_1044 = arith.constant 336 : index
      %get3A_1045 = tpu.vector_load %arg11[%get3A_1044] {strides = array<i32>} : memref<400xi32, #tpu.memory_space<vmem>>, vector<16xi32>,
      %get3A_1046 = vector.shape_cast %get3A_1045 : vector<16xi32> to vector<16xi32>
      %sub3A_1047 = vector.broadcast %mul3A_305 : i32 to vector<16xi32>
      %sub3A_1048 = arith.subi %get3A_1043, %sub3A_1047 : vector<16xi32>
      %sub3A_1049 = vector.broadcast %mul3A_305 : i32 to vector<16xi32>
      %sub3A_1050 = arith.subi %get3A_1046, %sub3A_1049 : vector<16xi32>
      %mul3A_1051 = arith.constant 40000 : i32
      %mul3A_1052 = arith.muli %scan3A_297, %mul3A_1051 : i32
      %mul3A_1053 = arith.constant 200 : i32
      %mul3A_1054 = vector.broadcast %mul3A_1053 : i32 to vector<16xi32>
      %mul3A_1055 = arith.muli %sub3A_1050, %mul3A_1054 : vector<16xi32>
      %add3A_1056 = vector.broadcast %mul3A_1052 : i32 to vector<16xi32>
      %add3A_1057 = arith.addi %add3A_1056, %mul3A_1055 : vector<16xi32>
      %add3A_1058 = arith.addi %add3A_1057, %sub3A_1048 : vector<16xi32>
      %swap3A_1059 = arith.constant 16 : index
      %swap3A_1060 = tpu.vector_load %arg13[%swap3A_1059] {strides = array<i32>} : memref<80xi32, #tpu.memory_space<vmem>>, vector<16xi32>,
      %swap3A_1061 = vector.shape_cast %swap3A_1060 : vector<16xi32> to vector<16xi32>
      %swap3A_1062 = vector.shape_cast %add3A_1058 : vector<16xi32> to vector<16xi32>
      tpu.vector_store %arg13[%swap3A_1059], %swap3A_1062 {strides = array<i32>} : memref<80xi32, #tpu.memory_space<vmem>>, vector<16xi32>,
      %sub3A_1063 = vector.broadcast %mul3A_307 : i32 to vector<16xi32>
      %sub3A_1064 = arith.subi %get3A_1046, %sub3A_1063 : vector<16xi32>
      %swap3A_1065 = arith.constant 16 : index
      %swap3A_1066 = tpu.vector_load %arg14[%swap3A_1065] {strides = array<i32>} : memref<80xi32, #tpu.memory_space<vmem>>, vector<16xi32>,
      %swap3A_1067 = vector.shape_cast %swap3A_1066 : vector<16xi32> to vector<16xi32>
      %swap3A_1068 = vector.shape_cast %sub3A_1064 : vector<16xi32> to vector<16xi32>
      tpu.vector_store %arg14[%swap3A_1065], %swap3A_1068 {strides = array<i32>} : memref<80xi32, #tpu.memory_space<vmem>>, vector<16xi32>,
      %get3A_1069 = arith.constant 336 : index
      %get3A_1070 = tpu.vector_load %arg12[%get3A_1069] {strides = array<i32>} : memref<400xf32, #tpu.memory_space<vmem>>, vector<16xf32>,
      %get3A_1071 = vector.shape_cast %get3A_1070 : vector<16xf32> to vector<16xf32>
      %swap3A_1072 = arith.constant 16 : index
      %swap3A_1073 = tpu.vector_load %arg15[%swap3A_1072] {strides = array<i32>} : memref<80xf32, #tpu.memory_space<vmem>>, vector<16xf32>,
      %swap3A_1074 = vector.shape_cast %swap3A_1073 : vector<16xf32> to vector<16xf32>
      %swap3A_1075 = vector.shape_cast %get3A_1071 : vector<16xf32> to vector<16xf32>
      tpu.vector_store %arg15[%swap3A_1072], %swap3A_1075 {strides = array<i32>} : memref<80xf32, #tpu.memory_space<vmem>>, vector<16xf32>,
      %get3A_1076 = arith.constant 352 : index
      %get3A_1077 = tpu.vector_load %arg10[%get3A_1076] {strides = array<i32>} : memref<400xi32, #tpu.memory_space<vmem>>, vector<16xi32>,
      %get3A_1078 = vector.shape_cast %get3A_1077 : vector<16xi32> to vector<16xi32>
      %get3A_1079 = arith.constant 352 : index
      %get3A_1080 = tpu.vector_load %arg11[%get3A_1079] {strides = array<i32>} : memref<400xi32, #tpu.memory_space<vmem>>, vector<16xi32>,
      %get3A_1081 = vector.shape_cast %get3A_1080 : vector<16xi32> to vector<16xi32>
      %sub3A_1082 = vector.broadcast %mul3A_305 : i32 to vector<16xi32>
      %sub3A_1083 = arith.subi %get3A_1078, %sub3A_1082 : vector<16xi32>
      %sub3A_1084 = vector.broadcast %mul3A_305 : i32 to vector<16xi32>
      %sub3A_1085 = arith.subi %get3A_1081, %sub3A_1084 : vector<16xi32>
      %mul3A_1086 = arith.constant 40000 : i32
      %mul3A_1087 = arith.muli %scan3A_297, %mul3A_1086 : i32
      %mul3A_1088 = arith.constant 200 : i32
      %mul3A_1089 = vector.broadcast %mul3A_1088 : i32 to vector<16xi32>
      %mul3A_1090 = arith.muli %sub3A_1085, %mul3A_1089 : vector<16xi32>
      %add3A_1091 = vector.broadcast %mul3A_1087 : i32 to vector<16xi32>
      %add3A_1092 = arith.addi %add3A_1091, %mul3A_1090 : vector<16xi32>
      %add3A_1093 = arith.addi %add3A_1092, %sub3A_1083 : vector<16xi32>
      %swap3A_1094 = arith.constant 32 : index
      %swap3A_1095 = tpu.vector_load %arg13[%swap3A_1094] {strides = array<i32>} : memref<80xi32, #tpu.memory_space<vmem>>, vector<16xi32>,
      %swap3A_1096 = vector.shape_cast %swap3A_1095 : vector<16xi32> to vector<16xi32>
      %swap3A_1097 = vector.shape_cast %add3A_1093 : vector<16xi32> to vector<16xi32>
      tpu.vector_store %arg13[%swap3A_1094], %swap3A_1097 {strides = array<i32>} : memref<80xi32, #tpu.memory_space<vmem>>, vector<16xi32>,
      %sub3A_1098 = vector.broadcast %mul3A_307 : i32 to vector<16xi32>
      %sub3A_1099 = arith.subi %get3A_1081, %sub3A_1098 : vector<16xi32>
      %swap3A_1100 = arith.constant 32 : index
      %swap3A_1101 = tpu.vector_load %arg14[%swap3A_1100] {strides = array<i32>} : memref<80xi32, #tpu.memory_space<vmem>>, vector<16xi32>,
      %swap3A_1102 = vector.shape_cast %swap3A_1101 : vector<16xi32> to vector<16xi32>
      %swap3A_1103 = vector.shape_cast %sub3A_1099 : vector<16xi32> to vector<16xi32>
      tpu.vector_store %arg14[%swap3A_1100], %swap3A_1103 {strides = array<i32>} : memref<80xi32, #tpu.memory_space<vmem>>, vector<16xi32>,
      %get3A_1104 = arith.constant 352 : index
      %get3A_1105 = tpu.vector_load %arg12[%get3A_1104] {strides = array<i32>} : memref<400xf32, #tpu.memory_space<vmem>>, vector<16xf32>,
      %get3A_1106 = vector.shape_cast %get3A_1105 : vector<16xf32> to vector<16xf32>
      %swap3A_1107 = arith.constant 32 : index
      %swap3A_1108 = tpu.vector_load %arg15[%swap3A_1107] {strides = array<i32>} : memref<80xf32, #tpu.memory_space<vmem>>, vector<16xf32>,
      %swap3A_1109 = vector.shape_cast %swap3A_1108 : vector<16xf32> to vector<16xf32>
      %swap3A_1110 = vector.shape_cast %get3A_1106 : vector<16xf32> to vector<16xf32>
      tpu.vector_store %arg15[%swap3A_1107], %swap3A_1110 {strides = array<i32>} : memref<80xf32, #tpu.memory_space<vmem>>, vector<16xf32>,
      %get3A_1111 = arith.constant 368 : index
      %get3A_1112 = tpu.vector_load %arg10[%get3A_1111] {strides = array<i32>} : memref<400xi32, #tpu.memory_space<vmem>>, vector<16xi32>,
      %get3A_1113 = vector.shape_cast %get3A_1112 : vector<16xi32> to vector<16xi32>
      %get3A_1114 = arith.constant 368 : index
      %get3A_1115 = tpu.vector_load %arg11[%get3A_1114] {strides = array<i32>} : memref<400xi32, #tpu.memory_space<vmem>>, vector<16xi32>,
      %get3A_1116 = vector.shape_cast %get3A_1115 : vector<16xi32> to vector<16xi32>
      %sub3A_1117 = vector.broadcast %mul3A_305 : i32 to vector<16xi32>
      %sub3A_1118 = arith.subi %get3A_1113, %sub3A_1117 : vector<16xi32>
      %sub3A_1119 = vector.broadcast %mul3A_305 : i32 to vector<16xi32>
      %sub3A_1120 = arith.subi %get3A_1116, %sub3A_1119 : vector<16xi32>
      %mul3A_1121 = arith.constant 40000 : i32
      %mul3A_1122 = arith.muli %scan3A_297, %mul3A_1121 : i32
      %mul3A_1123 = arith.constant 200 : i32
      %mul3A_1124 = vector.broadcast %mul3A_1123 : i32 to vector<16xi32>
      %mul3A_1125 = arith.muli %sub3A_1120, %mul3A_1124 : vector<16xi32>
      %add3A_1126 = vector.broadcast %mul3A_1122 : i32 to vector<16xi32>
      %add3A_1127 = arith.addi %add3A_1126, %mul3A_1125 : vector<16xi32>
      %add3A_1128 = arith.addi %add3A_1127, %sub3A_1118 : vector<16xi32>
      %swap3A_1129 = arith.constant 48 : index
      %swap3A_1130 = tpu.vector_load %arg13[%swap3A_1129] {strides = array<i32>} : memref<80xi32, #tpu.memory_space<vmem>>, vector<16xi32>,
      %swap3A_1131 = vector.shape_cast %swap3A_1130 : vector<16xi32> to vector<16xi32>
      %swap3A_1132 = vector.shape_cast %add3A_1128 : vector<16xi32> to vector<16xi32>
      tpu.vector_store %arg13[%swap3A_1129], %swap3A_1132 {strides = array<i32>} : memref<80xi32, #tpu.memory_space<vmem>>, vector<16xi32>,
      %sub3A_1133 = vector.broadcast %mul3A_307 : i32 to vector<16xi32>
      %sub3A_1134 = arith.subi %get3A_1116, %sub3A_1133 : vector<16xi32>
      %swap3A_1135 = arith.constant 48 : index
      %swap3A_1136 = tpu.vector_load %arg14[%swap3A_1135] {strides = array<i32>} : memref<80xi32, #tpu.memory_space<vmem>>, vector<16xi32>,
      %swap3A_1137 = vector.shape_cast %swap3A_1136 : vector<16xi32> to vector<16xi32>
      %swap3A_1138 = vector.shape_cast %sub3A_1134 : vector<16xi32> to vector<16xi32>
      tpu.vector_store %arg14[%swap3A_1135], %swap3A_1138 {strides = array<i32>} : memref<80xi32, #tpu.memory_space<vmem>>, vector<16xi32>,
      %get3A_1139 = arith.constant 368 : index
      %get3A_1140 = tpu.vector_load %arg12[%get3A_1139] {strides = array<i32>} : memref<400xf32, #tpu.memory_space<vmem>>, vector<16xf32>,
      %get3A_1141 = vector.shape_cast %get3A_1140 : vector<16xf32> to vector<16xf32>
      %swap3A_1142 = arith.constant 48 : index
      %swap3A_1143 = tpu.vector_load %arg15[%swap3A_1142] {strides = array<i32>} : memref<80xf32, #tpu.memory_space<vmem>>, vector<16xf32>,
      %swap3A_1144 = vector.shape_cast %swap3A_1143 : vector<16xf32> to vector<16xf32>
      %swap3A_1145 = vector.shape_cast %get3A_1141 : vector<16xf32> to vector<16xf32>
      tpu.vector_store %arg15[%swap3A_1142], %swap3A_1145 {strides = array<i32>} : memref<80xf32, #tpu.memory_space<vmem>>, vector<16xf32>,
      %get3A_1146 = arith.constant 384 : index
      %get3A_1147 = tpu.vector_load %arg10[%get3A_1146] {strides = array<i32>} : memref<400xi32, #tpu.memory_space<vmem>>, vector<16xi32>,
      %get3A_1148 = vector.shape_cast %get3A_1147 : vector<16xi32> to vector<16xi32>
      %get3A_1149 = arith.constant 384 : index
      %get3A_1150 = tpu.vector_load %arg11[%get3A_1149] {strides = array<i32>} : memref<400xi32, #tpu.memory_space<vmem>>, vector<16xi32>,
      %get3A_1151 = vector.shape_cast %get3A_1150 : vector<16xi32> to vector<16xi32>
      %sub3A_1152 = vector.broadcast %mul3A_305 : i32 to vector<16xi32>
      %sub3A_1153 = arith.subi %get3A_1148, %sub3A_1152 : vector<16xi32>
      %sub3A_1154 = vector.broadcast %mul3A_305 : i32 to vector<16xi32>
      %sub3A_1155 = arith.subi %get3A_1151, %sub3A_1154 : vector<16xi32>
      %mul3A_1156 = arith.constant 40000 : i32
      %mul3A_1157 = arith.muli %scan3A_297, %mul3A_1156 : i32
      %mul3A_1158 = arith.constant 200 : i32
      %mul3A_1159 = vector.broadcast %mul3A_1158 : i32 to vector<16xi32>
      %mul3A_1160 = arith.muli %sub3A_1155, %mul3A_1159 : vector<16xi32>
      %add3A_1161 = vector.broadcast %mul3A_1157 : i32 to vector<16xi32>
      %add3A_1162 = arith.addi %add3A_1161, %mul3A_1160 : vector<16xi32>
      %add3A_1163 = arith.addi %add3A_1162, %sub3A_1153 : vector<16xi32>
      %swap3A_1164 = arith.constant 64 : index
      %swap3A_1165 = tpu.vector_load %arg13[%swap3A_1164] {strides = array<i32>} : memref<80xi32, #tpu.memory_space<vmem>>, vector<16xi32>,
      %swap3A_1166 = vector.shape_cast %swap3A_1165 : vector<16xi32> to vector<16xi32>
      %swap3A_1167 = vector.shape_cast %add3A_1163 : vector<16xi32> to vector<16xi32>
      tpu.vector_store %arg13[%swap3A_1164], %swap3A_1167 {strides = array<i32>} : memref<80xi32, #tpu.memory_space<vmem>>, vector<16xi32>,
      %sub3A_1168 = vector.broadcast %mul3A_307 : i32 to vector<16xi32>
      %sub3A_1169 = arith.subi %get3A_1151, %sub3A_1168 : vector<16xi32>
      %swap3A_1170 = arith.constant 64 : index
      %swap3A_1171 = tpu.vector_load %arg14[%swap3A_1170] {strides = array<i32>} : memref<80xi32, #tpu.memory_space<vmem>>, vector<16xi32>,
      %swap3A_1172 = vector.shape_cast %swap3A_1171 : vector<16xi32> to vector<16xi32>
      %swap3A_1173 = vector.shape_cast %sub3A_1169 : vector<16xi32> to vector<16xi32>
      tpu.vector_store %arg14[%swap3A_1170], %swap3A_1173 {strides = array<i32>} : memref<80xi32, #tpu.memory_space<vmem>>, vector<16xi32>,
      %get3A_1174 = arith.constant 384 : index
      %get3A_1175 = tpu.vector_load %arg12[%get3A_1174] {strides = array<i32>} : memref<400xf32, #tpu.memory_space<vmem>>, vector<16xf32>,
      %get3A_1176 = vector.shape_cast %get3A_1175 : vector<16xf32> to vector<16xf32>
      %swap3A_1177 = arith.constant 64 : index
      %swap3A_1178 = tpu.vector_load %arg15[%swap3A_1177] {strides = array<i32>} : memref<80xf32, #tpu.memory_space<vmem>>, vector<16xf32>,
      %swap3A_1179 = vector.shape_cast %swap3A_1178 : vector<16xf32> to vector<16xf32>
      %swap3A_1180 = vector.shape_cast %get3A_1176 : vector<16xf32> to vector<16xf32>
      tpu.vector_store %arg15[%swap3A_1177], %swap3A_1180 {strides = array<i32>} : memref<80xf32, #tpu.memory_space<vmem>>, vector<16xf32>,
      "tpu.region"() ({
        %run_scoped3A = tpu.sem_alloc : memref<!tpu.dma_semaphore, #tpu.memory_space<semaphore_mem>>
        %dma_start3A = arith.constant 0 : i32
        %dma_start3A_1181 = tpu.memref_slice %arg7[%dma_start3A] : memref<1000000xf32, #tpu.memory_space<vmem_shared>> -> memref<1000000xf32, #tpu.memory_space<vmem_shared>>
        tpu.enqueue_indirect_dma source(%arg15 : memref<80xf32, #tpu.memory_space<vmem>>) target(%dma_start3A_1181 : memref<1000000xf32, #tpu.memory_space<vmem_shared>>) offsets(%arg13 : memref<80xi32, #tpu.memory_space<vmem>>) semaphore(%run_scoped3A : memref<!tpu.dma_semaphore, #tpu.memory_space<semaphore_mem>>) {add = true}
        %dma_wait3A = arith.constant 0 : i32
        %dma_wait3A_1182 = tpu.memref_slice %arg7[%dma_wait3A] : memref<1000000xf32, #tpu.memory_space<vmem_shared>> -> memref<1000000xf32, #tpu.memory_space<vmem_shared>>
        tpu.wait_indirect_dma semaphore(%run_scoped3A : memref<!tpu.dma_semaphore, #tpu.memory_space<semaphore_mem>>) src(%arg15 : memref<80xf32, #tpu.memory_space<vmem>>) dst(%dma_wait3A_1182 : memref<1000000xf32, #tpu.memory_space<vmem_shared>>)
        tpu.yield
      }) : () -> ()
      "tpu.region"() ({
        %run_scoped3A = tpu.sem_alloc : memref<!tpu.dma_semaphore, #tpu.memory_space<semaphore_mem>>
        %dma_start3A = arith.constant 0 : i32
        %dma_start3A_1181 = tpu.memref_slice %arg8[%dma_start3A] : memref<5000xf32, #tpu.memory_space<vmem_shared>> -> memref<5000xf32, #tpu.memory_space<vmem_shared>>
        tpu.enqueue_indirect_dma source(%arg16 : memref<80xf32, #tpu.memory_space<vmem>>) target(%dma_start3A_1181 : memref<5000xf32, #tpu.memory_space<vmem_shared>>) offsets(%arg14 : memref<80xi32, #tpu.memory_space<vmem>>) semaphore(%run_scoped3A : memref<!tpu.dma_semaphore, #tpu.memory_space<semaphore_mem>>) {add = true}
        %dma_wait3A = arith.constant 0 : i32
        %dma_wait3A_1182 = tpu.memref_slice %arg8[%dma_wait3A] : memref<5000xf32, #tpu.memory_space<vmem_shared>> -> memref<5000xf32, #tpu.memory_space<vmem_shared>>
        tpu.wait_indirect_dma semaphore(%run_scoped3A : memref<!tpu.dma_semaphore, #tpu.memory_space<semaphore_mem>>) src(%arg16 : memref<80xf32, #tpu.memory_space<vmem>>) dst(%dma_wait3A_1182 : memref<5000xf32, #tpu.memory_space<vmem_shared>>)
        tpu.yield
      }) : () -> ()
    }
    %scan3A_165 = arith.constant 25 : i32
    %barrier3A_166 = arith.constant 0 : index
    tpu.barrier barrier_id(%barrier3A_166)
    %eq3A_167 = arith.constant 0 : i32
    %eq3A_168 = arith.cmpi eq, %arg1, %eq3A_167 : i32
    %convert_element_type3A_169 = arith.extui %eq3A_168 : i1 to i32
    %cond3A_170 = arith.constant 0 : i32
    %cond3A_171 = arith.cmpi ne, %convert_element_type3A_169, %cond3A_170 : i32
    scf.if %cond3A_171 {
      %mul3A = arith.constant 25 : i32
      %mul3A_297 = arith.muli %arg0, %mul3A : i32
      %add3A = arith.constant 0 : i32
      %add3A_298 = arith.addi %mul3A_297, %add3A : i32
      "tpu.region"() ({
        %run_scoped3A = tpu.sem_alloc : memref<!tpu.dma_semaphore, #tpu.memory_space<semaphore_mem>>
        %dma_start3A = arith.constant 0 : i32
        %dma_start3A_303 = tpu.memref_slice %arg7[%dma_start3A] : memref<1000000xf32, #tpu.memory_space<vmem_shared>> -> memref<40000xf32, #tpu.memory_space<vmem_shared>>
        %dma_start3A_304 = arith.constant 0 : i32
        %dma_start3A_305 = tpu.memref_slice %arg7[%dma_start3A_304] : memref<1000000xf32, #tpu.memory_space<vmem_shared>> -> memref<40000xf32, #tpu.memory_space<vmem_shared>>
        tpu.enqueue_dma source(%dma_start3A_305 : memref<40000xf32, #tpu.memory_space<vmem_shared>>) target(%arg9 : memref<40000xf32, #tpu.memory_space<vmem>>) target_semaphore(%run_scoped3A : memref<!tpu.dma_semaphore, #tpu.memory_space<semaphore_mem>>)
        %dma_wait3A = arith.constant 0 : i32
        %dma_wait3A_306 = tpu.memref_slice %arg7[%dma_wait3A] : memref<1000000xf32, #tpu.memory_space<vmem_shared>> -> memref<40000xf32, #tpu.memory_space<vmem_shared>>
        %dma_wait3A_307 = arith.constant 0 : i32
        %dma_wait3A_308 = tpu.memref_slice %arg7[%dma_wait3A_307] : memref<1000000xf32, #tpu.memory_space<vmem_shared>> -> memref<40000xf32, #tpu.memory_space<vmem_shared>>
        tpu.wait_dma2 semaphore(%run_scoped3A : memref<!tpu.dma_semaphore, #tpu.memory_space<semaphore_mem>>) src(%dma_wait3A_308 : memref<40000xf32, #tpu.memory_space<vmem_shared>>) dst(%arg9 : memref<40000xf32, #tpu.memory_space<vmem>>)
        tpu.yield
      }) : () -> ()
      %mul3A_299 = arith.constant 200 : i32
      %mul3A_300 = arith.muli %add3A_298, %mul3A_299 : i32
      %mul3A_301 = arith.constant 200 : i32
      %mul3A_302 = arith.muli %mul3A_300, %mul3A_301 : i32
      "tpu.region"() ({
        %run_scoped3A = tpu.sem_alloc : memref<!tpu.dma_semaphore, #tpu.memory_space<semaphore_mem>>
        %dma_start3A = tpu.memref_slice %arg5[%mul3A_302] : memref<2000000xf32, #tpu.memory_space<hbm>> -> memref<40000xf32, #tpu.memory_space<hbm>>
        %dma_start3A_303 = tpu.memref_slice %arg5[%mul3A_302] : memref<2000000xf32, #tpu.memory_space<hbm>> -> memref<40000xf32, #tpu.memory_space<hbm>>
        tpu.enqueue_dma source(%arg9 : memref<40000xf32, #tpu.memory_space<vmem>>) target(%dma_start3A_303 : memref<40000xf32, #tpu.memory_space<hbm>>) target_semaphore(%run_scoped3A : memref<!tpu.dma_semaphore, #tpu.memory_space<semaphore_mem>>)
        %dma_wait3A = tpu.memref_slice %arg5[%mul3A_302] : memref<2000000xf32, #tpu.memory_space<hbm>> -> memref<40000xf32, #tpu.memory_space<hbm>>
        %dma_wait3A_304 = tpu.memref_slice %arg5[%mul3A_302] : memref<2000000xf32, #tpu.memory_space<hbm>> -> memref<40000xf32, #tpu.memory_space<hbm>>
        tpu.wait_dma2 semaphore(%run_scoped3A : memref<!tpu.dma_semaphore, #tpu.memory_space<semaphore_mem>>) src(%arg9 : memref<40000xf32, #tpu.memory_space<vmem>>) dst(%dma_wait3A_304 : memref<40000xf32, #tpu.memory_space<hbm>>)
        tpu.yield
      }) : () -> ()
    } else {
    }
    %eq3A_172 = arith.constant 1 : i32
    %eq3A_173 = arith.cmpi eq, %arg1, %eq3A_172 : i32
    %convert_element_type3A_174 = arith.extui %eq3A_173 : i1 to i32
    %cond3A_175 = arith.constant 0 : i32
    %cond3A_176 = arith.cmpi ne, %convert_element_type3A_174, %cond3A_175 : i32
    scf.if %cond3A_176 {
      %mul3A = arith.constant 25 : i32
      %mul3A_297 = arith.muli %arg0, %mul3A : i32
      %add3A = arith.constant 1 : i32
      %add3A_298 = arith.addi %mul3A_297, %add3A : i32
      "tpu.region"() ({
        %run_scoped3A = tpu.sem_alloc : memref<!tpu.dma_semaphore, #tpu.memory_space<semaphore_mem>>
        %dma_start3A = arith.constant 40000 : i32
        %dma_start3A_303 = tpu.memref_slice %arg7[%dma_start3A] : memref<1000000xf32, #tpu.memory_space<vmem_shared>> -> memref<40000xf32, #tpu.memory_space<vmem_shared>>
        %dma_start3A_304 = arith.constant 40000 : i32
        %dma_start3A_305 = tpu.memref_slice %arg7[%dma_start3A_304] : memref<1000000xf32, #tpu.memory_space<vmem_shared>> -> memref<40000xf32, #tpu.memory_space<vmem_shared>>
        tpu.enqueue_dma source(%dma_start3A_305 : memref<40000xf32, #tpu.memory_space<vmem_shared>>) target(%arg9 : memref<40000xf32, #tpu.memory_space<vmem>>) target_semaphore(%run_scoped3A : memref<!tpu.dma_semaphore, #tpu.memory_space<semaphore_mem>>)
        %dma_wait3A = arith.constant 40000 : i32
        %dma_wait3A_306 = tpu.memref_slice %arg7[%dma_wait3A] : memref<1000000xf32, #tpu.memory_space<vmem_shared>> -> memref<40000xf32, #tpu.memory_space<vmem_shared>>
        %dma_wait3A_307 = arith.constant 40000 : i32
        %dma_wait3A_308 = tpu.memref_slice %arg7[%dma_wait3A_307] : memref<1000000xf32, #tpu.memory_space<vmem_shared>> -> memref<40000xf32, #tpu.memory_space<vmem_shared>>
        tpu.wait_dma2 semaphore(%run_scoped3A : memref<!tpu.dma_semaphore, #tpu.memory_space<semaphore_mem>>) src(%dma_wait3A_308 : memref<40000xf32, #tpu.memory_space<vmem_shared>>) dst(%arg9 : memref<40000xf32, #tpu.memory_space<vmem>>)
        tpu.yield
      }) : () -> ()
      %mul3A_299 = arith.constant 200 : i32
      %mul3A_300 = arith.muli %add3A_298, %mul3A_299 : i32
      %mul3A_301 = arith.constant 200 : i32
      %mul3A_302 = arith.muli %mul3A_300, %mul3A_301 : i32
      "tpu.region"() ({
        %run_scoped3A = tpu.sem_alloc : memref<!tpu.dma_semaphore, #tpu.memory_space<semaphore_mem>>
        %dma_start3A = tpu.memref_slice %arg5[%mul3A_302] : memref<2000000xf32, #tpu.memory_space<hbm>> -> memref<40000xf32, #tpu.memory_space<hbm>>
        %dma_start3A_303 = tpu.memref_slice %arg5[%mul3A_302] : memref<2000000xf32, #tpu.memory_space<hbm>> -> memref<40000xf32, #tpu.memory_space<hbm>>
        tpu.enqueue_dma source(%arg9 : memref<40000xf32, #tpu.memory_space<vmem>>) target(%dma_start3A_303 : memref<40000xf32, #tpu.memory_space<hbm>>) target_semaphore(%run_scoped3A : memref<!tpu.dma_semaphore, #tpu.memory_space<semaphore_mem>>)
        %dma_wait3A = tpu.memref_slice %arg5[%mul3A_302] : memref<2000000xf32, #tpu.memory_space<hbm>> -> memref<40000xf32, #tpu.memory_space<hbm>>
        %dma_wait3A_304 = tpu.memref_slice %arg5[%mul3A_302] : memref<2000000xf32, #tpu.memory_space<hbm>> -> memref<40000xf32, #tpu.memory_space<hbm>>
        tpu.wait_dma2 semaphore(%run_scoped3A : memref<!tpu.dma_semaphore, #tpu.memory_space<semaphore_mem>>) src(%arg9 : memref<40000xf32, #tpu.memory_space<vmem>>) dst(%dma_wait3A_304 : memref<40000xf32, #tpu.memory_space<hbm>>)
        tpu.yield
      }) : () -> ()
    } else {
    }
    %eq3A_177 = arith.constant 2 : i32
    %eq3A_178 = arith.cmpi eq, %arg1, %eq3A_177 : i32
    %convert_element_type3A_179 = arith.extui %eq3A_178 : i1 to i32
    %cond3A_180 = arith.constant 0 : i32
    %cond3A_181 = arith.cmpi ne, %convert_element_type3A_179, %cond3A_180 : i32
    scf.if %cond3A_181 {
      %mul3A = arith.constant 25 : i32
      %mul3A_297 = arith.muli %arg0, %mul3A : i32
      %add3A = arith.constant 2 : i32
      %add3A_298 = arith.addi %mul3A_297, %add3A : i32
      "tpu.region"() ({
        %run_scoped3A = tpu.sem_alloc : memref<!tpu.dma_semaphore, #tpu.memory_space<semaphore_mem>>
        %dma_start3A = arith.constant 80000 : i32
        %dma_start3A_303 = tpu.memref_slice %arg7[%dma_start3A] : memref<1000000xf32, #tpu.memory_space<vmem_shared>> -> memref<40000xf32, #tpu.memory_space<vmem_shared>>
        %dma_start3A_304 = arith.constant 80000 : i32
        %dma_start3A_305 = tpu.memref_slice %arg7[%dma_start3A_304] : memref<1000000xf32, #tpu.memory_space<vmem_shared>> -> memref<40000xf32, #tpu.memory_space<vmem_shared>>
        tpu.enqueue_dma source(%dma_start3A_305 : memref<40000xf32, #tpu.memory_space<vmem_shared>>) target(%arg9 : memref<40000xf32, #tpu.memory_space<vmem>>) target_semaphore(%run_scoped3A : memref<!tpu.dma_semaphore, #tpu.memory_space<semaphore_mem>>)
        %dma_wait3A = arith.constant 80000 : i32
        %dma_wait3A_306 = tpu.memref_slice %arg7[%dma_wait3A] : memref<1000000xf32, #tpu.memory_space<vmem_shared>> -> memref<40000xf32, #tpu.memory_space<vmem_shared>>
        %dma_wait3A_307 = arith.constant 80000 : i32
        %dma_wait3A_308 = tpu.memref_slice %arg7[%dma_wait3A_307] : memref<1000000xf32, #tpu.memory_space<vmem_shared>> -> memref<40000xf32, #tpu.memory_space<vmem_shared>>
        tpu.wait_dma2 semaphore(%run_scoped3A : memref<!tpu.dma_semaphore, #tpu.memory_space<semaphore_mem>>) src(%dma_wait3A_308 : memref<40000xf32, #tpu.memory_space<vmem_shared>>) dst(%arg9 : memref<40000xf32, #tpu.memory_space<vmem>>)
        tpu.yield
      }) : () -> ()
      %mul3A_299 = arith.constant 200 : i32
      %mul3A_300 = arith.muli %add3A_298, %mul3A_299 : i32
      %mul3A_301 = arith.constant 200 : i32
      %mul3A_302 = arith.muli %mul3A_300, %mul3A_301 : i32
      "tpu.region"() ({
        %run_scoped3A = tpu.sem_alloc : memref<!tpu.dma_semaphore, #tpu.memory_space<semaphore_mem>>
        %dma_start3A = tpu.memref_slice %arg5[%mul3A_302] : memref<2000000xf32, #tpu.memory_space<hbm>> -> memref<40000xf32, #tpu.memory_space<hbm>>
        %dma_start3A_303 = tpu.memref_slice %arg5[%mul3A_302] : memref<2000000xf32, #tpu.memory_space<hbm>> -> memref<40000xf32, #tpu.memory_space<hbm>>
        tpu.enqueue_dma source(%arg9 : memref<40000xf32, #tpu.memory_space<vmem>>) target(%dma_start3A_303 : memref<40000xf32, #tpu.memory_space<hbm>>) target_semaphore(%run_scoped3A : memref<!tpu.dma_semaphore, #tpu.memory_space<semaphore_mem>>)
        %dma_wait3A = tpu.memref_slice %arg5[%mul3A_302] : memref<2000000xf32, #tpu.memory_space<hbm>> -> memref<40000xf32, #tpu.memory_space<hbm>>
        %dma_wait3A_304 = tpu.memref_slice %arg5[%mul3A_302] : memref<2000000xf32, #tpu.memory_space<hbm>> -> memref<40000xf32, #tpu.memory_space<hbm>>
        tpu.wait_dma2 semaphore(%run_scoped3A : memref<!tpu.dma_semaphore, #tpu.memory_space<semaphore_mem>>) src(%arg9 : memref<40000xf32, #tpu.memory_space<vmem>>) dst(%dma_wait3A_304 : memref<40000xf32, #tpu.memory_space<hbm>>)
        tpu.yield
      }) : () -> ()
    } else {
    }
    %eq3A_182 = arith.constant 3 : i32
    %eq3A_183 = arith.cmpi eq, %arg1, %eq3A_182 : i32
    %convert_element_type3A_184 = arith.extui %eq3A_183 : i1 to i32
    %cond3A_185 = arith.constant 0 : i32
    %cond3A_186 = arith.cmpi ne, %convert_element_type3A_184, %cond3A_185 : i32
    scf.if %cond3A_186 {
      %mul3A = arith.constant 25 : i32
      %mul3A_297 = arith.muli %arg0, %mul3A : i32
      %add3A = arith.constant 3 : i32
      %add3A_298 = arith.addi %mul3A_297, %add3A : i32
      "tpu.region"() ({
        %run_scoped3A = tpu.sem_alloc : memref<!tpu.dma_semaphore, #tpu.memory_space<semaphore_mem>>
        %dma_start3A = arith.constant 120000 : i32
        %dma_start3A_303 = tpu.memref_slice %arg7[%dma_start3A] : memref<1000000xf32, #tpu.memory_space<vmem_shared>> -> memref<40000xf32, #tpu.memory_space<vmem_shared>>
        %dma_start3A_304 = arith.constant 120000 : i32
        %dma_start3A_305 = tpu.memref_slice %arg7[%dma_start3A_304] : memref<1000000xf32, #tpu.memory_space<vmem_shared>> -> memref<40000xf32, #tpu.memory_space<vmem_shared>>
        tpu.enqueue_dma source(%dma_start3A_305 : memref<40000xf32, #tpu.memory_space<vmem_shared>>) target(%arg9 : memref<40000xf32, #tpu.memory_space<vmem>>) target_semaphore(%run_scoped3A : memref<!tpu.dma_semaphore, #tpu.memory_space<semaphore_mem>>)
        %dma_wait3A = arith.constant 120000 : i32
        %dma_wait3A_306 = tpu.memref_slice %arg7[%dma_wait3A] : memref<1000000xf32, #tpu.memory_space<vmem_shared>> -> memref<40000xf32, #tpu.memory_space<vmem_shared>>
        %dma_wait3A_307 = arith.constant 120000 : i32
        %dma_wait3A_308 = tpu.memref_slice %arg7[%dma_wait3A_307] : memref<1000000xf32, #tpu.memory_space<vmem_shared>> -> memref<40000xf32, #tpu.memory_space<vmem_shared>>
        tpu.wait_dma2 semaphore(%run_scoped3A : memref<!tpu.dma_semaphore, #tpu.memory_space<semaphore_mem>>) src(%dma_wait3A_308 : memref<40000xf32, #tpu.memory_space<vmem_shared>>) dst(%arg9 : memref<40000xf32, #tpu.memory_space<vmem>>)
        tpu.yield
      }) : () -> ()
      %mul3A_299 = arith.constant 200 : i32
      %mul3A_300 = arith.muli %add3A_298, %mul3A_299 : i32
      %mul3A_301 = arith.constant 200 : i32
      %mul3A_302 = arith.muli %mul3A_300, %mul3A_301 : i32
      "tpu.region"() ({
        %run_scoped3A = tpu.sem_alloc : memref<!tpu.dma_semaphore, #tpu.memory_space<semaphore_mem>>
        %dma_start3A = tpu.memref_slice %arg5[%mul3A_302] : memref<2000000xf32, #tpu.memory_space<hbm>> -> memref<40000xf32, #tpu.memory_space<hbm>>
        %dma_start3A_303 = tpu.memref_slice %arg5[%mul3A_302] : memref<2000000xf32, #tpu.memory_space<hbm>> -> memref<40000xf32, #tpu.memory_space<hbm>>
        tpu.enqueue_dma source(%arg9 : memref<40000xf32, #tpu.memory_space<vmem>>) target(%dma_start3A_303 : memref<40000xf32, #tpu.memory_space<hbm>>) target_semaphore(%run_scoped3A : memref<!tpu.dma_semaphore, #tpu.memory_space<semaphore_mem>>)
        %dma_wait3A = tpu.memref_slice %arg5[%mul3A_302] : memref<2000000xf32, #tpu.memory_space<hbm>> -> memref<40000xf32, #tpu.memory_space<hbm>>
        %dma_wait3A_304 = tpu.memref_slice %arg5[%mul3A_302] : memref<2000000xf32, #tpu.memory_space<hbm>> -> memref<40000xf32, #tpu.memory_space<hbm>>
        tpu.wait_dma2 semaphore(%run_scoped3A : memref<!tpu.dma_semaphore, #tpu.memory_space<semaphore_mem>>) src(%arg9 : memref<40000xf32, #tpu.memory_space<vmem>>) dst(%dma_wait3A_304 : memref<40000xf32, #tpu.memory_space<hbm>>)
        tpu.yield
      }) : () -> ()
    } else {
    }
    %eq3A_187 = arith.constant 4 : i32
    %eq3A_188 = arith.cmpi eq, %arg1, %eq3A_187 : i32
    %convert_element_type3A_189 = arith.extui %eq3A_188 : i1 to i32
    %cond3A_190 = arith.constant 0 : i32
    %cond3A_191 = arith.cmpi ne, %convert_element_type3A_189, %cond3A_190 : i32
    scf.if %cond3A_191 {
      %mul3A = arith.constant 25 : i32
      %mul3A_297 = arith.muli %arg0, %mul3A : i32
      %add3A = arith.constant 4 : i32
      %add3A_298 = arith.addi %mul3A_297, %add3A : i32
      "tpu.region"() ({
        %run_scoped3A = tpu.sem_alloc : memref<!tpu.dma_semaphore, #tpu.memory_space<semaphore_mem>>
        %dma_start3A = arith.constant 160000 : i32
        %dma_start3A_303 = tpu.memref_slice %arg7[%dma_start3A] : memref<1000000xf32, #tpu.memory_space<vmem_shared>> -> memref<40000xf32, #tpu.memory_space<vmem_shared>>
        %dma_start3A_304 = arith.constant 160000 : i32
        %dma_start3A_305 = tpu.memref_slice %arg7[%dma_start3A_304] : memref<1000000xf32, #tpu.memory_space<vmem_shared>> -> memref<40000xf32, #tpu.memory_space<vmem_shared>>
        tpu.enqueue_dma source(%dma_start3A_305 : memref<40000xf32, #tpu.memory_space<vmem_shared>>) target(%arg9 : memref<40000xf32, #tpu.memory_space<vmem>>) target_semaphore(%run_scoped3A : memref<!tpu.dma_semaphore, #tpu.memory_space<semaphore_mem>>)
        %dma_wait3A = arith.constant 160000 : i32
        %dma_wait3A_306 = tpu.memref_slice %arg7[%dma_wait3A] : memref<1000000xf32, #tpu.memory_space<vmem_shared>> -> memref<40000xf32, #tpu.memory_space<vmem_shared>>
        %dma_wait3A_307 = arith.constant 160000 : i32
        %dma_wait3A_308 = tpu.memref_slice %arg7[%dma_wait3A_307] : memref<1000000xf32, #tpu.memory_space<vmem_shared>> -> memref<40000xf32, #tpu.memory_space<vmem_shared>>
        tpu.wait_dma2 semaphore(%run_scoped3A : memref<!tpu.dma_semaphore, #tpu.memory_space<semaphore_mem>>) src(%dma_wait3A_308 : memref<40000xf32, #tpu.memory_space<vmem_shared>>) dst(%arg9 : memref<40000xf32, #tpu.memory_space<vmem>>)
        tpu.yield
      }) : () -> ()
      %mul3A_299 = arith.constant 200 : i32
      %mul3A_300 = arith.muli %add3A_298, %mul3A_299 : i32
      %mul3A_301 = arith.constant 200 : i32
      %mul3A_302 = arith.muli %mul3A_300, %mul3A_301 : i32
      "tpu.region"() ({
        %run_scoped3A = tpu.sem_alloc : memref<!tpu.dma_semaphore, #tpu.memory_space<semaphore_mem>>
        %dma_start3A = tpu.memref_slice %arg5[%mul3A_302] : memref<2000000xf32, #tpu.memory_space<hbm>> -> memref<40000xf32, #tpu.memory_space<hbm>>
        %dma_start3A_303 = tpu.memref_slice %arg5[%mul3A_302] : memref<2000000xf32, #tpu.memory_space<hbm>> -> memref<40000xf32, #tpu.memory_space<hbm>>
        tpu.enqueue_dma source(%arg9 : memref<40000xf32, #tpu.memory_space<vmem>>) target(%dma_start3A_303 : memref<40000xf32, #tpu.memory_space<hbm>>) target_semaphore(%run_scoped3A : memref<!tpu.dma_semaphore, #tpu.memory_space<semaphore_mem>>)
        %dma_wait3A = tpu.memref_slice %arg5[%mul3A_302] : memref<2000000xf32, #tpu.memory_space<hbm>> -> memref<40000xf32, #tpu.memory_space<hbm>>
        %dma_wait3A_304 = tpu.memref_slice %arg5[%mul3A_302] : memref<2000000xf32, #tpu.memory_space<hbm>> -> memref<40000xf32, #tpu.memory_space<hbm>>
        tpu.wait_dma2 semaphore(%run_scoped3A : memref<!tpu.dma_semaphore, #tpu.memory_space<semaphore_mem>>) src(%arg9 : memref<40000xf32, #tpu.memory_space<vmem>>) dst(%dma_wait3A_304 : memref<40000xf32, #tpu.memory_space<hbm>>)
        tpu.yield
      }) : () -> ()
    } else {
    }
    %eq3A_192 = arith.constant 5 : i32
    %eq3A_193 = arith.cmpi eq, %arg1, %eq3A_192 : i32
    %convert_element_type3A_194 = arith.extui %eq3A_193 : i1 to i32
    %cond3A_195 = arith.constant 0 : i32
    %cond3A_196 = arith.cmpi ne, %convert_element_type3A_194, %cond3A_195 : i32
    scf.if %cond3A_196 {
      %mul3A = arith.constant 25 : i32
      %mul3A_297 = arith.muli %arg0, %mul3A : i32
      %add3A = arith.constant 5 : i32
      %add3A_298 = arith.addi %mul3A_297, %add3A : i32
      "tpu.region"() ({
        %run_scoped3A = tpu.sem_alloc : memref<!tpu.dma_semaphore, #tpu.memory_space<semaphore_mem>>
        %dma_start3A = arith.constant 200000 : i32
        %dma_start3A_303 = tpu.memref_slice %arg7[%dma_start3A] : memref<1000000xf32, #tpu.memory_space<vmem_shared>> -> memref<40000xf32, #tpu.memory_space<vmem_shared>>
        %dma_start3A_304 = arith.constant 200000 : i32
        %dma_start3A_305 = tpu.memref_slice %arg7[%dma_start3A_304] : memref<1000000xf32, #tpu.memory_space<vmem_shared>> -> memref<40000xf32, #tpu.memory_space<vmem_shared>>
        tpu.enqueue_dma source(%dma_start3A_305 : memref<40000xf32, #tpu.memory_space<vmem_shared>>) target(%arg9 : memref<40000xf32, #tpu.memory_space<vmem>>) target_semaphore(%run_scoped3A : memref<!tpu.dma_semaphore, #tpu.memory_space<semaphore_mem>>)
        %dma_wait3A = arith.constant 200000 : i32
        %dma_wait3A_306 = tpu.memref_slice %arg7[%dma_wait3A] : memref<1000000xf32, #tpu.memory_space<vmem_shared>> -> memref<40000xf32, #tpu.memory_space<vmem_shared>>
        %dma_wait3A_307 = arith.constant 200000 : i32
        %dma_wait3A_308 = tpu.memref_slice %arg7[%dma_wait3A_307] : memref<1000000xf32, #tpu.memory_space<vmem_shared>> -> memref<40000xf32, #tpu.memory_space<vmem_shared>>
        tpu.wait_dma2 semaphore(%run_scoped3A : memref<!tpu.dma_semaphore, #tpu.memory_space<semaphore_mem>>) src(%dma_wait3A_308 : memref<40000xf32, #tpu.memory_space<vmem_shared>>) dst(%arg9 : memref<40000xf32, #tpu.memory_space<vmem>>)
        tpu.yield
      }) : () -> ()
      %mul3A_299 = arith.constant 200 : i32
      %mul3A_300 = arith.muli %add3A_298, %mul3A_299 : i32
      %mul3A_301 = arith.constant 200 : i32
      %mul3A_302 = arith.muli %mul3A_300, %mul3A_301 : i32
      "tpu.region"() ({
        %run_scoped3A = tpu.sem_alloc : memref<!tpu.dma_semaphore, #tpu.memory_space<semaphore_mem>>
        %dma_start3A = tpu.memref_slice %arg5[%mul3A_302] : memref<2000000xf32, #tpu.memory_space<hbm>> -> memref<40000xf32, #tpu.memory_space<hbm>>
        %dma_start3A_303 = tpu.memref_slice %arg5[%mul3A_302] : memref<2000000xf32, #tpu.memory_space<hbm>> -> memref<40000xf32, #tpu.memory_space<hbm>>
        tpu.enqueue_dma source(%arg9 : memref<40000xf32, #tpu.memory_space<vmem>>) target(%dma_start3A_303 : memref<40000xf32, #tpu.memory_space<hbm>>) target_semaphore(%run_scoped3A : memref<!tpu.dma_semaphore, #tpu.memory_space<semaphore_mem>>)
        %dma_wait3A = tpu.memref_slice %arg5[%mul3A_302] : memref<2000000xf32, #tpu.memory_space<hbm>> -> memref<40000xf32, #tpu.memory_space<hbm>>
        %dma_wait3A_304 = tpu.memref_slice %arg5[%mul3A_302] : memref<2000000xf32, #tpu.memory_space<hbm>> -> memref<40000xf32, #tpu.memory_space<hbm>>
        tpu.wait_dma2 semaphore(%run_scoped3A : memref<!tpu.dma_semaphore, #tpu.memory_space<semaphore_mem>>) src(%arg9 : memref<40000xf32, #tpu.memory_space<vmem>>) dst(%dma_wait3A_304 : memref<40000xf32, #tpu.memory_space<hbm>>)
        tpu.yield
      }) : () -> ()
    } else {
    }
    %eq3A_197 = arith.constant 6 : i32
    %eq3A_198 = arith.cmpi eq, %arg1, %eq3A_197 : i32
    %convert_element_type3A_199 = arith.extui %eq3A_198 : i1 to i32
    %cond3A_200 = arith.constant 0 : i32
    %cond3A_201 = arith.cmpi ne, %convert_element_type3A_199, %cond3A_200 : i32
    scf.if %cond3A_201 {
      %mul3A = arith.constant 25 : i32
      %mul3A_297 = arith.muli %arg0, %mul3A : i32
      %add3A = arith.constant 6 : i32
      %add3A_298 = arith.addi %mul3A_297, %add3A : i32
      "tpu.region"() ({
        %run_scoped3A = tpu.sem_alloc : memref<!tpu.dma_semaphore, #tpu.memory_space<semaphore_mem>>
        %dma_start3A = arith.constant 240000 : i32
        %dma_start3A_303 = tpu.memref_slice %arg7[%dma_start3A] : memref<1000000xf32, #tpu.memory_space<vmem_shared>> -> memref<40000xf32, #tpu.memory_space<vmem_shared>>
        %dma_start3A_304 = arith.constant 240000 : i32
        %dma_start3A_305 = tpu.memref_slice %arg7[%dma_start3A_304] : memref<1000000xf32, #tpu.memory_space<vmem_shared>> -> memref<40000xf32, #tpu.memory_space<vmem_shared>>
        tpu.enqueue_dma source(%dma_start3A_305 : memref<40000xf32, #tpu.memory_space<vmem_shared>>) target(%arg9 : memref<40000xf32, #tpu.memory_space<vmem>>) target_semaphore(%run_scoped3A : memref<!tpu.dma_semaphore, #tpu.memory_space<semaphore_mem>>)
        %dma_wait3A = arith.constant 240000 : i32
        %dma_wait3A_306 = tpu.memref_slice %arg7[%dma_wait3A] : memref<1000000xf32, #tpu.memory_space<vmem_shared>> -> memref<40000xf32, #tpu.memory_space<vmem_shared>>
        %dma_wait3A_307 = arith.constant 240000 : i32
        %dma_wait3A_308 = tpu.memref_slice %arg7[%dma_wait3A_307] : memref<1000000xf32, #tpu.memory_space<vmem_shared>> -> memref<40000xf32, #tpu.memory_space<vmem_shared>>
        tpu.wait_dma2 semaphore(%run_scoped3A : memref<!tpu.dma_semaphore, #tpu.memory_space<semaphore_mem>>) src(%dma_wait3A_308 : memref<40000xf32, #tpu.memory_space<vmem_shared>>) dst(%arg9 : memref<40000xf32, #tpu.memory_space<vmem>>)
        tpu.yield
      }) : () -> ()
      %mul3A_299 = arith.constant 200 : i32
      %mul3A_300 = arith.muli %add3A_298, %mul3A_299 : i32
      %mul3A_301 = arith.constant 200 : i32
      %mul3A_302 = arith.muli %mul3A_300, %mul3A_301 : i32
      "tpu.region"() ({
        %run_scoped3A = tpu.sem_alloc : memref<!tpu.dma_semaphore, #tpu.memory_space<semaphore_mem>>
        %dma_start3A = tpu.memref_slice %arg5[%mul3A_302] : memref<2000000xf32, #tpu.memory_space<hbm>> -> memref<40000xf32, #tpu.memory_space<hbm>>
        %dma_start3A_303 = tpu.memref_slice %arg5[%mul3A_302] : memref<2000000xf32, #tpu.memory_space<hbm>> -> memref<40000xf32, #tpu.memory_space<hbm>>
        tpu.enqueue_dma source(%arg9 : memref<40000xf32, #tpu.memory_space<vmem>>) target(%dma_start3A_303 : memref<40000xf32, #tpu.memory_space<hbm>>) target_semaphore(%run_scoped3A : memref<!tpu.dma_semaphore, #tpu.memory_space<semaphore_mem>>)
        %dma_wait3A = tpu.memref_slice %arg5[%mul3A_302] : memref<2000000xf32, #tpu.memory_space<hbm>> -> memref<40000xf32, #tpu.memory_space<hbm>>
        %dma_wait3A_304 = tpu.memref_slice %arg5[%mul3A_302] : memref<2000000xf32, #tpu.memory_space<hbm>> -> memref<40000xf32, #tpu.memory_space<hbm>>
        tpu.wait_dma2 semaphore(%run_scoped3A : memref<!tpu.dma_semaphore, #tpu.memory_space<semaphore_mem>>) src(%arg9 : memref<40000xf32, #tpu.memory_space<vmem>>) dst(%dma_wait3A_304 : memref<40000xf32, #tpu.memory_space<hbm>>)
        tpu.yield
      }) : () -> ()
    } else {
    }
    %eq3A_202 = arith.constant 7 : i32
    %eq3A_203 = arith.cmpi eq, %arg1, %eq3A_202 : i32
    %convert_element_type3A_204 = arith.extui %eq3A_203 : i1 to i32
    %cond3A_205 = arith.constant 0 : i32
    %cond3A_206 = arith.cmpi ne, %convert_element_type3A_204, %cond3A_205 : i32
    scf.if %cond3A_206 {
      %mul3A = arith.constant 25 : i32
      %mul3A_297 = arith.muli %arg0, %mul3A : i32
      %add3A = arith.constant 7 : i32
      %add3A_298 = arith.addi %mul3A_297, %add3A : i32
      "tpu.region"() ({
        %run_scoped3A = tpu.sem_alloc : memref<!tpu.dma_semaphore, #tpu.memory_space<semaphore_mem>>
        %dma_start3A = arith.constant 280000 : i32
        %dma_start3A_303 = tpu.memref_slice %arg7[%dma_start3A] : memref<1000000xf32, #tpu.memory_space<vmem_shared>> -> memref<40000xf32, #tpu.memory_space<vmem_shared>>
        %dma_start3A_304 = arith.constant 280000 : i32
        %dma_start3A_305 = tpu.memref_slice %arg7[%dma_start3A_304] : memref<1000000xf32, #tpu.memory_space<vmem_shared>> -> memref<40000xf32, #tpu.memory_space<vmem_shared>>
        tpu.enqueue_dma source(%dma_start3A_305 : memref<40000xf32, #tpu.memory_space<vmem_shared>>) target(%arg9 : memref<40000xf32, #tpu.memory_space<vmem>>) target_semaphore(%run_scoped3A : memref<!tpu.dma_semaphore, #tpu.memory_space<semaphore_mem>>)
        %dma_wait3A = arith.constant 280000 : i32
        %dma_wait3A_306 = tpu.memref_slice %arg7[%dma_wait3A] : memref<1000000xf32, #tpu.memory_space<vmem_shared>> -> memref<40000xf32, #tpu.memory_space<vmem_shared>>
        %dma_wait3A_307 = arith.constant 280000 : i32
        %dma_wait3A_308 = tpu.memref_slice %arg7[%dma_wait3A_307] : memref<1000000xf32, #tpu.memory_space<vmem_shared>> -> memref<40000xf32, #tpu.memory_space<vmem_shared>>
        tpu.wait_dma2 semaphore(%run_scoped3A : memref<!tpu.dma_semaphore, #tpu.memory_space<semaphore_mem>>) src(%dma_wait3A_308 : memref<40000xf32, #tpu.memory_space<vmem_shared>>) dst(%arg9 : memref<40000xf32, #tpu.memory_space<vmem>>)
        tpu.yield
      }) : () -> ()
      %mul3A_299 = arith.constant 200 : i32
      %mul3A_300 = arith.muli %add3A_298, %mul3A_299 : i32
      %mul3A_301 = arith.constant 200 : i32
      %mul3A_302 = arith.muli %mul3A_300, %mul3A_301 : i32
      "tpu.region"() ({
        %run_scoped3A = tpu.sem_alloc : memref<!tpu.dma_semaphore, #tpu.memory_space<semaphore_mem>>
        %dma_start3A = tpu.memref_slice %arg5[%mul3A_302] : memref<2000000xf32, #tpu.memory_space<hbm>> -> memref<40000xf32, #tpu.memory_space<hbm>>
        %dma_start3A_303 = tpu.memref_slice %arg5[%mul3A_302] : memref<2000000xf32, #tpu.memory_space<hbm>> -> memref<40000xf32, #tpu.memory_space<hbm>>
        tpu.enqueue_dma source(%arg9 : memref<40000xf32, #tpu.memory_space<vmem>>) target(%dma_start3A_303 : memref<40000xf32, #tpu.memory_space<hbm>>) target_semaphore(%run_scoped3A : memref<!tpu.dma_semaphore, #tpu.memory_space<semaphore_mem>>)
        %dma_wait3A = tpu.memref_slice %arg5[%mul3A_302] : memref<2000000xf32, #tpu.memory_space<hbm>> -> memref<40000xf32, #tpu.memory_space<hbm>>
        %dma_wait3A_304 = tpu.memref_slice %arg5[%mul3A_302] : memref<2000000xf32, #tpu.memory_space<hbm>> -> memref<40000xf32, #tpu.memory_space<hbm>>
        tpu.wait_dma2 semaphore(%run_scoped3A : memref<!tpu.dma_semaphore, #tpu.memory_space<semaphore_mem>>) src(%arg9 : memref<40000xf32, #tpu.memory_space<vmem>>) dst(%dma_wait3A_304 : memref<40000xf32, #tpu.memory_space<hbm>>)
        tpu.yield
      }) : () -> ()
    } else {
    }
    %eq3A_207 = arith.constant 8 : i32
    %eq3A_208 = arith.cmpi eq, %arg1, %eq3A_207 : i32
    %convert_element_type3A_209 = arith.extui %eq3A_208 : i1 to i32
    %cond3A_210 = arith.constant 0 : i32
    %cond3A_211 = arith.cmpi ne, %convert_element_type3A_209, %cond3A_210 : i32
    scf.if %cond3A_211 {
      %mul3A = arith.constant 25 : i32
      %mul3A_297 = arith.muli %arg0, %mul3A : i32
      %add3A = arith.constant 8 : i32
      %add3A_298 = arith.addi %mul3A_297, %add3A : i32
      "tpu.region"() ({
        %run_scoped3A = tpu.sem_alloc : memref<!tpu.dma_semaphore, #tpu.memory_space<semaphore_mem>>
        %dma_start3A = arith.constant 320000 : i32
        %dma_start3A_303 = tpu.memref_slice %arg7[%dma_start3A] : memref<1000000xf32, #tpu.memory_space<vmem_shared>> -> memref<40000xf32, #tpu.memory_space<vmem_shared>>
        %dma_start3A_304 = arith.constant 320000 : i32
        %dma_start3A_305 = tpu.memref_slice %arg7[%dma_start3A_304] : memref<1000000xf32, #tpu.memory_space<vmem_shared>> -> memref<40000xf32, #tpu.memory_space<vmem_shared>>
        tpu.enqueue_dma source(%dma_start3A_305 : memref<40000xf32, #tpu.memory_space<vmem_shared>>) target(%arg9 : memref<40000xf32, #tpu.memory_space<vmem>>) target_semaphore(%run_scoped3A : memref<!tpu.dma_semaphore, #tpu.memory_space<semaphore_mem>>)
        %dma_wait3A = arith.constant 320000 : i32
        %dma_wait3A_306 = tpu.memref_slice %arg7[%dma_wait3A] : memref<1000000xf32, #tpu.memory_space<vmem_shared>> -> memref<40000xf32, #tpu.memory_space<vmem_shared>>
        %dma_wait3A_307 = arith.constant 320000 : i32
        %dma_wait3A_308 = tpu.memref_slice %arg7[%dma_wait3A_307] : memref<1000000xf32, #tpu.memory_space<vmem_shared>> -> memref<40000xf32, #tpu.memory_space<vmem_shared>>
        tpu.wait_dma2 semaphore(%run_scoped3A : memref<!tpu.dma_semaphore, #tpu.memory_space<semaphore_mem>>) src(%dma_wait3A_308 : memref<40000xf32, #tpu.memory_space<vmem_shared>>) dst(%arg9 : memref<40000xf32, #tpu.memory_space<vmem>>)
        tpu.yield
      }) : () -> ()
      %mul3A_299 = arith.constant 200 : i32
      %mul3A_300 = arith.muli %add3A_298, %mul3A_299 : i32
      %mul3A_301 = arith.constant 200 : i32
      %mul3A_302 = arith.muli %mul3A_300, %mul3A_301 : i32
      "tpu.region"() ({
        %run_scoped3A = tpu.sem_alloc : memref<!tpu.dma_semaphore, #tpu.memory_space<semaphore_mem>>
        %dma_start3A = tpu.memref_slice %arg5[%mul3A_302] : memref<2000000xf32, #tpu.memory_space<hbm>> -> memref<40000xf32, #tpu.memory_space<hbm>>
        %dma_start3A_303 = tpu.memref_slice %arg5[%mul3A_302] : memref<2000000xf32, #tpu.memory_space<hbm>> -> memref<40000xf32, #tpu.memory_space<hbm>>
        tpu.enqueue_dma source(%arg9 : memref<40000xf32, #tpu.memory_space<vmem>>) target(%dma_start3A_303 : memref<40000xf32, #tpu.memory_space<hbm>>) target_semaphore(%run_scoped3A : memref<!tpu.dma_semaphore, #tpu.memory_space<semaphore_mem>>)
        %dma_wait3A = tpu.memref_slice %arg5[%mul3A_302] : memref<2000000xf32, #tpu.memory_space<hbm>> -> memref<40000xf32, #tpu.memory_space<hbm>>
        %dma_wait3A_304 = tpu.memref_slice %arg5[%mul3A_302] : memref<2000000xf32, #tpu.memory_space<hbm>> -> memref<40000xf32, #tpu.memory_space<hbm>>
        tpu.wait_dma2 semaphore(%run_scoped3A : memref<!tpu.dma_semaphore, #tpu.memory_space<semaphore_mem>>) src(%arg9 : memref<40000xf32, #tpu.memory_space<vmem>>) dst(%dma_wait3A_304 : memref<40000xf32, #tpu.memory_space<hbm>>)
        tpu.yield
      }) : () -> ()
    } else {
    }
    %eq3A_212 = arith.constant 9 : i32
    %eq3A_213 = arith.cmpi eq, %arg1, %eq3A_212 : i32
    %convert_element_type3A_214 = arith.extui %eq3A_213 : i1 to i32
    %cond3A_215 = arith.constant 0 : i32
    %cond3A_216 = arith.cmpi ne, %convert_element_type3A_214, %cond3A_215 : i32
    scf.if %cond3A_216 {
      %mul3A = arith.constant 25 : i32
      %mul3A_297 = arith.muli %arg0, %mul3A : i32
      %add3A = arith.constant 9 : i32
      %add3A_298 = arith.addi %mul3A_297, %add3A : i32
      "tpu.region"() ({
        %run_scoped3A = tpu.sem_alloc : memref<!tpu.dma_semaphore, #tpu.memory_space<semaphore_mem>>
        %dma_start3A = arith.constant 360000 : i32
        %dma_start3A_303 = tpu.memref_slice %arg7[%dma_start3A] : memref<1000000xf32, #tpu.memory_space<vmem_shared>> -> memref<40000xf32, #tpu.memory_space<vmem_shared>>
        %dma_start3A_304 = arith.constant 360000 : i32
        %dma_start3A_305 = tpu.memref_slice %arg7[%dma_start3A_304] : memref<1000000xf32, #tpu.memory_space<vmem_shared>> -> memref<40000xf32, #tpu.memory_space<vmem_shared>>
        tpu.enqueue_dma source(%dma_start3A_305 : memref<40000xf32, #tpu.memory_space<vmem_shared>>) target(%arg9 : memref<40000xf32, #tpu.memory_space<vmem>>) target_semaphore(%run_scoped3A : memref<!tpu.dma_semaphore, #tpu.memory_space<semaphore_mem>>)
        %dma_wait3A = arith.constant 360000 : i32
        %dma_wait3A_306 = tpu.memref_slice %arg7[%dma_wait3A] : memref<1000000xf32, #tpu.memory_space<vmem_shared>> -> memref<40000xf32, #tpu.memory_space<vmem_shared>>
        %dma_wait3A_307 = arith.constant 360000 : i32
        %dma_wait3A_308 = tpu.memref_slice %arg7[%dma_wait3A_307] : memref<1000000xf32, #tpu.memory_space<vmem_shared>> -> memref<40000xf32, #tpu.memory_space<vmem_shared>>
        tpu.wait_dma2 semaphore(%run_scoped3A : memref<!tpu.dma_semaphore, #tpu.memory_space<semaphore_mem>>) src(%dma_wait3A_308 : memref<40000xf32, #tpu.memory_space<vmem_shared>>) dst(%arg9 : memref<40000xf32, #tpu.memory_space<vmem>>)
        tpu.yield
      }) : () -> ()
      %mul3A_299 = arith.constant 200 : i32
      %mul3A_300 = arith.muli %add3A_298, %mul3A_299 : i32
      %mul3A_301 = arith.constant 200 : i32
      %mul3A_302 = arith.muli %mul3A_300, %mul3A_301 : i32
      "tpu.region"() ({
        %run_scoped3A = tpu.sem_alloc : memref<!tpu.dma_semaphore, #tpu.memory_space<semaphore_mem>>
        %dma_start3A = tpu.memref_slice %arg5[%mul3A_302] : memref<2000000xf32, #tpu.memory_space<hbm>> -> memref<40000xf32, #tpu.memory_space<hbm>>
        %dma_start3A_303 = tpu.memref_slice %arg5[%mul3A_302] : memref<2000000xf32, #tpu.memory_space<hbm>> -> memref<40000xf32, #tpu.memory_space<hbm>>
        tpu.enqueue_dma source(%arg9 : memref<40000xf32, #tpu.memory_space<vmem>>) target(%dma_start3A_303 : memref<40000xf32, #tpu.memory_space<hbm>>) target_semaphore(%run_scoped3A : memref<!tpu.dma_semaphore, #tpu.memory_space<semaphore_mem>>)
        %dma_wait3A = tpu.memref_slice %arg5[%mul3A_302] : memref<2000000xf32, #tpu.memory_space<hbm>> -> memref<40000xf32, #tpu.memory_space<hbm>>
        %dma_wait3A_304 = tpu.memref_slice %arg5[%mul3A_302] : memref<2000000xf32, #tpu.memory_space<hbm>> -> memref<40000xf32, #tpu.memory_space<hbm>>
        tpu.wait_dma2 semaphore(%run_scoped3A : memref<!tpu.dma_semaphore, #tpu.memory_space<semaphore_mem>>) src(%arg9 : memref<40000xf32, #tpu.memory_space<vmem>>) dst(%dma_wait3A_304 : memref<40000xf32, #tpu.memory_space<hbm>>)
        tpu.yield
      }) : () -> ()
    } else {
    }
    %eq3A_217 = arith.constant 10 : i32
    %eq3A_218 = arith.cmpi eq, %arg1, %eq3A_217 : i32
    %convert_element_type3A_219 = arith.extui %eq3A_218 : i1 to i32
    %cond3A_220 = arith.constant 0 : i32
    %cond3A_221 = arith.cmpi ne, %convert_element_type3A_219, %cond3A_220 : i32
    scf.if %cond3A_221 {
      %mul3A = arith.constant 25 : i32
      %mul3A_297 = arith.muli %arg0, %mul3A : i32
      %add3A = arith.constant 10 : i32
      %add3A_298 = arith.addi %mul3A_297, %add3A : i32
      "tpu.region"() ({
        %run_scoped3A = tpu.sem_alloc : memref<!tpu.dma_semaphore, #tpu.memory_space<semaphore_mem>>
        %dma_start3A = arith.constant 400000 : i32
        %dma_start3A_303 = tpu.memref_slice %arg7[%dma_start3A] : memref<1000000xf32, #tpu.memory_space<vmem_shared>> -> memref<40000xf32, #tpu.memory_space<vmem_shared>>
        %dma_start3A_304 = arith.constant 400000 : i32
        %dma_start3A_305 = tpu.memref_slice %arg7[%dma_start3A_304] : memref<1000000xf32, #tpu.memory_space<vmem_shared>> -> memref<40000xf32, #tpu.memory_space<vmem_shared>>
        tpu.enqueue_dma source(%dma_start3A_305 : memref<40000xf32, #tpu.memory_space<vmem_shared>>) target(%arg9 : memref<40000xf32, #tpu.memory_space<vmem>>) target_semaphore(%run_scoped3A : memref<!tpu.dma_semaphore, #tpu.memory_space<semaphore_mem>>)
        %dma_wait3A = arith.constant 400000 : i32
        %dma_wait3A_306 = tpu.memref_slice %arg7[%dma_wait3A] : memref<1000000xf32, #tpu.memory_space<vmem_shared>> -> memref<40000xf32, #tpu.memory_space<vmem_shared>>
        %dma_wait3A_307 = arith.constant 400000 : i32
        %dma_wait3A_308 = tpu.memref_slice %arg7[%dma_wait3A_307] : memref<1000000xf32, #tpu.memory_space<vmem_shared>> -> memref<40000xf32, #tpu.memory_space<vmem_shared>>
        tpu.wait_dma2 semaphore(%run_scoped3A : memref<!tpu.dma_semaphore, #tpu.memory_space<semaphore_mem>>) src(%dma_wait3A_308 : memref<40000xf32, #tpu.memory_space<vmem_shared>>) dst(%arg9 : memref<40000xf32, #tpu.memory_space<vmem>>)
        tpu.yield
      }) : () -> ()
      %mul3A_299 = arith.constant 200 : i32
      %mul3A_300 = arith.muli %add3A_298, %mul3A_299 : i32
      %mul3A_301 = arith.constant 200 : i32
      %mul3A_302 = arith.muli %mul3A_300, %mul3A_301 : i32
      "tpu.region"() ({
        %run_scoped3A = tpu.sem_alloc : memref<!tpu.dma_semaphore, #tpu.memory_space<semaphore_mem>>
        %dma_start3A = tpu.memref_slice %arg5[%mul3A_302] : memref<2000000xf32, #tpu.memory_space<hbm>> -> memref<40000xf32, #tpu.memory_space<hbm>>
        %dma_start3A_303 = tpu.memref_slice %arg5[%mul3A_302] : memref<2000000xf32, #tpu.memory_space<hbm>> -> memref<40000xf32, #tpu.memory_space<hbm>>
        tpu.enqueue_dma source(%arg9 : memref<40000xf32, #tpu.memory_space<vmem>>) target(%dma_start3A_303 : memref<40000xf32, #tpu.memory_space<hbm>>) target_semaphore(%run_scoped3A : memref<!tpu.dma_semaphore, #tpu.memory_space<semaphore_mem>>)
        %dma_wait3A = tpu.memref_slice %arg5[%mul3A_302] : memref<2000000xf32, #tpu.memory_space<hbm>> -> memref<40000xf32, #tpu.memory_space<hbm>>
        %dma_wait3A_304 = tpu.memref_slice %arg5[%mul3A_302] : memref<2000000xf32, #tpu.memory_space<hbm>> -> memref<40000xf32, #tpu.memory_space<hbm>>
        tpu.wait_dma2 semaphore(%run_scoped3A : memref<!tpu.dma_semaphore, #tpu.memory_space<semaphore_mem>>) src(%arg9 : memref<40000xf32, #tpu.memory_space<vmem>>) dst(%dma_wait3A_304 : memref<40000xf32, #tpu.memory_space<hbm>>)
        tpu.yield
      }) : () -> ()
    } else {
    }
    %eq3A_222 = arith.constant 11 : i32
    %eq3A_223 = arith.cmpi eq, %arg1, %eq3A_222 : i32
    %convert_element_type3A_224 = arith.extui %eq3A_223 : i1 to i32
    %cond3A_225 = arith.constant 0 : i32
    %cond3A_226 = arith.cmpi ne, %convert_element_type3A_224, %cond3A_225 : i32
    scf.if %cond3A_226 {
      %mul3A = arith.constant 25 : i32
      %mul3A_297 = arith.muli %arg0, %mul3A : i32
      %add3A = arith.constant 11 : i32
      %add3A_298 = arith.addi %mul3A_297, %add3A : i32
      "tpu.region"() ({
        %run_scoped3A = tpu.sem_alloc : memref<!tpu.dma_semaphore, #tpu.memory_space<semaphore_mem>>
        %dma_start3A = arith.constant 440000 : i32
        %dma_start3A_303 = tpu.memref_slice %arg7[%dma_start3A] : memref<1000000xf32, #tpu.memory_space<vmem_shared>> -> memref<40000xf32, #tpu.memory_space<vmem_shared>>
        %dma_start3A_304 = arith.constant 440000 : i32
        %dma_start3A_305 = tpu.memref_slice %arg7[%dma_start3A_304] : memref<1000000xf32, #tpu.memory_space<vmem_shared>> -> memref<40000xf32, #tpu.memory_space<vmem_shared>>
        tpu.enqueue_dma source(%dma_start3A_305 : memref<40000xf32, #tpu.memory_space<vmem_shared>>) target(%arg9 : memref<40000xf32, #tpu.memory_space<vmem>>) target_semaphore(%run_scoped3A : memref<!tpu.dma_semaphore, #tpu.memory_space<semaphore_mem>>)
        %dma_wait3A = arith.constant 440000 : i32
        %dma_wait3A_306 = tpu.memref_slice %arg7[%dma_wait3A] : memref<1000000xf32, #tpu.memory_space<vmem_shared>> -> memref<40000xf32, #tpu.memory_space<vmem_shared>>
        %dma_wait3A_307 = arith.constant 440000 : i32
        %dma_wait3A_308 = tpu.memref_slice %arg7[%dma_wait3A_307] : memref<1000000xf32, #tpu.memory_space<vmem_shared>> -> memref<40000xf32, #tpu.memory_space<vmem_shared>>
        tpu.wait_dma2 semaphore(%run_scoped3A : memref<!tpu.dma_semaphore, #tpu.memory_space<semaphore_mem>>) src(%dma_wait3A_308 : memref<40000xf32, #tpu.memory_space<vmem_shared>>) dst(%arg9 : memref<40000xf32, #tpu.memory_space<vmem>>)
        tpu.yield
      }) : () -> ()
      %mul3A_299 = arith.constant 200 : i32
      %mul3A_300 = arith.muli %add3A_298, %mul3A_299 : i32
      %mul3A_301 = arith.constant 200 : i32
      %mul3A_302 = arith.muli %mul3A_300, %mul3A_301 : i32
      "tpu.region"() ({
        %run_scoped3A = tpu.sem_alloc : memref<!tpu.dma_semaphore, #tpu.memory_space<semaphore_mem>>
        %dma_start3A = tpu.memref_slice %arg5[%mul3A_302] : memref<2000000xf32, #tpu.memory_space<hbm>> -> memref<40000xf32, #tpu.memory_space<hbm>>
        %dma_start3A_303 = tpu.memref_slice %arg5[%mul3A_302] : memref<2000000xf32, #tpu.memory_space<hbm>> -> memref<40000xf32, #tpu.memory_space<hbm>>
        tpu.enqueue_dma source(%arg9 : memref<40000xf32, #tpu.memory_space<vmem>>) target(%dma_start3A_303 : memref<40000xf32, #tpu.memory_space<hbm>>) target_semaphore(%run_scoped3A : memref<!tpu.dma_semaphore, #tpu.memory_space<semaphore_mem>>)
        %dma_wait3A = tpu.memref_slice %arg5[%mul3A_302] : memref<2000000xf32, #tpu.memory_space<hbm>> -> memref<40000xf32, #tpu.memory_space<hbm>>
        %dma_wait3A_304 = tpu.memref_slice %arg5[%mul3A_302] : memref<2000000xf32, #tpu.memory_space<hbm>> -> memref<40000xf32, #tpu.memory_space<hbm>>
        tpu.wait_dma2 semaphore(%run_scoped3A : memref<!tpu.dma_semaphore, #tpu.memory_space<semaphore_mem>>) src(%arg9 : memref<40000xf32, #tpu.memory_space<vmem>>) dst(%dma_wait3A_304 : memref<40000xf32, #tpu.memory_space<hbm>>)
        tpu.yield
      }) : () -> ()
    } else {
    }
    %eq3A_227 = arith.constant 12 : i32
    %eq3A_228 = arith.cmpi eq, %arg1, %eq3A_227 : i32
    %convert_element_type3A_229 = arith.extui %eq3A_228 : i1 to i32
    %cond3A_230 = arith.constant 0 : i32
    %cond3A_231 = arith.cmpi ne, %convert_element_type3A_229, %cond3A_230 : i32
    scf.if %cond3A_231 {
      %mul3A = arith.constant 25 : i32
      %mul3A_297 = arith.muli %arg0, %mul3A : i32
      %add3A = arith.constant 12 : i32
      %add3A_298 = arith.addi %mul3A_297, %add3A : i32
      "tpu.region"() ({
        %run_scoped3A = tpu.sem_alloc : memref<!tpu.dma_semaphore, #tpu.memory_space<semaphore_mem>>
        %dma_start3A = arith.constant 480000 : i32
        %dma_start3A_303 = tpu.memref_slice %arg7[%dma_start3A] : memref<1000000xf32, #tpu.memory_space<vmem_shared>> -> memref<40000xf32, #tpu.memory_space<vmem_shared>>
        %dma_start3A_304 = arith.constant 480000 : i32
        %dma_start3A_305 = tpu.memref_slice %arg7[%dma_start3A_304] : memref<1000000xf32, #tpu.memory_space<vmem_shared>> -> memref<40000xf32, #tpu.memory_space<vmem_shared>>
        tpu.enqueue_dma source(%dma_start3A_305 : memref<40000xf32, #tpu.memory_space<vmem_shared>>) target(%arg9 : memref<40000xf32, #tpu.memory_space<vmem>>) target_semaphore(%run_scoped3A : memref<!tpu.dma_semaphore, #tpu.memory_space<semaphore_mem>>)
        %dma_wait3A = arith.constant 480000 : i32
        %dma_wait3A_306 = tpu.memref_slice %arg7[%dma_wait3A] : memref<1000000xf32, #tpu.memory_space<vmem_shared>> -> memref<40000xf32, #tpu.memory_space<vmem_shared>>
        %dma_wait3A_307 = arith.constant 480000 : i32
        %dma_wait3A_308 = tpu.memref_slice %arg7[%dma_wait3A_307] : memref<1000000xf32, #tpu.memory_space<vmem_shared>> -> memref<40000xf32, #tpu.memory_space<vmem_shared>>
        tpu.wait_dma2 semaphore(%run_scoped3A : memref<!tpu.dma_semaphore, #tpu.memory_space<semaphore_mem>>) src(%dma_wait3A_308 : memref<40000xf32, #tpu.memory_space<vmem_shared>>) dst(%arg9 : memref<40000xf32, #tpu.memory_space<vmem>>)
        tpu.yield
      }) : () -> ()
      %mul3A_299 = arith.constant 200 : i32
      %mul3A_300 = arith.muli %add3A_298, %mul3A_299 : i32
      %mul3A_301 = arith.constant 200 : i32
      %mul3A_302 = arith.muli %mul3A_300, %mul3A_301 : i32
      "tpu.region"() ({
        %run_scoped3A = tpu.sem_alloc : memref<!tpu.dma_semaphore, #tpu.memory_space<semaphore_mem>>
        %dma_start3A = tpu.memref_slice %arg5[%mul3A_302] : memref<2000000xf32, #tpu.memory_space<hbm>> -> memref<40000xf32, #tpu.memory_space<hbm>>
        %dma_start3A_303 = tpu.memref_slice %arg5[%mul3A_302] : memref<2000000xf32, #tpu.memory_space<hbm>> -> memref<40000xf32, #tpu.memory_space<hbm>>
        tpu.enqueue_dma source(%arg9 : memref<40000xf32, #tpu.memory_space<vmem>>) target(%dma_start3A_303 : memref<40000xf32, #tpu.memory_space<hbm>>) target_semaphore(%run_scoped3A : memref<!tpu.dma_semaphore, #tpu.memory_space<semaphore_mem>>)
        %dma_wait3A = tpu.memref_slice %arg5[%mul3A_302] : memref<2000000xf32, #tpu.memory_space<hbm>> -> memref<40000xf32, #tpu.memory_space<hbm>>
        %dma_wait3A_304 = tpu.memref_slice %arg5[%mul3A_302] : memref<2000000xf32, #tpu.memory_space<hbm>> -> memref<40000xf32, #tpu.memory_space<hbm>>
        tpu.wait_dma2 semaphore(%run_scoped3A : memref<!tpu.dma_semaphore, #tpu.memory_space<semaphore_mem>>) src(%arg9 : memref<40000xf32, #tpu.memory_space<vmem>>) dst(%dma_wait3A_304 : memref<40000xf32, #tpu.memory_space<hbm>>)
        tpu.yield
      }) : () -> ()
    } else {
    }
    %eq3A_232 = arith.constant 13 : i32
    %eq3A_233 = arith.cmpi eq, %arg1, %eq3A_232 : i32
    %convert_element_type3A_234 = arith.extui %eq3A_233 : i1 to i32
    %cond3A_235 = arith.constant 0 : i32
    %cond3A_236 = arith.cmpi ne, %convert_element_type3A_234, %cond3A_235 : i32
    scf.if %cond3A_236 {
      %mul3A = arith.constant 25 : i32
      %mul3A_297 = arith.muli %arg0, %mul3A : i32
      %add3A = arith.constant 13 : i32
      %add3A_298 = arith.addi %mul3A_297, %add3A : i32
      "tpu.region"() ({
        %run_scoped3A = tpu.sem_alloc : memref<!tpu.dma_semaphore, #tpu.memory_space<semaphore_mem>>
        %dma_start3A = arith.constant 520000 : i32
        %dma_start3A_303 = tpu.memref_slice %arg7[%dma_start3A] : memref<1000000xf32, #tpu.memory_space<vmem_shared>> -> memref<40000xf32, #tpu.memory_space<vmem_shared>>
        %dma_start3A_304 = arith.constant 520000 : i32
        %dma_start3A_305 = tpu.memref_slice %arg7[%dma_start3A_304] : memref<1000000xf32, #tpu.memory_space<vmem_shared>> -> memref<40000xf32, #tpu.memory_space<vmem_shared>>
        tpu.enqueue_dma source(%dma_start3A_305 : memref<40000xf32, #tpu.memory_space<vmem_shared>>) target(%arg9 : memref<40000xf32, #tpu.memory_space<vmem>>) target_semaphore(%run_scoped3A : memref<!tpu.dma_semaphore, #tpu.memory_space<semaphore_mem>>)
        %dma_wait3A = arith.constant 520000 : i32
        %dma_wait3A_306 = tpu.memref_slice %arg7[%dma_wait3A] : memref<1000000xf32, #tpu.memory_space<vmem_shared>> -> memref<40000xf32, #tpu.memory_space<vmem_shared>>
        %dma_wait3A_307 = arith.constant 520000 : i32
        %dma_wait3A_308 = tpu.memref_slice %arg7[%dma_wait3A_307] : memref<1000000xf32, #tpu.memory_space<vmem_shared>> -> memref<40000xf32, #tpu.memory_space<vmem_shared>>
        tpu.wait_dma2 semaphore(%run_scoped3A : memref<!tpu.dma_semaphore, #tpu.memory_space<semaphore_mem>>) src(%dma_wait3A_308 : memref<40000xf32, #tpu.memory_space<vmem_shared>>) dst(%arg9 : memref<40000xf32, #tpu.memory_space<vmem>>)
        tpu.yield
      }) : () -> ()
      %mul3A_299 = arith.constant 200 : i32
      %mul3A_300 = arith.muli %add3A_298, %mul3A_299 : i32
      %mul3A_301 = arith.constant 200 : i32
      %mul3A_302 = arith.muli %mul3A_300, %mul3A_301 : i32
      "tpu.region"() ({
        %run_scoped3A = tpu.sem_alloc : memref<!tpu.dma_semaphore, #tpu.memory_space<semaphore_mem>>
        %dma_start3A = tpu.memref_slice %arg5[%mul3A_302] : memref<2000000xf32, #tpu.memory_space<hbm>> -> memref<40000xf32, #tpu.memory_space<hbm>>
        %dma_start3A_303 = tpu.memref_slice %arg5[%mul3A_302] : memref<2000000xf32, #tpu.memory_space<hbm>> -> memref<40000xf32, #tpu.memory_space<hbm>>
        tpu.enqueue_dma source(%arg9 : memref<40000xf32, #tpu.memory_space<vmem>>) target(%dma_start3A_303 : memref<40000xf32, #tpu.memory_space<hbm>>) target_semaphore(%run_scoped3A : memref<!tpu.dma_semaphore, #tpu.memory_space<semaphore_mem>>)
        %dma_wait3A = tpu.memref_slice %arg5[%mul3A_302] : memref<2000000xf32, #tpu.memory_space<hbm>> -> memref<40000xf32, #tpu.memory_space<hbm>>
        %dma_wait3A_304 = tpu.memref_slice %arg5[%mul3A_302] : memref<2000000xf32, #tpu.memory_space<hbm>> -> memref<40000xf32, #tpu.memory_space<hbm>>
        tpu.wait_dma2 semaphore(%run_scoped3A : memref<!tpu.dma_semaphore, #tpu.memory_space<semaphore_mem>>) src(%arg9 : memref<40000xf32, #tpu.memory_space<vmem>>) dst(%dma_wait3A_304 : memref<40000xf32, #tpu.memory_space<hbm>>)
        tpu.yield
      }) : () -> ()
    } else {
    }
    %eq3A_237 = arith.constant 14 : i32
    %eq3A_238 = arith.cmpi eq, %arg1, %eq3A_237 : i32
    %convert_element_type3A_239 = arith.extui %eq3A_238 : i1 to i32
    %cond3A_240 = arith.constant 0 : i32
    %cond3A_241 = arith.cmpi ne, %convert_element_type3A_239, %cond3A_240 : i32
    scf.if %cond3A_241 {
      %mul3A = arith.constant 25 : i32
      %mul3A_297 = arith.muli %arg0, %mul3A : i32
      %add3A = arith.constant 14 : i32
      %add3A_298 = arith.addi %mul3A_297, %add3A : i32
      "tpu.region"() ({
        %run_scoped3A = tpu.sem_alloc : memref<!tpu.dma_semaphore, #tpu.memory_space<semaphore_mem>>
        %dma_start3A = arith.constant 560000 : i32
        %dma_start3A_303 = tpu.memref_slice %arg7[%dma_start3A] : memref<1000000xf32, #tpu.memory_space<vmem_shared>> -> memref<40000xf32, #tpu.memory_space<vmem_shared>>
        %dma_start3A_304 = arith.constant 560000 : i32
        %dma_start3A_305 = tpu.memref_slice %arg7[%dma_start3A_304] : memref<1000000xf32, #tpu.memory_space<vmem_shared>> -> memref<40000xf32, #tpu.memory_space<vmem_shared>>
        tpu.enqueue_dma source(%dma_start3A_305 : memref<40000xf32, #tpu.memory_space<vmem_shared>>) target(%arg9 : memref<40000xf32, #tpu.memory_space<vmem>>) target_semaphore(%run_scoped3A : memref<!tpu.dma_semaphore, #tpu.memory_space<semaphore_mem>>)
        %dma_wait3A = arith.constant 560000 : i32
        %dma_wait3A_306 = tpu.memref_slice %arg7[%dma_wait3A] : memref<1000000xf32, #tpu.memory_space<vmem_shared>> -> memref<40000xf32, #tpu.memory_space<vmem_shared>>
        %dma_wait3A_307 = arith.constant 560000 : i32
        %dma_wait3A_308 = tpu.memref_slice %arg7[%dma_wait3A_307] : memref<1000000xf32, #tpu.memory_space<vmem_shared>> -> memref<40000xf32, #tpu.memory_space<vmem_shared>>
        tpu.wait_dma2 semaphore(%run_scoped3A : memref<!tpu.dma_semaphore, #tpu.memory_space<semaphore_mem>>) src(%dma_wait3A_308 : memref<40000xf32, #tpu.memory_space<vmem_shared>>) dst(%arg9 : memref<40000xf32, #tpu.memory_space<vmem>>)
        tpu.yield
      }) : () -> ()
      %mul3A_299 = arith.constant 200 : i32
      %mul3A_300 = arith.muli %add3A_298, %mul3A_299 : i32
      %mul3A_301 = arith.constant 200 : i32
      %mul3A_302 = arith.muli %mul3A_300, %mul3A_301 : i32
      "tpu.region"() ({
        %run_scoped3A = tpu.sem_alloc : memref<!tpu.dma_semaphore, #tpu.memory_space<semaphore_mem>>
        %dma_start3A = tpu.memref_slice %arg5[%mul3A_302] : memref<2000000xf32, #tpu.memory_space<hbm>> -> memref<40000xf32, #tpu.memory_space<hbm>>
        %dma_start3A_303 = tpu.memref_slice %arg5[%mul3A_302] : memref<2000000xf32, #tpu.memory_space<hbm>> -> memref<40000xf32, #tpu.memory_space<hbm>>
        tpu.enqueue_dma source(%arg9 : memref<40000xf32, #tpu.memory_space<vmem>>) target(%dma_start3A_303 : memref<40000xf32, #tpu.memory_space<hbm>>) target_semaphore(%run_scoped3A : memref<!tpu.dma_semaphore, #tpu.memory_space<semaphore_mem>>)
        %dma_wait3A = tpu.memref_slice %arg5[%mul3A_302] : memref<2000000xf32, #tpu.memory_space<hbm>> -> memref<40000xf32, #tpu.memory_space<hbm>>
        %dma_wait3A_304 = tpu.memref_slice %arg5[%mul3A_302] : memref<2000000xf32, #tpu.memory_space<hbm>> -> memref<40000xf32, #tpu.memory_space<hbm>>
        tpu.wait_dma2 semaphore(%run_scoped3A : memref<!tpu.dma_semaphore, #tpu.memory_space<semaphore_mem>>) src(%arg9 : memref<40000xf32, #tpu.memory_space<vmem>>) dst(%dma_wait3A_304 : memref<40000xf32, #tpu.memory_space<hbm>>)
        tpu.yield
      }) : () -> ()
    } else {
    }
    %eq3A_242 = arith.constant 15 : i32
    %eq3A_243 = arith.cmpi eq, %arg1, %eq3A_242 : i32
    %convert_element_type3A_244 = arith.extui %eq3A_243 : i1 to i32
    %cond3A_245 = arith.constant 0 : i32
    %cond3A_246 = arith.cmpi ne, %convert_element_type3A_244, %cond3A_245 : i32
    scf.if %cond3A_246 {
      %mul3A = arith.constant 25 : i32
      %mul3A_297 = arith.muli %arg0, %mul3A : i32
      %add3A = arith.constant 15 : i32
      %add3A_298 = arith.addi %mul3A_297, %add3A : i32
      "tpu.region"() ({
        %run_scoped3A = tpu.sem_alloc : memref<!tpu.dma_semaphore, #tpu.memory_space<semaphore_mem>>
        %dma_start3A = arith.constant 600000 : i32
        %dma_start3A_303 = tpu.memref_slice %arg7[%dma_start3A] : memref<1000000xf32, #tpu.memory_space<vmem_shared>> -> memref<40000xf32, #tpu.memory_space<vmem_shared>>
        %dma_start3A_304 = arith.constant 600000 : i32
        %dma_start3A_305 = tpu.memref_slice %arg7[%dma_start3A_304] : memref<1000000xf32, #tpu.memory_space<vmem_shared>> -> memref<40000xf32, #tpu.memory_space<vmem_shared>>
        tpu.enqueue_dma source(%dma_start3A_305 : memref<40000xf32, #tpu.memory_space<vmem_shared>>) target(%arg9 : memref<40000xf32, #tpu.memory_space<vmem>>) target_semaphore(%run_scoped3A : memref<!tpu.dma_semaphore, #tpu.memory_space<semaphore_mem>>)
        %dma_wait3A = arith.constant 600000 : i32
        %dma_wait3A_306 = tpu.memref_slice %arg7[%dma_wait3A] : memref<1000000xf32, #tpu.memory_space<vmem_shared>> -> memref<40000xf32, #tpu.memory_space<vmem_shared>>
        %dma_wait3A_307 = arith.constant 600000 : i32
        %dma_wait3A_308 = tpu.memref_slice %arg7[%dma_wait3A_307] : memref<1000000xf32, #tpu.memory_space<vmem_shared>> -> memref<40000xf32, #tpu.memory_space<vmem_shared>>
        tpu.wait_dma2 semaphore(%run_scoped3A : memref<!tpu.dma_semaphore, #tpu.memory_space<semaphore_mem>>) src(%dma_wait3A_308 : memref<40000xf32, #tpu.memory_space<vmem_shared>>) dst(%arg9 : memref<40000xf32, #tpu.memory_space<vmem>>)
        tpu.yield
      }) : () -> ()
      %mul3A_299 = arith.constant 200 : i32
      %mul3A_300 = arith.muli %add3A_298, %mul3A_299 : i32
      %mul3A_301 = arith.constant 200 : i32
      %mul3A_302 = arith.muli %mul3A_300, %mul3A_301 : i32
      "tpu.region"() ({
        %run_scoped3A = tpu.sem_alloc : memref<!tpu.dma_semaphore, #tpu.memory_space<semaphore_mem>>
        %dma_start3A = tpu.memref_slice %arg5[%mul3A_302] : memref<2000000xf32, #tpu.memory_space<hbm>> -> memref<40000xf32, #tpu.memory_space<hbm>>
        %dma_start3A_303 = tpu.memref_slice %arg5[%mul3A_302] : memref<2000000xf32, #tpu.memory_space<hbm>> -> memref<40000xf32, #tpu.memory_space<hbm>>
        tpu.enqueue_dma source(%arg9 : memref<40000xf32, #tpu.memory_space<vmem>>) target(%dma_start3A_303 : memref<40000xf32, #tpu.memory_space<hbm>>) target_semaphore(%run_scoped3A : memref<!tpu.dma_semaphore, #tpu.memory_space<semaphore_mem>>)
        %dma_wait3A = tpu.memref_slice %arg5[%mul3A_302] : memref<2000000xf32, #tpu.memory_space<hbm>> -> memref<40000xf32, #tpu.memory_space<hbm>>
        %dma_wait3A_304 = tpu.memref_slice %arg5[%mul3A_302] : memref<2000000xf32, #tpu.memory_space<hbm>> -> memref<40000xf32, #tpu.memory_space<hbm>>
        tpu.wait_dma2 semaphore(%run_scoped3A : memref<!tpu.dma_semaphore, #tpu.memory_space<semaphore_mem>>) src(%arg9 : memref<40000xf32, #tpu.memory_space<vmem>>) dst(%dma_wait3A_304 : memref<40000xf32, #tpu.memory_space<hbm>>)
        tpu.yield
      }) : () -> ()
    } else {
    }
    %eq3A_247 = arith.constant 0 : i32
    %eq3A_248 = arith.cmpi eq, %arg1, %eq3A_247 : i32
    %convert_element_type3A_249 = arith.extui %eq3A_248 : i1 to i32
    %cond3A_250 = arith.constant 0 : i32
    %cond3A_251 = arith.cmpi ne, %convert_element_type3A_249, %cond3A_250 : i32
    scf.if %cond3A_251 {
      %mul3A = arith.constant 25 : i32
      %mul3A_297 = arith.muli %arg0, %mul3A : i32
      %add3A = arith.constant 16 : i32
      %add3A_298 = arith.addi %mul3A_297, %add3A : i32
      "tpu.region"() ({
        %run_scoped3A = tpu.sem_alloc : memref<!tpu.dma_semaphore, #tpu.memory_space<semaphore_mem>>
        %dma_start3A = arith.constant 640000 : i32
        %dma_start3A_303 = tpu.memref_slice %arg7[%dma_start3A] : memref<1000000xf32, #tpu.memory_space<vmem_shared>> -> memref<40000xf32, #tpu.memory_space<vmem_shared>>
        %dma_start3A_304 = arith.constant 640000 : i32
        %dma_start3A_305 = tpu.memref_slice %arg7[%dma_start3A_304] : memref<1000000xf32, #tpu.memory_space<vmem_shared>> -> memref<40000xf32, #tpu.memory_space<vmem_shared>>
        tpu.enqueue_dma source(%dma_start3A_305 : memref<40000xf32, #tpu.memory_space<vmem_shared>>) target(%arg9 : memref<40000xf32, #tpu.memory_space<vmem>>) target_semaphore(%run_scoped3A : memref<!tpu.dma_semaphore, #tpu.memory_space<semaphore_mem>>)
        %dma_wait3A = arith.constant 640000 : i32
        %dma_wait3A_306 = tpu.memref_slice %arg7[%dma_wait3A] : memref<1000000xf32, #tpu.memory_space<vmem_shared>> -> memref<40000xf32, #tpu.memory_space<vmem_shared>>
        %dma_wait3A_307 = arith.constant 640000 : i32
        %dma_wait3A_308 = tpu.memref_slice %arg7[%dma_wait3A_307] : memref<1000000xf32, #tpu.memory_space<vmem_shared>> -> memref<40000xf32, #tpu.memory_space<vmem_shared>>
        tpu.wait_dma2 semaphore(%run_scoped3A : memref<!tpu.dma_semaphore, #tpu.memory_space<semaphore_mem>>) src(%dma_wait3A_308 : memref<40000xf32, #tpu.memory_space<vmem_shared>>) dst(%arg9 : memref<40000xf32, #tpu.memory_space<vmem>>)
        tpu.yield
      }) : () -> ()
      %mul3A_299 = arith.constant 200 : i32
      %mul3A_300 = arith.muli %add3A_298, %mul3A_299 : i32
      %mul3A_301 = arith.constant 200 : i32
      %mul3A_302 = arith.muli %mul3A_300, %mul3A_301 : i32
      "tpu.region"() ({
        %run_scoped3A = tpu.sem_alloc : memref<!tpu.dma_semaphore, #tpu.memory_space<semaphore_mem>>
        %dma_start3A = tpu.memref_slice %arg5[%mul3A_302] : memref<2000000xf32, #tpu.memory_space<hbm>> -> memref<40000xf32, #tpu.memory_space<hbm>>
        %dma_start3A_303 = tpu.memref_slice %arg5[%mul3A_302] : memref<2000000xf32, #tpu.memory_space<hbm>> -> memref<40000xf32, #tpu.memory_space<hbm>>
        tpu.enqueue_dma source(%arg9 : memref<40000xf32, #tpu.memory_space<vmem>>) target(%dma_start3A_303 : memref<40000xf32, #tpu.memory_space<hbm>>) target_semaphore(%run_scoped3A : memref<!tpu.dma_semaphore, #tpu.memory_space<semaphore_mem>>)
        %dma_wait3A = tpu.memref_slice %arg5[%mul3A_302] : memref<2000000xf32, #tpu.memory_space<hbm>> -> memref<40000xf32, #tpu.memory_space<hbm>>
        %dma_wait3A_304 = tpu.memref_slice %arg5[%mul3A_302] : memref<2000000xf32, #tpu.memory_space<hbm>> -> memref<40000xf32, #tpu.memory_space<hbm>>
        tpu.wait_dma2 semaphore(%run_scoped3A : memref<!tpu.dma_semaphore, #tpu.memory_space<semaphore_mem>>) src(%arg9 : memref<40000xf32, #tpu.memory_space<vmem>>) dst(%dma_wait3A_304 : memref<40000xf32, #tpu.memory_space<hbm>>)
        tpu.yield
      }) : () -> ()
    } else {
    }
    %eq3A_252 = arith.constant 1 : i32
    %eq3A_253 = arith.cmpi eq, %arg1, %eq3A_252 : i32
    %convert_element_type3A_254 = arith.extui %eq3A_253 : i1 to i32
    %cond3A_255 = arith.constant 0 : i32
    %cond3A_256 = arith.cmpi ne, %convert_element_type3A_254, %cond3A_255 : i32
    scf.if %cond3A_256 {
      %mul3A = arith.constant 25 : i32
      %mul3A_297 = arith.muli %arg0, %mul3A : i32
      %add3A = arith.constant 17 : i32
      %add3A_298 = arith.addi %mul3A_297, %add3A : i32
      "tpu.region"() ({
        %run_scoped3A = tpu.sem_alloc : memref<!tpu.dma_semaphore, #tpu.memory_space<semaphore_mem>>
        %dma_start3A = arith.constant 680000 : i32
        %dma_start3A_303 = tpu.memref_slice %arg7[%dma_start3A] : memref<1000000xf32, #tpu.memory_space<vmem_shared>> -> memref<40000xf32, #tpu.memory_space<vmem_shared>>
        %dma_start3A_304 = arith.constant 680000 : i32
        %dma_start3A_305 = tpu.memref_slice %arg7[%dma_start3A_304] : memref<1000000xf32, #tpu.memory_space<vmem_shared>> -> memref<40000xf32, #tpu.memory_space<vmem_shared>>
        tpu.enqueue_dma source(%dma_start3A_305 : memref<40000xf32, #tpu.memory_space<vmem_shared>>) target(%arg9 : memref<40000xf32, #tpu.memory_space<vmem>>) target_semaphore(%run_scoped3A : memref<!tpu.dma_semaphore, #tpu.memory_space<semaphore_mem>>)
        %dma_wait3A = arith.constant 680000 : i32
        %dma_wait3A_306 = tpu.memref_slice %arg7[%dma_wait3A] : memref<1000000xf32, #tpu.memory_space<vmem_shared>> -> memref<40000xf32, #tpu.memory_space<vmem_shared>>
        %dma_wait3A_307 = arith.constant 680000 : i32
        %dma_wait3A_308 = tpu.memref_slice %arg7[%dma_wait3A_307] : memref<1000000xf32, #tpu.memory_space<vmem_shared>> -> memref<40000xf32, #tpu.memory_space<vmem_shared>>
        tpu.wait_dma2 semaphore(%run_scoped3A : memref<!tpu.dma_semaphore, #tpu.memory_space<semaphore_mem>>) src(%dma_wait3A_308 : memref<40000xf32, #tpu.memory_space<vmem_shared>>) dst(%arg9 : memref<40000xf32, #tpu.memory_space<vmem>>)
        tpu.yield
      }) : () -> ()
      %mul3A_299 = arith.constant 200 : i32
      %mul3A_300 = arith.muli %add3A_298, %mul3A_299 : i32
      %mul3A_301 = arith.constant 200 : i32
      %mul3A_302 = arith.muli %mul3A_300, %mul3A_301 : i32
      "tpu.region"() ({
        %run_scoped3A = tpu.sem_alloc : memref<!tpu.dma_semaphore, #tpu.memory_space<semaphore_mem>>
        %dma_start3A = tpu.memref_slice %arg5[%mul3A_302] : memref<2000000xf32, #tpu.memory_space<hbm>> -> memref<40000xf32, #tpu.memory_space<hbm>>
        %dma_start3A_303 = tpu.memref_slice %arg5[%mul3A_302] : memref<2000000xf32, #tpu.memory_space<hbm>> -> memref<40000xf32, #tpu.memory_space<hbm>>
        tpu.enqueue_dma source(%arg9 : memref<40000xf32, #tpu.memory_space<vmem>>) target(%dma_start3A_303 : memref<40000xf32, #tpu.memory_space<hbm>>) target_semaphore(%run_scoped3A : memref<!tpu.dma_semaphore, #tpu.memory_space<semaphore_mem>>)
        %dma_wait3A = tpu.memref_slice %arg5[%mul3A_302] : memref<2000000xf32, #tpu.memory_space<hbm>> -> memref<40000xf32, #tpu.memory_space<hbm>>
        %dma_wait3A_304 = tpu.memref_slice %arg5[%mul3A_302] : memref<2000000xf32, #tpu.memory_space<hbm>> -> memref<40000xf32, #tpu.memory_space<hbm>>
        tpu.wait_dma2 semaphore(%run_scoped3A : memref<!tpu.dma_semaphore, #tpu.memory_space<semaphore_mem>>) src(%arg9 : memref<40000xf32, #tpu.memory_space<vmem>>) dst(%dma_wait3A_304 : memref<40000xf32, #tpu.memory_space<hbm>>)
        tpu.yield
      }) : () -> ()
    } else {
    }
    %eq3A_257 = arith.constant 2 : i32
    %eq3A_258 = arith.cmpi eq, %arg1, %eq3A_257 : i32
    %convert_element_type3A_259 = arith.extui %eq3A_258 : i1 to i32
    %cond3A_260 = arith.constant 0 : i32
    %cond3A_261 = arith.cmpi ne, %convert_element_type3A_259, %cond3A_260 : i32
    scf.if %cond3A_261 {
      %mul3A = arith.constant 25 : i32
      %mul3A_297 = arith.muli %arg0, %mul3A : i32
      %add3A = arith.constant 18 : i32
      %add3A_298 = arith.addi %mul3A_297, %add3A : i32
      "tpu.region"() ({
        %run_scoped3A = tpu.sem_alloc : memref<!tpu.dma_semaphore, #tpu.memory_space<semaphore_mem>>
        %dma_start3A = arith.constant 720000 : i32
        %dma_start3A_303 = tpu.memref_slice %arg7[%dma_start3A] : memref<1000000xf32, #tpu.memory_space<vmem_shared>> -> memref<40000xf32, #tpu.memory_space<vmem_shared>>
        %dma_start3A_304 = arith.constant 720000 : i32
        %dma_start3A_305 = tpu.memref_slice %arg7[%dma_start3A_304] : memref<1000000xf32, #tpu.memory_space<vmem_shared>> -> memref<40000xf32, #tpu.memory_space<vmem_shared>>
        tpu.enqueue_dma source(%dma_start3A_305 : memref<40000xf32, #tpu.memory_space<vmem_shared>>) target(%arg9 : memref<40000xf32, #tpu.memory_space<vmem>>) target_semaphore(%run_scoped3A : memref<!tpu.dma_semaphore, #tpu.memory_space<semaphore_mem>>)
        %dma_wait3A = arith.constant 720000 : i32
        %dma_wait3A_306 = tpu.memref_slice %arg7[%dma_wait3A] : memref<1000000xf32, #tpu.memory_space<vmem_shared>> -> memref<40000xf32, #tpu.memory_space<vmem_shared>>
        %dma_wait3A_307 = arith.constant 720000 : i32
        %dma_wait3A_308 = tpu.memref_slice %arg7[%dma_wait3A_307] : memref<1000000xf32, #tpu.memory_space<vmem_shared>> -> memref<40000xf32, #tpu.memory_space<vmem_shared>>
        tpu.wait_dma2 semaphore(%run_scoped3A : memref<!tpu.dma_semaphore, #tpu.memory_space<semaphore_mem>>) src(%dma_wait3A_308 : memref<40000xf32, #tpu.memory_space<vmem_shared>>) dst(%arg9 : memref<40000xf32, #tpu.memory_space<vmem>>)
        tpu.yield
      }) : () -> ()
      %mul3A_299 = arith.constant 200 : i32
      %mul3A_300 = arith.muli %add3A_298, %mul3A_299 : i32
      %mul3A_301 = arith.constant 200 : i32
      %mul3A_302 = arith.muli %mul3A_300, %mul3A_301 : i32
      "tpu.region"() ({
        %run_scoped3A = tpu.sem_alloc : memref<!tpu.dma_semaphore, #tpu.memory_space<semaphore_mem>>
        %dma_start3A = tpu.memref_slice %arg5[%mul3A_302] : memref<2000000xf32, #tpu.memory_space<hbm>> -> memref<40000xf32, #tpu.memory_space<hbm>>
        %dma_start3A_303 = tpu.memref_slice %arg5[%mul3A_302] : memref<2000000xf32, #tpu.memory_space<hbm>> -> memref<40000xf32, #tpu.memory_space<hbm>>
        tpu.enqueue_dma source(%arg9 : memref<40000xf32, #tpu.memory_space<vmem>>) target(%dma_start3A_303 : memref<40000xf32, #tpu.memory_space<hbm>>) target_semaphore(%run_scoped3A : memref<!tpu.dma_semaphore, #tpu.memory_space<semaphore_mem>>)
        %dma_wait3A = tpu.memref_slice %arg5[%mul3A_302] : memref<2000000xf32, #tpu.memory_space<hbm>> -> memref<40000xf32, #tpu.memory_space<hbm>>
        %dma_wait3A_304 = tpu.memref_slice %arg5[%mul3A_302] : memref<2000000xf32, #tpu.memory_space<hbm>> -> memref<40000xf32, #tpu.memory_space<hbm>>
        tpu.wait_dma2 semaphore(%run_scoped3A : memref<!tpu.dma_semaphore, #tpu.memory_space<semaphore_mem>>) src(%arg9 : memref<40000xf32, #tpu.memory_space<vmem>>) dst(%dma_wait3A_304 : memref<40000xf32, #tpu.memory_space<hbm>>)
        tpu.yield
      }) : () -> ()
    } else {
    }
    %eq3A_262 = arith.constant 3 : i32
    %eq3A_263 = arith.cmpi eq, %arg1, %eq3A_262 : i32
    %convert_element_type3A_264 = arith.extui %eq3A_263 : i1 to i32
    %cond3A_265 = arith.constant 0 : i32
    %cond3A_266 = arith.cmpi ne, %convert_element_type3A_264, %cond3A_265 : i32
    scf.if %cond3A_266 {
      %mul3A = arith.constant 25 : i32
      %mul3A_297 = arith.muli %arg0, %mul3A : i32
      %add3A = arith.constant 19 : i32
      %add3A_298 = arith.addi %mul3A_297, %add3A : i32
      "tpu.region"() ({
        %run_scoped3A = tpu.sem_alloc : memref<!tpu.dma_semaphore, #tpu.memory_space<semaphore_mem>>
        %dma_start3A = arith.constant 760000 : i32
        %dma_start3A_303 = tpu.memref_slice %arg7[%dma_start3A] : memref<1000000xf32, #tpu.memory_space<vmem_shared>> -> memref<40000xf32, #tpu.memory_space<vmem_shared>>
        %dma_start3A_304 = arith.constant 760000 : i32
        %dma_start3A_305 = tpu.memref_slice %arg7[%dma_start3A_304] : memref<1000000xf32, #tpu.memory_space<vmem_shared>> -> memref<40000xf32, #tpu.memory_space<vmem_shared>>
        tpu.enqueue_dma source(%dma_start3A_305 : memref<40000xf32, #tpu.memory_space<vmem_shared>>) target(%arg9 : memref<40000xf32, #tpu.memory_space<vmem>>) target_semaphore(%run_scoped3A : memref<!tpu.dma_semaphore, #tpu.memory_space<semaphore_mem>>)
        %dma_wait3A = arith.constant 760000 : i32
        %dma_wait3A_306 = tpu.memref_slice %arg7[%dma_wait3A] : memref<1000000xf32, #tpu.memory_space<vmem_shared>> -> memref<40000xf32, #tpu.memory_space<vmem_shared>>
        %dma_wait3A_307 = arith.constant 760000 : i32
        %dma_wait3A_308 = tpu.memref_slice %arg7[%dma_wait3A_307] : memref<1000000xf32, #tpu.memory_space<vmem_shared>> -> memref<40000xf32, #tpu.memory_space<vmem_shared>>
        tpu.wait_dma2 semaphore(%run_scoped3A : memref<!tpu.dma_semaphore, #tpu.memory_space<semaphore_mem>>) src(%dma_wait3A_308 : memref<40000xf32, #tpu.memory_space<vmem_shared>>) dst(%arg9 : memref<40000xf32, #tpu.memory_space<vmem>>)
        tpu.yield
      }) : () -> ()
      %mul3A_299 = arith.constant 200 : i32
      %mul3A_300 = arith.muli %add3A_298, %mul3A_299 : i32
      %mul3A_301 = arith.constant 200 : i32
      %mul3A_302 = arith.muli %mul3A_300, %mul3A_301 : i32
      "tpu.region"() ({
        %run_scoped3A = tpu.sem_alloc : memref<!tpu.dma_semaphore, #tpu.memory_space<semaphore_mem>>
        %dma_start3A = tpu.memref_slice %arg5[%mul3A_302] : memref<2000000xf32, #tpu.memory_space<hbm>> -> memref<40000xf32, #tpu.memory_space<hbm>>
        %dma_start3A_303 = tpu.memref_slice %arg5[%mul3A_302] : memref<2000000xf32, #tpu.memory_space<hbm>> -> memref<40000xf32, #tpu.memory_space<hbm>>
        tpu.enqueue_dma source(%arg9 : memref<40000xf32, #tpu.memory_space<vmem>>) target(%dma_start3A_303 : memref<40000xf32, #tpu.memory_space<hbm>>) target_semaphore(%run_scoped3A : memref<!tpu.dma_semaphore, #tpu.memory_space<semaphore_mem>>)
        %dma_wait3A = tpu.memref_slice %arg5[%mul3A_302] : memref<2000000xf32, #tpu.memory_space<hbm>> -> memref<40000xf32, #tpu.memory_space<hbm>>
        %dma_wait3A_304 = tpu.memref_slice %arg5[%mul3A_302] : memref<2000000xf32, #tpu.memory_space<hbm>> -> memref<40000xf32, #tpu.memory_space<hbm>>
        tpu.wait_dma2 semaphore(%run_scoped3A : memref<!tpu.dma_semaphore, #tpu.memory_space<semaphore_mem>>) src(%arg9 : memref<40000xf32, #tpu.memory_space<vmem>>) dst(%dma_wait3A_304 : memref<40000xf32, #tpu.memory_space<hbm>>)
        tpu.yield
      }) : () -> ()
    } else {
    }
    %eq3A_267 = arith.constant 4 : i32
    %eq3A_268 = arith.cmpi eq, %arg1, %eq3A_267 : i32
    %convert_element_type3A_269 = arith.extui %eq3A_268 : i1 to i32
    %cond3A_270 = arith.constant 0 : i32
    %cond3A_271 = arith.cmpi ne, %convert_element_type3A_269, %cond3A_270 : i32
    scf.if %cond3A_271 {
      %mul3A = arith.constant 25 : i32
      %mul3A_297 = arith.muli %arg0, %mul3A : i32
      %add3A = arith.constant 20 : i32
      %add3A_298 = arith.addi %mul3A_297, %add3A : i32
      "tpu.region"() ({
        %run_scoped3A = tpu.sem_alloc : memref<!tpu.dma_semaphore, #tpu.memory_space<semaphore_mem>>
        %dma_start3A = arith.constant 800000 : i32
        %dma_start3A_303 = tpu.memref_slice %arg7[%dma_start3A] : memref<1000000xf32, #tpu.memory_space<vmem_shared>> -> memref<40000xf32, #tpu.memory_space<vmem_shared>>
        %dma_start3A_304 = arith.constant 800000 : i32
        %dma_start3A_305 = tpu.memref_slice %arg7[%dma_start3A_304] : memref<1000000xf32, #tpu.memory_space<vmem_shared>> -> memref<40000xf32, #tpu.memory_space<vmem_shared>>
        tpu.enqueue_dma source(%dma_start3A_305 : memref<40000xf32, #tpu.memory_space<vmem_shared>>) target(%arg9 : memref<40000xf32, #tpu.memory_space<vmem>>) target_semaphore(%run_scoped3A : memref<!tpu.dma_semaphore, #tpu.memory_space<semaphore_mem>>)
        %dma_wait3A = arith.constant 800000 : i32
        %dma_wait3A_306 = tpu.memref_slice %arg7[%dma_wait3A] : memref<1000000xf32, #tpu.memory_space<vmem_shared>> -> memref<40000xf32, #tpu.memory_space<vmem_shared>>
        %dma_wait3A_307 = arith.constant 800000 : i32
        %dma_wait3A_308 = tpu.memref_slice %arg7[%dma_wait3A_307] : memref<1000000xf32, #tpu.memory_space<vmem_shared>> -> memref<40000xf32, #tpu.memory_space<vmem_shared>>
        tpu.wait_dma2 semaphore(%run_scoped3A : memref<!tpu.dma_semaphore, #tpu.memory_space<semaphore_mem>>) src(%dma_wait3A_308 : memref<40000xf32, #tpu.memory_space<vmem_shared>>) dst(%arg9 : memref<40000xf32, #tpu.memory_space<vmem>>)
        tpu.yield
      }) : () -> ()
      %mul3A_299 = arith.constant 200 : i32
      %mul3A_300 = arith.muli %add3A_298, %mul3A_299 : i32
      %mul3A_301 = arith.constant 200 : i32
      %mul3A_302 = arith.muli %mul3A_300, %mul3A_301 : i32
      "tpu.region"() ({
        %run_scoped3A = tpu.sem_alloc : memref<!tpu.dma_semaphore, #tpu.memory_space<semaphore_mem>>
        %dma_start3A = tpu.memref_slice %arg5[%mul3A_302] : memref<2000000xf32, #tpu.memory_space<hbm>> -> memref<40000xf32, #tpu.memory_space<hbm>>
        %dma_start3A_303 = tpu.memref_slice %arg5[%mul3A_302] : memref<2000000xf32, #tpu.memory_space<hbm>> -> memref<40000xf32, #tpu.memory_space<hbm>>
        tpu.enqueue_dma source(%arg9 : memref<40000xf32, #tpu.memory_space<vmem>>) target(%dma_start3A_303 : memref<40000xf32, #tpu.memory_space<hbm>>) target_semaphore(%run_scoped3A : memref<!tpu.dma_semaphore, #tpu.memory_space<semaphore_mem>>)
        %dma_wait3A = tpu.memref_slice %arg5[%mul3A_302] : memref<2000000xf32, #tpu.memory_space<hbm>> -> memref<40000xf32, #tpu.memory_space<hbm>>
        %dma_wait3A_304 = tpu.memref_slice %arg5[%mul3A_302] : memref<2000000xf32, #tpu.memory_space<hbm>> -> memref<40000xf32, #tpu.memory_space<hbm>>
        tpu.wait_dma2 semaphore(%run_scoped3A : memref<!tpu.dma_semaphore, #tpu.memory_space<semaphore_mem>>) src(%arg9 : memref<40000xf32, #tpu.memory_space<vmem>>) dst(%dma_wait3A_304 : memref<40000xf32, #tpu.memory_space<hbm>>)
        tpu.yield
      }) : () -> ()
    } else {
    }
    %eq3A_272 = arith.constant 5 : i32
    %eq3A_273 = arith.cmpi eq, %arg1, %eq3A_272 : i32
    %convert_element_type3A_274 = arith.extui %eq3A_273 : i1 to i32
    %cond3A_275 = arith.constant 0 : i32
    %cond3A_276 = arith.cmpi ne, %convert_element_type3A_274, %cond3A_275 : i32
    scf.if %cond3A_276 {
      %mul3A = arith.constant 25 : i32
      %mul3A_297 = arith.muli %arg0, %mul3A : i32
      %add3A = arith.constant 21 : i32
      %add3A_298 = arith.addi %mul3A_297, %add3A : i32
      "tpu.region"() ({
        %run_scoped3A = tpu.sem_alloc : memref<!tpu.dma_semaphore, #tpu.memory_space<semaphore_mem>>
        %dma_start3A = arith.constant 840000 : i32
        %dma_start3A_303 = tpu.memref_slice %arg7[%dma_start3A] : memref<1000000xf32, #tpu.memory_space<vmem_shared>> -> memref<40000xf32, #tpu.memory_space<vmem_shared>>
        %dma_start3A_304 = arith.constant 840000 : i32
        %dma_start3A_305 = tpu.memref_slice %arg7[%dma_start3A_304] : memref<1000000xf32, #tpu.memory_space<vmem_shared>> -> memref<40000xf32, #tpu.memory_space<vmem_shared>>
        tpu.enqueue_dma source(%dma_start3A_305 : memref<40000xf32, #tpu.memory_space<vmem_shared>>) target(%arg9 : memref<40000xf32, #tpu.memory_space<vmem>>) target_semaphore(%run_scoped3A : memref<!tpu.dma_semaphore, #tpu.memory_space<semaphore_mem>>)
        %dma_wait3A = arith.constant 840000 : i32
        %dma_wait3A_306 = tpu.memref_slice %arg7[%dma_wait3A] : memref<1000000xf32, #tpu.memory_space<vmem_shared>> -> memref<40000xf32, #tpu.memory_space<vmem_shared>>
        %dma_wait3A_307 = arith.constant 840000 : i32
        %dma_wait3A_308 = tpu.memref_slice %arg7[%dma_wait3A_307] : memref<1000000xf32, #tpu.memory_space<vmem_shared>> -> memref<40000xf32, #tpu.memory_space<vmem_shared>>
        tpu.wait_dma2 semaphore(%run_scoped3A : memref<!tpu.dma_semaphore, #tpu.memory_space<semaphore_mem>>) src(%dma_wait3A_308 : memref<40000xf32, #tpu.memory_space<vmem_shared>>) dst(%arg9 : memref<40000xf32, #tpu.memory_space<vmem>>)
        tpu.yield
      }) : () -> ()
      %mul3A_299 = arith.constant 200 : i32
      %mul3A_300 = arith.muli %add3A_298, %mul3A_299 : i32
      %mul3A_301 = arith.constant 200 : i32
      %mul3A_302 = arith.muli %mul3A_300, %mul3A_301 : i32
      "tpu.region"() ({
        %run_scoped3A = tpu.sem_alloc : memref<!tpu.dma_semaphore, #tpu.memory_space<semaphore_mem>>
        %dma_start3A = tpu.memref_slice %arg5[%mul3A_302] : memref<2000000xf32, #tpu.memory_space<hbm>> -> memref<40000xf32, #tpu.memory_space<hbm>>
        %dma_start3A_303 = tpu.memref_slice %arg5[%mul3A_302] : memref<2000000xf32, #tpu.memory_space<hbm>> -> memref<40000xf32, #tpu.memory_space<hbm>>
        tpu.enqueue_dma source(%arg9 : memref<40000xf32, #tpu.memory_space<vmem>>) target(%dma_start3A_303 : memref<40000xf32, #tpu.memory_space<hbm>>) target_semaphore(%run_scoped3A : memref<!tpu.dma_semaphore, #tpu.memory_space<semaphore_mem>>)
        %dma_wait3A = tpu.memref_slice %arg5[%mul3A_302] : memref<2000000xf32, #tpu.memory_space<hbm>> -> memref<40000xf32, #tpu.memory_space<hbm>>
        %dma_wait3A_304 = tpu.memref_slice %arg5[%mul3A_302] : memref<2000000xf32, #tpu.memory_space<hbm>> -> memref<40000xf32, #tpu.memory_space<hbm>>
        tpu.wait_dma2 semaphore(%run_scoped3A : memref<!tpu.dma_semaphore, #tpu.memory_space<semaphore_mem>>) src(%arg9 : memref<40000xf32, #tpu.memory_space<vmem>>) dst(%dma_wait3A_304 : memref<40000xf32, #tpu.memory_space<hbm>>)
        tpu.yield
      }) : () -> ()
    } else {
    }
    %eq3A_277 = arith.constant 6 : i32
    %eq3A_278 = arith.cmpi eq, %arg1, %eq3A_277 : i32
    %convert_element_type3A_279 = arith.extui %eq3A_278 : i1 to i32
    %cond3A_280 = arith.constant 0 : i32
    %cond3A_281 = arith.cmpi ne, %convert_element_type3A_279, %cond3A_280 : i32
    scf.if %cond3A_281 {
      %mul3A = arith.constant 25 : i32
      %mul3A_297 = arith.muli %arg0, %mul3A : i32
      %add3A = arith.constant 22 : i32
      %add3A_298 = arith.addi %mul3A_297, %add3A : i32
      "tpu.region"() ({
        %run_scoped3A = tpu.sem_alloc : memref<!tpu.dma_semaphore, #tpu.memory_space<semaphore_mem>>
        %dma_start3A = arith.constant 880000 : i32
        %dma_start3A_303 = tpu.memref_slice %arg7[%dma_start3A] : memref<1000000xf32, #tpu.memory_space<vmem_shared>> -> memref<40000xf32, #tpu.memory_space<vmem_shared>>
        %dma_start3A_304 = arith.constant 880000 : i32
        %dma_start3A_305 = tpu.memref_slice %arg7[%dma_start3A_304] : memref<1000000xf32, #tpu.memory_space<vmem_shared>> -> memref<40000xf32, #tpu.memory_space<vmem_shared>>
        tpu.enqueue_dma source(%dma_start3A_305 : memref<40000xf32, #tpu.memory_space<vmem_shared>>) target(%arg9 : memref<40000xf32, #tpu.memory_space<vmem>>) target_semaphore(%run_scoped3A : memref<!tpu.dma_semaphore, #tpu.memory_space<semaphore_mem>>)
        %dma_wait3A = arith.constant 880000 : i32
        %dma_wait3A_306 = tpu.memref_slice %arg7[%dma_wait3A] : memref<1000000xf32, #tpu.memory_space<vmem_shared>> -> memref<40000xf32, #tpu.memory_space<vmem_shared>>
        %dma_wait3A_307 = arith.constant 880000 : i32
        %dma_wait3A_308 = tpu.memref_slice %arg7[%dma_wait3A_307] : memref<1000000xf32, #tpu.memory_space<vmem_shared>> -> memref<40000xf32, #tpu.memory_space<vmem_shared>>
        tpu.wait_dma2 semaphore(%run_scoped3A : memref<!tpu.dma_semaphore, #tpu.memory_space<semaphore_mem>>) src(%dma_wait3A_308 : memref<40000xf32, #tpu.memory_space<vmem_shared>>) dst(%arg9 : memref<40000xf32, #tpu.memory_space<vmem>>)
        tpu.yield
      }) : () -> ()
      %mul3A_299 = arith.constant 200 : i32
      %mul3A_300 = arith.muli %add3A_298, %mul3A_299 : i32
      %mul3A_301 = arith.constant 200 : i32
      %mul3A_302 = arith.muli %mul3A_300, %mul3A_301 : i32
      "tpu.region"() ({
        %run_scoped3A = tpu.sem_alloc : memref<!tpu.dma_semaphore, #tpu.memory_space<semaphore_mem>>
        %dma_start3A = tpu.memref_slice %arg5[%mul3A_302] : memref<2000000xf32, #tpu.memory_space<hbm>> -> memref<40000xf32, #tpu.memory_space<hbm>>
        %dma_start3A_303 = tpu.memref_slice %arg5[%mul3A_302] : memref<2000000xf32, #tpu.memory_space<hbm>> -> memref<40000xf32, #tpu.memory_space<hbm>>
        tpu.enqueue_dma source(%arg9 : memref<40000xf32, #tpu.memory_space<vmem>>) target(%dma_start3A_303 : memref<40000xf32, #tpu.memory_space<hbm>>) target_semaphore(%run_scoped3A : memref<!tpu.dma_semaphore, #tpu.memory_space<semaphore_mem>>)
        %dma_wait3A = tpu.memref_slice %arg5[%mul3A_302] : memref<2000000xf32, #tpu.memory_space<hbm>> -> memref<40000xf32, #tpu.memory_space<hbm>>
        %dma_wait3A_304 = tpu.memref_slice %arg5[%mul3A_302] : memref<2000000xf32, #tpu.memory_space<hbm>> -> memref<40000xf32, #tpu.memory_space<hbm>>
        tpu.wait_dma2 semaphore(%run_scoped3A : memref<!tpu.dma_semaphore, #tpu.memory_space<semaphore_mem>>) src(%arg9 : memref<40000xf32, #tpu.memory_space<vmem>>) dst(%dma_wait3A_304 : memref<40000xf32, #tpu.memory_space<hbm>>)
        tpu.yield
      }) : () -> ()
    } else {
    }
    %eq3A_282 = arith.constant 7 : i32
    %eq3A_283 = arith.cmpi eq, %arg1, %eq3A_282 : i32
    %convert_element_type3A_284 = arith.extui %eq3A_283 : i1 to i32
    %cond3A_285 = arith.constant 0 : i32
    %cond3A_286 = arith.cmpi ne, %convert_element_type3A_284, %cond3A_285 : i32
    scf.if %cond3A_286 {
      %mul3A = arith.constant 25 : i32
      %mul3A_297 = arith.muli %arg0, %mul3A : i32
      %add3A = arith.constant 23 : i32
      %add3A_298 = arith.addi %mul3A_297, %add3A : i32
      "tpu.region"() ({
        %run_scoped3A = tpu.sem_alloc : memref<!tpu.dma_semaphore, #tpu.memory_space<semaphore_mem>>
        %dma_start3A = arith.constant 920000 : i32
        %dma_start3A_303 = tpu.memref_slice %arg7[%dma_start3A] : memref<1000000xf32, #tpu.memory_space<vmem_shared>> -> memref<40000xf32, #tpu.memory_space<vmem_shared>>
        %dma_start3A_304 = arith.constant 920000 : i32
        %dma_start3A_305 = tpu.memref_slice %arg7[%dma_start3A_304] : memref<1000000xf32, #tpu.memory_space<vmem_shared>> -> memref<40000xf32, #tpu.memory_space<vmem_shared>>
        tpu.enqueue_dma source(%dma_start3A_305 : memref<40000xf32, #tpu.memory_space<vmem_shared>>) target(%arg9 : memref<40000xf32, #tpu.memory_space<vmem>>) target_semaphore(%run_scoped3A : memref<!tpu.dma_semaphore, #tpu.memory_space<semaphore_mem>>)
        %dma_wait3A = arith.constant 920000 : i32
        %dma_wait3A_306 = tpu.memref_slice %arg7[%dma_wait3A] : memref<1000000xf32, #tpu.memory_space<vmem_shared>> -> memref<40000xf32, #tpu.memory_space<vmem_shared>>
        %dma_wait3A_307 = arith.constant 920000 : i32
        %dma_wait3A_308 = tpu.memref_slice %arg7[%dma_wait3A_307] : memref<1000000xf32, #tpu.memory_space<vmem_shared>> -> memref<40000xf32, #tpu.memory_space<vmem_shared>>
        tpu.wait_dma2 semaphore(%run_scoped3A : memref<!tpu.dma_semaphore, #tpu.memory_space<semaphore_mem>>) src(%dma_wait3A_308 : memref<40000xf32, #tpu.memory_space<vmem_shared>>) dst(%arg9 : memref<40000xf32, #tpu.memory_space<vmem>>)
        tpu.yield
      }) : () -> ()
      %mul3A_299 = arith.constant 200 : i32
      %mul3A_300 = arith.muli %add3A_298, %mul3A_299 : i32
      %mul3A_301 = arith.constant 200 : i32
      %mul3A_302 = arith.muli %mul3A_300, %mul3A_301 : i32
      "tpu.region"() ({
        %run_scoped3A = tpu.sem_alloc : memref<!tpu.dma_semaphore, #tpu.memory_space<semaphore_mem>>
        %dma_start3A = tpu.memref_slice %arg5[%mul3A_302] : memref<2000000xf32, #tpu.memory_space<hbm>> -> memref<40000xf32, #tpu.memory_space<hbm>>
        %dma_start3A_303 = tpu.memref_slice %arg5[%mul3A_302] : memref<2000000xf32, #tpu.memory_space<hbm>> -> memref<40000xf32, #tpu.memory_space<hbm>>
        tpu.enqueue_dma source(%arg9 : memref<40000xf32, #tpu.memory_space<vmem>>) target(%dma_start3A_303 : memref<40000xf32, #tpu.memory_space<hbm>>) target_semaphore(%run_scoped3A : memref<!tpu.dma_semaphore, #tpu.memory_space<semaphore_mem>>)
        %dma_wait3A = tpu.memref_slice %arg5[%mul3A_302] : memref<2000000xf32, #tpu.memory_space<hbm>> -> memref<40000xf32, #tpu.memory_space<hbm>>
        %dma_wait3A_304 = tpu.memref_slice %arg5[%mul3A_302] : memref<2000000xf32, #tpu.memory_space<hbm>> -> memref<40000xf32, #tpu.memory_space<hbm>>
        tpu.wait_dma2 semaphore(%run_scoped3A : memref<!tpu.dma_semaphore, #tpu.memory_space<semaphore_mem>>) src(%arg9 : memref<40000xf32, #tpu.memory_space<vmem>>) dst(%dma_wait3A_304 : memref<40000xf32, #tpu.memory_space<hbm>>)
        tpu.yield
      }) : () -> ()
    } else {
    }
    %eq3A_287 = arith.constant 8 : i32
    %eq3A_288 = arith.cmpi eq, %arg1, %eq3A_287 : i32
    %convert_element_type3A_289 = arith.extui %eq3A_288 : i1 to i32
    %cond3A_290 = arith.constant 0 : i32
    %cond3A_291 = arith.cmpi ne, %convert_element_type3A_289, %cond3A_290 : i32
    scf.if %cond3A_291 {
      %mul3A = arith.constant 25 : i32
      %mul3A_297 = arith.muli %arg0, %mul3A : i32
      %add3A = arith.constant 24 : i32
      %add3A_298 = arith.addi %mul3A_297, %add3A : i32
      "tpu.region"() ({
        %run_scoped3A = tpu.sem_alloc : memref<!tpu.dma_semaphore, #tpu.memory_space<semaphore_mem>>
        %dma_start3A = arith.constant 960000 : i32
        %dma_start3A_303 = tpu.memref_slice %arg7[%dma_start3A] : memref<1000000xf32, #tpu.memory_space<vmem_shared>> -> memref<40000xf32, #tpu.memory_space<vmem_shared>>
        %dma_start3A_304 = arith.constant 960000 : i32
        %dma_start3A_305 = tpu.memref_slice %arg7[%dma_start3A_304] : memref<1000000xf32, #tpu.memory_space<vmem_shared>> -> memref<40000xf32, #tpu.memory_space<vmem_shared>>
        tpu.enqueue_dma source(%dma_start3A_305 : memref<40000xf32, #tpu.memory_space<vmem_shared>>) target(%arg9 : memref<40000xf32, #tpu.memory_space<vmem>>) target_semaphore(%run_scoped3A : memref<!tpu.dma_semaphore, #tpu.memory_space<semaphore_mem>>)
        %dma_wait3A = arith.constant 960000 : i32
        %dma_wait3A_306 = tpu.memref_slice %arg7[%dma_wait3A] : memref<1000000xf32, #tpu.memory_space<vmem_shared>> -> memref<40000xf32, #tpu.memory_space<vmem_shared>>
        %dma_wait3A_307 = arith.constant 960000 : i32
        %dma_wait3A_308 = tpu.memref_slice %arg7[%dma_wait3A_307] : memref<1000000xf32, #tpu.memory_space<vmem_shared>> -> memref<40000xf32, #tpu.memory_space<vmem_shared>>
        tpu.wait_dma2 semaphore(%run_scoped3A : memref<!tpu.dma_semaphore, #tpu.memory_space<semaphore_mem>>) src(%dma_wait3A_308 : memref<40000xf32, #tpu.memory_space<vmem_shared>>) dst(%arg9 : memref<40000xf32, #tpu.memory_space<vmem>>)
        tpu.yield
      }) : () -> ()
      %mul3A_299 = arith.constant 200 : i32
      %mul3A_300 = arith.muli %add3A_298, %mul3A_299 : i32
      %mul3A_301 = arith.constant 200 : i32
      %mul3A_302 = arith.muli %mul3A_300, %mul3A_301 : i32
      "tpu.region"() ({
        %run_scoped3A = tpu.sem_alloc : memref<!tpu.dma_semaphore, #tpu.memory_space<semaphore_mem>>
        %dma_start3A = tpu.memref_slice %arg5[%mul3A_302] : memref<2000000xf32, #tpu.memory_space<hbm>> -> memref<40000xf32, #tpu.memory_space<hbm>>
        %dma_start3A_303 = tpu.memref_slice %arg5[%mul3A_302] : memref<2000000xf32, #tpu.memory_space<hbm>> -> memref<40000xf32, #tpu.memory_space<hbm>>
        tpu.enqueue_dma source(%arg9 : memref<40000xf32, #tpu.memory_space<vmem>>) target(%dma_start3A_303 : memref<40000xf32, #tpu.memory_space<hbm>>) target_semaphore(%run_scoped3A : memref<!tpu.dma_semaphore, #tpu.memory_space<semaphore_mem>>)
        %dma_wait3A = tpu.memref_slice %arg5[%mul3A_302] : memref<2000000xf32, #tpu.memory_space<hbm>> -> memref<40000xf32, #tpu.memory_space<hbm>>
        %dma_wait3A_304 = tpu.memref_slice %arg5[%mul3A_302] : memref<2000000xf32, #tpu.memory_space<hbm>> -> memref<40000xf32, #tpu.memory_space<hbm>>
        tpu.wait_dma2 semaphore(%run_scoped3A : memref<!tpu.dma_semaphore, #tpu.memory_space<semaphore_mem>>) src(%arg9 : memref<40000xf32, #tpu.memory_space<vmem>>) dst(%dma_wait3A_304 : memref<40000xf32, #tpu.memory_space<hbm>>)
        tpu.yield
      }) : () -> ()
    } else {
    }
    %eq3A_292 = arith.constant 0 : i32
    %eq3A_293 = arith.cmpi eq, %arg1, %eq3A_292 : i32
    %convert_element_type3A_294 = arith.extui %eq3A_293 : i1 to i32
    %cond3A_295 = arith.constant 0 : i32
    %cond3A_296 = arith.cmpi ne, %convert_element_type3A_294, %cond3A_295 : i32
    scf.if %cond3A_296 {
      "tpu.region"() ({
        %run_scoped3A = tpu.sem_alloc : memref<!tpu.dma_semaphore, #tpu.memory_space<semaphore_mem>>
        %dma_start3A = arith.constant 0 : i32
        %dma_start3A_300 = tpu.memref_slice %arg9[%dma_start3A] : memref<40000xf32, #tpu.memory_space<vmem>> -> memref<5000xf32, #tpu.memory_space<vmem>>
        %dma_start3A_301 = arith.constant 0 : i32
        %dma_start3A_302 = tpu.memref_slice %arg9[%dma_start3A_301] : memref<40000xf32, #tpu.memory_space<vmem>> -> memref<5000xf32, #tpu.memory_space<vmem>>
        tpu.enqueue_dma source(%arg8 : memref<5000xf32, #tpu.memory_space<vmem_shared>>) target(%dma_start3A_302 : memref<5000xf32, #tpu.memory_space<vmem>>) target_semaphore(%run_scoped3A : memref<!tpu.dma_semaphore, #tpu.memory_space<semaphore_mem>>)
        %dma_wait3A = arith.constant 0 : i32
        %dma_wait3A_303 = tpu.memref_slice %arg9[%dma_wait3A] : memref<40000xf32, #tpu.memory_space<vmem>> -> memref<5000xf32, #tpu.memory_space<vmem>>
        %dma_wait3A_304 = arith.constant 0 : i32
        %dma_wait3A_305 = tpu.memref_slice %arg9[%dma_wait3A_304] : memref<40000xf32, #tpu.memory_space<vmem>> -> memref<5000xf32, #tpu.memory_space<vmem>>
        tpu.wait_dma2 semaphore(%run_scoped3A : memref<!tpu.dma_semaphore, #tpu.memory_space<semaphore_mem>>) src(%arg8 : memref<5000xf32, #tpu.memory_space<vmem_shared>>) dst(%dma_wait3A_305 : memref<5000xf32, #tpu.memory_space<vmem>>)
        tpu.yield
      }) : () -> ()
      %mul3A = arith.constant 25 : i32
      %mul3A_297 = arith.muli %arg0, %mul3A : i32
      %mul3A_298 = arith.constant 200 : i32
      %mul3A_299 = arith.muli %mul3A_297, %mul3A_298 : i32
      "tpu.region"() ({
        %run_scoped3A = tpu.sem_alloc : memref<!tpu.dma_semaphore, #tpu.memory_space<semaphore_mem>>
        %dma_start3A = arith.constant 0 : i32
        %dma_start3A_300 = tpu.memref_slice %arg9[%dma_start3A] : memref<40000xf32, #tpu.memory_space<vmem>> -> memref<5000xf32, #tpu.memory_space<vmem>>
        %dma_start3A_301 = tpu.memref_slice %arg6[%mul3A_299] : memref<10000xf32, #tpu.memory_space<hbm>> -> memref<5000xf32, #tpu.memory_space<hbm>>
        %dma_start3A_302 = tpu.memref_slice %arg6[%mul3A_299] : memref<10000xf32, #tpu.memory_space<hbm>> -> memref<5000xf32, #tpu.memory_space<hbm>>
        %dma_start3A_303 = arith.constant 0 : i32
        %dma_start3A_304 = tpu.memref_slice %arg9[%dma_start3A_303] : memref<40000xf32, #tpu.memory_space<vmem>> -> memref<5000xf32, #tpu.memory_space<vmem>>
        tpu.enqueue_dma source(%dma_start3A_304 : memref<5000xf32, #tpu.memory_space<vmem>>) target(%dma_start3A_302 : memref<5000xf32, #tpu.memory_space<hbm>>) target_semaphore(%run_scoped3A : memref<!tpu.dma_semaphore, #tpu.memory_space<semaphore_mem>>)
        %dma_wait3A = arith.constant 0 : i32
        %dma_wait3A_305 = tpu.memref_slice %arg9[%dma_wait3A] : memref<40000xf32, #tpu.memory_space<vmem>> -> memref<5000xf32, #tpu.memory_space<vmem>>
        %dma_wait3A_306 = tpu.memref_slice %arg6[%mul3A_299] : memref<10000xf32, #tpu.memory_space<hbm>> -> memref<5000xf32, #tpu.memory_space<hbm>>
        %dma_wait3A_307 = tpu.memref_slice %arg6[%mul3A_299] : memref<10000xf32, #tpu.memory_space<hbm>> -> memref<5000xf32, #tpu.memory_space<hbm>>
        %dma_wait3A_308 = arith.constant 0 : i32
        %dma_wait3A_309 = tpu.memref_slice %arg9[%dma_wait3A_308] : memref<40000xf32, #tpu.memory_space<vmem>> -> memref<5000xf32, #tpu.memory_space<vmem>>
        tpu.wait_dma2 semaphore(%run_scoped3A : memref<!tpu.dma_semaphore, #tpu.memory_space<semaphore_mem>>) src(%dma_wait3A_309 : memref<5000xf32, #tpu.memory_space<vmem>>) dst(%dma_wait3A_307 : memref<5000xf32, #tpu.memory_space<hbm>>)
        tpu.yield
      }) : () -> ()
    } else {
    }
    return
  }
}

module attributes {stable_mosaic.version = 14 : i64} {
  func.func @_k1_body(%arg0: i32, %arg1: memref<400x128xf32, #tpu.memory_space<vmem>>, %arg2: memref<400x200xf32, #tpu.memory_space<vmem>>, %arg3: memref<200x16xf32, #tpu.memory_space<vmem>>, %arg4: memref<128x288xf32, #tpu.memory_space<vmem>>, %arg5: memref<400x32xf32, #tpu.memory_space<vmem>>, %arg6: memref<400x8xf32, #tpu.memory_space<vmem>>) attributes {dimension_semantics = [#tpu.dimension_semantics<arbitrary>], iteration_bounds = array<i64: 25>, scalar_prefetch = 0 : i64, scratch_operands = 0 : i64, tpu.core_type = #tpu.core_type<tc>, window_params = [{transform_indices = @transform_0, window_bounds = array<i64: 400, 128>}, {transform_indices = @transform_1, window_bounds = array<i64: 400, 200>}, {pipeline_mode = #tpu.pipeline_mode<synchronous>, transform_indices = @transform_2, window_bounds = array<i64: 200, 16>}, {pipeline_mode = #tpu.pipeline_mode<synchronous>, transform_indices = @transform_3, window_bounds = array<i64: 128, 288>}, {transform_indices = @transform_4, window_bounds = array<i64: 400, 32>}, {transform_indices = @transform_5, window_bounds = array<i64: 400, 8>}]} {
    %get3A = arith.constant 0 : index
    %get3A_0 = arith.constant 0 : index
    %get3A_1 = vector.load %arg2[%get3A, %get3A_0] : memref<400x200xf32, #tpu.memory_space<vmem>>, vector<400x200xf32>
    %get3A_2 = arith.constant 0 : index
    %get3A_3 = arith.constant 0 : index
    %get3A_4 = vector.load %arg3[%get3A_2, %get3A_3] : memref<200x16xf32, #tpu.memory_space<vmem>>, vector<200x16xf32>
    %dot_general3A = arith.constant dense<0.000000e+00> : vector<400x16xf32>
    %dot_general3A_5 = tpu.matmul %get3A_1, %get3A_4, %dot_general3A {dimension_numbers = #tpu.dot_dimension_numbers<[1], [0], [0], [1], [0, 0, 1, 1], [], []>, precision = #tpu.contract_precision<fp32>, transpose_lhs_hint = false} : vector<400x200xf32>, vector<200x16xf32>, vector<400x16xf32> -> vector<400x16xf32>
    %max3A = arith.constant 0.000000e+00 : f32
    %max3A_6 = vector.broadcast %max3A : f32 to vector<400x16xf32>
    %max3A_7 = arith.maximumf %dot_general3A_5, %max3A_6 : vector<400x16xf32>
    %slice3A = vector.extract_strided_slice %max3A_7 {offsets = [0, 8], sizes = [400, 8], strides = [1, 1]} : vector<400x16xf32> to vector<400x8xf32>
    %swap3A = arith.constant 0 : index
    %swap3A_8 = arith.constant 0 : index
    %swap3A_9 = vector.load %arg6[%swap3A, %swap3A_8] : memref<400x8xf32, #tpu.memory_space<vmem>>, vector<400x8xf32>
    tpu.vector_store %arg6[%swap3A, %swap3A_8], %slice3A {strides = array<i32>} : memref<400x8xf32, #tpu.memory_space<vmem>>, vector<400x8xf32>,
    %get3A_10 = arith.constant 0 : index
    %get3A_11 = arith.constant 0 : index
    %get3A_12 = vector.load %arg1[%get3A_10, %get3A_11] : memref<400x128xf32, #tpu.memory_space<vmem>>, vector<400x128xf32>
    %get3A_13 = arith.constant 0 : index
    %get3A_14 = arith.constant 0 : index
    %get3A_15 = vector.load %arg4[%get3A_13, %get3A_14] : memref<128x288xf32, #tpu.memory_space<vmem>>, vector<128x288xf32>
    %dot_general3A_16 = arith.constant dense<0.000000e+00> : vector<400x288xf32>
    %dot_general3A_17 = tpu.matmul %get3A_12, %get3A_15, %dot_general3A_16 {dimension_numbers = #tpu.dot_dimension_numbers<[1], [0], [0], [1], [0, 0, 1, 1], [], []>, precision = #tpu.contract_precision<fp32>, transpose_lhs_hint = false} : vector<400x128xf32>, vector<128x288xf32>, vector<400x288xf32> -> vector<400x288xf32>
    %slice3A_18 = vector.extract_strided_slice %dot_general3A_17 {offsets = [0, 256], sizes = [400, 32], strides = [1, 1]} : vector<400x288xf32> to vector<400x32xf32>
    %slice3A_19 = vector.extract_strided_slice %max3A_7 {offsets = [0, 0], sizes = [400, 1], strides = [1, 1]} : vector<400x16xf32> to vector<400x1xf32>
    %slice3A_20 = vector.extract_strided_slice %dot_general3A_17 {offsets = [0, 0], sizes = [400, 32], strides = [1, 1]} : vector<400x288xf32> to vector<400x32xf32>
    %mul3A = vector.broadcast %slice3A_19 : vector<400x1xf32> to vector<400x32xf32>
    %mul3A_21 = arith.mulf %mul3A, %slice3A_20 : vector<400x32xf32>
    %add3A = arith.addf %slice3A_18, %mul3A_21 : vector<400x32xf32>
    %slice3A_22 = vector.extract_strided_slice %max3A_7 {offsets = [0, 1], sizes = [400, 1], strides = [1, 1]} : vector<400x16xf32> to vector<400x1xf32>
    %slice3A_23 = vector.extract_strided_slice %dot_general3A_17 {offsets = [0, 32], sizes = [400, 32], strides = [1, 1]} : vector<400x288xf32> to vector<400x32xf32>
    %mul3A_24 = vector.broadcast %slice3A_22 : vector<400x1xf32> to vector<400x32xf32>
    %mul3A_25 = arith.mulf %mul3A_24, %slice3A_23 : vector<400x32xf32>
    %add3A_26 = arith.addf %add3A, %mul3A_25 : vector<400x32xf32>
    %slice3A_27 = vector.extract_strided_slice %max3A_7 {offsets = [0, 2], sizes = [400, 1], strides = [1, 1]} : vector<400x16xf32> to vector<400x1xf32>
    %slice3A_28 = vector.extract_strided_slice %dot_general3A_17 {offsets = [0, 64], sizes = [400, 32], strides = [1, 1]} : vector<400x288xf32> to vector<400x32xf32>
    %mul3A_29 = vector.broadcast %slice3A_27 : vector<400x1xf32> to vector<400x32xf32>
    %mul3A_30 = arith.mulf %mul3A_29, %slice3A_28 : vector<400x32xf32>
    %add3A_31 = arith.addf %add3A_26, %mul3A_30 : vector<400x32xf32>
    %slice3A_32 = vector.extract_strided_slice %max3A_7 {offsets = [0, 3], sizes = [400, 1], strides = [1, 1]} : vector<400x16xf32> to vector<400x1xf32>
    %slice3A_33 = vector.extract_strided_slice %dot_general3A_17 {offsets = [0, 96], sizes = [400, 32], strides = [1, 1]} : vector<400x288xf32> to vector<400x32xf32>
    %mul3A_34 = vector.broadcast %slice3A_32 : vector<400x1xf32> to vector<400x32xf32>
    %mul3A_35 = arith.mulf %mul3A_34, %slice3A_33 : vector<400x32xf32>
    %add3A_36 = arith.addf %add3A_31, %mul3A_35 : vector<400x32xf32>
    %slice3A_37 = vector.extract_strided_slice %max3A_7 {offsets = [0, 4], sizes = [400, 1], strides = [1, 1]} : vector<400x16xf32> to vector<400x1xf32>
    %slice3A_38 = vector.extract_strided_slice %dot_general3A_17 {offsets = [0, 128], sizes = [400, 32], strides = [1, 1]} : vector<400x288xf32> to vector<400x32xf32>
    %mul3A_39 = vector.broadcast %slice3A_37 : vector<400x1xf32> to vector<400x32xf32>
    %mul3A_40 = arith.mulf %mul3A_39, %slice3A_38 : vector<400x32xf32>
    %add3A_41 = arith.addf %add3A_36, %mul3A_40 : vector<400x32xf32>
    %slice3A_42 = vector.extract_strided_slice %max3A_7 {offsets = [0, 5], sizes = [400, 1], strides = [1, 1]} : vector<400x16xf32> to vector<400x1xf32>
    %slice3A_43 = vector.extract_strided_slice %dot_general3A_17 {offsets = [0, 160], sizes = [400, 32], strides = [1, 1]} : vector<400x288xf32> to vector<400x32xf32>
    %mul3A_44 = vector.broadcast %slice3A_42 : vector<400x1xf32> to vector<400x32xf32>
    %mul3A_45 = arith.mulf %mul3A_44, %slice3A_43 : vector<400x32xf32>
    %add3A_46 = arith.addf %add3A_41, %mul3A_45 : vector<400x32xf32>
    %slice3A_47 = vector.extract_strided_slice %max3A_7 {offsets = [0, 6], sizes = [400, 1], strides = [1, 1]} : vector<400x16xf32> to vector<400x1xf32>
    %slice3A_48 = vector.extract_strided_slice %dot_general3A_17 {offsets = [0, 192], sizes = [400, 32], strides = [1, 1]} : vector<400x288xf32> to vector<400x32xf32>
    %mul3A_49 = vector.broadcast %slice3A_47 : vector<400x1xf32> to vector<400x32xf32>
    %mul3A_50 = arith.mulf %mul3A_49, %slice3A_48 : vector<400x32xf32>
    %add3A_51 = arith.addf %add3A_46, %mul3A_50 : vector<400x32xf32>
    %slice3A_52 = vector.extract_strided_slice %max3A_7 {offsets = [0, 7], sizes = [400, 1], strides = [1, 1]} : vector<400x16xf32> to vector<400x1xf32>
    %slice3A_53 = vector.extract_strided_slice %dot_general3A_17 {offsets = [0, 224], sizes = [400, 32], strides = [1, 1]} : vector<400x288xf32> to vector<400x32xf32>
    %mul3A_54 = vector.broadcast %slice3A_52 : vector<400x1xf32> to vector<400x32xf32>
    %mul3A_55 = arith.mulf %mul3A_54, %slice3A_53 : vector<400x32xf32>
    %add3A_56 = arith.addf %add3A_51, %mul3A_55 : vector<400x32xf32>
    %swap3A_57 = arith.constant 0 : index
    %swap3A_58 = arith.constant 0 : index
    %swap3A_59 = vector.load %arg5[%swap3A_57, %swap3A_58] : memref<400x32xf32, #tpu.memory_space<vmem>>, vector<400x32xf32>
    tpu.vector_store %arg5[%swap3A_57, %swap3A_58], %add3A_56 {strides = array<i32>} : memref<400x32xf32, #tpu.memory_space<vmem>>, vector<400x32xf32>,
    return
  }
  func.func @transform_0(%arg0: i32) -> (i32, i32) {
    %c0_i32 = arith.constant 0 : i32
    %c0_i32_0 = arith.constant 0 : i32
    return %arg0, %c0_i32 : i32, i32
  }
  func.func @transform_1(%arg0: i32) -> (i32, i32) {
    %c0_i32 = arith.constant 0 : i32
    %c0_i32_0 = arith.constant 0 : i32
    return %arg0, %c0_i32 : i32, i32
  }
  func.func @transform_2(%arg0: i32) -> (i32, i32) {
    %c0_i32 = arith.constant 0 : i32
    %c0_i32_0 = arith.constant 0 : i32
    %c0_i32_1 = arith.constant 0 : i32
    return %c0_i32, %c0_i32_0 : i32, i32
  }
  func.func @transform_3(%arg0: i32) -> (i32, i32) {
    %c0_i32 = arith.constant 0 : i32
    %c0_i32_0 = arith.constant 0 : i32
    %c0_i32_1 = arith.constant 0 : i32
    return %c0_i32, %c0_i32_0 : i32, i32
  }
  func.func @transform_4(%arg0: i32) -> (i32, i32) {
    %c0_i32 = arith.constant 0 : i32
    %c0_i32_0 = arith.constant 0 : i32
    return %arg0, %c0_i32 : i32, i32
  }
  func.func @transform_5(%arg0: i32) -> (i32, i32) {
    %c0_i32 = arith.constant 0 : i32
    %c0_i32_0 = arith.constant 0 : i32
    return %arg0, %c0_i32 : i32, i32
  }
}

module attributes {stable_mosaic.version = 14 : i64} {
  func.func @_k23_body(%arg0: i32, %arg1: memref<5x200x200xf32, #tpu.memory_space<vmem>>, %arg2: memref<1000x32xf32, #tpu.memory_space<vmem>>, %arg3: memref<5x200x1xf32, #tpu.memory_space<vmem>>, %arg4: memref<1000x8xf32, #tpu.memory_space<vmem>>, %arg5: memref<1x32xf32, #tpu.memory_space<vmem>>, %arg6: memref<1x32xf32, #tpu.memory_space<vmem>>, %arg7: memref<32x288xf32, #tpu.memory_space<vmem>>, %arg8: memref<1x32xf32, #tpu.memory_space<vmem>>, %arg9: memref<1x32xf32, #tpu.memory_space<vmem>>, %arg10: memref<128x32xf32, #tpu.memory_space<vmem>>, %arg11: memref<1x32xf32, #tpu.memory_space<vmem>>, %arg12: memref<1x32xf32, #tpu.memory_space<vmem>>, %arg13: memref<1x32xf32, #tpu.memory_space<vmem>>, %arg14: memref<32x512xf32, #tpu.memory_space<vmem>>, %arg15: memref<1x512xf32, #tpu.memory_space<vmem>>, %arg16: memref<1x512xf32, #tpu.memory_space<vmem>>, %arg17: memref<1x512xf32, #tpu.memory_space<vmem>>, %arg18: memref<512x2xf32, #tpu.memory_space<vmem>>, %arg19: memref<1x2xf32, #tpu.memory_space<vmem>>, %arg20: memref<5x1x2xf32, #tpu.memory_space<vmem>>, %arg21: memref<5x100x1xf32, #tpu.memory_space<vmem>>, %arg22: memref<5x50x1xf32, #tpu.memory_space<vmem>>) attributes {dimension_semantics = [#tpu.dimension_semantics<arbitrary>], iteration_bounds = array<i64: 10>, scalar_prefetch = 0 : i64, scratch_operands = 0 : i64, tpu.core_type = #tpu.core_type<tc>, window_params = [{transform_indices = @transform_0, window_bounds = array<i64: 5, 200, 200>}, {transform_indices = @transform_1, window_bounds = array<i64: 1000, 32>}, {transform_indices = @transform_2, window_bounds = array<i64: 5, 200, 1>}, {transform_indices = @transform_3, window_bounds = array<i64: 1000, 8>}, {pipeline_mode = #tpu.pipeline_mode<synchronous>, transform_indices = @transform_4, window_bounds = array<i64: 1, 32>}, {pipeline_mode = #tpu.pipeline_mode<synchronous>, transform_indices = @transform_5, window_bounds = array<i64: 1, 32>}, {pipeline_mode = #tpu.pipeline_mode<synchronous>, transform_indices = @transform_6, window_bounds = array<i64: 32, 288>}, {pipeline_mode = #tpu.pipeline_mode<synchronous>, transform_indices = @transform_7, window_bounds = array<i64: 1, 32>}, {pipeline_mode = #tpu.pipeline_mode<synchronous>, transform_indices = @transform_8, window_bounds = array<i64: 1, 32>}, {pipeline_mode = #tpu.pipeline_mode<synchronous>, transform_indices = @transform_9, window_bounds = array<i64: 128, 32>}, {pipeline_mode = #tpu.pipeline_mode<synchronous>, transform_indices = @transform_10, window_bounds = array<i64: 1, 32>}, {pipeline_mode = #tpu.pipeline_mode<synchronous>, transform_indices = @transform_11, window_bounds = array<i64: 1, 32>}, {pipeline_mode = #tpu.pipeline_mode<synchronous>, transform_indices = @transform_12, window_bounds = array<i64: 1, 32>}, {pipeline_mode = #tpu.pipeline_mode<synchronous>, transform_indices = @transform_13, window_bounds = array<i64: 32, 512>}, {pipeline_mode = #tpu.pipeline_mode<synchronous>, transform_indices = @transform_14, window_bounds = array<i64: 1, 512>}, {pipeline_mode = #tpu.pipeline_mode<synchronous>, transform_indices = @transform_15, window_bounds = array<i64: 1, 512>}, {pipeline_mode = #tpu.pipeline_mode<synchronous>, transform_indices = @transform_16, window_bounds = array<i64: 1, 512>}, {pipeline_mode = #tpu.pipeline_mode<synchronous>, transform_indices = @transform_17, window_bounds = array<i64: 512, 2>}, {pipeline_mode = #tpu.pipeline_mode<synchronous>, transform_indices = @transform_18, window_bounds = array<i64: 1, 2>}, {transform_indices = @transform_19, window_bounds = array<i64: 5, 1, 2>}, {transform_indices = @transform_20, window_bounds = array<i64: 5, 100, 1>}, {transform_indices = @transform_21, window_bounds = array<i64: 5, 50, 1>}]} {
    %get3A = arith.constant 0 : index
    %get3A_0 = arith.constant 0 : index
    %get3A_1 = vector.load %arg5[%get3A, %get3A_0] : memref<1x32xf32, #tpu.memory_space<vmem>>, vector<1x32xf32>
    %mul3A = arith.mulf %get3A_1, %get3A_1 : vector<1x32xf32>
    %reduce_sum3A = vector.shape_cast %mul3A : vector<1x32xf32> to vector<1x1x32xf32>
    %reduce_sum3A_2 = arith.constant dense<0.000000e+00> : vector<1xf32>
    %reduce_sum3A_3 = vector.multi_reduction <add>, %reduce_sum3A, %reduce_sum3A_2 [1, 2] : vector<1x1x32xf32> to vector<1xf32>
    %reduce_sum3A_4 = vector.shape_cast %reduce_sum3A_3 : vector<1xf32> to vector<1x1x1xf32>
    %reduce_sum3A_5 = vector.extract %reduce_sum3A_4[0, 0, 0] : f32 from vector<1x1x1xf32>
    %sqrt3A = math.sqrt %reduce_sum3A_5 : f32
    %get3A_6 = arith.constant 0 : index
    %get3A_7 = arith.constant 0 : index
    %get3A_8 = vector.load %arg9[%get3A_6, %get3A_7] : memref<1x32xf32, #tpu.memory_space<vmem>>, vector<1x32xf32>
    %mul3A_9 = arith.mulf %get3A_8, %get3A_8 : vector<1x32xf32>
    %reduce_sum3A_10 = vector.shape_cast %mul3A_9 : vector<1x32xf32> to vector<1x1x32xf32>
    %reduce_sum3A_11 = arith.constant dense<0.000000e+00> : vector<1xf32>
    %reduce_sum3A_12 = vector.multi_reduction <add>, %reduce_sum3A_10, %reduce_sum3A_11 [1, 2] : vector<1x1x32xf32> to vector<1xf32>
    %reduce_sum3A_13 = vector.shape_cast %reduce_sum3A_12 : vector<1xf32> to vector<1x1x1xf32>
    %reduce_sum3A_14 = vector.extract %reduce_sum3A_13[0, 0, 0] : f32 from vector<1x1x1xf32>
    %sqrt3A_15 = math.sqrt %reduce_sum3A_14 : f32
    %iota3A = tpu.iota {dimensions = array<i32: 0>} : vector<100x100xi32>
    %iota3A_16 = tpu.iota {dimensions = array<i32: 1>} : vector<100x100xi32>
    %eq3A = arith.cmpi eq, %iota3A, %iota3A_16 : vector<100x100xi32>
    %convert_element_type3A = arith.extui %eq3A : vector<100x100xi1> to vector<100x100xi32>
    %convert_element_type3A_17 = arith.sitofp %convert_element_type3A : vector<100x100xi32> to vector<100x100xf32>
    %sqrt3A_18 = arith.constant 1.000010e+00 : f32
    %sqrt3A_19 = math.sqrt %sqrt3A_18 : f32
    %div3A = arith.constant 1.000000e+00 : f32
    %div3A_20 = arith.divf %div3A, %sqrt3A_19 : f32
    %get3A_21 = arith.constant 0 : index
    %get3A_22 = arith.constant 0 : index
    %get3A_23 = arith.constant 0 : index
    %get3A_24 = vector.load %arg1[%get3A_21, %get3A_22, %get3A_23] : memref<5x200x200xf32, #tpu.memory_space<vmem>>, vector<1x200x200xf32>
    %get3A_25 = vector.shape_cast %get3A_24 : vector<1x200x200xf32> to vector<200x200xf32>
    %get3A_26 = arith.constant 0 : index
    %get3A_27 = arith.constant 0 : index
    %get3A_28 = vector.load %arg2[%get3A_26, %get3A_27] : memref<1000x32xf32, #tpu.memory_space<vmem>>, vector<200x32xf32>
    %dot_general3A = arith.constant dense<0.000000e+00> : vector<200x32xf32>
    %dot_general3A_29 = tpu.matmul %get3A_25, %get3A_28, %dot_general3A {dimension_numbers = #tpu.dot_dimension_numbers<[1], [0], [0], [1], [0, 0, 1, 1], [], []>, precision = #tpu.contract_precision<fp32>, transpose_lhs_hint = false} : vector<200x200xf32>, vector<200x32xf32>, vector<200x32xf32> -> vector<200x32xf32>
    %get3A_30 = arith.constant 0 : index
    %get3A_31 = arith.constant 0 : index
    %get3A_32 = arith.constant 0 : index
    %get3A_33 = vector.load %arg3[%get3A_30, %get3A_31, %get3A_32] : memref<5x200x1xf32, #tpu.memory_space<vmem>>, vector<1x200x1xf32>
    %get3A_34 = vector.shape_cast %get3A_33 : vector<1x200x1xf32> to vector<200x1xf32>
    %gt3A = arith.constant 0.000000e+00 : f32
    %gt3A_35 = vector.broadcast %gt3A : f32 to vector<200x1xf32>
    %gt3A_36 = arith.cmpf ogt, %get3A_34, %gt3A_35 : vector<200x1xf32>
    %max3A = arith.constant 1.000000e+00 : f32
    %max3A_37 = vector.broadcast %max3A : f32 to vector<200x1xf32>
    %max3A_38 = arith.maximumf %get3A_34, %max3A_37 : vector<200x1xf32>
    %div3A_39 = vector.broadcast %max3A_38 : vector<200x1xf32> to vector<200x32xf32>
    %div3A_40 = arith.divf %dot_general3A_29, %div3A_39 : vector<200x32xf32>
    %jit3A = arith.constant 0.000000e+00 : f32
    %broadcast_in_dim3A = vector.shape_cast %gt3A_36 : vector<200x1xi1> to vector<200x1xi1>
    %broadcast_in_dim3A_41 = vector.broadcast %broadcast_in_dim3A : vector<200x1xi1> to vector<200x32xi1>
    %broadcast_in_dim3A_42 = vector.broadcast %jit3A : f32 to vector<200x32xf32>
    %select_n3A = arith.select %broadcast_in_dim3A_41, %div3A_40, %broadcast_in_dim3A_42 : vector<200x32xi1>, vector<200x32xf32>
    %get3A_43 = arith.constant 0 : index
    %get3A_44 = arith.constant 0 : index
    %get3A_45 = vector.load %arg6[%get3A_43, %get3A_44] : memref<1x32xf32, #tpu.memory_space<vmem>>, vector<1x32xf32>
    %add3A = vector.broadcast %get3A_45 : vector<1x32xf32> to vector<200x32xf32>
    %add3A_46 = arith.addf %select_n3A, %add3A : vector<200x32xf32>
    %dot_general3A_47 = arith.constant dense<0.000000e+00> : vector<1x200xf32>
    %dot_general3A_48 = tpu.matmul %get3A_1, %add3A_46, %dot_general3A_47 {dimension_numbers = #tpu.dot_dimension_numbers<[1], [1], [0], [0], [0, 0, 1, 0], [], []>, precision = #tpu.contract_precision<fp32>, transpose_lhs_hint = false} : vector<1x32xf32>, vector<200x32xf32>, vector<1x200xf32> -> vector<1x200xf32>
    %div3A_49 = vector.broadcast %sqrt3A : f32 to vector<1x200xf32>
    %div3A_50 = arith.divf %dot_general3A_48, %div3A_49 : vector<1x200xf32>
    %broadcast_in_dim3A_51 = arith.constant 1.000000e+00 : f32
    %broadcast_in_dim3A_52 = vector.broadcast %broadcast_in_dim3A_51 : f32 to vector<1x200xf32>
    %dot_general3A_53 = arith.constant dense<0.000000e+00> : vector<200x200xf32>
    %dot_general3A_54 = tpu.matmul %div3A_50, %broadcast_in_dim3A_52, %dot_general3A_53 {dimension_numbers = #tpu.dot_dimension_numbers<[0], [0], [1], [1], [0, 1, 1, 1], [], []>, precision = #tpu.contract_precision<fp32>, transpose_lhs_hint = false} : vector<1x200xf32>, vector<1x200xf32>, vector<200x200xf32> -> vector<200x200xf32>
    %dot_general3A_55 = arith.constant dense<0.000000e+00> : vector<200x200xf32>
    %dot_general3A_56 = tpu.matmul %broadcast_in_dim3A_52, %div3A_50, %dot_general3A_55 {dimension_numbers = #tpu.dot_dimension_numbers<[0], [0], [1], [1], [0, 1, 1, 1], [], []>, precision = #tpu.contract_precision<fp32>, transpose_lhs_hint = false} : vector<1x200xf32>, vector<1x200xf32>, vector<200x200xf32> -> vector<200x200xf32>
    %logistic3A = arith.negf %dot_general3A_54 : vector<200x200xf32>
    %logistic3A_57 = math.exp %logistic3A : vector<200x200xf32>
    %logistic3A_58 = arith.constant 1.000000e+00 : f32
    %logistic3A_59 = vector.broadcast %logistic3A_58 : f32 to vector<200x200xf32>
    %logistic3A_60 = arith.addf %logistic3A_59, %logistic3A_57 : vector<200x200xf32>
    %logistic3A_61 = arith.divf %logistic3A_59, %logistic3A_60 : vector<200x200xf32>
    %logistic3A_62 = arith.negf %dot_general3A_56 : vector<200x200xf32>
    %logistic3A_63 = math.exp %logistic3A_62 : vector<200x200xf32>
    %logistic3A_64 = arith.constant 1.000000e+00 : f32
    %logistic3A_65 = vector.broadcast %logistic3A_64 : f32 to vector<200x200xf32>
    %logistic3A_66 = arith.addf %logistic3A_65, %logistic3A_63 : vector<200x200xf32>
    %logistic3A_67 = arith.divf %logistic3A_65, %logistic3A_66 : vector<200x200xf32>
    %iota3A_68 = tpu.iota {dimensions = array<i32: 0>} : vector<200x200xi32>
    %iota3A_69 = tpu.iota {dimensions = array<i32: 1>} : vector<200x200xi32>
    %gt3A_70 = arith.cmpf ogt, %logistic3A_67, %logistic3A_61 : vector<200x200xf32>
    %eq3A_71 = arith.cmpf oeq, %logistic3A_67, %logistic3A_61 : vector<200x200xf32>
    %lt3A = arith.cmpi slt, %iota3A_69, %iota3A_68 : vector<200x200xi32>
    %and3A = arith.andi %eq3A_71, %lt3A : vector<200x200xi1>
    %or3A = arith.ori %gt3A_70, %and3A : vector<200x200xi1>
    %convert_element_type3A_72 = arith.extui %or3A : vector<200x200xi1> to vector<200x200xi32>
    %convert_element_type3A_73 = arith.sitofp %convert_element_type3A_72 : vector<200x200xi32> to vector<200x200xf32>
    %reduce_sum3A_74 = arith.constant dense<0.000000e+00> : vector<200xf32>
    %reduce_sum3A_75 = vector.multi_reduction <add>, %convert_element_type3A_73, %reduce_sum3A_74 [1] : vector<200x200xf32> to vector<200xf32>
    %broadcast_in_dim3A_76 = vector.shape_cast %reduce_sum3A_75 : vector<200xf32> to vector<200x1xf32>
    %broadcast_in_dim3A_77 = arith.constant 1.000000e+00 : f32
    %broadcast_in_dim3A_78 = vector.broadcast %broadcast_in_dim3A_77 : f32 to vector<100x1xf32>
    %dot_general3A_79 = arith.constant dense<0.000000e+00> : vector<100x200xf32>
    %dot_general3A_80 = tpu.matmul %broadcast_in_dim3A_78, %broadcast_in_dim3A_76, %dot_general3A_79 {dimension_numbers = #tpu.dot_dimension_numbers<[1], [1], [0], [0], [0, 0, 1, 0], [], []>, precision = #tpu.contract_precision<fp32>, transpose_lhs_hint = false} : vector<100x1xf32>, vector<200x1xf32>, vector<100x200xf32> -> vector<100x200xf32>
    %iota3A_81 = tpu.iota {dimensions = array<i32: 0>} : vector<100x200xi32>
    %convert_element_type3A_82 = arith.sitofp %iota3A_81 : vector<100x200xi32> to vector<100x200xf32>
    %eq3A_83 = arith.cmpf oeq, %dot_general3A_80, %convert_element_type3A_82 : vector<100x200xf32>
    %convert_element_type3A_84 = arith.extui %eq3A_83 : vector<100x200xi1> to vector<100x200xi32>
    %convert_element_type3A_85 = arith.sitofp %convert_element_type3A_84 : vector<100x200xi32> to vector<100x200xf32>
    %slice3A = vector.extract_strided_slice %logistic3A_61 {offsets = [0, 0], sizes = [200, 1], strides = [1, 1]} : vector<200x200xf32> to vector<200x1xf32>
    %mul3A_86 = vector.broadcast %slice3A : vector<200x1xf32> to vector<200x32xf32>
    %mul3A_87 = arith.mulf %add3A_46, %mul3A_86 : vector<200x32xf32>
    %dot_general3A_88 = arith.constant dense<0.000000e+00> : vector<100x32xf32>
    %dot_general3A_89 = tpu.matmul %convert_element_type3A_85, %mul3A_87, %dot_general3A_88 {dimension_numbers = #tpu.dot_dimension_numbers<[1], [0], [0], [1], [0, 0, 1, 1], [], []>, precision = #tpu.contract_precision<fp32>, transpose_lhs_hint = false} : vector<100x200xf32>, vector<200x32xf32>, vector<100x32xf32> -> vector<100x32xf32>
    %get3A_90 = arith.constant 0 : index
    %get3A_91 = arith.constant 0 : index
    %get3A_92 = vector.load %arg4[%get3A_90, %get3A_91] : memref<1000x8xf32, #tpu.memory_space<vmem>>, vector<200x8xf32>
    %dot_general3A_93 = arith.constant dense<0.000000e+00> : vector<100x8xf32>
    %dot_general3A_94 = tpu.matmul %convert_element_type3A_85, %get3A_92, %dot_general3A_93 {dimension_numbers = #tpu.dot_dimension_numbers<[1], [0], [0], [1], [0, 0, 1, 1], [], []>, precision = #tpu.contract_precision<fp32>, transpose_lhs_hint = false} : vector<100x200xf32>, vector<200x8xf32>, vector<100x8xf32> -> vector<100x8xf32>
    %dot_general3A_95 = arith.constant dense<0.000000e+00> : vector<100x1xf32>
    %dot_general3A_96 = tpu.matmul %convert_element_type3A_85, %slice3A, %dot_general3A_95 {dimension_numbers = #tpu.dot_dimension_numbers<[1], [0], [0], [1], [0, 0, 1, 1], [], []>, precision = #tpu.contract_precision<fp32>, transpose_lhs_hint = false} : vector<100x200xf32>, vector<200x1xf32>, vector<100x1xf32> -> vector<100x1xf32>
    %logistic3A_97 = arith.negf %dot_general3A_96 : vector<100x1xf32>
    %logistic3A_98 = math.exp %logistic3A_97 : vector<100x1xf32>
    %logistic3A_99 = arith.constant 1.000000e+00 : f32
    %logistic3A_100 = vector.broadcast %logistic3A_99 : f32 to vector<100x1xf32>
    %logistic3A_101 = arith.addf %logistic3A_100, %logistic3A_98 : vector<100x1xf32>
    %logistic3A_102 = arith.divf %logistic3A_100, %logistic3A_101 : vector<100x1xf32>
    %swap3A = arith.constant 0 : index
    %swap3A_103 = arith.constant 0 : index
    %swap3A_104 = arith.constant 0 : index
    %swap3A_105 = vector.load %arg21[%swap3A, %swap3A_103, %swap3A_104] : memref<5x100x1xf32, #tpu.memory_space<vmem>>, vector<1x100x1xf32>
    %swap3A_106 = vector.shape_cast %swap3A_105 : vector<1x100x1xf32> to vector<100x1xf32>
    %swap3A_107 = vector.shape_cast %logistic3A_102 : vector<100x1xf32> to vector<1x100x1xf32>
    tpu.vector_store %arg21[%swap3A, %swap3A_103, %swap3A_104], %swap3A_107 {strides = array<i32>} : memref<5x100x1xf32, #tpu.memory_space<vmem>>, vector<1x100x1xf32>,
    %reduce_max3A = arith.constant dense<0xFF800000> : vector<32xf32>
    %reduce_max3A_108 = vector.multi_reduction <maximumf>, %dot_general3A_89, %reduce_max3A [0] : vector<100x32xf32> to vector<32xf32>
    %broadcast_in_dim3A_109 = vector.shape_cast %reduce_max3A_108 : vector<32xf32> to vector<1x32xf32>
    %reduce_sum3A_110 = arith.constant dense<0.000000e+00> : vector<32xf32>
    %reduce_sum3A_111 = vector.multi_reduction <add>, %dot_general3A_89, %reduce_sum3A_110 [0] : vector<100x32xf32> to vector<32xf32>
    %broadcast_in_dim3A_112 = vector.shape_cast %reduce_sum3A_111 : vector<32xf32> to vector<1x32xf32>
    %div3A_113 = arith.constant 1.000000e+02 : f32
    %div3A_114 = vector.broadcast %div3A_113 : f32 to vector<1x32xf32>
    %div3A_115 = arith.divf %broadcast_in_dim3A_112, %div3A_114 : vector<1x32xf32>
    %dot_general3A_116 = arith.constant dense<0.000000e+00> : vector<100x200xf32>
    %dot_general3A_117 = tpu.matmul %convert_element_type3A_85, %get3A_25, %dot_general3A_116 {dimension_numbers = #tpu.dot_dimension_numbers<[1], [0], [0], [1], [0, 0, 1, 1], [], []>, precision = #tpu.contract_precision<fp32>, transpose_lhs_hint = false} : vector<100x200xf32>, vector<200x200xf32>, vector<100x200xf32> -> vector<100x200xf32>
    %dot_general3A_118 = arith.constant dense<0.000000e+00> : vector<100x100xf32>
    %dot_general3A_119 = tpu.matmul %dot_general3A_117, %convert_element_type3A_85, %dot_general3A_118 {dimension_numbers = #tpu.dot_dimension_numbers<[1], [1], [0], [0], [0, 0, 1, 0], [], []>, precision = #tpu.contract_precision<fp32>, transpose_lhs_hint = false} : vector<100x200xf32>, vector<100x200xf32>, vector<100x100xf32> -> vector<100x100xf32>
    %add3A_120 = arith.addf %dot_general3A_119, %convert_element_type3A_17 : vector<100x100xf32>
    %dot_general3A_121 = arith.constant dense<0.000000e+00> : vector<100x100xf32>
    %dot_general3A_122 = tpu.matmul %add3A_120, %add3A_120, %dot_general3A_121 {dimension_numbers = #tpu.dot_dimension_numbers<[1], [0], [0], [1], [0, 0, 1, 1], [], []>, precision = #tpu.contract_precision<fp32>, transpose_lhs_hint = false} : vector<100x100xf32>, vector<100x100xf32>, vector<100x100xf32> -> vector<100x100xf32>
    %sub3A = arith.constant 1.000000e+00 : f32
    %sub3A_123 = vector.broadcast %sub3A : f32 to vector<100x100xf32>
    %sub3A_124 = arith.subf %sub3A_123, %convert_element_type3A_17 : vector<100x100xf32>
    %mul3A_125 = arith.mulf %dot_general3A_122, %sub3A_124 : vector<100x100xf32>
    %ne3A = arith.constant 0.000000e+00 : f32
    %ne3A_126 = vector.broadcast %ne3A : f32 to vector<100x100xf32>
    %ne3A_127 = arith.cmpf one, %mul3A_125, %ne3A_126 : vector<100x100xf32>
    %convert_element_type3A_128 = arith.extui %ne3A_127 : vector<100x100xi1> to vector<100x100xi32>
    %convert_element_type3A_129 = arith.sitofp %convert_element_type3A_128 : vector<100x100xi32> to vector<100x100xf32>
    %reduce_sum3A_130 = arith.constant dense<0.000000e+00> : vector<100xf32>
    %reduce_sum3A_131 = vector.multi_reduction <add>, %convert_element_type3A_129, %reduce_sum3A_130 [1] : vector<100x100xf32> to vector<100xf32>
    %broadcast_in_dim3A_132 = vector.shape_cast %reduce_sum3A_131 : vector<100xf32> to vector<100x1xf32>
    %get3A_133 = arith.constant 0 : index
    %get3A_134 = arith.constant 0 : index
    %get3A_135 = vector.load %arg7[%get3A_133, %get3A_134] : memref<32x288xf32, #tpu.memory_space<vmem>>, vector<32x288xf32>
    %dot_general3A_136 = arith.constant dense<0.000000e+00> : vector<100x288xf32>
    %dot_general3A_137 = tpu.matmul %dot_general3A_89, %get3A_135, %dot_general3A_136 {dimension_numbers = #tpu.dot_dimension_numbers<[1], [0], [0], [1], [0, 0, 1, 1], [], []>, precision = #tpu.contract_precision<fp32>, transpose_lhs_hint = false} : vector<100x32xf32>, vector<32x288xf32>, vector<100x288xf32> -> vector<100x288xf32>
    %slice3A_138 = vector.extract_strided_slice %dot_general3A_137 {offsets = [0, 256], sizes = [100, 32], strides = [1, 1]} : vector<100x288xf32> to vector<100x32xf32>
    %slice3A_139 = vector.extract_strided_slice %dot_general3A_94 {offsets = [0, 0], sizes = [100, 1], strides = [1, 1]} : vector<100x8xf32> to vector<100x1xf32>
    %slice3A_140 = vector.extract_strided_slice %dot_general3A_137 {offsets = [0, 0], sizes = [100, 32], strides = [1, 1]} : vector<100x288xf32> to vector<100x32xf32>
    %mul3A_141 = vector.broadcast %slice3A_139 : vector<100x1xf32> to vector<100x32xf32>
    %mul3A_142 = arith.mulf %mul3A_141, %slice3A_140 : vector<100x32xf32>
    %add3A_143 = arith.addf %slice3A_138, %mul3A_142 : vector<100x32xf32>
    %slice3A_144 = vector.extract_strided_slice %dot_general3A_94 {offsets = [0, 1], sizes = [100, 1], strides = [1, 1]} : vector<100x8xf32> to vector<100x1xf32>
    %slice3A_145 = vector.extract_strided_slice %dot_general3A_137 {offsets = [0, 32], sizes = [100, 32], strides = [1, 1]} : vector<100x288xf32> to vector<100x32xf32>
    %mul3A_146 = vector.broadcast %slice3A_144 : vector<100x1xf32> to vector<100x32xf32>
    %mul3A_147 = arith.mulf %mul3A_146, %slice3A_145 : vector<100x32xf32>
    %add3A_148 = arith.addf %add3A_143, %mul3A_147 : vector<100x32xf32>
    %slice3A_149 = vector.extract_strided_slice %dot_general3A_94 {offsets = [0, 2], sizes = [100, 1], strides = [1, 1]} : vector<100x8xf32> to vector<100x1xf32>
    %slice3A_150 = vector.extract_strided_slice %dot_general3A_137 {offsets = [0, 64], sizes = [100, 32], strides = [1, 1]} : vector<100x288xf32> to vector<100x32xf32>
    %mul3A_151 = vector.broadcast %slice3A_149 : vector<100x1xf32> to vector<100x32xf32>
    %mul3A_152 = arith.mulf %mul3A_151, %slice3A_150 : vector<100x32xf32>
    %add3A_153 = arith.addf %add3A_148, %mul3A_152 : vector<100x32xf32>
    %slice3A_154 = vector.extract_strided_slice %dot_general3A_94 {offsets = [0, 3], sizes = [100, 1], strides = [1, 1]} : vector<100x8xf32> to vector<100x1xf32>
    %slice3A_155 = vector.extract_strided_slice %dot_general3A_137 {offsets = [0, 96], sizes = [100, 32], strides = [1, 1]} : vector<100x288xf32> to vector<100x32xf32>
    %mul3A_156 = vector.broadcast %slice3A_154 : vector<100x1xf32> to vector<100x32xf32>
    %mul3A_157 = arith.mulf %mul3A_156, %slice3A_155 : vector<100x32xf32>
    %add3A_158 = arith.addf %add3A_153, %mul3A_157 : vector<100x32xf32>
    %slice3A_159 = vector.extract_strided_slice %dot_general3A_94 {offsets = [0, 4], sizes = [100, 1], strides = [1, 1]} : vector<100x8xf32> to vector<100x1xf32>
    %slice3A_160 = vector.extract_strided_slice %dot_general3A_137 {offsets = [0, 128], sizes = [100, 32], strides = [1, 1]} : vector<100x288xf32> to vector<100x32xf32>
    %mul3A_161 = vector.broadcast %slice3A_159 : vector<100x1xf32> to vector<100x32xf32>
    %mul3A_162 = arith.mulf %mul3A_161, %slice3A_160 : vector<100x32xf32>
    %add3A_163 = arith.addf %add3A_158, %mul3A_162 : vector<100x32xf32>
    %slice3A_164 = vector.extract_strided_slice %dot_general3A_94 {offsets = [0, 5], sizes = [100, 1], strides = [1, 1]} : vector<100x8xf32> to vector<100x1xf32>
    %slice3A_165 = vector.extract_strided_slice %dot_general3A_137 {offsets = [0, 160], sizes = [100, 32], strides = [1, 1]} : vector<100x288xf32> to vector<100x32xf32>
    %mul3A_166 = vector.broadcast %slice3A_164 : vector<100x1xf32> to vector<100x32xf32>
    %mul3A_167 = arith.mulf %mul3A_166, %slice3A_165 : vector<100x32xf32>
    %add3A_168 = arith.addf %add3A_163, %mul3A_167 : vector<100x32xf32>
    %slice3A_169 = vector.extract_strided_slice %dot_general3A_94 {offsets = [0, 6], sizes = [100, 1], strides = [1, 1]} : vector<100x8xf32> to vector<100x1xf32>
    %slice3A_170 = vector.extract_strided_slice %dot_general3A_137 {offsets = [0, 192], sizes = [100, 32], strides = [1, 1]} : vector<100x288xf32> to vector<100x32xf32>
    %mul3A_171 = vector.broadcast %slice3A_169 : vector<100x1xf32> to vector<100x32xf32>
    %mul3A_172 = arith.mulf %mul3A_171, %slice3A_170 : vector<100x32xf32>
    %add3A_173 = arith.addf %add3A_168, %mul3A_172 : vector<100x32xf32>
    %slice3A_174 = vector.extract_strided_slice %dot_general3A_94 {offsets = [0, 7], sizes = [100, 1], strides = [1, 1]} : vector<100x8xf32> to vector<100x1xf32>
    %slice3A_175 = vector.extract_strided_slice %dot_general3A_137 {offsets = [0, 224], sizes = [100, 32], strides = [1, 1]} : vector<100x288xf32> to vector<100x32xf32>
    %mul3A_176 = vector.broadcast %slice3A_174 : vector<100x1xf32> to vector<100x32xf32>
    %mul3A_177 = arith.mulf %mul3A_176, %slice3A_175 : vector<100x32xf32>
    %add3A_178 = arith.addf %add3A_173, %mul3A_177 : vector<100x32xf32>
    %dot_general3A_179 = arith.constant dense<0.000000e+00> : vector<100x32xf32>
    %dot_general3A_180 = tpu.matmul %mul3A_125, %add3A_178, %dot_general3A_179 {dimension_numbers = #tpu.dot_dimension_numbers<[1], [0], [0], [1], [0, 0, 1, 1], [], []>, precision = #tpu.contract_precision<fp32>, transpose_lhs_hint = false} : vector<100x100xf32>, vector<100x32xf32>, vector<100x32xf32> -> vector<100x32xf32>
    %gt3A_181 = arith.constant 0.000000e+00 : f32
    %gt3A_182 = vector.broadcast %gt3A_181 : f32 to vector<100x1xf32>
    %gt3A_183 = arith.cmpf ogt, %broadcast_in_dim3A_132, %gt3A_182 : vector<100x1xf32>
    %max3A_184 = arith.constant 1.000000e+00 : f32
    %max3A_185 = vector.broadcast %max3A_184 : f32 to vector<100x1xf32>
    %max3A_186 = arith.maximumf %broadcast_in_dim3A_132, %max3A_185 : vector<100x1xf32>
    %div3A_187 = vector.broadcast %max3A_186 : vector<100x1xf32> to vector<100x32xf32>
    %div3A_188 = arith.divf %dot_general3A_180, %div3A_187 : vector<100x32xf32>
    %jit3A_189 = arith.constant 0.000000e+00 : f32
    %broadcast_in_dim3A_190 = vector.shape_cast %gt3A_183 : vector<100x1xi1> to vector<100x1xi1>
    %broadcast_in_dim3A_191 = vector.broadcast %broadcast_in_dim3A_190 : vector<100x1xi1> to vector<100x32xi1>
    %broadcast_in_dim3A_192 = vector.broadcast %jit3A_189 : f32 to vector<100x32xf32>
    %select_n3A_193 = arith.select %broadcast_in_dim3A_191, %div3A_188, %broadcast_in_dim3A_192 : vector<100x32xi1>, vector<100x32xf32>
    %get3A_194 = arith.constant 0 : index
    %get3A_195 = arith.constant 0 : index
    %get3A_196 = vector.load %arg8[%get3A_194, %get3A_195] : memref<1x32xf32, #tpu.memory_space<vmem>>, vector<1x32xf32>
    %add3A_197 = vector.broadcast %get3A_196 : vector<1x32xf32> to vector<100x32xf32>
    %add3A_198 = arith.addf %select_n3A_193, %add3A_197 : vector<100x32xf32>
    %dot_general3A_199 = arith.constant dense<0.000000e+00> : vector<1x100xf32>
    %dot_general3A_200 = tpu.matmul %get3A_8, %add3A_198, %dot_general3A_199 {dimension_numbers = #tpu.dot_dimension_numbers<[1], [1], [0], [0], [0, 0, 1, 0], [], []>, precision = #tpu.contract_precision<fp32>, transpose_lhs_hint = false} : vector<1x32xf32>, vector<100x32xf32>, vector<1x100xf32> -> vector<1x100xf32>
    %div3A_201 = vector.broadcast %sqrt3A_15 : f32 to vector<1x100xf32>
    %div3A_202 = arith.divf %dot_general3A_200, %div3A_201 : vector<1x100xf32>
    %broadcast_in_dim3A_203 = arith.constant 1.000000e+00 : f32
    %broadcast_in_dim3A_204 = vector.broadcast %broadcast_in_dim3A_203 : f32 to vector<1x100xf32>
    %dot_general3A_205 = arith.constant dense<0.000000e+00> : vector<100x100xf32>
    %dot_general3A_206 = tpu.matmul %div3A_202, %broadcast_in_dim3A_204, %dot_general3A_205 {dimension_numbers = #tpu.dot_dimension_numbers<[0], [0], [1], [1], [0, 1, 1, 1], [], []>, precision = #tpu.contract_precision<fp32>, transpose_lhs_hint = false} : vector<1x100xf32>, vector<1x100xf32>, vector<100x100xf32> -> vector<100x100xf32>
    %dot_general3A_207 = arith.constant dense<0.000000e+00> : vector<100x100xf32>
    %dot_general3A_208 = tpu.matmul %broadcast_in_dim3A_204, %div3A_202, %dot_general3A_207 {dimension_numbers = #tpu.dot_dimension_numbers<[0], [0], [1], [1], [0, 1, 1, 1], [], []>, precision = #tpu.contract_precision<fp32>, transpose_lhs_hint = false} : vector<1x100xf32>, vector<1x100xf32>, vector<100x100xf32> -> vector<100x100xf32>
    %logistic3A_209 = arith.negf %dot_general3A_206 : vector<100x100xf32>
    %logistic3A_210 = math.exp %logistic3A_209 : vector<100x100xf32>
    %logistic3A_211 = arith.constant 1.000000e+00 : f32
    %logistic3A_212 = vector.broadcast %logistic3A_211 : f32 to vector<100x100xf32>
    %logistic3A_213 = arith.addf %logistic3A_212, %logistic3A_210 : vector<100x100xf32>
    %logistic3A_214 = arith.divf %logistic3A_212, %logistic3A_213 : vector<100x100xf32>
    %logistic3A_215 = arith.negf %dot_general3A_208 : vector<100x100xf32>
    %logistic3A_216 = math.exp %logistic3A_215 : vector<100x100xf32>
    %logistic3A_217 = arith.constant 1.000000e+00 : f32
    %logistic3A_218 = vector.broadcast %logistic3A_217 : f32 to vector<100x100xf32>
    %logistic3A_219 = arith.addf %logistic3A_218, %logistic3A_216 : vector<100x100xf32>
    %logistic3A_220 = arith.divf %logistic3A_218, %logistic3A_219 : vector<100x100xf32>
    %iota3A_221 = tpu.iota {dimensions = array<i32: 0>} : vector<100x100xi32>
    %iota3A_222 = tpu.iota {dimensions = array<i32: 1>} : vector<100x100xi32>
    %gt3A_223 = arith.cmpf ogt, %logistic3A_220, %logistic3A_214 : vector<100x100xf32>
    %eq3A_224 = arith.cmpf oeq, %logistic3A_220, %logistic3A_214 : vector<100x100xf32>
    %lt3A_225 = arith.cmpi slt, %iota3A_222, %iota3A_221 : vector<100x100xi32>
    %and3A_226 = arith.andi %eq3A_224, %lt3A_225 : vector<100x100xi1>
    %or3A_227 = arith.ori %gt3A_223, %and3A_226 : vector<100x100xi1>
    %convert_element_type3A_228 = arith.extui %or3A_227 : vector<100x100xi1> to vector<100x100xi32>
    %convert_element_type3A_229 = arith.sitofp %convert_element_type3A_228 : vector<100x100xi32> to vector<100x100xf32>
    %reduce_sum3A_230 = arith.constant dense<0.000000e+00> : vector<100xf32>
    %reduce_sum3A_231 = vector.multi_reduction <add>, %convert_element_type3A_229, %reduce_sum3A_230 [1] : vector<100x100xf32> to vector<100xf32>
    %broadcast_in_dim3A_232 = vector.shape_cast %reduce_sum3A_231 : vector<100xf32> to vector<100x1xf32>
    %broadcast_in_dim3A_233 = arith.constant 1.000000e+00 : f32
    %broadcast_in_dim3A_234 = vector.broadcast %broadcast_in_dim3A_233 : f32 to vector<50x1xf32>
    %dot_general3A_235 = arith.constant dense<0.000000e+00> : vector<50x100xf32>
    %dot_general3A_236 = tpu.matmul %broadcast_in_dim3A_234, %broadcast_in_dim3A_232, %dot_general3A_235 {dimension_numbers = #tpu.dot_dimension_numbers<[1], [1], [0], [0], [0, 0, 1, 0], [], []>, precision = #tpu.contract_precision<fp32>, transpose_lhs_hint = false} : vector<50x1xf32>, vector<100x1xf32>, vector<50x100xf32> -> vector<50x100xf32>
    %iota3A_237 = tpu.iota {dimensions = array<i32: 0>} : vector<50x100xi32>
    %convert_element_type3A_238 = arith.sitofp %iota3A_237 : vector<50x100xi32> to vector<50x100xf32>
    %eq3A_239 = arith.cmpf oeq, %dot_general3A_236, %convert_element_type3A_238 : vector<50x100xf32>
    %convert_element_type3A_240 = arith.extui %eq3A_239 : vector<50x100xi1> to vector<50x100xi32>
    %convert_element_type3A_241 = arith.sitofp %convert_element_type3A_240 : vector<50x100xi32> to vector<50x100xf32>
    %slice3A_242 = vector.extract_strided_slice %logistic3A_214 {offsets = [0, 0], sizes = [100, 1], strides = [1, 1]} : vector<100x100xf32> to vector<100x1xf32>
    %mul3A_243 = vector.broadcast %slice3A_242 : vector<100x1xf32> to vector<100x32xf32>
    %mul3A_244 = arith.mulf %add3A_198, %mul3A_243 : vector<100x32xf32>
    %dot_general3A_245 = arith.constant dense<0.000000e+00> : vector<50x32xf32>
    %dot_general3A_246 = tpu.matmul %convert_element_type3A_241, %mul3A_244, %dot_general3A_245 {dimension_numbers = #tpu.dot_dimension_numbers<[1], [0], [0], [1], [0, 0, 1, 1], [], []>, precision = #tpu.contract_precision<fp32>, transpose_lhs_hint = false} : vector<50x100xf32>, vector<100x32xf32>, vector<50x32xf32> -> vector<50x32xf32>
    %dot_general3A_247 = arith.constant dense<0.000000e+00> : vector<50x1xf32>
    %dot_general3A_248 = tpu.matmul %convert_element_type3A_241, %slice3A_242, %dot_general3A_247 {dimension_numbers = #tpu.dot_dimension_numbers<[1], [0], [0], [1], [0, 0, 1, 1], [], []>, precision = #tpu.contract_precision<fp32>, transpose_lhs_hint = false} : vector<50x100xf32>, vector<100x1xf32>, vector<50x1xf32> -> vector<50x1xf32>
    %logistic3A_249 = arith.negf %dot_general3A_248 : vector<50x1xf32>
    %logistic3A_250 = math.exp %logistic3A_249 : vector<50x1xf32>
    %logistic3A_251 = arith.constant 1.000000e+00 : f32
    %logistic3A_252 = vector.broadcast %logistic3A_251 : f32 to vector<50x1xf32>
    %logistic3A_253 = arith.addf %logistic3A_252, %logistic3A_250 : vector<50x1xf32>
    %logistic3A_254 = arith.divf %logistic3A_252, %logistic3A_253 : vector<50x1xf32>
    %swap3A_255 = arith.constant 0 : index
    %swap3A_256 = arith.constant 0 : index
    %swap3A_257 = arith.constant 0 : index
    %swap3A_258 = vector.load %arg22[%swap3A_255, %swap3A_256, %swap3A_257] : memref<5x50x1xf32, #tpu.memory_space<vmem>>, vector<1x50x1xf32>
    %swap3A_259 = vector.shape_cast %swap3A_258 : vector<1x50x1xf32> to vector<50x1xf32>
    %swap3A_260 = vector.shape_cast %logistic3A_254 : vector<50x1xf32> to vector<1x50x1xf32>
    tpu.vector_store %arg22[%swap3A_255, %swap3A_256, %swap3A_257], %swap3A_260 {strides = array<i32>} : memref<5x50x1xf32, #tpu.memory_space<vmem>>, vector<1x50x1xf32>,
    %reduce_max3A_261 = arith.constant dense<0xFF800000> : vector<32xf32>
    %reduce_max3A_262 = vector.multi_reduction <maximumf>, %dot_general3A_246, %reduce_max3A_261 [0] : vector<50x32xf32> to vector<32xf32>
    %broadcast_in_dim3A_263 = vector.shape_cast %reduce_max3A_262 : vector<32xf32> to vector<1x32xf32>
    %reduce_sum3A_264 = arith.constant dense<0.000000e+00> : vector<32xf32>
    %reduce_sum3A_265 = vector.multi_reduction <add>, %dot_general3A_246, %reduce_sum3A_264 [0] : vector<50x32xf32> to vector<32xf32>
    %broadcast_in_dim3A_266 = vector.shape_cast %reduce_sum3A_265 : vector<32xf32> to vector<1x32xf32>
    %div3A_267 = arith.constant 5.000000e+01 : f32
    %div3A_268 = vector.broadcast %div3A_267 : f32 to vector<1x32xf32>
    %div3A_269 = arith.divf %broadcast_in_dim3A_266, %div3A_268 : vector<1x32xf32>
    %concatenate3A = tpu.concatenate %broadcast_in_dim3A_109, %div3A_115, %broadcast_in_dim3A_263, %div3A_269 in 1 : vector<1x32xf32>, vector<1x32xf32>, vector<1x32xf32>, vector<1x32xf32> -> vector<1x128xf32>
    %get3A_270 = arith.constant 0 : index
    %get3A_271 = arith.constant 0 : index
    %get3A_272 = vector.load %arg10[%get3A_270, %get3A_271] : memref<128x32xf32, #tpu.memory_space<vmem>>, vector<128x32xf32>
    %dot_general3A_273 = arith.constant dense<0.000000e+00> : vector<1x32xf32>
    %dot_general3A_274 = tpu.matmul %concatenate3A, %get3A_272, %dot_general3A_273 {dimension_numbers = #tpu.dot_dimension_numbers<[1], [0], [0], [1], [0, 0, 1, 1], [], []>, precision = #tpu.contract_precision<fp32>, transpose_lhs_hint = false} : vector<1x128xf32>, vector<128x32xf32>, vector<1x32xf32> -> vector<1x32xf32>
    %get3A_275 = arith.constant 0 : index
    %get3A_276 = arith.constant 0 : index
    %get3A_277 = vector.load %arg11[%get3A_275, %get3A_276] : memref<1x32xf32, #tpu.memory_space<vmem>>, vector<1x32xf32>
    %add3A_278 = arith.addf %dot_general3A_274, %get3A_277 : vector<1x32xf32>
    %max3A_279 = arith.constant 0.000000e+00 : f32
    %max3A_280 = vector.broadcast %max3A_279 : f32 to vector<1x32xf32>
    %max3A_281 = arith.maximumf %add3A_278, %max3A_280 : vector<1x32xf32>
    %mul3A_282 = vector.broadcast %div3A_20 : f32 to vector<1x32xf32>
    %mul3A_283 = arith.mulf %max3A_281, %mul3A_282 : vector<1x32xf32>
    %get3A_284 = arith.constant 0 : index
    %get3A_285 = arith.constant 0 : index
    %get3A_286 = vector.load %arg12[%get3A_284, %get3A_285] : memref<1x32xf32, #tpu.memory_space<vmem>>, vector<1x32xf32>
    %mul3A_287 = arith.mulf %mul3A_283, %get3A_286 : vector<1x32xf32>
    %get3A_288 = arith.constant 0 : index
    %get3A_289 = arith.constant 0 : index
    %get3A_290 = vector.load %arg13[%get3A_288, %get3A_289] : memref<1x32xf32, #tpu.memory_space<vmem>>, vector<1x32xf32>
    %add3A_291 = arith.addf %mul3A_287, %get3A_290 : vector<1x32xf32>
    %get3A_292 = arith.constant 0 : index
    %get3A_293 = arith.constant 0 : index
    %get3A_294 = vector.load %arg14[%get3A_292, %get3A_293] : memref<32x512xf32, #tpu.memory_space<vmem>>, vector<32x512xf32>
    %dot_general3A_295 = arith.constant dense<0.000000e+00> : vector<1x512xf32>
    %dot_general3A_296 = tpu.matmul %add3A_291, %get3A_294, %dot_general3A_295 {dimension_numbers = #tpu.dot_dimension_numbers<[1], [0], [0], [1], [0, 0, 1, 1], [], []>, precision = #tpu.contract_precision<fp32>, transpose_lhs_hint = false} : vector<1x32xf32>, vector<32x512xf32>, vector<1x512xf32> -> vector<1x512xf32>
    %get3A_297 = arith.constant 0 : index
    %get3A_298 = arith.constant 0 : index
    %get3A_299 = vector.load %arg15[%get3A_297, %get3A_298] : memref<1x512xf32, #tpu.memory_space<vmem>>, vector<1x512xf32>
    %add3A_300 = arith.addf %dot_general3A_296, %get3A_299 : vector<1x512xf32>
    %max3A_301 = arith.constant 0.000000e+00 : f32
    %max3A_302 = vector.broadcast %max3A_301 : f32 to vector<1x512xf32>
    %max3A_303 = arith.maximumf %add3A_300, %max3A_302 : vector<1x512xf32>
    %mul3A_304 = vector.broadcast %div3A_20 : f32 to vector<1x512xf32>
    %mul3A_305 = arith.mulf %max3A_303, %mul3A_304 : vector<1x512xf32>
    %get3A_306 = arith.constant 0 : index
    %get3A_307 = arith.constant 0 : index
    %get3A_308 = vector.load %arg16[%get3A_306, %get3A_307] : memref<1x512xf32, #tpu.memory_space<vmem>>, vector<1x512xf32>
    %mul3A_309 = arith.mulf %mul3A_305, %get3A_308 : vector<1x512xf32>
    %get3A_310 = arith.constant 0 : index
    %get3A_311 = arith.constant 0 : index
    %get3A_312 = vector.load %arg17[%get3A_310, %get3A_311] : memref<1x512xf32, #tpu.memory_space<vmem>>, vector<1x512xf32>
    %add3A_313 = arith.addf %mul3A_309, %get3A_312 : vector<1x512xf32>
    %get3A_314 = arith.constant 0 : index
    %get3A_315 = arith.constant 0 : index
    %get3A_316 = vector.load %arg18[%get3A_314, %get3A_315] : memref<512x2xf32, #tpu.memory_space<vmem>>, vector<512x2xf32>
    %dot_general3A_317 = arith.constant dense<0.000000e+00> : vector<1x2xf32>
    %dot_general3A_318 = tpu.matmul %add3A_313, %get3A_316, %dot_general3A_317 {dimension_numbers = #tpu.dot_dimension_numbers<[1], [0], [0], [1], [0, 0, 1, 1], [], []>, precision = #tpu.contract_precision<fp32>, transpose_lhs_hint = false} : vector<1x512xf32>, vector<512x2xf32>, vector<1x2xf32> -> vector<1x2xf32>
    %get3A_319 = arith.constant 0 : index
    %get3A_320 = arith.constant 0 : index
    %get3A_321 = vector.load %arg19[%get3A_319, %get3A_320] : memref<1x2xf32, #tpu.memory_space<vmem>>, vector<1x2xf32>
    %add3A_322 = arith.addf %dot_general3A_318, %get3A_321 : vector<1x2xf32>
    %reduce_max3A_323 = arith.constant dense<0xFF800000> : vector<1xf32>
    %reduce_max3A_324 = vector.multi_reduction <maximumf>, %add3A_322, %reduce_max3A_323 [1] : vector<1x2xf32> to vector<1xf32>
    %broadcast_in_dim3A_325 = vector.shape_cast %reduce_max3A_324 : vector<1xf32> to vector<1x1xf32>
    %sub3A_326 = vector.broadcast %broadcast_in_dim3A_325 : vector<1x1xf32> to vector<1x2xf32>
    %sub3A_327 = arith.subf %add3A_322, %sub3A_326 : vector<1x2xf32>
    %exp3A = math.exp %sub3A_327 : vector<1x2xf32>
    %reduce_sum3A_328 = arith.constant dense<0.000000e+00> : vector<1xf32>
    %reduce_sum3A_329 = vector.multi_reduction <add>, %exp3A, %reduce_sum3A_328 [1] : vector<1x2xf32> to vector<1xf32>
    %broadcast_in_dim3A_330 = vector.shape_cast %reduce_sum3A_329 : vector<1xf32> to vector<1x1xf32>
    %log3A = math.log %broadcast_in_dim3A_330 : vector<1x1xf32>
    %add3A_331 = arith.addf %broadcast_in_dim3A_325, %log3A : vector<1x1xf32>
    %sub3A_332 = vector.broadcast %add3A_331 : vector<1x1xf32> to vector<1x2xf32>
    %sub3A_333 = arith.subf %add3A_322, %sub3A_332 : vector<1x2xf32>
    %swap3A_334 = arith.constant 0 : index
    %swap3A_335 = arith.constant 0 : index
    %swap3A_336 = arith.constant 0 : index
    %swap3A_337 = vector.load %arg20[%swap3A_334, %swap3A_335, %swap3A_336] : memref<5x1x2xf32, #tpu.memory_space<vmem>>, vector<1x1x2xf32>
    %swap3A_338 = vector.shape_cast %swap3A_337 : vector<1x1x2xf32> to vector<1x2xf32>
    %swap3A_339 = vector.shape_cast %sub3A_333 : vector<1x2xf32> to vector<1x1x2xf32>
    tpu.vector_store %arg20[%swap3A_334, %swap3A_335, %swap3A_336], %swap3A_339 {strides = array<i32>} : memref<5x1x2xf32, #tpu.memory_space<vmem>>, vector<1x1x2xf32>,
    %get3A_340 = arith.constant 1 : index
    %get3A_341 = arith.constant 0 : index
    %get3A_342 = arith.constant 0 : index
    %get3A_343 = vector.load %arg1[%get3A_340, %get3A_341, %get3A_342] : memref<5x200x200xf32, #tpu.memory_space<vmem>>, vector<1x200x200xf32>
    %get3A_344 = vector.shape_cast %get3A_343 : vector<1x200x200xf32> to vector<200x200xf32>
    %get3A_345 = arith.constant 200 : index
    %get3A_346 = arith.constant 0 : index
    %get3A_347 = vector.load %arg2[%get3A_345, %get3A_346] : memref<1000x32xf32, #tpu.memory_space<vmem>>, vector<200x32xf32>
    %dot_general3A_348 = arith.constant dense<0.000000e+00> : vector<200x32xf32>
    %dot_general3A_349 = tpu.matmul %get3A_344, %get3A_347, %dot_general3A_348 {dimension_numbers = #tpu.dot_dimension_numbers<[1], [0], [0], [1], [0, 0, 1, 1], [], []>, precision = #tpu.contract_precision<fp32>, transpose_lhs_hint = false} : vector<200x200xf32>, vector<200x32xf32>, vector<200x32xf32> -> vector<200x32xf32>
    %get3A_350 = arith.constant 1 : index
    %get3A_351 = arith.constant 0 : index
    %get3A_352 = arith.constant 0 : index
    %get3A_353 = vector.load %arg3[%get3A_350, %get3A_351, %get3A_352] : memref<5x200x1xf32, #tpu.memory_space<vmem>>, vector<1x200x1xf32>
    %get3A_354 = vector.shape_cast %get3A_353 : vector<1x200x1xf32> to vector<200x1xf32>
    %gt3A_355 = arith.constant 0.000000e+00 : f32
    %gt3A_356 = vector.broadcast %gt3A_355 : f32 to vector<200x1xf32>
    %gt3A_357 = arith.cmpf ogt, %get3A_354, %gt3A_356 : vector<200x1xf32>
    %max3A_358 = arith.constant 1.000000e+00 : f32
    %max3A_359 = vector.broadcast %max3A_358 : f32 to vector<200x1xf32>
    %max3A_360 = arith.maximumf %get3A_354, %max3A_359 : vector<200x1xf32>
    %div3A_361 = vector.broadcast %max3A_360 : vector<200x1xf32> to vector<200x32xf32>
    %div3A_362 = arith.divf %dot_general3A_349, %div3A_361 : vector<200x32xf32>
    %jit3A_363 = arith.constant 0.000000e+00 : f32
    %broadcast_in_dim3A_364 = vector.shape_cast %gt3A_357 : vector<200x1xi1> to vector<200x1xi1>
    %broadcast_in_dim3A_365 = vector.broadcast %broadcast_in_dim3A_364 : vector<200x1xi1> to vector<200x32xi1>
    %broadcast_in_dim3A_366 = vector.broadcast %jit3A_363 : f32 to vector<200x32xf32>
    %select_n3A_367 = arith.select %broadcast_in_dim3A_365, %div3A_362, %broadcast_in_dim3A_366 : vector<200x32xi1>, vector<200x32xf32>
    %get3A_368 = arith.constant 0 : index
    %get3A_369 = arith.constant 0 : index
    %get3A_370 = vector.load %arg6[%get3A_368, %get3A_369] : memref<1x32xf32, #tpu.memory_space<vmem>>, vector<1x32xf32>
    %add3A_371 = vector.broadcast %get3A_370 : vector<1x32xf32> to vector<200x32xf32>
    %add3A_372 = arith.addf %select_n3A_367, %add3A_371 : vector<200x32xf32>
    %dot_general3A_373 = arith.constant dense<0.000000e+00> : vector<1x200xf32>
    %dot_general3A_374 = tpu.matmul %get3A_1, %add3A_372, %dot_general3A_373 {dimension_numbers = #tpu.dot_dimension_numbers<[1], [1], [0], [0], [0, 0, 1, 0], [], []>, precision = #tpu.contract_precision<fp32>, transpose_lhs_hint = false} : vector<1x32xf32>, vector<200x32xf32>, vector<1x200xf32> -> vector<1x200xf32>
    %div3A_375 = vector.broadcast %sqrt3A : f32 to vector<1x200xf32>
    %div3A_376 = arith.divf %dot_general3A_374, %div3A_375 : vector<1x200xf32>
    %broadcast_in_dim3A_377 = arith.constant 1.000000e+00 : f32
    %broadcast_in_dim3A_378 = vector.broadcast %broadcast_in_dim3A_377 : f32 to vector<1x200xf32>
    %dot_general3A_379 = arith.constant dense<0.000000e+00> : vector<200x200xf32>
    %dot_general3A_380 = tpu.matmul %div3A_376, %broadcast_in_dim3A_378, %dot_general3A_379 {dimension_numbers = #tpu.dot_dimension_numbers<[0], [0], [1], [1], [0, 1, 1, 1], [], []>, precision = #tpu.contract_precision<fp32>, transpose_lhs_hint = false} : vector<1x200xf32>, vector<1x200xf32>, vector<200x200xf32> -> vector<200x200xf32>
    %dot_general3A_381 = arith.constant dense<0.000000e+00> : vector<200x200xf32>
    %dot_general3A_382 = tpu.matmul %broadcast_in_dim3A_378, %div3A_376, %dot_general3A_381 {dimension_numbers = #tpu.dot_dimension_numbers<[0], [0], [1], [1], [0, 1, 1, 1], [], []>, precision = #tpu.contract_precision<fp32>, transpose_lhs_hint = false} : vector<1x200xf32>, vector<1x200xf32>, vector<200x200xf32> -> vector<200x200xf32>
    %logistic3A_383 = arith.negf %dot_general3A_380 : vector<200x200xf32>
    %logistic3A_384 = math.exp %logistic3A_383 : vector<200x200xf32>
    %logistic3A_385 = arith.constant 1.000000e+00 : f32
    %logistic3A_386 = vector.broadcast %logistic3A_385 : f32 to vector<200x200xf32>
    %logistic3A_387 = arith.addf %logistic3A_386, %logistic3A_384 : vector<200x200xf32>
    %logistic3A_388 = arith.divf %logistic3A_386, %logistic3A_387 : vector<200x200xf32>
    %logistic3A_389 = arith.negf %dot_general3A_382 : vector<200x200xf32>
    %logistic3A_390 = math.exp %logistic3A_389 : vector<200x200xf32>
    %logistic3A_391 = arith.constant 1.000000e+00 : f32
    %logistic3A_392 = vector.broadcast %logistic3A_391 : f32 to vector<200x200xf32>
    %logistic3A_393 = arith.addf %logistic3A_392, %logistic3A_390 : vector<200x200xf32>
    %logistic3A_394 = arith.divf %logistic3A_392, %logistic3A_393 : vector<200x200xf32>
    %iota3A_395 = tpu.iota {dimensions = array<i32: 0>} : vector<200x200xi32>
    %iota3A_396 = tpu.iota {dimensions = array<i32: 1>} : vector<200x200xi32>
    %gt3A_397 = arith.cmpf ogt, %logistic3A_394, %logistic3A_388 : vector<200x200xf32>
    %eq3A_398 = arith.cmpf oeq, %logistic3A_394, %logistic3A_388 : vector<200x200xf32>
    %lt3A_399 = arith.cmpi slt, %iota3A_396, %iota3A_395 : vector<200x200xi32>
    %and3A_400 = arith.andi %eq3A_398, %lt3A_399 : vector<200x200xi1>
    %or3A_401 = arith.ori %gt3A_397, %and3A_400 : vector<200x200xi1>
    %convert_element_type3A_402 = arith.extui %or3A_401 : vector<200x200xi1> to vector<200x200xi32>
    %convert_element_type3A_403 = arith.sitofp %convert_element_type3A_402 : vector<200x200xi32> to vector<200x200xf32>
    %reduce_sum3A_404 = arith.constant dense<0.000000e+00> : vector<200xf32>
    %reduce_sum3A_405 = vector.multi_reduction <add>, %convert_element_type3A_403, %reduce_sum3A_404 [1] : vector<200x200xf32> to vector<200xf32>
    %broadcast_in_dim3A_406 = vector.shape_cast %reduce_sum3A_405 : vector<200xf32> to vector<200x1xf32>
    %broadcast_in_dim3A_407 = arith.constant 1.000000e+00 : f32
    %broadcast_in_dim3A_408 = vector.broadcast %broadcast_in_dim3A_407 : f32 to vector<100x1xf32>
    %dot_general3A_409 = arith.constant dense<0.000000e+00> : vector<100x200xf32>
    %dot_general3A_410 = tpu.matmul %broadcast_in_dim3A_408, %broadcast_in_dim3A_406, %dot_general3A_409 {dimension_numbers = #tpu.dot_dimension_numbers<[1], [1], [0], [0], [0, 0, 1, 0], [], []>, precision = #tpu.contract_precision<fp32>, transpose_lhs_hint = false} : vector<100x1xf32>, vector<200x1xf32>, vector<100x200xf32> -> vector<100x200xf32>
    %iota3A_411 = tpu.iota {dimensions = array<i32: 0>} : vector<100x200xi32>
    %convert_element_type3A_412 = arith.sitofp %iota3A_411 : vector<100x200xi32> to vector<100x200xf32>
    %eq3A_413 = arith.cmpf oeq, %dot_general3A_410, %convert_element_type3A_412 : vector<100x200xf32>
    %convert_element_type3A_414 = arith.extui %eq3A_413 : vector<100x200xi1> to vector<100x200xi32>
    %convert_element_type3A_415 = arith.sitofp %convert_element_type3A_414 : vector<100x200xi32> to vector<100x200xf32>
    %slice3A_416 = vector.extract_strided_slice %logistic3A_388 {offsets = [0, 0], sizes = [200, 1], strides = [1, 1]} : vector<200x200xf32> to vector<200x1xf32>
    %mul3A_417 = vector.broadcast %slice3A_416 : vector<200x1xf32> to vector<200x32xf32>
    %mul3A_418 = arith.mulf %add3A_372, %mul3A_417 : vector<200x32xf32>
    %dot_general3A_419 = arith.constant dense<0.000000e+00> : vector<100x32xf32>
    %dot_general3A_420 = tpu.matmul %convert_element_type3A_415, %mul3A_418, %dot_general3A_419 {dimension_numbers = #tpu.dot_dimension_numbers<[1], [0], [0], [1], [0, 0, 1, 1], [], []>, precision = #tpu.contract_precision<fp32>, transpose_lhs_hint = false} : vector<100x200xf32>, vector<200x32xf32>, vector<100x32xf32> -> vector<100x32xf32>
    %get3A_421 = arith.constant 200 : index
    %get3A_422 = arith.constant 0 : index
    %get3A_423 = vector.load %arg4[%get3A_421, %get3A_422] : memref<1000x8xf32, #tpu.memory_space<vmem>>, vector<200x8xf32>
    %dot_general3A_424 = arith.constant dense<0.000000e+00> : vector<100x8xf32>
    %dot_general3A_425 = tpu.matmul %convert_element_type3A_415, %get3A_423, %dot_general3A_424 {dimension_numbers = #tpu.dot_dimension_numbers<[1], [0], [0], [1], [0, 0, 1, 1], [], []>, precision = #tpu.contract_precision<fp32>, transpose_lhs_hint = false} : vector<100x200xf32>, vector<200x8xf32>, vector<100x8xf32> -> vector<100x8xf32>
    %dot_general3A_426 = arith.constant dense<0.000000e+00> : vector<100x1xf32>
    %dot_general3A_427 = tpu.matmul %convert_element_type3A_415, %slice3A_416, %dot_general3A_426 {dimension_numbers = #tpu.dot_dimension_numbers<[1], [0], [0], [1], [0, 0, 1, 1], [], []>, precision = #tpu.contract_precision<fp32>, transpose_lhs_hint = false} : vector<100x200xf32>, vector<200x1xf32>, vector<100x1xf32> -> vector<100x1xf32>
    %logistic3A_428 = arith.negf %dot_general3A_427 : vector<100x1xf32>
    %logistic3A_429 = math.exp %logistic3A_428 : vector<100x1xf32>
    %logistic3A_430 = arith.constant 1.000000e+00 : f32
    %logistic3A_431 = vector.broadcast %logistic3A_430 : f32 to vector<100x1xf32>
    %logistic3A_432 = arith.addf %logistic3A_431, %logistic3A_429 : vector<100x1xf32>
    %logistic3A_433 = arith.divf %logistic3A_431, %logistic3A_432 : vector<100x1xf32>
    %swap3A_434 = arith.constant 1 : index
    %swap3A_435 = arith.constant 0 : index
    %swap3A_436 = arith.constant 0 : index
    %swap3A_437 = vector.load %arg21[%swap3A_434, %swap3A_435, %swap3A_436] : memref<5x100x1xf32, #tpu.memory_space<vmem>>, vector<1x100x1xf32>
    %swap3A_438 = vector.shape_cast %swap3A_437 : vector<1x100x1xf32> to vector<100x1xf32>
    %swap3A_439 = vector.shape_cast %logistic3A_433 : vector<100x1xf32> to vector<1x100x1xf32>
    tpu.vector_store %arg21[%swap3A_434, %swap3A_435, %swap3A_436], %swap3A_439 {strides = array<i32>} : memref<5x100x1xf32, #tpu.memory_space<vmem>>, vector<1x100x1xf32>,
    %reduce_max3A_440 = arith.constant dense<0xFF800000> : vector<32xf32>
    %reduce_max3A_441 = vector.multi_reduction <maximumf>, %dot_general3A_420, %reduce_max3A_440 [0] : vector<100x32xf32> to vector<32xf32>
    %broadcast_in_dim3A_442 = vector.shape_cast %reduce_max3A_441 : vector<32xf32> to vector<1x32xf32>
    %reduce_sum3A_443 = arith.constant dense<0.000000e+00> : vector<32xf32>
    %reduce_sum3A_444 = vector.multi_reduction <add>, %dot_general3A_420, %reduce_sum3A_443 [0] : vector<100x32xf32> to vector<32xf32>
    %broadcast_in_dim3A_445 = vector.shape_cast %reduce_sum3A_444 : vector<32xf32> to vector<1x32xf32>
    %div3A_446 = arith.constant 1.000000e+02 : f32
    %div3A_447 = vector.broadcast %div3A_446 : f32 to vector<1x32xf32>
    %div3A_448 = arith.divf %broadcast_in_dim3A_445, %div3A_447 : vector<1x32xf32>
    %dot_general3A_449 = arith.constant dense<0.000000e+00> : vector<100x200xf32>
    %dot_general3A_450 = tpu.matmul %convert_element_type3A_415, %get3A_344, %dot_general3A_449 {dimension_numbers = #tpu.dot_dimension_numbers<[1], [0], [0], [1], [0, 0, 1, 1], [], []>, precision = #tpu.contract_precision<fp32>, transpose_lhs_hint = false} : vector<100x200xf32>, vector<200x200xf32>, vector<100x200xf32> -> vector<100x200xf32>
    %dot_general3A_451 = arith.constant dense<0.000000e+00> : vector<100x100xf32>
    %dot_general3A_452 = tpu.matmul %dot_general3A_450, %convert_element_type3A_415, %dot_general3A_451 {dimension_numbers = #tpu.dot_dimension_numbers<[1], [1], [0], [0], [0, 0, 1, 0], [], []>, precision = #tpu.contract_precision<fp32>, transpose_lhs_hint = false} : vector<100x200xf32>, vector<100x200xf32>, vector<100x100xf32> -> vector<100x100xf32>
    %add3A_453 = arith.addf %dot_general3A_452, %convert_element_type3A_17 : vector<100x100xf32>
    %dot_general3A_454 = arith.constant dense<0.000000e+00> : vector<100x100xf32>
    %dot_general3A_455 = tpu.matmul %add3A_453, %add3A_453, %dot_general3A_454 {dimension_numbers = #tpu.dot_dimension_numbers<[1], [0], [0], [1], [0, 0, 1, 1], [], []>, precision = #tpu.contract_precision<fp32>, transpose_lhs_hint = false} : vector<100x100xf32>, vector<100x100xf32>, vector<100x100xf32> -> vector<100x100xf32>
    %sub3A_456 = arith.constant 1.000000e+00 : f32
    %sub3A_457 = vector.broadcast %sub3A_456 : f32 to vector<100x100xf32>
    %sub3A_458 = arith.subf %sub3A_457, %convert_element_type3A_17 : vector<100x100xf32>
    %mul3A_459 = arith.mulf %dot_general3A_455, %sub3A_458 : vector<100x100xf32>
    %ne3A_460 = arith.constant 0.000000e+00 : f32
    %ne3A_461 = vector.broadcast %ne3A_460 : f32 to vector<100x100xf32>
    %ne3A_462 = arith.cmpf one, %mul3A_459, %ne3A_461 : vector<100x100xf32>
    %convert_element_type3A_463 = arith.extui %ne3A_462 : vector<100x100xi1> to vector<100x100xi32>
    %convert_element_type3A_464 = arith.sitofp %convert_element_type3A_463 : vector<100x100xi32> to vector<100x100xf32>
    %reduce_sum3A_465 = arith.constant dense<0.000000e+00> : vector<100xf32>
    %reduce_sum3A_466 = vector.multi_reduction <add>, %convert_element_type3A_464, %reduce_sum3A_465 [1] : vector<100x100xf32> to vector<100xf32>
    %broadcast_in_dim3A_467 = vector.shape_cast %reduce_sum3A_466 : vector<100xf32> to vector<100x1xf32>
    %get3A_468 = arith.constant 0 : index
    %get3A_469 = arith.constant 0 : index
    %get3A_470 = vector.load %arg7[%get3A_468, %get3A_469] : memref<32x288xf32, #tpu.memory_space<vmem>>, vector<32x288xf32>
    %dot_general3A_471 = arith.constant dense<0.000000e+00> : vector<100x288xf32>
    %dot_general3A_472 = tpu.matmul %dot_general3A_420, %get3A_470, %dot_general3A_471 {dimension_numbers = #tpu.dot_dimension_numbers<[1], [0], [0], [1], [0, 0, 1, 1], [], []>, precision = #tpu.contract_precision<fp32>, transpose_lhs_hint = false} : vector<100x32xf32>, vector<32x288xf32>, vector<100x288xf32> -> vector<100x288xf32>
    %slice3A_473 = vector.extract_strided_slice %dot_general3A_472 {offsets = [0, 256], sizes = [100, 32], strides = [1, 1]} : vector<100x288xf32> to vector<100x32xf32>
    %slice3A_474 = vector.extract_strided_slice %dot_general3A_425 {offsets = [0, 0], sizes = [100, 1], strides = [1, 1]} : vector<100x8xf32> to vector<100x1xf32>
    %slice3A_475 = vector.extract_strided_slice %dot_general3A_472 {offsets = [0, 0], sizes = [100, 32], strides = [1, 1]} : vector<100x288xf32> to vector<100x32xf32>
    %mul3A_476 = vector.broadcast %slice3A_474 : vector<100x1xf32> to vector<100x32xf32>
    %mul3A_477 = arith.mulf %mul3A_476, %slice3A_475 : vector<100x32xf32>
    %add3A_478 = arith.addf %slice3A_473, %mul3A_477 : vector<100x32xf32>
    %slice3A_479 = vector.extract_strided_slice %dot_general3A_425 {offsets = [0, 1], sizes = [100, 1], strides = [1, 1]} : vector<100x8xf32> to vector<100x1xf32>
    %slice3A_480 = vector.extract_strided_slice %dot_general3A_472 {offsets = [0, 32], sizes = [100, 32], strides = [1, 1]} : vector<100x288xf32> to vector<100x32xf32>
    %mul3A_481 = vector.broadcast %slice3A_479 : vector<100x1xf32> to vector<100x32xf32>
    %mul3A_482 = arith.mulf %mul3A_481, %slice3A_480 : vector<100x32xf32>
    %add3A_483 = arith.addf %add3A_478, %mul3A_482 : vector<100x32xf32>
    %slice3A_484 = vector.extract_strided_slice %dot_general3A_425 {offsets = [0, 2], sizes = [100, 1], strides = [1, 1]} : vector<100x8xf32> to vector<100x1xf32>
    %slice3A_485 = vector.extract_strided_slice %dot_general3A_472 {offsets = [0, 64], sizes = [100, 32], strides = [1, 1]} : vector<100x288xf32> to vector<100x32xf32>
    %mul3A_486 = vector.broadcast %slice3A_484 : vector<100x1xf32> to vector<100x32xf32>
    %mul3A_487 = arith.mulf %mul3A_486, %slice3A_485 : vector<100x32xf32>
    %add3A_488 = arith.addf %add3A_483, %mul3A_487 : vector<100x32xf32>
    %slice3A_489 = vector.extract_strided_slice %dot_general3A_425 {offsets = [0, 3], sizes = [100, 1], strides = [1, 1]} : vector<100x8xf32> to vector<100x1xf32>
    %slice3A_490 = vector.extract_strided_slice %dot_general3A_472 {offsets = [0, 96], sizes = [100, 32], strides = [1, 1]} : vector<100x288xf32> to vector<100x32xf32>
    %mul3A_491 = vector.broadcast %slice3A_489 : vector<100x1xf32> to vector<100x32xf32>
    %mul3A_492 = arith.mulf %mul3A_491, %slice3A_490 : vector<100x32xf32>
    %add3A_493 = arith.addf %add3A_488, %mul3A_492 : vector<100x32xf32>
    %slice3A_494 = vector.extract_strided_slice %dot_general3A_425 {offsets = [0, 4], sizes = [100, 1], strides = [1, 1]} : vector<100x8xf32> to vector<100x1xf32>
    %slice3A_495 = vector.extract_strided_slice %dot_general3A_472 {offsets = [0, 128], sizes = [100, 32], strides = [1, 1]} : vector<100x288xf32> to vector<100x32xf32>
    %mul3A_496 = vector.broadcast %slice3A_494 : vector<100x1xf32> to vector<100x32xf32>
    %mul3A_497 = arith.mulf %mul3A_496, %slice3A_495 : vector<100x32xf32>
    %add3A_498 = arith.addf %add3A_493, %mul3A_497 : vector<100x32xf32>
    %slice3A_499 = vector.extract_strided_slice %dot_general3A_425 {offsets = [0, 5], sizes = [100, 1], strides = [1, 1]} : vector<100x8xf32> to vector<100x1xf32>
    %slice3A_500 = vector.extract_strided_slice %dot_general3A_472 {offsets = [0, 160], sizes = [100, 32], strides = [1, 1]} : vector<100x288xf32> to vector<100x32xf32>
    %mul3A_501 = vector.broadcast %slice3A_499 : vector<100x1xf32> to vector<100x32xf32>
    %mul3A_502 = arith.mulf %mul3A_501, %slice3A_500 : vector<100x32xf32>
    %add3A_503 = arith.addf %add3A_498, %mul3A_502 : vector<100x32xf32>
    %slice3A_504 = vector.extract_strided_slice %dot_general3A_425 {offsets = [0, 6], sizes = [100, 1], strides = [1, 1]} : vector<100x8xf32> to vector<100x1xf32>
    %slice3A_505 = vector.extract_strided_slice %dot_general3A_472 {offsets = [0, 192], sizes = [100, 32], strides = [1, 1]} : vector<100x288xf32> to vector<100x32xf32>
    %mul3A_506 = vector.broadcast %slice3A_504 : vector<100x1xf32> to vector<100x32xf32>
    %mul3A_507 = arith.mulf %mul3A_506, %slice3A_505 : vector<100x32xf32>
    %add3A_508 = arith.addf %add3A_503, %mul3A_507 : vector<100x32xf32>
    %slice3A_509 = vector.extract_strided_slice %dot_general3A_425 {offsets = [0, 7], sizes = [100, 1], strides = [1, 1]} : vector<100x8xf32> to vector<100x1xf32>
    %slice3A_510 = vector.extract_strided_slice %dot_general3A_472 {offsets = [0, 224], sizes = [100, 32], strides = [1, 1]} : vector<100x288xf32> to vector<100x32xf32>
    %mul3A_511 = vector.broadcast %slice3A_509 : vector<100x1xf32> to vector<100x32xf32>
    %mul3A_512 = arith.mulf %mul3A_511, %slice3A_510 : vector<100x32xf32>
    %add3A_513 = arith.addf %add3A_508, %mul3A_512 : vector<100x32xf32>
    %dot_general3A_514 = arith.constant dense<0.000000e+00> : vector<100x32xf32>
    %dot_general3A_515 = tpu.matmul %mul3A_459, %add3A_513, %dot_general3A_514 {dimension_numbers = #tpu.dot_dimension_numbers<[1], [0], [0], [1], [0, 0, 1, 1], [], []>, precision = #tpu.contract_precision<fp32>, transpose_lhs_hint = false} : vector<100x100xf32>, vector<100x32xf32>, vector<100x32xf32> -> vector<100x32xf32>
    %gt3A_516 = arith.constant 0.000000e+00 : f32
    %gt3A_517 = vector.broadcast %gt3A_516 : f32 to vector<100x1xf32>
    %gt3A_518 = arith.cmpf ogt, %broadcast_in_dim3A_467, %gt3A_517 : vector<100x1xf32>
    %max3A_519 = arith.constant 1.000000e+00 : f32
    %max3A_520 = vector.broadcast %max3A_519 : f32 to vector<100x1xf32>
    %max3A_521 = arith.maximumf %broadcast_in_dim3A_467, %max3A_520 : vector<100x1xf32>
    %div3A_522 = vector.broadcast %max3A_521 : vector<100x1xf32> to vector<100x32xf32>
    %div3A_523 = arith.divf %dot_general3A_515, %div3A_522 : vector<100x32xf32>
    %jit3A_524 = arith.constant 0.000000e+00 : f32
    %broadcast_in_dim3A_525 = vector.shape_cast %gt3A_518 : vector<100x1xi1> to vector<100x1xi1>
    %broadcast_in_dim3A_526 = vector.broadcast %broadcast_in_dim3A_525 : vector<100x1xi1> to vector<100x32xi1>
    %broadcast_in_dim3A_527 = vector.broadcast %jit3A_524 : f32 to vector<100x32xf32>
    %select_n3A_528 = arith.select %broadcast_in_dim3A_526, %div3A_523, %broadcast_in_dim3A_527 : vector<100x32xi1>, vector<100x32xf32>
    %get3A_529 = arith.constant 0 : index
    %get3A_530 = arith.constant 0 : index
    %get3A_531 = vector.load %arg8[%get3A_529, %get3A_530] : memref<1x32xf32, #tpu.memory_space<vmem>>, vector<1x32xf32>
    %add3A_532 = vector.broadcast %get3A_531 : vector<1x32xf32> to vector<100x32xf32>
    %add3A_533 = arith.addf %select_n3A_528, %add3A_532 : vector<100x32xf32>
    %dot_general3A_534 = arith.constant dense<0.000000e+00> : vector<1x100xf32>
    %dot_general3A_535 = tpu.matmul %get3A_8, %add3A_533, %dot_general3A_534 {dimension_numbers = #tpu.dot_dimension_numbers<[1], [1], [0], [0], [0, 0, 1, 0], [], []>, precision = #tpu.contract_precision<fp32>, transpose_lhs_hint = false} : vector<1x32xf32>, vector<100x32xf32>, vector<1x100xf32> -> vector<1x100xf32>
    %div3A_536 = vector.broadcast %sqrt3A_15 : f32 to vector<1x100xf32>
    %div3A_537 = arith.divf %dot_general3A_535, %div3A_536 : vector<1x100xf32>
    %broadcast_in_dim3A_538 = arith.constant 1.000000e+00 : f32
    %broadcast_in_dim3A_539 = vector.broadcast %broadcast_in_dim3A_538 : f32 to vector<1x100xf32>
    %dot_general3A_540 = arith.constant dense<0.000000e+00> : vector<100x100xf32>
    %dot_general3A_541 = tpu.matmul %div3A_537, %broadcast_in_dim3A_539, %dot_general3A_540 {dimension_numbers = #tpu.dot_dimension_numbers<[0], [0], [1], [1], [0, 1, 1, 1], [], []>, precision = #tpu.contract_precision<fp32>, transpose_lhs_hint = false} : vector<1x100xf32>, vector<1x100xf32>, vector<100x100xf32> -> vector<100x100xf32>
    %dot_general3A_542 = arith.constant dense<0.000000e+00> : vector<100x100xf32>
    %dot_general3A_543 = tpu.matmul %broadcast_in_dim3A_539, %div3A_537, %dot_general3A_542 {dimension_numbers = #tpu.dot_dimension_numbers<[0], [0], [1], [1], [0, 1, 1, 1], [], []>, precision = #tpu.contract_precision<fp32>, transpose_lhs_hint = false} : vector<1x100xf32>, vector<1x100xf32>, vector<100x100xf32> -> vector<100x100xf32>
    %logistic3A_544 = arith.negf %dot_general3A_541 : vector<100x100xf32>
    %logistic3A_545 = math.exp %logistic3A_544 : vector<100x100xf32>
    %logistic3A_546 = arith.constant 1.000000e+00 : f32
    %logistic3A_547 = vector.broadcast %logistic3A_546 : f32 to vector<100x100xf32>
    %logistic3A_548 = arith.addf %logistic3A_547, %logistic3A_545 : vector<100x100xf32>
    %logistic3A_549 = arith.divf %logistic3A_547, %logistic3A_548 : vector<100x100xf32>
    %logistic3A_550 = arith.negf %dot_general3A_543 : vector<100x100xf32>
    %logistic3A_551 = math.exp %logistic3A_550 : vector<100x100xf32>
    %logistic3A_552 = arith.constant 1.000000e+00 : f32
    %logistic3A_553 = vector.broadcast %logistic3A_552 : f32 to vector<100x100xf32>
    %logistic3A_554 = arith.addf %logistic3A_553, %logistic3A_551 : vector<100x100xf32>
    %logistic3A_555 = arith.divf %logistic3A_553, %logistic3A_554 : vector<100x100xf32>
    %iota3A_556 = tpu.iota {dimensions = array<i32: 0>} : vector<100x100xi32>
    %iota3A_557 = tpu.iota {dimensions = array<i32: 1>} : vector<100x100xi32>
    %gt3A_558 = arith.cmpf ogt, %logistic3A_555, %logistic3A_549 : vector<100x100xf32>
    %eq3A_559 = arith.cmpf oeq, %logistic3A_555, %logistic3A_549 : vector<100x100xf32>
    %lt3A_560 = arith.cmpi slt, %iota3A_557, %iota3A_556 : vector<100x100xi32>
    %and3A_561 = arith.andi %eq3A_559, %lt3A_560 : vector<100x100xi1>
    %or3A_562 = arith.ori %gt3A_558, %and3A_561 : vector<100x100xi1>
    %convert_element_type3A_563 = arith.extui %or3A_562 : vector<100x100xi1> to vector<100x100xi32>
    %convert_element_type3A_564 = arith.sitofp %convert_element_type3A_563 : vector<100x100xi32> to vector<100x100xf32>
    %reduce_sum3A_565 = arith.constant dense<0.000000e+00> : vector<100xf32>
    %reduce_sum3A_566 = vector.multi_reduction <add>, %convert_element_type3A_564, %reduce_sum3A_565 [1] : vector<100x100xf32> to vector<100xf32>
    %broadcast_in_dim3A_567 = vector.shape_cast %reduce_sum3A_566 : vector<100xf32> to vector<100x1xf32>
    %broadcast_in_dim3A_568 = arith.constant 1.000000e+00 : f32
    %broadcast_in_dim3A_569 = vector.broadcast %broadcast_in_dim3A_568 : f32 to vector<50x1xf32>
    %dot_general3A_570 = arith.constant dense<0.000000e+00> : vector<50x100xf32>
    %dot_general3A_571 = tpu.matmul %broadcast_in_dim3A_569, %broadcast_in_dim3A_567, %dot_general3A_570 {dimension_numbers = #tpu.dot_dimension_numbers<[1], [1], [0], [0], [0, 0, 1, 0], [], []>, precision = #tpu.contract_precision<fp32>, transpose_lhs_hint = false} : vector<50x1xf32>, vector<100x1xf32>, vector<50x100xf32> -> vector<50x100xf32>
    %iota3A_572 = tpu.iota {dimensions = array<i32: 0>} : vector<50x100xi32>
    %convert_element_type3A_573 = arith.sitofp %iota3A_572 : vector<50x100xi32> to vector<50x100xf32>
    %eq3A_574 = arith.cmpf oeq, %dot_general3A_571, %convert_element_type3A_573 : vector<50x100xf32>
    %convert_element_type3A_575 = arith.extui %eq3A_574 : vector<50x100xi1> to vector<50x100xi32>
    %convert_element_type3A_576 = arith.sitofp %convert_element_type3A_575 : vector<50x100xi32> to vector<50x100xf32>
    %slice3A_577 = vector.extract_strided_slice %logistic3A_549 {offsets = [0, 0], sizes = [100, 1], strides = [1, 1]} : vector<100x100xf32> to vector<100x1xf32>
    %mul3A_578 = vector.broadcast %slice3A_577 : vector<100x1xf32> to vector<100x32xf32>
    %mul3A_579 = arith.mulf %add3A_533, %mul3A_578 : vector<100x32xf32>
    %dot_general3A_580 = arith.constant dense<0.000000e+00> : vector<50x32xf32>
    %dot_general3A_581 = tpu.matmul %convert_element_type3A_576, %mul3A_579, %dot_general3A_580 {dimension_numbers = #tpu.dot_dimension_numbers<[1], [0], [0], [1], [0, 0, 1, 1], [], []>, precision = #tpu.contract_precision<fp32>, transpose_lhs_hint = false} : vector<50x100xf32>, vector<100x32xf32>, vector<50x32xf32> -> vector<50x32xf32>
    %dot_general3A_582 = arith.constant dense<0.000000e+00> : vector<50x1xf32>
    %dot_general3A_583 = tpu.matmul %convert_element_type3A_576, %slice3A_577, %dot_general3A_582 {dimension_numbers = #tpu.dot_dimension_numbers<[1], [0], [0], [1], [0, 0, 1, 1], [], []>, precision = #tpu.contract_precision<fp32>, transpose_lhs_hint = false} : vector<50x100xf32>, vector<100x1xf32>, vector<50x1xf32> -> vector<50x1xf32>
    %logistic3A_584 = arith.negf %dot_general3A_583 : vector<50x1xf32>
    %logistic3A_585 = math.exp %logistic3A_584 : vector<50x1xf32>
    %logistic3A_586 = arith.constant 1.000000e+00 : f32
    %logistic3A_587 = vector.broadcast %logistic3A_586 : f32 to vector<50x1xf32>
    %logistic3A_588 = arith.addf %logistic3A_587, %logistic3A_585 : vector<50x1xf32>
    %logistic3A_589 = arith.divf %logistic3A_587, %logistic3A_588 : vector<50x1xf32>
    %swap3A_590 = arith.constant 1 : index
    %swap3A_591 = arith.constant 0 : index
    %swap3A_592 = arith.constant 0 : index
    %swap3A_593 = vector.load %arg22[%swap3A_590, %swap3A_591, %swap3A_592] : memref<5x50x1xf32, #tpu.memory_space<vmem>>, vector<1x50x1xf32>
    %swap3A_594 = vector.shape_cast %swap3A_593 : vector<1x50x1xf32> to vector<50x1xf32>
    %swap3A_595 = vector.shape_cast %logistic3A_589 : vector<50x1xf32> to vector<1x50x1xf32>
    tpu.vector_store %arg22[%swap3A_590, %swap3A_591, %swap3A_592], %swap3A_595 {strides = array<i32>} : memref<5x50x1xf32, #tpu.memory_space<vmem>>, vector<1x50x1xf32>,
    %reduce_max3A_596 = arith.constant dense<0xFF800000> : vector<32xf32>
    %reduce_max3A_597 = vector.multi_reduction <maximumf>, %dot_general3A_581, %reduce_max3A_596 [0] : vector<50x32xf32> to vector<32xf32>
    %broadcast_in_dim3A_598 = vector.shape_cast %reduce_max3A_597 : vector<32xf32> to vector<1x32xf32>
    %reduce_sum3A_599 = arith.constant dense<0.000000e+00> : vector<32xf32>
    %reduce_sum3A_600 = vector.multi_reduction <add>, %dot_general3A_581, %reduce_sum3A_599 [0] : vector<50x32xf32> to vector<32xf32>
    %broadcast_in_dim3A_601 = vector.shape_cast %reduce_sum3A_600 : vector<32xf32> to vector<1x32xf32>
    %div3A_602 = arith.constant 5.000000e+01 : f32
    %div3A_603 = vector.broadcast %div3A_602 : f32 to vector<1x32xf32>
    %div3A_604 = arith.divf %broadcast_in_dim3A_601, %div3A_603 : vector<1x32xf32>
    %concatenate3A_605 = tpu.concatenate %broadcast_in_dim3A_442, %div3A_448, %broadcast_in_dim3A_598, %div3A_604 in 1 : vector<1x32xf32>, vector<1x32xf32>, vector<1x32xf32>, vector<1x32xf32> -> vector<1x128xf32>
    %get3A_606 = arith.constant 0 : index
    %get3A_607 = arith.constant 0 : index
    %get3A_608 = vector.load %arg10[%get3A_606, %get3A_607] : memref<128x32xf32, #tpu.memory_space<vmem>>, vector<128x32xf32>
    %dot_general3A_609 = arith.constant dense<0.000000e+00> : vector<1x32xf32>
    %dot_general3A_610 = tpu.matmul %concatenate3A_605, %get3A_608, %dot_general3A_609 {dimension_numbers = #tpu.dot_dimension_numbers<[1], [0], [0], [1], [0, 0, 1, 1], [], []>, precision = #tpu.contract_precision<fp32>, transpose_lhs_hint = false} : vector<1x128xf32>, vector<128x32xf32>, vector<1x32xf32> -> vector<1x32xf32>
    %get3A_611 = arith.constant 0 : index
    %get3A_612 = arith.constant 0 : index
    %get3A_613 = vector.load %arg11[%get3A_611, %get3A_612] : memref<1x32xf32, #tpu.memory_space<vmem>>, vector<1x32xf32>
    %add3A_614 = arith.addf %dot_general3A_610, %get3A_613 : vector<1x32xf32>
    %max3A_615 = arith.constant 0.000000e+00 : f32
    %max3A_616 = vector.broadcast %max3A_615 : f32 to vector<1x32xf32>
    %max3A_617 = arith.maximumf %add3A_614, %max3A_616 : vector<1x32xf32>
    %mul3A_618 = vector.broadcast %div3A_20 : f32 to vector<1x32xf32>
    %mul3A_619 = arith.mulf %max3A_617, %mul3A_618 : vector<1x32xf32>
    %get3A_620 = arith.constant 0 : index
    %get3A_621 = arith.constant 0 : index
    %get3A_622 = vector.load %arg12[%get3A_620, %get3A_621] : memref<1x32xf32, #tpu.memory_space<vmem>>, vector<1x32xf32>
    %mul3A_623 = arith.mulf %mul3A_619, %get3A_622 : vector<1x32xf32>
    %get3A_624 = arith.constant 0 : index
    %get3A_625 = arith.constant 0 : index
    %get3A_626 = vector.load %arg13[%get3A_624, %get3A_625] : memref<1x32xf32, #tpu.memory_space<vmem>>, vector<1x32xf32>
    %add3A_627 = arith.addf %mul3A_623, %get3A_626 : vector<1x32xf32>
    %get3A_628 = arith.constant 0 : index
    %get3A_629 = arith.constant 0 : index
    %get3A_630 = vector.load %arg14[%get3A_628, %get3A_629] : memref<32x512xf32, #tpu.memory_space<vmem>>, vector<32x512xf32>
    %dot_general3A_631 = arith.constant dense<0.000000e+00> : vector<1x512xf32>
    %dot_general3A_632 = tpu.matmul %add3A_627, %get3A_630, %dot_general3A_631 {dimension_numbers = #tpu.dot_dimension_numbers<[1], [0], [0], [1], [0, 0, 1, 1], [], []>, precision = #tpu.contract_precision<fp32>, transpose_lhs_hint = false} : vector<1x32xf32>, vector<32x512xf32>, vector<1x512xf32> -> vector<1x512xf32>
    %get3A_633 = arith.constant 0 : index
    %get3A_634 = arith.constant 0 : index
    %get3A_635 = vector.load %arg15[%get3A_633, %get3A_634] : memref<1x512xf32, #tpu.memory_space<vmem>>, vector<1x512xf32>
    %add3A_636 = arith.addf %dot_general3A_632, %get3A_635 : vector<1x512xf32>
    %max3A_637 = arith.constant 0.000000e+00 : f32
    %max3A_638 = vector.broadcast %max3A_637 : f32 to vector<1x512xf32>
    %max3A_639 = arith.maximumf %add3A_636, %max3A_638 : vector<1x512xf32>
    %mul3A_640 = vector.broadcast %div3A_20 : f32 to vector<1x512xf32>
    %mul3A_641 = arith.mulf %max3A_639, %mul3A_640 : vector<1x512xf32>
    %get3A_642 = arith.constant 0 : index
    %get3A_643 = arith.constant 0 : index
    %get3A_644 = vector.load %arg16[%get3A_642, %get3A_643] : memref<1x512xf32, #tpu.memory_space<vmem>>, vector<1x512xf32>
    %mul3A_645 = arith.mulf %mul3A_641, %get3A_644 : vector<1x512xf32>
    %get3A_646 = arith.constant 0 : index
    %get3A_647 = arith.constant 0 : index
    %get3A_648 = vector.load %arg17[%get3A_646, %get3A_647] : memref<1x512xf32, #tpu.memory_space<vmem>>, vector<1x512xf32>
    %add3A_649 = arith.addf %mul3A_645, %get3A_648 : vector<1x512xf32>
    %get3A_650 = arith.constant 0 : index
    %get3A_651 = arith.constant 0 : index
    %get3A_652 = vector.load %arg18[%get3A_650, %get3A_651] : memref<512x2xf32, #tpu.memory_space<vmem>>, vector<512x2xf32>
    %dot_general3A_653 = arith.constant dense<0.000000e+00> : vector<1x2xf32>
    %dot_general3A_654 = tpu.matmul %add3A_649, %get3A_652, %dot_general3A_653 {dimension_numbers = #tpu.dot_dimension_numbers<[1], [0], [0], [1], [0, 0, 1, 1], [], []>, precision = #tpu.contract_precision<fp32>, transpose_lhs_hint = false} : vector<1x512xf32>, vector<512x2xf32>, vector<1x2xf32> -> vector<1x2xf32>
    %get3A_655 = arith.constant 0 : index
    %get3A_656 = arith.constant 0 : index
    %get3A_657 = vector.load %arg19[%get3A_655, %get3A_656] : memref<1x2xf32, #tpu.memory_space<vmem>>, vector<1x2xf32>
    %add3A_658 = arith.addf %dot_general3A_654, %get3A_657 : vector<1x2xf32>
    %reduce_max3A_659 = arith.constant dense<0xFF800000> : vector<1xf32>
    %reduce_max3A_660 = vector.multi_reduction <maximumf>, %add3A_658, %reduce_max3A_659 [1] : vector<1x2xf32> to vector<1xf32>
    %broadcast_in_dim3A_661 = vector.shape_cast %reduce_max3A_660 : vector<1xf32> to vector<1x1xf32>
    %sub3A_662 = vector.broadcast %broadcast_in_dim3A_661 : vector<1x1xf32> to vector<1x2xf32>
    %sub3A_663 = arith.subf %add3A_658, %sub3A_662 : vector<1x2xf32>
    %exp3A_664 = math.exp %sub3A_663 : vector<1x2xf32>
    %reduce_sum3A_665 = arith.constant dense<0.000000e+00> : vector<1xf32>
    %reduce_sum3A_666 = vector.multi_reduction <add>, %exp3A_664, %reduce_sum3A_665 [1] : vector<1x2xf32> to vector<1xf32>
    %broadcast_in_dim3A_667 = vector.shape_cast %reduce_sum3A_666 : vector<1xf32> to vector<1x1xf32>
    %log3A_668 = math.log %broadcast_in_dim3A_667 : vector<1x1xf32>
    %add3A_669 = arith.addf %broadcast_in_dim3A_661, %log3A_668 : vector<1x1xf32>
    %sub3A_670 = vector.broadcast %add3A_669 : vector<1x1xf32> to vector<1x2xf32>
    %sub3A_671 = arith.subf %add3A_658, %sub3A_670 : vector<1x2xf32>
    %swap3A_672 = arith.constant 1 : index
    %swap3A_673 = arith.constant 0 : index
    %swap3A_674 = arith.constant 0 : index
    %swap3A_675 = vector.load %arg20[%swap3A_672, %swap3A_673, %swap3A_674] : memref<5x1x2xf32, #tpu.memory_space<vmem>>, vector<1x1x2xf32>
    %swap3A_676 = vector.shape_cast %swap3A_675 : vector<1x1x2xf32> to vector<1x2xf32>
    %swap3A_677 = vector.shape_cast %sub3A_671 : vector<1x2xf32> to vector<1x1x2xf32>
    tpu.vector_store %arg20[%swap3A_672, %swap3A_673, %swap3A_674], %swap3A_677 {strides = array<i32>} : memref<5x1x2xf32, #tpu.memory_space<vmem>>, vector<1x1x2xf32>,
    %get3A_678 = arith.constant 2 : index
    %get3A_679 = arith.constant 0 : index
    %get3A_680 = arith.constant 0 : index
    %get3A_681 = vector.load %arg1[%get3A_678, %get3A_679, %get3A_680] : memref<5x200x200xf32, #tpu.memory_space<vmem>>, vector<1x200x200xf32>
    %get3A_682 = vector.shape_cast %get3A_681 : vector<1x200x200xf32> to vector<200x200xf32>
    %get3A_683 = arith.constant 400 : index
    %get3A_684 = arith.constant 0 : index
    %get3A_685 = vector.load %arg2[%get3A_683, %get3A_684] : memref<1000x32xf32, #tpu.memory_space<vmem>>, vector<200x32xf32>
    %dot_general3A_686 = arith.constant dense<0.000000e+00> : vector<200x32xf32>
    %dot_general3A_687 = tpu.matmul %get3A_682, %get3A_685, %dot_general3A_686 {dimension_numbers = #tpu.dot_dimension_numbers<[1], [0], [0], [1], [0, 0, 1, 1], [], []>, precision = #tpu.contract_precision<fp32>, transpose_lhs_hint = false} : vector<200x200xf32>, vector<200x32xf32>, vector<200x32xf32> -> vector<200x32xf32>
    %get3A_688 = arith.constant 2 : index
    %get3A_689 = arith.constant 0 : index
    %get3A_690 = arith.constant 0 : index
    %get3A_691 = vector.load %arg3[%get3A_688, %get3A_689, %get3A_690] : memref<5x200x1xf32, #tpu.memory_space<vmem>>, vector<1x200x1xf32>
    %get3A_692 = vector.shape_cast %get3A_691 : vector<1x200x1xf32> to vector<200x1xf32>
    %gt3A_693 = arith.constant 0.000000e+00 : f32
    %gt3A_694 = vector.broadcast %gt3A_693 : f32 to vector<200x1xf32>
    %gt3A_695 = arith.cmpf ogt, %get3A_692, %gt3A_694 : vector<200x1xf32>
    %max3A_696 = arith.constant 1.000000e+00 : f32
    %max3A_697 = vector.broadcast %max3A_696 : f32 to vector<200x1xf32>
    %max3A_698 = arith.maximumf %get3A_692, %max3A_697 : vector<200x1xf32>
    %div3A_699 = vector.broadcast %max3A_698 : vector<200x1xf32> to vector<200x32xf32>
    %div3A_700 = arith.divf %dot_general3A_687, %div3A_699 : vector<200x32xf32>
    %jit3A_701 = arith.constant 0.000000e+00 : f32
    %broadcast_in_dim3A_702 = vector.shape_cast %gt3A_695 : vector<200x1xi1> to vector<200x1xi1>
    %broadcast_in_dim3A_703 = vector.broadcast %broadcast_in_dim3A_702 : vector<200x1xi1> to vector<200x32xi1>
    %broadcast_in_dim3A_704 = vector.broadcast %jit3A_701 : f32 to vector<200x32xf32>
    %select_n3A_705 = arith.select %broadcast_in_dim3A_703, %div3A_700, %broadcast_in_dim3A_704 : vector<200x32xi1>, vector<200x32xf32>
    %get3A_706 = arith.constant 0 : index
    %get3A_707 = arith.constant 0 : index
    %get3A_708 = vector.load %arg6[%get3A_706, %get3A_707] : memref<1x32xf32, #tpu.memory_space<vmem>>, vector<1x32xf32>
    %add3A_709 = vector.broadcast %get3A_708 : vector<1x32xf32> to vector<200x32xf32>
    %add3A_710 = arith.addf %select_n3A_705, %add3A_709 : vector<200x32xf32>
    %dot_general3A_711 = arith.constant dense<0.000000e+00> : vector<1x200xf32>
    %dot_general3A_712 = tpu.matmul %get3A_1, %add3A_710, %dot_general3A_711 {dimension_numbers = #tpu.dot_dimension_numbers<[1], [1], [0], [0], [0, 0, 1, 0], [], []>, precision = #tpu.contract_precision<fp32>, transpose_lhs_hint = false} : vector<1x32xf32>, vector<200x32xf32>, vector<1x200xf32> -> vector<1x200xf32>
    %div3A_713 = vector.broadcast %sqrt3A : f32 to vector<1x200xf32>
    %div3A_714 = arith.divf %dot_general3A_712, %div3A_713 : vector<1x200xf32>
    %broadcast_in_dim3A_715 = arith.constant 1.000000e+00 : f32
    %broadcast_in_dim3A_716 = vector.broadcast %broadcast_in_dim3A_715 : f32 to vector<1x200xf32>
    %dot_general3A_717 = arith.constant dense<0.000000e+00> : vector<200x200xf32>
    %dot_general3A_718 = tpu.matmul %div3A_714, %broadcast_in_dim3A_716, %dot_general3A_717 {dimension_numbers = #tpu.dot_dimension_numbers<[0], [0], [1], [1], [0, 1, 1, 1], [], []>, precision = #tpu.contract_precision<fp32>, transpose_lhs_hint = false} : vector<1x200xf32>, vector<1x200xf32>, vector<200x200xf32> -> vector<200x200xf32>
    %dot_general3A_719 = arith.constant dense<0.000000e+00> : vector<200x200xf32>
    %dot_general3A_720 = tpu.matmul %broadcast_in_dim3A_716, %div3A_714, %dot_general3A_719 {dimension_numbers = #tpu.dot_dimension_numbers<[0], [0], [1], [1], [0, 1, 1, 1], [], []>, precision = #tpu.contract_precision<fp32>, transpose_lhs_hint = false} : vector<1x200xf32>, vector<1x200xf32>, vector<200x200xf32> -> vector<200x200xf32>
    %logistic3A_721 = arith.negf %dot_general3A_718 : vector<200x200xf32>
    %logistic3A_722 = math.exp %logistic3A_721 : vector<200x200xf32>
    %logistic3A_723 = arith.constant 1.000000e+00 : f32
    %logistic3A_724 = vector.broadcast %logistic3A_723 : f32 to vector<200x200xf32>
    %logistic3A_725 = arith.addf %logistic3A_724, %logistic3A_722 : vector<200x200xf32>
    %logistic3A_726 = arith.divf %logistic3A_724, %logistic3A_725 : vector<200x200xf32>
    %logistic3A_727 = arith.negf %dot_general3A_720 : vector<200x200xf32>
    %logistic3A_728 = math.exp %logistic3A_727 : vector<200x200xf32>
    %logistic3A_729 = arith.constant 1.000000e+00 : f32
    %logistic3A_730 = vector.broadcast %logistic3A_729 : f32 to vector<200x200xf32>
    %logistic3A_731 = arith.addf %logistic3A_730, %logistic3A_728 : vector<200x200xf32>
    %logistic3A_732 = arith.divf %logistic3A_730, %logistic3A_731 : vector<200x200xf32>
    %iota3A_733 = tpu.iota {dimensions = array<i32: 0>} : vector<200x200xi32>
    %iota3A_734 = tpu.iota {dimensions = array<i32: 1>} : vector<200x200xi32>
    %gt3A_735 = arith.cmpf ogt, %logistic3A_732, %logistic3A_726 : vector<200x200xf32>
    %eq3A_736 = arith.cmpf oeq, %logistic3A_732, %logistic3A_726 : vector<200x200xf32>
    %lt3A_737 = arith.cmpi slt, %iota3A_734, %iota3A_733 : vector<200x200xi32>
    %and3A_738 = arith.andi %eq3A_736, %lt3A_737 : vector<200x200xi1>
    %or3A_739 = arith.ori %gt3A_735, %and3A_738 : vector<200x200xi1>
    %convert_element_type3A_740 = arith.extui %or3A_739 : vector<200x200xi1> to vector<200x200xi32>
    %convert_element_type3A_741 = arith.sitofp %convert_element_type3A_740 : vector<200x200xi32> to vector<200x200xf32>
    %reduce_sum3A_742 = arith.constant dense<0.000000e+00> : vector<200xf32>
    %reduce_sum3A_743 = vector.multi_reduction <add>, %convert_element_type3A_741, %reduce_sum3A_742 [1] : vector<200x200xf32> to vector<200xf32>
    %broadcast_in_dim3A_744 = vector.shape_cast %reduce_sum3A_743 : vector<200xf32> to vector<200x1xf32>
    %broadcast_in_dim3A_745 = arith.constant 1.000000e+00 : f32
    %broadcast_in_dim3A_746 = vector.broadcast %broadcast_in_dim3A_745 : f32 to vector<100x1xf32>
    %dot_general3A_747 = arith.constant dense<0.000000e+00> : vector<100x200xf32>
    %dot_general3A_748 = tpu.matmul %broadcast_in_dim3A_746, %broadcast_in_dim3A_744, %dot_general3A_747 {dimension_numbers = #tpu.dot_dimension_numbers<[1], [1], [0], [0], [0, 0, 1, 0], [], []>, precision = #tpu.contract_precision<fp32>, transpose_lhs_hint = false} : vector<100x1xf32>, vector<200x1xf32>, vector<100x200xf32> -> vector<100x200xf32>
    %iota3A_749 = tpu.iota {dimensions = array<i32: 0>} : vector<100x200xi32>
    %convert_element_type3A_750 = arith.sitofp %iota3A_749 : vector<100x200xi32> to vector<100x200xf32>
    %eq3A_751 = arith.cmpf oeq, %dot_general3A_748, %convert_element_type3A_750 : vector<100x200xf32>
    %convert_element_type3A_752 = arith.extui %eq3A_751 : vector<100x200xi1> to vector<100x200xi32>
    %convert_element_type3A_753 = arith.sitofp %convert_element_type3A_752 : vector<100x200xi32> to vector<100x200xf32>
    %slice3A_754 = vector.extract_strided_slice %logistic3A_726 {offsets = [0, 0], sizes = [200, 1], strides = [1, 1]} : vector<200x200xf32> to vector<200x1xf32>
    %mul3A_755 = vector.broadcast %slice3A_754 : vector<200x1xf32> to vector<200x32xf32>
    %mul3A_756 = arith.mulf %add3A_710, %mul3A_755 : vector<200x32xf32>
    %dot_general3A_757 = arith.constant dense<0.000000e+00> : vector<100x32xf32>
    %dot_general3A_758 = tpu.matmul %convert_element_type3A_753, %mul3A_756, %dot_general3A_757 {dimension_numbers = #tpu.dot_dimension_numbers<[1], [0], [0], [1], [0, 0, 1, 1], [], []>, precision = #tpu.contract_precision<fp32>, transpose_lhs_hint = false} : vector<100x200xf32>, vector<200x32xf32>, vector<100x32xf32> -> vector<100x32xf32>
    %get3A_759 = arith.constant 400 : index
    %get3A_760 = arith.constant 0 : index
    %get3A_761 = vector.load %arg4[%get3A_759, %get3A_760] : memref<1000x8xf32, #tpu.memory_space<vmem>>, vector<200x8xf32>
    %dot_general3A_762 = arith.constant dense<0.000000e+00> : vector<100x8xf32>
    %dot_general3A_763 = tpu.matmul %convert_element_type3A_753, %get3A_761, %dot_general3A_762 {dimension_numbers = #tpu.dot_dimension_numbers<[1], [0], [0], [1], [0, 0, 1, 1], [], []>, precision = #tpu.contract_precision<fp32>, transpose_lhs_hint = false} : vector<100x200xf32>, vector<200x8xf32>, vector<100x8xf32> -> vector<100x8xf32>
    %dot_general3A_764 = arith.constant dense<0.000000e+00> : vector<100x1xf32>
    %dot_general3A_765 = tpu.matmul %convert_element_type3A_753, %slice3A_754, %dot_general3A_764 {dimension_numbers = #tpu.dot_dimension_numbers<[1], [0], [0], [1], [0, 0, 1, 1], [], []>, precision = #tpu.contract_precision<fp32>, transpose_lhs_hint = false} : vector<100x200xf32>, vector<200x1xf32>, vector<100x1xf32> -> vector<100x1xf32>
    %logistic3A_766 = arith.negf %dot_general3A_765 : vector<100x1xf32>
    %logistic3A_767 = math.exp %logistic3A_766 : vector<100x1xf32>
    %logistic3A_768 = arith.constant 1.000000e+00 : f32
    %logistic3A_769 = vector.broadcast %logistic3A_768 : f32 to vector<100x1xf32>
    %logistic3A_770 = arith.addf %logistic3A_769, %logistic3A_767 : vector<100x1xf32>
    %logistic3A_771 = arith.divf %logistic3A_769, %logistic3A_770 : vector<100x1xf32>
    %swap3A_772 = arith.constant 2 : index
    %swap3A_773 = arith.constant 0 : index
    %swap3A_774 = arith.constant 0 : index
    %swap3A_775 = vector.load %arg21[%swap3A_772, %swap3A_773, %swap3A_774] : memref<5x100x1xf32, #tpu.memory_space<vmem>>, vector<1x100x1xf32>
    %swap3A_776 = vector.shape_cast %swap3A_775 : vector<1x100x1xf32> to vector<100x1xf32>
    %swap3A_777 = vector.shape_cast %logistic3A_771 : vector<100x1xf32> to vector<1x100x1xf32>
    tpu.vector_store %arg21[%swap3A_772, %swap3A_773, %swap3A_774], %swap3A_777 {strides = array<i32>} : memref<5x100x1xf32, #tpu.memory_space<vmem>>, vector<1x100x1xf32>,
    %reduce_max3A_778 = arith.constant dense<0xFF800000> : vector<32xf32>
    %reduce_max3A_779 = vector.multi_reduction <maximumf>, %dot_general3A_758, %reduce_max3A_778 [0] : vector<100x32xf32> to vector<32xf32>
    %broadcast_in_dim3A_780 = vector.shape_cast %reduce_max3A_779 : vector<32xf32> to vector<1x32xf32>
    %reduce_sum3A_781 = arith.constant dense<0.000000e+00> : vector<32xf32>
    %reduce_sum3A_782 = vector.multi_reduction <add>, %dot_general3A_758, %reduce_sum3A_781 [0] : vector<100x32xf32> to vector<32xf32>
    %broadcast_in_dim3A_783 = vector.shape_cast %reduce_sum3A_782 : vector<32xf32> to vector<1x32xf32>
    %div3A_784 = arith.constant 1.000000e+02 : f32
    %div3A_785 = vector.broadcast %div3A_784 : f32 to vector<1x32xf32>
    %div3A_786 = arith.divf %broadcast_in_dim3A_783, %div3A_785 : vector<1x32xf32>
    %dot_general3A_787 = arith.constant dense<0.000000e+00> : vector<100x200xf32>
    %dot_general3A_788 = tpu.matmul %convert_element_type3A_753, %get3A_682, %dot_general3A_787 {dimension_numbers = #tpu.dot_dimension_numbers<[1], [0], [0], [1], [0, 0, 1, 1], [], []>, precision = #tpu.contract_precision<fp32>, transpose_lhs_hint = false} : vector<100x200xf32>, vector<200x200xf32>, vector<100x200xf32> -> vector<100x200xf32>
    %dot_general3A_789 = arith.constant dense<0.000000e+00> : vector<100x100xf32>
    %dot_general3A_790 = tpu.matmul %dot_general3A_788, %convert_element_type3A_753, %dot_general3A_789 {dimension_numbers = #tpu.dot_dimension_numbers<[1], [1], [0], [0], [0, 0, 1, 0], [], []>, precision = #tpu.contract_precision<fp32>, transpose_lhs_hint = false} : vector<100x200xf32>, vector<100x200xf32>, vector<100x100xf32> -> vector<100x100xf32>
    %add3A_791 = arith.addf %dot_general3A_790, %convert_element_type3A_17 : vector<100x100xf32>
    %dot_general3A_792 = arith.constant dense<0.000000e+00> : vector<100x100xf32>
    %dot_general3A_793 = tpu.matmul %add3A_791, %add3A_791, %dot_general3A_792 {dimension_numbers = #tpu.dot_dimension_numbers<[1], [0], [0], [1], [0, 0, 1, 1], [], []>, precision = #tpu.contract_precision<fp32>, transpose_lhs_hint = false} : vector<100x100xf32>, vector<100x100xf32>, vector<100x100xf32> -> vector<100x100xf32>
    %sub3A_794 = arith.constant 1.000000e+00 : f32
    %sub3A_795 = vector.broadcast %sub3A_794 : f32 to vector<100x100xf32>
    %sub3A_796 = arith.subf %sub3A_795, %convert_element_type3A_17 : vector<100x100xf32>
    %mul3A_797 = arith.mulf %dot_general3A_793, %sub3A_796 : vector<100x100xf32>
    %ne3A_798 = arith.constant 0.000000e+00 : f32
    %ne3A_799 = vector.broadcast %ne3A_798 : f32 to vector<100x100xf32>
    %ne3A_800 = arith.cmpf one, %mul3A_797, %ne3A_799 : vector<100x100xf32>
    %convert_element_type3A_801 = arith.extui %ne3A_800 : vector<100x100xi1> to vector<100x100xi32>
    %convert_element_type3A_802 = arith.sitofp %convert_element_type3A_801 : vector<100x100xi32> to vector<100x100xf32>
    %reduce_sum3A_803 = arith.constant dense<0.000000e+00> : vector<100xf32>
    %reduce_sum3A_804 = vector.multi_reduction <add>, %convert_element_type3A_802, %reduce_sum3A_803 [1] : vector<100x100xf32> to vector<100xf32>
    %broadcast_in_dim3A_805 = vector.shape_cast %reduce_sum3A_804 : vector<100xf32> to vector<100x1xf32>
    %get3A_806 = arith.constant 0 : index
    %get3A_807 = arith.constant 0 : index
    %get3A_808 = vector.load %arg7[%get3A_806, %get3A_807] : memref<32x288xf32, #tpu.memory_space<vmem>>, vector<32x288xf32>
    %dot_general3A_809 = arith.constant dense<0.000000e+00> : vector<100x288xf32>
    %dot_general3A_810 = tpu.matmul %dot_general3A_758, %get3A_808, %dot_general3A_809 {dimension_numbers = #tpu.dot_dimension_numbers<[1], [0], [0], [1], [0, 0, 1, 1], [], []>, precision = #tpu.contract_precision<fp32>, transpose_lhs_hint = false} : vector<100x32xf32>, vector<32x288xf32>, vector<100x288xf32> -> vector<100x288xf32>
    %slice3A_811 = vector.extract_strided_slice %dot_general3A_810 {offsets = [0, 256], sizes = [100, 32], strides = [1, 1]} : vector<100x288xf32> to vector<100x32xf32>
    %slice3A_812 = vector.extract_strided_slice %dot_general3A_763 {offsets = [0, 0], sizes = [100, 1], strides = [1, 1]} : vector<100x8xf32> to vector<100x1xf32>
    %slice3A_813 = vector.extract_strided_slice %dot_general3A_810 {offsets = [0, 0], sizes = [100, 32], strides = [1, 1]} : vector<100x288xf32> to vector<100x32xf32>
    %mul3A_814 = vector.broadcast %slice3A_812 : vector<100x1xf32> to vector<100x32xf32>
    %mul3A_815 = arith.mulf %mul3A_814, %slice3A_813 : vector<100x32xf32>
    %add3A_816 = arith.addf %slice3A_811, %mul3A_815 : vector<100x32xf32>
    %slice3A_817 = vector.extract_strided_slice %dot_general3A_763 {offsets = [0, 1], sizes = [100, 1], strides = [1, 1]} : vector<100x8xf32> to vector<100x1xf32>
    %slice3A_818 = vector.extract_strided_slice %dot_general3A_810 {offsets = [0, 32], sizes = [100, 32], strides = [1, 1]} : vector<100x288xf32> to vector<100x32xf32>
    %mul3A_819 = vector.broadcast %slice3A_817 : vector<100x1xf32> to vector<100x32xf32>
    %mul3A_820 = arith.mulf %mul3A_819, %slice3A_818 : vector<100x32xf32>
    %add3A_821 = arith.addf %add3A_816, %mul3A_820 : vector<100x32xf32>
    %slice3A_822 = vector.extract_strided_slice %dot_general3A_763 {offsets = [0, 2], sizes = [100, 1], strides = [1, 1]} : vector<100x8xf32> to vector<100x1xf32>
    %slice3A_823 = vector.extract_strided_slice %dot_general3A_810 {offsets = [0, 64], sizes = [100, 32], strides = [1, 1]} : vector<100x288xf32> to vector<100x32xf32>
    %mul3A_824 = vector.broadcast %slice3A_822 : vector<100x1xf32> to vector<100x32xf32>
    %mul3A_825 = arith.mulf %mul3A_824, %slice3A_823 : vector<100x32xf32>
    %add3A_826 = arith.addf %add3A_821, %mul3A_825 : vector<100x32xf32>
    %slice3A_827 = vector.extract_strided_slice %dot_general3A_763 {offsets = [0, 3], sizes = [100, 1], strides = [1, 1]} : vector<100x8xf32> to vector<100x1xf32>
    %slice3A_828 = vector.extract_strided_slice %dot_general3A_810 {offsets = [0, 96], sizes = [100, 32], strides = [1, 1]} : vector<100x288xf32> to vector<100x32xf32>
    %mul3A_829 = vector.broadcast %slice3A_827 : vector<100x1xf32> to vector<100x32xf32>
    %mul3A_830 = arith.mulf %mul3A_829, %slice3A_828 : vector<100x32xf32>
    %add3A_831 = arith.addf %add3A_826, %mul3A_830 : vector<100x32xf32>
    %slice3A_832 = vector.extract_strided_slice %dot_general3A_763 {offsets = [0, 4], sizes = [100, 1], strides = [1, 1]} : vector<100x8xf32> to vector<100x1xf32>
    %slice3A_833 = vector.extract_strided_slice %dot_general3A_810 {offsets = [0, 128], sizes = [100, 32], strides = [1, 1]} : vector<100x288xf32> to vector<100x32xf32>
    %mul3A_834 = vector.broadcast %slice3A_832 : vector<100x1xf32> to vector<100x32xf32>
    %mul3A_835 = arith.mulf %mul3A_834, %slice3A_833 : vector<100x32xf32>
    %add3A_836 = arith.addf %add3A_831, %mul3A_835 : vector<100x32xf32>
    %slice3A_837 = vector.extract_strided_slice %dot_general3A_763 {offsets = [0, 5], sizes = [100, 1], strides = [1, 1]} : vector<100x8xf32> to vector<100x1xf32>
    %slice3A_838 = vector.extract_strided_slice %dot_general3A_810 {offsets = [0, 160], sizes = [100, 32], strides = [1, 1]} : vector<100x288xf32> to vector<100x32xf32>
    %mul3A_839 = vector.broadcast %slice3A_837 : vector<100x1xf32> to vector<100x32xf32>
    %mul3A_840 = arith.mulf %mul3A_839, %slice3A_838 : vector<100x32xf32>
    %add3A_841 = arith.addf %add3A_836, %mul3A_840 : vector<100x32xf32>
    %slice3A_842 = vector.extract_strided_slice %dot_general3A_763 {offsets = [0, 6], sizes = [100, 1], strides = [1, 1]} : vector<100x8xf32> to vector<100x1xf32>
    %slice3A_843 = vector.extract_strided_slice %dot_general3A_810 {offsets = [0, 192], sizes = [100, 32], strides = [1, 1]} : vector<100x288xf32> to vector<100x32xf32>
    %mul3A_844 = vector.broadcast %slice3A_842 : vector<100x1xf32> to vector<100x32xf32>
    %mul3A_845 = arith.mulf %mul3A_844, %slice3A_843 : vector<100x32xf32>
    %add3A_846 = arith.addf %add3A_841, %mul3A_845 : vector<100x32xf32>
    %slice3A_847 = vector.extract_strided_slice %dot_general3A_763 {offsets = [0, 7], sizes = [100, 1], strides = [1, 1]} : vector<100x8xf32> to vector<100x1xf32>
    %slice3A_848 = vector.extract_strided_slice %dot_general3A_810 {offsets = [0, 224], sizes = [100, 32], strides = [1, 1]} : vector<100x288xf32> to vector<100x32xf32>
    %mul3A_849 = vector.broadcast %slice3A_847 : vector<100x1xf32> to vector<100x32xf32>
    %mul3A_850 = arith.mulf %mul3A_849, %slice3A_848 : vector<100x32xf32>
    %add3A_851 = arith.addf %add3A_846, %mul3A_850 : vector<100x32xf32>
    %dot_general3A_852 = arith.constant dense<0.000000e+00> : vector<100x32xf32>
    %dot_general3A_853 = tpu.matmul %mul3A_797, %add3A_851, %dot_general3A_852 {dimension_numbers = #tpu.dot_dimension_numbers<[1], [0], [0], [1], [0, 0, 1, 1], [], []>, precision = #tpu.contract_precision<fp32>, transpose_lhs_hint = false} : vector<100x100xf32>, vector<100x32xf32>, vector<100x32xf32> -> vector<100x32xf32>
    %gt3A_854 = arith.constant 0.000000e+00 : f32
    %gt3A_855 = vector.broadcast %gt3A_854 : f32 to vector<100x1xf32>
    %gt3A_856 = arith.cmpf ogt, %broadcast_in_dim3A_805, %gt3A_855 : vector<100x1xf32>
    %max3A_857 = arith.constant 1.000000e+00 : f32
    %max3A_858 = vector.broadcast %max3A_857 : f32 to vector<100x1xf32>
    %max3A_859 = arith.maximumf %broadcast_in_dim3A_805, %max3A_858 : vector<100x1xf32>
    %div3A_860 = vector.broadcast %max3A_859 : vector<100x1xf32> to vector<100x32xf32>
    %div3A_861 = arith.divf %dot_general3A_853, %div3A_860 : vector<100x32xf32>
    %jit3A_862 = arith.constant 0.000000e+00 : f32
    %broadcast_in_dim3A_863 = vector.shape_cast %gt3A_856 : vector<100x1xi1> to vector<100x1xi1>
    %broadcast_in_dim3A_864 = vector.broadcast %broadcast_in_dim3A_863 : vector<100x1xi1> to vector<100x32xi1>
    %broadcast_in_dim3A_865 = vector.broadcast %jit3A_862 : f32 to vector<100x32xf32>
    %select_n3A_866 = arith.select %broadcast_in_dim3A_864, %div3A_861, %broadcast_in_dim3A_865 : vector<100x32xi1>, vector<100x32xf32>
    %get3A_867 = arith.constant 0 : index
    %get3A_868 = arith.constant 0 : index
    %get3A_869 = vector.load %arg8[%get3A_867, %get3A_868] : memref<1x32xf32, #tpu.memory_space<vmem>>, vector<1x32xf32>
    %add3A_870 = vector.broadcast %get3A_869 : vector<1x32xf32> to vector<100x32xf32>
    %add3A_871 = arith.addf %select_n3A_866, %add3A_870 : vector<100x32xf32>
    %dot_general3A_872 = arith.constant dense<0.000000e+00> : vector<1x100xf32>
    %dot_general3A_873 = tpu.matmul %get3A_8, %add3A_871, %dot_general3A_872 {dimension_numbers = #tpu.dot_dimension_numbers<[1], [1], [0], [0], [0, 0, 1, 0], [], []>, precision = #tpu.contract_precision<fp32>, transpose_lhs_hint = false} : vector<1x32xf32>, vector<100x32xf32>, vector<1x100xf32> -> vector<1x100xf32>
    %div3A_874 = vector.broadcast %sqrt3A_15 : f32 to vector<1x100xf32>
    %div3A_875 = arith.divf %dot_general3A_873, %div3A_874 : vector<1x100xf32>
    %broadcast_in_dim3A_876 = arith.constant 1.000000e+00 : f32
    %broadcast_in_dim3A_877 = vector.broadcast %broadcast_in_dim3A_876 : f32 to vector<1x100xf32>
    %dot_general3A_878 = arith.constant dense<0.000000e+00> : vector<100x100xf32>
    %dot_general3A_879 = tpu.matmul %div3A_875, %broadcast_in_dim3A_877, %dot_general3A_878 {dimension_numbers = #tpu.dot_dimension_numbers<[0], [0], [1], [1], [0, 1, 1, 1], [], []>, precision = #tpu.contract_precision<fp32>, transpose_lhs_hint = false} : vector<1x100xf32>, vector<1x100xf32>, vector<100x100xf32> -> vector<100x100xf32>
    %dot_general3A_880 = arith.constant dense<0.000000e+00> : vector<100x100xf32>
    %dot_general3A_881 = tpu.matmul %broadcast_in_dim3A_877, %div3A_875, %dot_general3A_880 {dimension_numbers = #tpu.dot_dimension_numbers<[0], [0], [1], [1], [0, 1, 1, 1], [], []>, precision = #tpu.contract_precision<fp32>, transpose_lhs_hint = false} : vector<1x100xf32>, vector<1x100xf32>, vector<100x100xf32> -> vector<100x100xf32>
    %logistic3A_882 = arith.negf %dot_general3A_879 : vector<100x100xf32>
    %logistic3A_883 = math.exp %logistic3A_882 : vector<100x100xf32>
    %logistic3A_884 = arith.constant 1.000000e+00 : f32
    %logistic3A_885 = vector.broadcast %logistic3A_884 : f32 to vector<100x100xf32>
    %logistic3A_886 = arith.addf %logistic3A_885, %logistic3A_883 : vector<100x100xf32>
    %logistic3A_887 = arith.divf %logistic3A_885, %logistic3A_886 : vector<100x100xf32>
    %logistic3A_888 = arith.negf %dot_general3A_881 : vector<100x100xf32>
    %logistic3A_889 = math.exp %logistic3A_888 : vector<100x100xf32>
    %logistic3A_890 = arith.constant 1.000000e+00 : f32
    %logistic3A_891 = vector.broadcast %logistic3A_890 : f32 to vector<100x100xf32>
    %logistic3A_892 = arith.addf %logistic3A_891, %logistic3A_889 : vector<100x100xf32>
    %logistic3A_893 = arith.divf %logistic3A_891, %logistic3A_892 : vector<100x100xf32>
    %iota3A_894 = tpu.iota {dimensions = array<i32: 0>} : vector<100x100xi32>
    %iota3A_895 = tpu.iota {dimensions = array<i32: 1>} : vector<100x100xi32>
    %gt3A_896 = arith.cmpf ogt, %logistic3A_893, %logistic3A_887 : vector<100x100xf32>
    %eq3A_897 = arith.cmpf oeq, %logistic3A_893, %logistic3A_887 : vector<100x100xf32>
    %lt3A_898 = arith.cmpi slt, %iota3A_895, %iota3A_894 : vector<100x100xi32>
    %and3A_899 = arith.andi %eq3A_897, %lt3A_898 : vector<100x100xi1>
    %or3A_900 = arith.ori %gt3A_896, %and3A_899 : vector<100x100xi1>
    %convert_element_type3A_901 = arith.extui %or3A_900 : vector<100x100xi1> to vector<100x100xi32>
    %convert_element_type3A_902 = arith.sitofp %convert_element_type3A_901 : vector<100x100xi32> to vector<100x100xf32>
    %reduce_sum3A_903 = arith.constant dense<0.000000e+00> : vector<100xf32>
    %reduce_sum3A_904 = vector.multi_reduction <add>, %convert_element_type3A_902, %reduce_sum3A_903 [1] : vector<100x100xf32> to vector<100xf32>
    %broadcast_in_dim3A_905 = vector.shape_cast %reduce_sum3A_904 : vector<100xf32> to vector<100x1xf32>
    %broadcast_in_dim3A_906 = arith.constant 1.000000e+00 : f32
    %broadcast_in_dim3A_907 = vector.broadcast %broadcast_in_dim3A_906 : f32 to vector<50x1xf32>
    %dot_general3A_908 = arith.constant dense<0.000000e+00> : vector<50x100xf32>
    %dot_general3A_909 = tpu.matmul %broadcast_in_dim3A_907, %broadcast_in_dim3A_905, %dot_general3A_908 {dimension_numbers = #tpu.dot_dimension_numbers<[1], [1], [0], [0], [0, 0, 1, 0], [], []>, precision = #tpu.contract_precision<fp32>, transpose_lhs_hint = false} : vector<50x1xf32>, vector<100x1xf32>, vector<50x100xf32> -> vector<50x100xf32>
    %iota3A_910 = tpu.iota {dimensions = array<i32: 0>} : vector<50x100xi32>
    %convert_element_type3A_911 = arith.sitofp %iota3A_910 : vector<50x100xi32> to vector<50x100xf32>
    %eq3A_912 = arith.cmpf oeq, %dot_general3A_909, %convert_element_type3A_911 : vector<50x100xf32>
    %convert_element_type3A_913 = arith.extui %eq3A_912 : vector<50x100xi1> to vector<50x100xi32>
    %convert_element_type3A_914 = arith.sitofp %convert_element_type3A_913 : vector<50x100xi32> to vector<50x100xf32>
    %slice3A_915 = vector.extract_strided_slice %logistic3A_887 {offsets = [0, 0], sizes = [100, 1], strides = [1, 1]} : vector<100x100xf32> to vector<100x1xf32>
    %mul3A_916 = vector.broadcast %slice3A_915 : vector<100x1xf32> to vector<100x32xf32>
    %mul3A_917 = arith.mulf %add3A_871, %mul3A_916 : vector<100x32xf32>
    %dot_general3A_918 = arith.constant dense<0.000000e+00> : vector<50x32xf32>
    %dot_general3A_919 = tpu.matmul %convert_element_type3A_914, %mul3A_917, %dot_general3A_918 {dimension_numbers = #tpu.dot_dimension_numbers<[1], [0], [0], [1], [0, 0, 1, 1], [], []>, precision = #tpu.contract_precision<fp32>, transpose_lhs_hint = false} : vector<50x100xf32>, vector<100x32xf32>, vector<50x32xf32> -> vector<50x32xf32>
    %dot_general3A_920 = arith.constant dense<0.000000e+00> : vector<50x1xf32>
    %dot_general3A_921 = tpu.matmul %convert_element_type3A_914, %slice3A_915, %dot_general3A_920 {dimension_numbers = #tpu.dot_dimension_numbers<[1], [0], [0], [1], [0, 0, 1, 1], [], []>, precision = #tpu.contract_precision<fp32>, transpose_lhs_hint = false} : vector<50x100xf32>, vector<100x1xf32>, vector<50x1xf32> -> vector<50x1xf32>
    %logistic3A_922 = arith.negf %dot_general3A_921 : vector<50x1xf32>
    %logistic3A_923 = math.exp %logistic3A_922 : vector<50x1xf32>
    %logistic3A_924 = arith.constant 1.000000e+00 : f32
    %logistic3A_925 = vector.broadcast %logistic3A_924 : f32 to vector<50x1xf32>
    %logistic3A_926 = arith.addf %logistic3A_925, %logistic3A_923 : vector<50x1xf32>
    %logistic3A_927 = arith.divf %logistic3A_925, %logistic3A_926 : vector<50x1xf32>
    %swap3A_928 = arith.constant 2 : index
    %swap3A_929 = arith.constant 0 : index
    %swap3A_930 = arith.constant 0 : index
    %swap3A_931 = vector.load %arg22[%swap3A_928, %swap3A_929, %swap3A_930] : memref<5x50x1xf32, #tpu.memory_space<vmem>>, vector<1x50x1xf32>
    %swap3A_932 = vector.shape_cast %swap3A_931 : vector<1x50x1xf32> to vector<50x1xf32>
    %swap3A_933 = vector.shape_cast %logistic3A_927 : vector<50x1xf32> to vector<1x50x1xf32>
    tpu.vector_store %arg22[%swap3A_928, %swap3A_929, %swap3A_930], %swap3A_933 {strides = array<i32>} : memref<5x50x1xf32, #tpu.memory_space<vmem>>, vector<1x50x1xf32>,
    %reduce_max3A_934 = arith.constant dense<0xFF800000> : vector<32xf32>
    %reduce_max3A_935 = vector.multi_reduction <maximumf>, %dot_general3A_919, %reduce_max3A_934 [0] : vector<50x32xf32> to vector<32xf32>
    %broadcast_in_dim3A_936 = vector.shape_cast %reduce_max3A_935 : vector<32xf32> to vector<1x32xf32>
    %reduce_sum3A_937 = arith.constant dense<0.000000e+00> : vector<32xf32>
    %reduce_sum3A_938 = vector.multi_reduction <add>, %dot_general3A_919, %reduce_sum3A_937 [0] : vector<50x32xf32> to vector<32xf32>
    %broadcast_in_dim3A_939 = vector.shape_cast %reduce_sum3A_938 : vector<32xf32> to vector<1x32xf32>
    %div3A_940 = arith.constant 5.000000e+01 : f32
    %div3A_941 = vector.broadcast %div3A_940 : f32 to vector<1x32xf32>
    %div3A_942 = arith.divf %broadcast_in_dim3A_939, %div3A_941 : vector<1x32xf32>
    %concatenate3A_943 = tpu.concatenate %broadcast_in_dim3A_780, %div3A_786, %broadcast_in_dim3A_936, %div3A_942 in 1 : vector<1x32xf32>, vector<1x32xf32>, vector<1x32xf32>, vector<1x32xf32> -> vector<1x128xf32>
    %get3A_944 = arith.constant 0 : index
    %get3A_945 = arith.constant 0 : index
    %get3A_946 = vector.load %arg10[%get3A_944, %get3A_945] : memref<128x32xf32, #tpu.memory_space<vmem>>, vector<128x32xf32>
    %dot_general3A_947 = arith.constant dense<0.000000e+00> : vector<1x32xf32>
    %dot_general3A_948 = tpu.matmul %concatenate3A_943, %get3A_946, %dot_general3A_947 {dimension_numbers = #tpu.dot_dimension_numbers<[1], [0], [0], [1], [0, 0, 1, 1], [], []>, precision = #tpu.contract_precision<fp32>, transpose_lhs_hint = false} : vector<1x128xf32>, vector<128x32xf32>, vector<1x32xf32> -> vector<1x32xf32>
    %get3A_949 = arith.constant 0 : index
    %get3A_950 = arith.constant 0 : index
    %get3A_951 = vector.load %arg11[%get3A_949, %get3A_950] : memref<1x32xf32, #tpu.memory_space<vmem>>, vector<1x32xf32>
    %add3A_952 = arith.addf %dot_general3A_948, %get3A_951 : vector<1x32xf32>
    %max3A_953 = arith.constant 0.000000e+00 : f32
    %max3A_954 = vector.broadcast %max3A_953 : f32 to vector<1x32xf32>
    %max3A_955 = arith.maximumf %add3A_952, %max3A_954 : vector<1x32xf32>
    %mul3A_956 = vector.broadcast %div3A_20 : f32 to vector<1x32xf32>
    %mul3A_957 = arith.mulf %max3A_955, %mul3A_956 : vector<1x32xf32>
    %get3A_958 = arith.constant 0 : index
    %get3A_959 = arith.constant 0 : index
    %get3A_960 = vector.load %arg12[%get3A_958, %get3A_959] : memref<1x32xf32, #tpu.memory_space<vmem>>, vector<1x32xf32>
    %mul3A_961 = arith.mulf %mul3A_957, %get3A_960 : vector<1x32xf32>
    %get3A_962 = arith.constant 0 : index
    %get3A_963 = arith.constant 0 : index
    %get3A_964 = vector.load %arg13[%get3A_962, %get3A_963] : memref<1x32xf32, #tpu.memory_space<vmem>>, vector<1x32xf32>
    %add3A_965 = arith.addf %mul3A_961, %get3A_964 : vector<1x32xf32>
    %get3A_966 = arith.constant 0 : index
    %get3A_967 = arith.constant 0 : index
    %get3A_968 = vector.load %arg14[%get3A_966, %get3A_967] : memref<32x512xf32, #tpu.memory_space<vmem>>, vector<32x512xf32>
    %dot_general3A_969 = arith.constant dense<0.000000e+00> : vector<1x512xf32>
    %dot_general3A_970 = tpu.matmul %add3A_965, %get3A_968, %dot_general3A_969 {dimension_numbers = #tpu.dot_dimension_numbers<[1], [0], [0], [1], [0, 0, 1, 1], [], []>, precision = #tpu.contract_precision<fp32>, transpose_lhs_hint = false} : vector<1x32xf32>, vector<32x512xf32>, vector<1x512xf32> -> vector<1x512xf32>
    %get3A_971 = arith.constant 0 : index
    %get3A_972 = arith.constant 0 : index
    %get3A_973 = vector.load %arg15[%get3A_971, %get3A_972] : memref<1x512xf32, #tpu.memory_space<vmem>>, vector<1x512xf32>
    %add3A_974 = arith.addf %dot_general3A_970, %get3A_973 : vector<1x512xf32>
    %max3A_975 = arith.constant 0.000000e+00 : f32
    %max3A_976 = vector.broadcast %max3A_975 : f32 to vector<1x512xf32>
    %max3A_977 = arith.maximumf %add3A_974, %max3A_976 : vector<1x512xf32>
    %mul3A_978 = vector.broadcast %div3A_20 : f32 to vector<1x512xf32>
    %mul3A_979 = arith.mulf %max3A_977, %mul3A_978 : vector<1x512xf32>
    %get3A_980 = arith.constant 0 : index
    %get3A_981 = arith.constant 0 : index
    %get3A_982 = vector.load %arg16[%get3A_980, %get3A_981] : memref<1x512xf32, #tpu.memory_space<vmem>>, vector<1x512xf32>
    %mul3A_983 = arith.mulf %mul3A_979, %get3A_982 : vector<1x512xf32>
    %get3A_984 = arith.constant 0 : index
    %get3A_985 = arith.constant 0 : index
    %get3A_986 = vector.load %arg17[%get3A_984, %get3A_985] : memref<1x512xf32, #tpu.memory_space<vmem>>, vector<1x512xf32>
    %add3A_987 = arith.addf %mul3A_983, %get3A_986 : vector<1x512xf32>
    %get3A_988 = arith.constant 0 : index
    %get3A_989 = arith.constant 0 : index
    %get3A_990 = vector.load %arg18[%get3A_988, %get3A_989] : memref<512x2xf32, #tpu.memory_space<vmem>>, vector<512x2xf32>
    %dot_general3A_991 = arith.constant dense<0.000000e+00> : vector<1x2xf32>
    %dot_general3A_992 = tpu.matmul %add3A_987, %get3A_990, %dot_general3A_991 {dimension_numbers = #tpu.dot_dimension_numbers<[1], [0], [0], [1], [0, 0, 1, 1], [], []>, precision = #tpu.contract_precision<fp32>, transpose_lhs_hint = false} : vector<1x512xf32>, vector<512x2xf32>, vector<1x2xf32> -> vector<1x2xf32>
    %get3A_993 = arith.constant 0 : index
    %get3A_994 = arith.constant 0 : index
    %get3A_995 = vector.load %arg19[%get3A_993, %get3A_994] : memref<1x2xf32, #tpu.memory_space<vmem>>, vector<1x2xf32>
    %add3A_996 = arith.addf %dot_general3A_992, %get3A_995 : vector<1x2xf32>
    %reduce_max3A_997 = arith.constant dense<0xFF800000> : vector<1xf32>
    %reduce_max3A_998 = vector.multi_reduction <maximumf>, %add3A_996, %reduce_max3A_997 [1] : vector<1x2xf32> to vector<1xf32>
    %broadcast_in_dim3A_999 = vector.shape_cast %reduce_max3A_998 : vector<1xf32> to vector<1x1xf32>
    %sub3A_1000 = vector.broadcast %broadcast_in_dim3A_999 : vector<1x1xf32> to vector<1x2xf32>
    %sub3A_1001 = arith.subf %add3A_996, %sub3A_1000 : vector<1x2xf32>
    %exp3A_1002 = math.exp %sub3A_1001 : vector<1x2xf32>
    %reduce_sum3A_1003 = arith.constant dense<0.000000e+00> : vector<1xf32>
    %reduce_sum3A_1004 = vector.multi_reduction <add>, %exp3A_1002, %reduce_sum3A_1003 [1] : vector<1x2xf32> to vector<1xf32>
    %broadcast_in_dim3A_1005 = vector.shape_cast %reduce_sum3A_1004 : vector<1xf32> to vector<1x1xf32>
    %log3A_1006 = math.log %broadcast_in_dim3A_1005 : vector<1x1xf32>
    %add3A_1007 = arith.addf %broadcast_in_dim3A_999, %log3A_1006 : vector<1x1xf32>
    %sub3A_1008 = vector.broadcast %add3A_1007 : vector<1x1xf32> to vector<1x2xf32>
    %sub3A_1009 = arith.subf %add3A_996, %sub3A_1008 : vector<1x2xf32>
    %swap3A_1010 = arith.constant 2 : index
    %swap3A_1011 = arith.constant 0 : index
    %swap3A_1012 = arith.constant 0 : index
    %swap3A_1013 = vector.load %arg20[%swap3A_1010, %swap3A_1011, %swap3A_1012] : memref<5x1x2xf32, #tpu.memory_space<vmem>>, vector<1x1x2xf32>
    %swap3A_1014 = vector.shape_cast %swap3A_1013 : vector<1x1x2xf32> to vector<1x2xf32>
    %swap3A_1015 = vector.shape_cast %sub3A_1009 : vector<1x2xf32> to vector<1x1x2xf32>
    tpu.vector_store %arg20[%swap3A_1010, %swap3A_1011, %swap3A_1012], %swap3A_1015 {strides = array<i32>} : memref<5x1x2xf32, #tpu.memory_space<vmem>>, vector<1x1x2xf32>,
    %get3A_1016 = arith.constant 3 : index
    %get3A_1017 = arith.constant 0 : index
    %get3A_1018 = arith.constant 0 : index
    %get3A_1019 = vector.load %arg1[%get3A_1016, %get3A_1017, %get3A_1018] : memref<5x200x200xf32, #tpu.memory_space<vmem>>, vector<1x200x200xf32>
    %get3A_1020 = vector.shape_cast %get3A_1019 : vector<1x200x200xf32> to vector<200x200xf32>
    %get3A_1021 = arith.constant 600 : index
    %get3A_1022 = arith.constant 0 : index
    %get3A_1023 = vector.load %arg2[%get3A_1021, %get3A_1022] : memref<1000x32xf32, #tpu.memory_space<vmem>>, vector<200x32xf32>
    %dot_general3A_1024 = arith.constant dense<0.000000e+00> : vector<200x32xf32>
    %dot_general3A_1025 = tpu.matmul %get3A_1020, %get3A_1023, %dot_general3A_1024 {dimension_numbers = #tpu.dot_dimension_numbers<[1], [0], [0], [1], [0, 0, 1, 1], [], []>, precision = #tpu.contract_precision<fp32>, transpose_lhs_hint = false} : vector<200x200xf32>, vector<200x32xf32>, vector<200x32xf32> -> vector<200x32xf32>
    %get3A_1026 = arith.constant 3 : index
    %get3A_1027 = arith.constant 0 : index
    %get3A_1028 = arith.constant 0 : index
    %get3A_1029 = vector.load %arg3[%get3A_1026, %get3A_1027, %get3A_1028] : memref<5x200x1xf32, #tpu.memory_space<vmem>>, vector<1x200x1xf32>
    %get3A_1030 = vector.shape_cast %get3A_1029 : vector<1x200x1xf32> to vector<200x1xf32>
    %gt3A_1031 = arith.constant 0.000000e+00 : f32
    %gt3A_1032 = vector.broadcast %gt3A_1031 : f32 to vector<200x1xf32>
    %gt3A_1033 = arith.cmpf ogt, %get3A_1030, %gt3A_1032 : vector<200x1xf32>
    %max3A_1034 = arith.constant 1.000000e+00 : f32
    %max3A_1035 = vector.broadcast %max3A_1034 : f32 to vector<200x1xf32>
    %max3A_1036 = arith.maximumf %get3A_1030, %max3A_1035 : vector<200x1xf32>
    %div3A_1037 = vector.broadcast %max3A_1036 : vector<200x1xf32> to vector<200x32xf32>
    %div3A_1038 = arith.divf %dot_general3A_1025, %div3A_1037 : vector<200x32xf32>
    %jit3A_1039 = arith.constant 0.000000e+00 : f32
    %broadcast_in_dim3A_1040 = vector.shape_cast %gt3A_1033 : vector<200x1xi1> to vector<200x1xi1>
    %broadcast_in_dim3A_1041 = vector.broadcast %broadcast_in_dim3A_1040 : vector<200x1xi1> to vector<200x32xi1>
    %broadcast_in_dim3A_1042 = vector.broadcast %jit3A_1039 : f32 to vector<200x32xf32>
    %select_n3A_1043 = arith.select %broadcast_in_dim3A_1041, %div3A_1038, %broadcast_in_dim3A_1042 : vector<200x32xi1>, vector<200x32xf32>
    %get3A_1044 = arith.constant 0 : index
    %get3A_1045 = arith.constant 0 : index
    %get3A_1046 = vector.load %arg6[%get3A_1044, %get3A_1045] : memref<1x32xf32, #tpu.memory_space<vmem>>, vector<1x32xf32>
    %add3A_1047 = vector.broadcast %get3A_1046 : vector<1x32xf32> to vector<200x32xf32>
    %add3A_1048 = arith.addf %select_n3A_1043, %add3A_1047 : vector<200x32xf32>
    %dot_general3A_1049 = arith.constant dense<0.000000e+00> : vector<1x200xf32>
    %dot_general3A_1050 = tpu.matmul %get3A_1, %add3A_1048, %dot_general3A_1049 {dimension_numbers = #tpu.dot_dimension_numbers<[1], [1], [0], [0], [0, 0, 1, 0], [], []>, precision = #tpu.contract_precision<fp32>, transpose_lhs_hint = false} : vector<1x32xf32>, vector<200x32xf32>, vector<1x200xf32> -> vector<1x200xf32>
    %div3A_1051 = vector.broadcast %sqrt3A : f32 to vector<1x200xf32>
    %div3A_1052 = arith.divf %dot_general3A_1050, %div3A_1051 : vector<1x200xf32>
    %broadcast_in_dim3A_1053 = arith.constant 1.000000e+00 : f32
    %broadcast_in_dim3A_1054 = vector.broadcast %broadcast_in_dim3A_1053 : f32 to vector<1x200xf32>
    %dot_general3A_1055 = arith.constant dense<0.000000e+00> : vector<200x200xf32>
    %dot_general3A_1056 = tpu.matmul %div3A_1052, %broadcast_in_dim3A_1054, %dot_general3A_1055 {dimension_numbers = #tpu.dot_dimension_numbers<[0], [0], [1], [1], [0, 1, 1, 1], [], []>, precision = #tpu.contract_precision<fp32>, transpose_lhs_hint = false} : vector<1x200xf32>, vector<1x200xf32>, vector<200x200xf32> -> vector<200x200xf32>
    %dot_general3A_1057 = arith.constant dense<0.000000e+00> : vector<200x200xf32>
    %dot_general3A_1058 = tpu.matmul %broadcast_in_dim3A_1054, %div3A_1052, %dot_general3A_1057 {dimension_numbers = #tpu.dot_dimension_numbers<[0], [0], [1], [1], [0, 1, 1, 1], [], []>, precision = #tpu.contract_precision<fp32>, transpose_lhs_hint = false} : vector<1x200xf32>, vector<1x200xf32>, vector<200x200xf32> -> vector<200x200xf32>
    %logistic3A_1059 = arith.negf %dot_general3A_1056 : vector<200x200xf32>
    %logistic3A_1060 = math.exp %logistic3A_1059 : vector<200x200xf32>
    %logistic3A_1061 = arith.constant 1.000000e+00 : f32
    %logistic3A_1062 = vector.broadcast %logistic3A_1061 : f32 to vector<200x200xf32>
    %logistic3A_1063 = arith.addf %logistic3A_1062, %logistic3A_1060 : vector<200x200xf32>
    %logistic3A_1064 = arith.divf %logistic3A_1062, %logistic3A_1063 : vector<200x200xf32>
    %logistic3A_1065 = arith.negf %dot_general3A_1058 : vector<200x200xf32>
    %logistic3A_1066 = math.exp %logistic3A_1065 : vector<200x200xf32>
    %logistic3A_1067 = arith.constant 1.000000e+00 : f32
    %logistic3A_1068 = vector.broadcast %logistic3A_1067 : f32 to vector<200x200xf32>
    %logistic3A_1069 = arith.addf %logistic3A_1068, %logistic3A_1066 : vector<200x200xf32>
    %logistic3A_1070 = arith.divf %logistic3A_1068, %logistic3A_1069 : vector<200x200xf32>
    %iota3A_1071 = tpu.iota {dimensions = array<i32: 0>} : vector<200x200xi32>
    %iota3A_1072 = tpu.iota {dimensions = array<i32: 1>} : vector<200x200xi32>
    %gt3A_1073 = arith.cmpf ogt, %logistic3A_1070, %logistic3A_1064 : vector<200x200xf32>
    %eq3A_1074 = arith.cmpf oeq, %logistic3A_1070, %logistic3A_1064 : vector<200x200xf32>
    %lt3A_1075 = arith.cmpi slt, %iota3A_1072, %iota3A_1071 : vector<200x200xi32>
    %and3A_1076 = arith.andi %eq3A_1074, %lt3A_1075 : vector<200x200xi1>
    %or3A_1077 = arith.ori %gt3A_1073, %and3A_1076 : vector<200x200xi1>
    %convert_element_type3A_1078 = arith.extui %or3A_1077 : vector<200x200xi1> to vector<200x200xi32>
    %convert_element_type3A_1079 = arith.sitofp %convert_element_type3A_1078 : vector<200x200xi32> to vector<200x200xf32>
    %reduce_sum3A_1080 = arith.constant dense<0.000000e+00> : vector<200xf32>
    %reduce_sum3A_1081 = vector.multi_reduction <add>, %convert_element_type3A_1079, %reduce_sum3A_1080 [1] : vector<200x200xf32> to vector<200xf32>
    %broadcast_in_dim3A_1082 = vector.shape_cast %reduce_sum3A_1081 : vector<200xf32> to vector<200x1xf32>
    %broadcast_in_dim3A_1083 = arith.constant 1.000000e+00 : f32
    %broadcast_in_dim3A_1084 = vector.broadcast %broadcast_in_dim3A_1083 : f32 to vector<100x1xf32>
    %dot_general3A_1085 = arith.constant dense<0.000000e+00> : vector<100x200xf32>
    %dot_general3A_1086 = tpu.matmul %broadcast_in_dim3A_1084, %broadcast_in_dim3A_1082, %dot_general3A_1085 {dimension_numbers = #tpu.dot_dimension_numbers<[1], [1], [0], [0], [0, 0, 1, 0], [], []>, precision = #tpu.contract_precision<fp32>, transpose_lhs_hint = false} : vector<100x1xf32>, vector<200x1xf32>, vector<100x200xf32> -> vector<100x200xf32>
    %iota3A_1087 = tpu.iota {dimensions = array<i32: 0>} : vector<100x200xi32>
    %convert_element_type3A_1088 = arith.sitofp %iota3A_1087 : vector<100x200xi32> to vector<100x200xf32>
    %eq3A_1089 = arith.cmpf oeq, %dot_general3A_1086, %convert_element_type3A_1088 : vector<100x200xf32>
    %convert_element_type3A_1090 = arith.extui %eq3A_1089 : vector<100x200xi1> to vector<100x200xi32>
    %convert_element_type3A_1091 = arith.sitofp %convert_element_type3A_1090 : vector<100x200xi32> to vector<100x200xf32>
    %slice3A_1092 = vector.extract_strided_slice %logistic3A_1064 {offsets = [0, 0], sizes = [200, 1], strides = [1, 1]} : vector<200x200xf32> to vector<200x1xf32>
    %mul3A_1093 = vector.broadcast %slice3A_1092 : vector<200x1xf32> to vector<200x32xf32>
    %mul3A_1094 = arith.mulf %add3A_1048, %mul3A_1093 : vector<200x32xf32>
    %dot_general3A_1095 = arith.constant dense<0.000000e+00> : vector<100x32xf32>
    %dot_general3A_1096 = tpu.matmul %convert_element_type3A_1091, %mul3A_1094, %dot_general3A_1095 {dimension_numbers = #tpu.dot_dimension_numbers<[1], [0], [0], [1], [0, 0, 1, 1], [], []>, precision = #tpu.contract_precision<fp32>, transpose_lhs_hint = false} : vector<100x200xf32>, vector<200x32xf32>, vector<100x32xf32> -> vector<100x32xf32>
    %get3A_1097 = arith.constant 600 : index
    %get3A_1098 = arith.constant 0 : index
    %get3A_1099 = vector.load %arg4[%get3A_1097, %get3A_1098] : memref<1000x8xf32, #tpu.memory_space<vmem>>, vector<200x8xf32>
    %dot_general3A_1100 = arith.constant dense<0.000000e+00> : vector<100x8xf32>
    %dot_general3A_1101 = tpu.matmul %convert_element_type3A_1091, %get3A_1099, %dot_general3A_1100 {dimension_numbers = #tpu.dot_dimension_numbers<[1], [0], [0], [1], [0, 0, 1, 1], [], []>, precision = #tpu.contract_precision<fp32>, transpose_lhs_hint = false} : vector<100x200xf32>, vector<200x8xf32>, vector<100x8xf32> -> vector<100x8xf32>
    %dot_general3A_1102 = arith.constant dense<0.000000e+00> : vector<100x1xf32>
    %dot_general3A_1103 = tpu.matmul %convert_element_type3A_1091, %slice3A_1092, %dot_general3A_1102 {dimension_numbers = #tpu.dot_dimension_numbers<[1], [0], [0], [1], [0, 0, 1, 1], [], []>, precision = #tpu.contract_precision<fp32>, transpose_lhs_hint = false} : vector<100x200xf32>, vector<200x1xf32>, vector<100x1xf32> -> vector<100x1xf32>
    %logistic3A_1104 = arith.negf %dot_general3A_1103 : vector<100x1xf32>
    %logistic3A_1105 = math.exp %logistic3A_1104 : vector<100x1xf32>
    %logistic3A_1106 = arith.constant 1.000000e+00 : f32
    %logistic3A_1107 = vector.broadcast %logistic3A_1106 : f32 to vector<100x1xf32>
    %logistic3A_1108 = arith.addf %logistic3A_1107, %logistic3A_1105 : vector<100x1xf32>
    %logistic3A_1109 = arith.divf %logistic3A_1107, %logistic3A_1108 : vector<100x1xf32>
    %swap3A_1110 = arith.constant 3 : index
    %swap3A_1111 = arith.constant 0 : index
    %swap3A_1112 = arith.constant 0 : index
    %swap3A_1113 = vector.load %arg21[%swap3A_1110, %swap3A_1111, %swap3A_1112] : memref<5x100x1xf32, #tpu.memory_space<vmem>>, vector<1x100x1xf32>
    %swap3A_1114 = vector.shape_cast %swap3A_1113 : vector<1x100x1xf32> to vector<100x1xf32>
    %swap3A_1115 = vector.shape_cast %logistic3A_1109 : vector<100x1xf32> to vector<1x100x1xf32>
    tpu.vector_store %arg21[%swap3A_1110, %swap3A_1111, %swap3A_1112], %swap3A_1115 {strides = array<i32>} : memref<5x100x1xf32, #tpu.memory_space<vmem>>, vector<1x100x1xf32>,
    %reduce_max3A_1116 = arith.constant dense<0xFF800000> : vector<32xf32>
    %reduce_max3A_1117 = vector.multi_reduction <maximumf>, %dot_general3A_1096, %reduce_max3A_1116 [0] : vector<100x32xf32> to vector<32xf32>
    %broadcast_in_dim3A_1118 = vector.shape_cast %reduce_max3A_1117 : vector<32xf32> to vector<1x32xf32>
    %reduce_sum3A_1119 = arith.constant dense<0.000000e+00> : vector<32xf32>
    %reduce_sum3A_1120 = vector.multi_reduction <add>, %dot_general3A_1096, %reduce_sum3A_1119 [0] : vector<100x32xf32> to vector<32xf32>
    %broadcast_in_dim3A_1121 = vector.shape_cast %reduce_sum3A_1120 : vector<32xf32> to vector<1x32xf32>
    %div3A_1122 = arith.constant 1.000000e+02 : f32
    %div3A_1123 = vector.broadcast %div3A_1122 : f32 to vector<1x32xf32>
    %div3A_1124 = arith.divf %broadcast_in_dim3A_1121, %div3A_1123 : vector<1x32xf32>
    %dot_general3A_1125 = arith.constant dense<0.000000e+00> : vector<100x200xf32>
    %dot_general3A_1126 = tpu.matmul %convert_element_type3A_1091, %get3A_1020, %dot_general3A_1125 {dimension_numbers = #tpu.dot_dimension_numbers<[1], [0], [0], [1], [0, 0, 1, 1], [], []>, precision = #tpu.contract_precision<fp32>, transpose_lhs_hint = false} : vector<100x200xf32>, vector<200x200xf32>, vector<100x200xf32> -> vector<100x200xf32>
    %dot_general3A_1127 = arith.constant dense<0.000000e+00> : vector<100x100xf32>
    %dot_general3A_1128 = tpu.matmul %dot_general3A_1126, %convert_element_type3A_1091, %dot_general3A_1127 {dimension_numbers = #tpu.dot_dimension_numbers<[1], [1], [0], [0], [0, 0, 1, 0], [], []>, precision = #tpu.contract_precision<fp32>, transpose_lhs_hint = false} : vector<100x200xf32>, vector<100x200xf32>, vector<100x100xf32> -> vector<100x100xf32>
    %add3A_1129 = arith.addf %dot_general3A_1128, %convert_element_type3A_17 : vector<100x100xf32>
    %dot_general3A_1130 = arith.constant dense<0.000000e+00> : vector<100x100xf32>
    %dot_general3A_1131 = tpu.matmul %add3A_1129, %add3A_1129, %dot_general3A_1130 {dimension_numbers = #tpu.dot_dimension_numbers<[1], [0], [0], [1], [0, 0, 1, 1], [], []>, precision = #tpu.contract_precision<fp32>, transpose_lhs_hint = false} : vector<100x100xf32>, vector<100x100xf32>, vector<100x100xf32> -> vector<100x100xf32>
    %sub3A_1132 = arith.constant 1.000000e+00 : f32
    %sub3A_1133 = vector.broadcast %sub3A_1132 : f32 to vector<100x100xf32>
    %sub3A_1134 = arith.subf %sub3A_1133, %convert_element_type3A_17 : vector<100x100xf32>
    %mul3A_1135 = arith.mulf %dot_general3A_1131, %sub3A_1134 : vector<100x100xf32>
    %ne3A_1136 = arith.constant 0.000000e+00 : f32
    %ne3A_1137 = vector.broadcast %ne3A_1136 : f32 to vector<100x100xf32>
    %ne3A_1138 = arith.cmpf one, %mul3A_1135, %ne3A_1137 : vector<100x100xf32>
    %convert_element_type3A_1139 = arith.extui %ne3A_1138 : vector<100x100xi1> to vector<100x100xi32>
    %convert_element_type3A_1140 = arith.sitofp %convert_element_type3A_1139 : vector<100x100xi32> to vector<100x100xf32>
    %reduce_sum3A_1141 = arith.constant dense<0.000000e+00> : vector<100xf32>
    %reduce_sum3A_1142 = vector.multi_reduction <add>, %convert_element_type3A_1140, %reduce_sum3A_1141 [1] : vector<100x100xf32> to vector<100xf32>
    %broadcast_in_dim3A_1143 = vector.shape_cast %reduce_sum3A_1142 : vector<100xf32> to vector<100x1xf32>
    %get3A_1144 = arith.constant 0 : index
    %get3A_1145 = arith.constant 0 : index
    %get3A_1146 = vector.load %arg7[%get3A_1144, %get3A_1145] : memref<32x288xf32, #tpu.memory_space<vmem>>, vector<32x288xf32>
    %dot_general3A_1147 = arith.constant dense<0.000000e+00> : vector<100x288xf32>
    %dot_general3A_1148 = tpu.matmul %dot_general3A_1096, %get3A_1146, %dot_general3A_1147 {dimension_numbers = #tpu.dot_dimension_numbers<[1], [0], [0], [1], [0, 0, 1, 1], [], []>, precision = #tpu.contract_precision<fp32>, transpose_lhs_hint = false} : vector<100x32xf32>, vector<32x288xf32>, vector<100x288xf32> -> vector<100x288xf32>
    %slice3A_1149 = vector.extract_strided_slice %dot_general3A_1148 {offsets = [0, 256], sizes = [100, 32], strides = [1, 1]} : vector<100x288xf32> to vector<100x32xf32>
    %slice3A_1150 = vector.extract_strided_slice %dot_general3A_1101 {offsets = [0, 0], sizes = [100, 1], strides = [1, 1]} : vector<100x8xf32> to vector<100x1xf32>
    %slice3A_1151 = vector.extract_strided_slice %dot_general3A_1148 {offsets = [0, 0], sizes = [100, 32], strides = [1, 1]} : vector<100x288xf32> to vector<100x32xf32>
    %mul3A_1152 = vector.broadcast %slice3A_1150 : vector<100x1xf32> to vector<100x32xf32>
    %mul3A_1153 = arith.mulf %mul3A_1152, %slice3A_1151 : vector<100x32xf32>
    %add3A_1154 = arith.addf %slice3A_1149, %mul3A_1153 : vector<100x32xf32>
    %slice3A_1155 = vector.extract_strided_slice %dot_general3A_1101 {offsets = [0, 1], sizes = [100, 1], strides = [1, 1]} : vector<100x8xf32> to vector<100x1xf32>
    %slice3A_1156 = vector.extract_strided_slice %dot_general3A_1148 {offsets = [0, 32], sizes = [100, 32], strides = [1, 1]} : vector<100x288xf32> to vector<100x32xf32>
    %mul3A_1157 = vector.broadcast %slice3A_1155 : vector<100x1xf32> to vector<100x32xf32>
    %mul3A_1158 = arith.mulf %mul3A_1157, %slice3A_1156 : vector<100x32xf32>
    %add3A_1159 = arith.addf %add3A_1154, %mul3A_1158 : vector<100x32xf32>
    %slice3A_1160 = vector.extract_strided_slice %dot_general3A_1101 {offsets = [0, 2], sizes = [100, 1], strides = [1, 1]} : vector<100x8xf32> to vector<100x1xf32>
    %slice3A_1161 = vector.extract_strided_slice %dot_general3A_1148 {offsets = [0, 64], sizes = [100, 32], strides = [1, 1]} : vector<100x288xf32> to vector<100x32xf32>
    %mul3A_1162 = vector.broadcast %slice3A_1160 : vector<100x1xf32> to vector<100x32xf32>
    %mul3A_1163 = arith.mulf %mul3A_1162, %slice3A_1161 : vector<100x32xf32>
    %add3A_1164 = arith.addf %add3A_1159, %mul3A_1163 : vector<100x32xf32>
    %slice3A_1165 = vector.extract_strided_slice %dot_general3A_1101 {offsets = [0, 3], sizes = [100, 1], strides = [1, 1]} : vector<100x8xf32> to vector<100x1xf32>
    %slice3A_1166 = vector.extract_strided_slice %dot_general3A_1148 {offsets = [0, 96], sizes = [100, 32], strides = [1, 1]} : vector<100x288xf32> to vector<100x32xf32>
    %mul3A_1167 = vector.broadcast %slice3A_1165 : vector<100x1xf32> to vector<100x32xf32>
    %mul3A_1168 = arith.mulf %mul3A_1167, %slice3A_1166 : vector<100x32xf32>
    %add3A_1169 = arith.addf %add3A_1164, %mul3A_1168 : vector<100x32xf32>
    %slice3A_1170 = vector.extract_strided_slice %dot_general3A_1101 {offsets = [0, 4], sizes = [100, 1], strides = [1, 1]} : vector<100x8xf32> to vector<100x1xf32>
    %slice3A_1171 = vector.extract_strided_slice %dot_general3A_1148 {offsets = [0, 128], sizes = [100, 32], strides = [1, 1]} : vector<100x288xf32> to vector<100x32xf32>
    %mul3A_1172 = vector.broadcast %slice3A_1170 : vector<100x1xf32> to vector<100x32xf32>
    %mul3A_1173 = arith.mulf %mul3A_1172, %slice3A_1171 : vector<100x32xf32>
    %add3A_1174 = arith.addf %add3A_1169, %mul3A_1173 : vector<100x32xf32>
    %slice3A_1175 = vector.extract_strided_slice %dot_general3A_1101 {offsets = [0, 5], sizes = [100, 1], strides = [1, 1]} : vector<100x8xf32> to vector<100x1xf32>
    %slice3A_1176 = vector.extract_strided_slice %dot_general3A_1148 {offsets = [0, 160], sizes = [100, 32], strides = [1, 1]} : vector<100x288xf32> to vector<100x32xf32>
    %mul3A_1177 = vector.broadcast %slice3A_1175 : vector<100x1xf32> to vector<100x32xf32>
    %mul3A_1178 = arith.mulf %mul3A_1177, %slice3A_1176 : vector<100x32xf32>
    %add3A_1179 = arith.addf %add3A_1174, %mul3A_1178 : vector<100x32xf32>
    %slice3A_1180 = vector.extract_strided_slice %dot_general3A_1101 {offsets = [0, 6], sizes = [100, 1], strides = [1, 1]} : vector<100x8xf32> to vector<100x1xf32>
    %slice3A_1181 = vector.extract_strided_slice %dot_general3A_1148 {offsets = [0, 192], sizes = [100, 32], strides = [1, 1]} : vector<100x288xf32> to vector<100x32xf32>
    %mul3A_1182 = vector.broadcast %slice3A_1180 : vector<100x1xf32> to vector<100x32xf32>
    %mul3A_1183 = arith.mulf %mul3A_1182, %slice3A_1181 : vector<100x32xf32>
    %add3A_1184 = arith.addf %add3A_1179, %mul3A_1183 : vector<100x32xf32>
    %slice3A_1185 = vector.extract_strided_slice %dot_general3A_1101 {offsets = [0, 7], sizes = [100, 1], strides = [1, 1]} : vector<100x8xf32> to vector<100x1xf32>
    %slice3A_1186 = vector.extract_strided_slice %dot_general3A_1148 {offsets = [0, 224], sizes = [100, 32], strides = [1, 1]} : vector<100x288xf32> to vector<100x32xf32>
    %mul3A_1187 = vector.broadcast %slice3A_1185 : vector<100x1xf32> to vector<100x32xf32>
    %mul3A_1188 = arith.mulf %mul3A_1187, %slice3A_1186 : vector<100x32xf32>
    %add3A_1189 = arith.addf %add3A_1184, %mul3A_1188 : vector<100x32xf32>
    %dot_general3A_1190 = arith.constant dense<0.000000e+00> : vector<100x32xf32>
    %dot_general3A_1191 = tpu.matmul %mul3A_1135, %add3A_1189, %dot_general3A_1190 {dimension_numbers = #tpu.dot_dimension_numbers<[1], [0], [0], [1], [0, 0, 1, 1], [], []>, precision = #tpu.contract_precision<fp32>, transpose_lhs_hint = false} : vector<100x100xf32>, vector<100x32xf32>, vector<100x32xf32> -> vector<100x32xf32>
    %gt3A_1192 = arith.constant 0.000000e+00 : f32
    %gt3A_1193 = vector.broadcast %gt3A_1192 : f32 to vector<100x1xf32>
    %gt3A_1194 = arith.cmpf ogt, %broadcast_in_dim3A_1143, %gt3A_1193 : vector<100x1xf32>
    %max3A_1195 = arith.constant 1.000000e+00 : f32
    %max3A_1196 = vector.broadcast %max3A_1195 : f32 to vector<100x1xf32>
    %max3A_1197 = arith.maximumf %broadcast_in_dim3A_1143, %max3A_1196 : vector<100x1xf32>
    %div3A_1198 = vector.broadcast %max3A_1197 : vector<100x1xf32> to vector<100x32xf32>
    %div3A_1199 = arith.divf %dot_general3A_1191, %div3A_1198 : vector<100x32xf32>
    %jit3A_1200 = arith.constant 0.000000e+00 : f32
    %broadcast_in_dim3A_1201 = vector.shape_cast %gt3A_1194 : vector<100x1xi1> to vector<100x1xi1>
    %broadcast_in_dim3A_1202 = vector.broadcast %broadcast_in_dim3A_1201 : vector<100x1xi1> to vector<100x32xi1>
    %broadcast_in_dim3A_1203 = vector.broadcast %jit3A_1200 : f32 to vector<100x32xf32>
    %select_n3A_1204 = arith.select %broadcast_in_dim3A_1202, %div3A_1199, %broadcast_in_dim3A_1203 : vector<100x32xi1>, vector<100x32xf32>
    %get3A_1205 = arith.constant 0 : index
    %get3A_1206 = arith.constant 0 : index
    %get3A_1207 = vector.load %arg8[%get3A_1205, %get3A_1206] : memref<1x32xf32, #tpu.memory_space<vmem>>, vector<1x32xf32>
    %add3A_1208 = vector.broadcast %get3A_1207 : vector<1x32xf32> to vector<100x32xf32>
    %add3A_1209 = arith.addf %select_n3A_1204, %add3A_1208 : vector<100x32xf32>
    %dot_general3A_1210 = arith.constant dense<0.000000e+00> : vector<1x100xf32>
    %dot_general3A_1211 = tpu.matmul %get3A_8, %add3A_1209, %dot_general3A_1210 {dimension_numbers = #tpu.dot_dimension_numbers<[1], [1], [0], [0], [0, 0, 1, 0], [], []>, precision = #tpu.contract_precision<fp32>, transpose_lhs_hint = false} : vector<1x32xf32>, vector<100x32xf32>, vector<1x100xf32> -> vector<1x100xf32>
    %div3A_1212 = vector.broadcast %sqrt3A_15 : f32 to vector<1x100xf32>
    %div3A_1213 = arith.divf %dot_general3A_1211, %div3A_1212 : vector<1x100xf32>
    %broadcast_in_dim3A_1214 = arith.constant 1.000000e+00 : f32
    %broadcast_in_dim3A_1215 = vector.broadcast %broadcast_in_dim3A_1214 : f32 to vector<1x100xf32>
    %dot_general3A_1216 = arith.constant dense<0.000000e+00> : vector<100x100xf32>
    %dot_general3A_1217 = tpu.matmul %div3A_1213, %broadcast_in_dim3A_1215, %dot_general3A_1216 {dimension_numbers = #tpu.dot_dimension_numbers<[0], [0], [1], [1], [0, 1, 1, 1], [], []>, precision = #tpu.contract_precision<fp32>, transpose_lhs_hint = false} : vector<1x100xf32>, vector<1x100xf32>, vector<100x100xf32> -> vector<100x100xf32>
    %dot_general3A_1218 = arith.constant dense<0.000000e+00> : vector<100x100xf32>
    %dot_general3A_1219 = tpu.matmul %broadcast_in_dim3A_1215, %div3A_1213, %dot_general3A_1218 {dimension_numbers = #tpu.dot_dimension_numbers<[0], [0], [1], [1], [0, 1, 1, 1], [], []>, precision = #tpu.contract_precision<fp32>, transpose_lhs_hint = false} : vector<1x100xf32>, vector<1x100xf32>, vector<100x100xf32> -> vector<100x100xf32>
    %logistic3A_1220 = arith.negf %dot_general3A_1217 : vector<100x100xf32>
    %logistic3A_1221 = math.exp %logistic3A_1220 : vector<100x100xf32>
    %logistic3A_1222 = arith.constant 1.000000e+00 : f32
    %logistic3A_1223 = vector.broadcast %logistic3A_1222 : f32 to vector<100x100xf32>
    %logistic3A_1224 = arith.addf %logistic3A_1223, %logistic3A_1221 : vector<100x100xf32>
    %logistic3A_1225 = arith.divf %logistic3A_1223, %logistic3A_1224 : vector<100x100xf32>
    %logistic3A_1226 = arith.negf %dot_general3A_1219 : vector<100x100xf32>
    %logistic3A_1227 = math.exp %logistic3A_1226 : vector<100x100xf32>
    %logistic3A_1228 = arith.constant 1.000000e+00 : f32
    %logistic3A_1229 = vector.broadcast %logistic3A_1228 : f32 to vector<100x100xf32>
    %logistic3A_1230 = arith.addf %logistic3A_1229, %logistic3A_1227 : vector<100x100xf32>
    %logistic3A_1231 = arith.divf %logistic3A_1229, %logistic3A_1230 : vector<100x100xf32>
    %iota3A_1232 = tpu.iota {dimensions = array<i32: 0>} : vector<100x100xi32>
    %iota3A_1233 = tpu.iota {dimensions = array<i32: 1>} : vector<100x100xi32>
    %gt3A_1234 = arith.cmpf ogt, %logistic3A_1231, %logistic3A_1225 : vector<100x100xf32>
    %eq3A_1235 = arith.cmpf oeq, %logistic3A_1231, %logistic3A_1225 : vector<100x100xf32>
    %lt3A_1236 = arith.cmpi slt, %iota3A_1233, %iota3A_1232 : vector<100x100xi32>
    %and3A_1237 = arith.andi %eq3A_1235, %lt3A_1236 : vector<100x100xi1>
    %or3A_1238 = arith.ori %gt3A_1234, %and3A_1237 : vector<100x100xi1>
    %convert_element_type3A_1239 = arith.extui %or3A_1238 : vector<100x100xi1> to vector<100x100xi32>
    %convert_element_type3A_1240 = arith.sitofp %convert_element_type3A_1239 : vector<100x100xi32> to vector<100x100xf32>
    %reduce_sum3A_1241 = arith.constant dense<0.000000e+00> : vector<100xf32>
    %reduce_sum3A_1242 = vector.multi_reduction <add>, %convert_element_type3A_1240, %reduce_sum3A_1241 [1] : vector<100x100xf32> to vector<100xf32>
    %broadcast_in_dim3A_1243 = vector.shape_cast %reduce_sum3A_1242 : vector<100xf32> to vector<100x1xf32>
    %broadcast_in_dim3A_1244 = arith.constant 1.000000e+00 : f32
    %broadcast_in_dim3A_1245 = vector.broadcast %broadcast_in_dim3A_1244 : f32 to vector<50x1xf32>
    %dot_general3A_1246 = arith.constant dense<0.000000e+00> : vector<50x100xf32>
    %dot_general3A_1247 = tpu.matmul %broadcast_in_dim3A_1245, %broadcast_in_dim3A_1243, %dot_general3A_1246 {dimension_numbers = #tpu.dot_dimension_numbers<[1], [1], [0], [0], [0, 0, 1, 0], [], []>, precision = #tpu.contract_precision<fp32>, transpose_lhs_hint = false} : vector<50x1xf32>, vector<100x1xf32>, vector<50x100xf32> -> vector<50x100xf32>
    %iota3A_1248 = tpu.iota {dimensions = array<i32: 0>} : vector<50x100xi32>
    %convert_element_type3A_1249 = arith.sitofp %iota3A_1248 : vector<50x100xi32> to vector<50x100xf32>
    %eq3A_1250 = arith.cmpf oeq, %dot_general3A_1247, %convert_element_type3A_1249 : vector<50x100xf32>
    %convert_element_type3A_1251 = arith.extui %eq3A_1250 : vector<50x100xi1> to vector<50x100xi32>
    %convert_element_type3A_1252 = arith.sitofp %convert_element_type3A_1251 : vector<50x100xi32> to vector<50x100xf32>
    %slice3A_1253 = vector.extract_strided_slice %logistic3A_1225 {offsets = [0, 0], sizes = [100, 1], strides = [1, 1]} : vector<100x100xf32> to vector<100x1xf32>
    %mul3A_1254 = vector.broadcast %slice3A_1253 : vector<100x1xf32> to vector<100x32xf32>
    %mul3A_1255 = arith.mulf %add3A_1209, %mul3A_1254 : vector<100x32xf32>
    %dot_general3A_1256 = arith.constant dense<0.000000e+00> : vector<50x32xf32>
    %dot_general3A_1257 = tpu.matmul %convert_element_type3A_1252, %mul3A_1255, %dot_general3A_1256 {dimension_numbers = #tpu.dot_dimension_numbers<[1], [0], [0], [1], [0, 0, 1, 1], [], []>, precision = #tpu.contract_precision<fp32>, transpose_lhs_hint = false} : vector<50x100xf32>, vector<100x32xf32>, vector<50x32xf32> -> vector<50x32xf32>
    %dot_general3A_1258 = arith.constant dense<0.000000e+00> : vector<50x1xf32>
    %dot_general3A_1259 = tpu.matmul %convert_element_type3A_1252, %slice3A_1253, %dot_general3A_1258 {dimension_numbers = #tpu.dot_dimension_numbers<[1], [0], [0], [1], [0, 0, 1, 1], [], []>, precision = #tpu.contract_precision<fp32>, transpose_lhs_hint = false} : vector<50x100xf32>, vector<100x1xf32>, vector<50x1xf32> -> vector<50x1xf32>
    %logistic3A_1260 = arith.negf %dot_general3A_1259 : vector<50x1xf32>
    %logistic3A_1261 = math.exp %logistic3A_1260 : vector<50x1xf32>
    %logistic3A_1262 = arith.constant 1.000000e+00 : f32
    %logistic3A_1263 = vector.broadcast %logistic3A_1262 : f32 to vector<50x1xf32>
    %logistic3A_1264 = arith.addf %logistic3A_1263, %logistic3A_1261 : vector<50x1xf32>
    %logistic3A_1265 = arith.divf %logistic3A_1263, %logistic3A_1264 : vector<50x1xf32>
    %swap3A_1266 = arith.constant 3 : index
    %swap3A_1267 = arith.constant 0 : index
    %swap3A_1268 = arith.constant 0 : index
    %swap3A_1269 = vector.load %arg22[%swap3A_1266, %swap3A_1267, %swap3A_1268] : memref<5x50x1xf32, #tpu.memory_space<vmem>>, vector<1x50x1xf32>
    %swap3A_1270 = vector.shape_cast %swap3A_1269 : vector<1x50x1xf32> to vector<50x1xf32>
    %swap3A_1271 = vector.shape_cast %logistic3A_1265 : vector<50x1xf32> to vector<1x50x1xf32>
    tpu.vector_store %arg22[%swap3A_1266, %swap3A_1267, %swap3A_1268], %swap3A_1271 {strides = array<i32>} : memref<5x50x1xf32, #tpu.memory_space<vmem>>, vector<1x50x1xf32>,
    %reduce_max3A_1272 = arith.constant dense<0xFF800000> : vector<32xf32>
    %reduce_max3A_1273 = vector.multi_reduction <maximumf>, %dot_general3A_1257, %reduce_max3A_1272 [0] : vector<50x32xf32> to vector<32xf32>
    %broadcast_in_dim3A_1274 = vector.shape_cast %reduce_max3A_1273 : vector<32xf32> to vector<1x32xf32>
    %reduce_sum3A_1275 = arith.constant dense<0.000000e+00> : vector<32xf32>
    %reduce_sum3A_1276 = vector.multi_reduction <add>, %dot_general3A_1257, %reduce_sum3A_1275 [0] : vector<50x32xf32> to vector<32xf32>
    %broadcast_in_dim3A_1277 = vector.shape_cast %reduce_sum3A_1276 : vector<32xf32> to vector<1x32xf32>
    %div3A_1278 = arith.constant 5.000000e+01 : f32
    %div3A_1279 = vector.broadcast %div3A_1278 : f32 to vector<1x32xf32>
    %div3A_1280 = arith.divf %broadcast_in_dim3A_1277, %div3A_1279 : vector<1x32xf32>
    %concatenate3A_1281 = tpu.concatenate %broadcast_in_dim3A_1118, %div3A_1124, %broadcast_in_dim3A_1274, %div3A_1280 in 1 : vector<1x32xf32>, vector<1x32xf32>, vector<1x32xf32>, vector<1x32xf32> -> vector<1x128xf32>
    %get3A_1282 = arith.constant 0 : index
    %get3A_1283 = arith.constant 0 : index
    %get3A_1284 = vector.load %arg10[%get3A_1282, %get3A_1283] : memref<128x32xf32, #tpu.memory_space<vmem>>, vector<128x32xf32>
    %dot_general3A_1285 = arith.constant dense<0.000000e+00> : vector<1x32xf32>
    %dot_general3A_1286 = tpu.matmul %concatenate3A_1281, %get3A_1284, %dot_general3A_1285 {dimension_numbers = #tpu.dot_dimension_numbers<[1], [0], [0], [1], [0, 0, 1, 1], [], []>, precision = #tpu.contract_precision<fp32>, transpose_lhs_hint = false} : vector<1x128xf32>, vector<128x32xf32>, vector<1x32xf32> -> vector<1x32xf32>
    %get3A_1287 = arith.constant 0 : index
    %get3A_1288 = arith.constant 0 : index
    %get3A_1289 = vector.load %arg11[%get3A_1287, %get3A_1288] : memref<1x32xf32, #tpu.memory_space<vmem>>, vector<1x32xf32>
    %add3A_1290 = arith.addf %dot_general3A_1286, %get3A_1289 : vector<1x32xf32>
    %max3A_1291 = arith.constant 0.000000e+00 : f32
    %max3A_1292 = vector.broadcast %max3A_1291 : f32 to vector<1x32xf32>
    %max3A_1293 = arith.maximumf %add3A_1290, %max3A_1292 : vector<1x32xf32>
    %mul3A_1294 = vector.broadcast %div3A_20 : f32 to vector<1x32xf32>
    %mul3A_1295 = arith.mulf %max3A_1293, %mul3A_1294 : vector<1x32xf32>
    %get3A_1296 = arith.constant 0 : index
    %get3A_1297 = arith.constant 0 : index
    %get3A_1298 = vector.load %arg12[%get3A_1296, %get3A_1297] : memref<1x32xf32, #tpu.memory_space<vmem>>, vector<1x32xf32>
    %mul3A_1299 = arith.mulf %mul3A_1295, %get3A_1298 : vector<1x32xf32>
    %get3A_1300 = arith.constant 0 : index
    %get3A_1301 = arith.constant 0 : index
    %get3A_1302 = vector.load %arg13[%get3A_1300, %get3A_1301] : memref<1x32xf32, #tpu.memory_space<vmem>>, vector<1x32xf32>
    %add3A_1303 = arith.addf %mul3A_1299, %get3A_1302 : vector<1x32xf32>
    %get3A_1304 = arith.constant 0 : index
    %get3A_1305 = arith.constant 0 : index
    %get3A_1306 = vector.load %arg14[%get3A_1304, %get3A_1305] : memref<32x512xf32, #tpu.memory_space<vmem>>, vector<32x512xf32>
    %dot_general3A_1307 = arith.constant dense<0.000000e+00> : vector<1x512xf32>
    %dot_general3A_1308 = tpu.matmul %add3A_1303, %get3A_1306, %dot_general3A_1307 {dimension_numbers = #tpu.dot_dimension_numbers<[1], [0], [0], [1], [0, 0, 1, 1], [], []>, precision = #tpu.contract_precision<fp32>, transpose_lhs_hint = false} : vector<1x32xf32>, vector<32x512xf32>, vector<1x512xf32> -> vector<1x512xf32>
    %get3A_1309 = arith.constant 0 : index
    %get3A_1310 = arith.constant 0 : index
    %get3A_1311 = vector.load %arg15[%get3A_1309, %get3A_1310] : memref<1x512xf32, #tpu.memory_space<vmem>>, vector<1x512xf32>
    %add3A_1312 = arith.addf %dot_general3A_1308, %get3A_1311 : vector<1x512xf32>
    %max3A_1313 = arith.constant 0.000000e+00 : f32
    %max3A_1314 = vector.broadcast %max3A_1313 : f32 to vector<1x512xf32>
    %max3A_1315 = arith.maximumf %add3A_1312, %max3A_1314 : vector<1x512xf32>
    %mul3A_1316 = vector.broadcast %div3A_20 : f32 to vector<1x512xf32>
    %mul3A_1317 = arith.mulf %max3A_1315, %mul3A_1316 : vector<1x512xf32>
    %get3A_1318 = arith.constant 0 : index
    %get3A_1319 = arith.constant 0 : index
    %get3A_1320 = vector.load %arg16[%get3A_1318, %get3A_1319] : memref<1x512xf32, #tpu.memory_space<vmem>>, vector<1x512xf32>
    %mul3A_1321 = arith.mulf %mul3A_1317, %get3A_1320 : vector<1x512xf32>
    %get3A_1322 = arith.constant 0 : index
    %get3A_1323 = arith.constant 0 : index
    %get3A_1324 = vector.load %arg17[%get3A_1322, %get3A_1323] : memref<1x512xf32, #tpu.memory_space<vmem>>, vector<1x512xf32>
    %add3A_1325 = arith.addf %mul3A_1321, %get3A_1324 : vector<1x512xf32>
    %get3A_1326 = arith.constant 0 : index
    %get3A_1327 = arith.constant 0 : index
    %get3A_1328 = vector.load %arg18[%get3A_1326, %get3A_1327] : memref<512x2xf32, #tpu.memory_space<vmem>>, vector<512x2xf32>
    %dot_general3A_1329 = arith.constant dense<0.000000e+00> : vector<1x2xf32>
    %dot_general3A_1330 = tpu.matmul %add3A_1325, %get3A_1328, %dot_general3A_1329 {dimension_numbers = #tpu.dot_dimension_numbers<[1], [0], [0], [1], [0, 0, 1, 1], [], []>, precision = #tpu.contract_precision<fp32>, transpose_lhs_hint = false} : vector<1x512xf32>, vector<512x2xf32>, vector<1x2xf32> -> vector<1x2xf32>
    %get3A_1331 = arith.constant 0 : index
    %get3A_1332 = arith.constant 0 : index
    %get3A_1333 = vector.load %arg19[%get3A_1331, %get3A_1332] : memref<1x2xf32, #tpu.memory_space<vmem>>, vector<1x2xf32>
    %add3A_1334 = arith.addf %dot_general3A_1330, %get3A_1333 : vector<1x2xf32>
    %reduce_max3A_1335 = arith.constant dense<0xFF800000> : vector<1xf32>
    %reduce_max3A_1336 = vector.multi_reduction <maximumf>, %add3A_1334, %reduce_max3A_1335 [1] : vector<1x2xf32> to vector<1xf32>
    %broadcast_in_dim3A_1337 = vector.shape_cast %reduce_max3A_1336 : vector<1xf32> to vector<1x1xf32>
    %sub3A_1338 = vector.broadcast %broadcast_in_dim3A_1337 : vector<1x1xf32> to vector<1x2xf32>
    %sub3A_1339 = arith.subf %add3A_1334, %sub3A_1338 : vector<1x2xf32>
    %exp3A_1340 = math.exp %sub3A_1339 : vector<1x2xf32>
    %reduce_sum3A_1341 = arith.constant dense<0.000000e+00> : vector<1xf32>
    %reduce_sum3A_1342 = vector.multi_reduction <add>, %exp3A_1340, %reduce_sum3A_1341 [1] : vector<1x2xf32> to vector<1xf32>
    %broadcast_in_dim3A_1343 = vector.shape_cast %reduce_sum3A_1342 : vector<1xf32> to vector<1x1xf32>
    %log3A_1344 = math.log %broadcast_in_dim3A_1343 : vector<1x1xf32>
    %add3A_1345 = arith.addf %broadcast_in_dim3A_1337, %log3A_1344 : vector<1x1xf32>
    %sub3A_1346 = vector.broadcast %add3A_1345 : vector<1x1xf32> to vector<1x2xf32>
    %sub3A_1347 = arith.subf %add3A_1334, %sub3A_1346 : vector<1x2xf32>
    %swap3A_1348 = arith.constant 3 : index
    %swap3A_1349 = arith.constant 0 : index
    %swap3A_1350 = arith.constant 0 : index
    %swap3A_1351 = vector.load %arg20[%swap3A_1348, %swap3A_1349, %swap3A_1350] : memref<5x1x2xf32, #tpu.memory_space<vmem>>, vector<1x1x2xf32>
    %swap3A_1352 = vector.shape_cast %swap3A_1351 : vector<1x1x2xf32> to vector<1x2xf32>
    %swap3A_1353 = vector.shape_cast %sub3A_1347 : vector<1x2xf32> to vector<1x1x2xf32>
    tpu.vector_store %arg20[%swap3A_1348, %swap3A_1349, %swap3A_1350], %swap3A_1353 {strides = array<i32>} : memref<5x1x2xf32, #tpu.memory_space<vmem>>, vector<1x1x2xf32>,
    %get3A_1354 = arith.constant 4 : index
    %get3A_1355 = arith.constant 0 : index
    %get3A_1356 = arith.constant 0 : index
    %get3A_1357 = vector.load %arg1[%get3A_1354, %get3A_1355, %get3A_1356] : memref<5x200x200xf32, #tpu.memory_space<vmem>>, vector<1x200x200xf32>
    %get3A_1358 = vector.shape_cast %get3A_1357 : vector<1x200x200xf32> to vector<200x200xf32>
    %get3A_1359 = arith.constant 800 : index
    %get3A_1360 = arith.constant 0 : index
    %get3A_1361 = vector.load %arg2[%get3A_1359, %get3A_1360] : memref<1000x32xf32, #tpu.memory_space<vmem>>, vector<200x32xf32>
    %dot_general3A_1362 = arith.constant dense<0.000000e+00> : vector<200x32xf32>
    %dot_general3A_1363 = tpu.matmul %get3A_1358, %get3A_1361, %dot_general3A_1362 {dimension_numbers = #tpu.dot_dimension_numbers<[1], [0], [0], [1], [0, 0, 1, 1], [], []>, precision = #tpu.contract_precision<fp32>, transpose_lhs_hint = false} : vector<200x200xf32>, vector<200x32xf32>, vector<200x32xf32> -> vector<200x32xf32>
    %get3A_1364 = arith.constant 4 : index
    %get3A_1365 = arith.constant 0 : index
    %get3A_1366 = arith.constant 0 : index
    %get3A_1367 = vector.load %arg3[%get3A_1364, %get3A_1365, %get3A_1366] : memref<5x200x1xf32, #tpu.memory_space<vmem>>, vector<1x200x1xf32>
    %get3A_1368 = vector.shape_cast %get3A_1367 : vector<1x200x1xf32> to vector<200x1xf32>
    %gt3A_1369 = arith.constant 0.000000e+00 : f32
    %gt3A_1370 = vector.broadcast %gt3A_1369 : f32 to vector<200x1xf32>
    %gt3A_1371 = arith.cmpf ogt, %get3A_1368, %gt3A_1370 : vector<200x1xf32>
    %max3A_1372 = arith.constant 1.000000e+00 : f32
    %max3A_1373 = vector.broadcast %max3A_1372 : f32 to vector<200x1xf32>
    %max3A_1374 = arith.maximumf %get3A_1368, %max3A_1373 : vector<200x1xf32>
    %div3A_1375 = vector.broadcast %max3A_1374 : vector<200x1xf32> to vector<200x32xf32>
    %div3A_1376 = arith.divf %dot_general3A_1363, %div3A_1375 : vector<200x32xf32>
    %jit3A_1377 = arith.constant 0.000000e+00 : f32
    %broadcast_in_dim3A_1378 = vector.shape_cast %gt3A_1371 : vector<200x1xi1> to vector<200x1xi1>
    %broadcast_in_dim3A_1379 = vector.broadcast %broadcast_in_dim3A_1378 : vector<200x1xi1> to vector<200x32xi1>
    %broadcast_in_dim3A_1380 = vector.broadcast %jit3A_1377 : f32 to vector<200x32xf32>
    %select_n3A_1381 = arith.select %broadcast_in_dim3A_1379, %div3A_1376, %broadcast_in_dim3A_1380 : vector<200x32xi1>, vector<200x32xf32>
    %get3A_1382 = arith.constant 0 : index
    %get3A_1383 = arith.constant 0 : index
    %get3A_1384 = vector.load %arg6[%get3A_1382, %get3A_1383] : memref<1x32xf32, #tpu.memory_space<vmem>>, vector<1x32xf32>
    %add3A_1385 = vector.broadcast %get3A_1384 : vector<1x32xf32> to vector<200x32xf32>
    %add3A_1386 = arith.addf %select_n3A_1381, %add3A_1385 : vector<200x32xf32>
    %dot_general3A_1387 = arith.constant dense<0.000000e+00> : vector<1x200xf32>
    %dot_general3A_1388 = tpu.matmul %get3A_1, %add3A_1386, %dot_general3A_1387 {dimension_numbers = #tpu.dot_dimension_numbers<[1], [1], [0], [0], [0, 0, 1, 0], [], []>, precision = #tpu.contract_precision<fp32>, transpose_lhs_hint = false} : vector<1x32xf32>, vector<200x32xf32>, vector<1x200xf32> -> vector<1x200xf32>
    %div3A_1389 = vector.broadcast %sqrt3A : f32 to vector<1x200xf32>
    %div3A_1390 = arith.divf %dot_general3A_1388, %div3A_1389 : vector<1x200xf32>
    %broadcast_in_dim3A_1391 = arith.constant 1.000000e+00 : f32
    %broadcast_in_dim3A_1392 = vector.broadcast %broadcast_in_dim3A_1391 : f32 to vector<1x200xf32>
    %dot_general3A_1393 = arith.constant dense<0.000000e+00> : vector<200x200xf32>
    %dot_general3A_1394 = tpu.matmul %div3A_1390, %broadcast_in_dim3A_1392, %dot_general3A_1393 {dimension_numbers = #tpu.dot_dimension_numbers<[0], [0], [1], [1], [0, 1, 1, 1], [], []>, precision = #tpu.contract_precision<fp32>, transpose_lhs_hint = false} : vector<1x200xf32>, vector<1x200xf32>, vector<200x200xf32> -> vector<200x200xf32>
    %dot_general3A_1395 = arith.constant dense<0.000000e+00> : vector<200x200xf32>
    %dot_general3A_1396 = tpu.matmul %broadcast_in_dim3A_1392, %div3A_1390, %dot_general3A_1395 {dimension_numbers = #tpu.dot_dimension_numbers<[0], [0], [1], [1], [0, 1, 1, 1], [], []>, precision = #tpu.contract_precision<fp32>, transpose_lhs_hint = false} : vector<1x200xf32>, vector<1x200xf32>, vector<200x200xf32> -> vector<200x200xf32>
    %logistic3A_1397 = arith.negf %dot_general3A_1394 : vector<200x200xf32>
    %logistic3A_1398 = math.exp %logistic3A_1397 : vector<200x200xf32>
    %logistic3A_1399 = arith.constant 1.000000e+00 : f32
    %logistic3A_1400 = vector.broadcast %logistic3A_1399 : f32 to vector<200x200xf32>
    %logistic3A_1401 = arith.addf %logistic3A_1400, %logistic3A_1398 : vector<200x200xf32>
    %logistic3A_1402 = arith.divf %logistic3A_1400, %logistic3A_1401 : vector<200x200xf32>
    %logistic3A_1403 = arith.negf %dot_general3A_1396 : vector<200x200xf32>
    %logistic3A_1404 = math.exp %logistic3A_1403 : vector<200x200xf32>
    %logistic3A_1405 = arith.constant 1.000000e+00 : f32
    %logistic3A_1406 = vector.broadcast %logistic3A_1405 : f32 to vector<200x200xf32>
    %logistic3A_1407 = arith.addf %logistic3A_1406, %logistic3A_1404 : vector<200x200xf32>
    %logistic3A_1408 = arith.divf %logistic3A_1406, %logistic3A_1407 : vector<200x200xf32>
    %iota3A_1409 = tpu.iota {dimensions = array<i32: 0>} : vector<200x200xi32>
    %iota3A_1410 = tpu.iota {dimensions = array<i32: 1>} : vector<200x200xi32>
    %gt3A_1411 = arith.cmpf ogt, %logistic3A_1408, %logistic3A_1402 : vector<200x200xf32>
    %eq3A_1412 = arith.cmpf oeq, %logistic3A_1408, %logistic3A_1402 : vector<200x200xf32>
    %lt3A_1413 = arith.cmpi slt, %iota3A_1410, %iota3A_1409 : vector<200x200xi32>
    %and3A_1414 = arith.andi %eq3A_1412, %lt3A_1413 : vector<200x200xi1>
    %or3A_1415 = arith.ori %gt3A_1411, %and3A_1414 : vector<200x200xi1>
    %convert_element_type3A_1416 = arith.extui %or3A_1415 : vector<200x200xi1> to vector<200x200xi32>
    %convert_element_type3A_1417 = arith.sitofp %convert_element_type3A_1416 : vector<200x200xi32> to vector<200x200xf32>
    %reduce_sum3A_1418 = arith.constant dense<0.000000e+00> : vector<200xf32>
    %reduce_sum3A_1419 = vector.multi_reduction <add>, %convert_element_type3A_1417, %reduce_sum3A_1418 [1] : vector<200x200xf32> to vector<200xf32>
    %broadcast_in_dim3A_1420 = vector.shape_cast %reduce_sum3A_1419 : vector<200xf32> to vector<200x1xf32>
    %broadcast_in_dim3A_1421 = arith.constant 1.000000e+00 : f32
    %broadcast_in_dim3A_1422 = vector.broadcast %broadcast_in_dim3A_1421 : f32 to vector<100x1xf32>
    %dot_general3A_1423 = arith.constant dense<0.000000e+00> : vector<100x200xf32>
    %dot_general3A_1424 = tpu.matmul %broadcast_in_dim3A_1422, %broadcast_in_dim3A_1420, %dot_general3A_1423 {dimension_numbers = #tpu.dot_dimension_numbers<[1], [1], [0], [0], [0, 0, 1, 0], [], []>, precision = #tpu.contract_precision<fp32>, transpose_lhs_hint = false} : vector<100x1xf32>, vector<200x1xf32>, vector<100x200xf32> -> vector<100x200xf32>
    %iota3A_1425 = tpu.iota {dimensions = array<i32: 0>} : vector<100x200xi32>
    %convert_element_type3A_1426 = arith.sitofp %iota3A_1425 : vector<100x200xi32> to vector<100x200xf32>
    %eq3A_1427 = arith.cmpf oeq, %dot_general3A_1424, %convert_element_type3A_1426 : vector<100x200xf32>
    %convert_element_type3A_1428 = arith.extui %eq3A_1427 : vector<100x200xi1> to vector<100x200xi32>
    %convert_element_type3A_1429 = arith.sitofp %convert_element_type3A_1428 : vector<100x200xi32> to vector<100x200xf32>
    %slice3A_1430 = vector.extract_strided_slice %logistic3A_1402 {offsets = [0, 0], sizes = [200, 1], strides = [1, 1]} : vector<200x200xf32> to vector<200x1xf32>
    %mul3A_1431 = vector.broadcast %slice3A_1430 : vector<200x1xf32> to vector<200x32xf32>
    %mul3A_1432 = arith.mulf %add3A_1386, %mul3A_1431 : vector<200x32xf32>
    %dot_general3A_1433 = arith.constant dense<0.000000e+00> : vector<100x32xf32>
    %dot_general3A_1434 = tpu.matmul %convert_element_type3A_1429, %mul3A_1432, %dot_general3A_1433 {dimension_numbers = #tpu.dot_dimension_numbers<[1], [0], [0], [1], [0, 0, 1, 1], [], []>, precision = #tpu.contract_precision<fp32>, transpose_lhs_hint = false} : vector<100x200xf32>, vector<200x32xf32>, vector<100x32xf32> -> vector<100x32xf32>
    %get3A_1435 = arith.constant 800 : index
    %get3A_1436 = arith.constant 0 : index
    %get3A_1437 = vector.load %arg4[%get3A_1435, %get3A_1436] : memref<1000x8xf32, #tpu.memory_space<vmem>>, vector<200x8xf32>
    %dot_general3A_1438 = arith.constant dense<0.000000e+00> : vector<100x8xf32>
    %dot_general3A_1439 = tpu.matmul %convert_element_type3A_1429, %get3A_1437, %dot_general3A_1438 {dimension_numbers = #tpu.dot_dimension_numbers<[1], [0], [0], [1], [0, 0, 1, 1], [], []>, precision = #tpu.contract_precision<fp32>, transpose_lhs_hint = false} : vector<100x200xf32>, vector<200x8xf32>, vector<100x8xf32> -> vector<100x8xf32>
    %dot_general3A_1440 = arith.constant dense<0.000000e+00> : vector<100x1xf32>
    %dot_general3A_1441 = tpu.matmul %convert_element_type3A_1429, %slice3A_1430, %dot_general3A_1440 {dimension_numbers = #tpu.dot_dimension_numbers<[1], [0], [0], [1], [0, 0, 1, 1], [], []>, precision = #tpu.contract_precision<fp32>, transpose_lhs_hint = false} : vector<100x200xf32>, vector<200x1xf32>, vector<100x1xf32> -> vector<100x1xf32>
    %logistic3A_1442 = arith.negf %dot_general3A_1441 : vector<100x1xf32>
    %logistic3A_1443 = math.exp %logistic3A_1442 : vector<100x1xf32>
    %logistic3A_1444 = arith.constant 1.000000e+00 : f32
    %logistic3A_1445 = vector.broadcast %logistic3A_1444 : f32 to vector<100x1xf32>
    %logistic3A_1446 = arith.addf %logistic3A_1445, %logistic3A_1443 : vector<100x1xf32>
    %logistic3A_1447 = arith.divf %logistic3A_1445, %logistic3A_1446 : vector<100x1xf32>
    %swap3A_1448 = arith.constant 4 : index
    %swap3A_1449 = arith.constant 0 : index
    %swap3A_1450 = arith.constant 0 : index
    %swap3A_1451 = vector.load %arg21[%swap3A_1448, %swap3A_1449, %swap3A_1450] : memref<5x100x1xf32, #tpu.memory_space<vmem>>, vector<1x100x1xf32>
    %swap3A_1452 = vector.shape_cast %swap3A_1451 : vector<1x100x1xf32> to vector<100x1xf32>
    %swap3A_1453 = vector.shape_cast %logistic3A_1447 : vector<100x1xf32> to vector<1x100x1xf32>
    tpu.vector_store %arg21[%swap3A_1448, %swap3A_1449, %swap3A_1450], %swap3A_1453 {strides = array<i32>} : memref<5x100x1xf32, #tpu.memory_space<vmem>>, vector<1x100x1xf32>,
    %reduce_max3A_1454 = arith.constant dense<0xFF800000> : vector<32xf32>
    %reduce_max3A_1455 = vector.multi_reduction <maximumf>, %dot_general3A_1434, %reduce_max3A_1454 [0] : vector<100x32xf32> to vector<32xf32>
    %broadcast_in_dim3A_1456 = vector.shape_cast %reduce_max3A_1455 : vector<32xf32> to vector<1x32xf32>
    %reduce_sum3A_1457 = arith.constant dense<0.000000e+00> : vector<32xf32>
    %reduce_sum3A_1458 = vector.multi_reduction <add>, %dot_general3A_1434, %reduce_sum3A_1457 [0] : vector<100x32xf32> to vector<32xf32>
    %broadcast_in_dim3A_1459 = vector.shape_cast %reduce_sum3A_1458 : vector<32xf32> to vector<1x32xf32>
    %div3A_1460 = arith.constant 1.000000e+02 : f32
    %div3A_1461 = vector.broadcast %div3A_1460 : f32 to vector<1x32xf32>
    %div3A_1462 = arith.divf %broadcast_in_dim3A_1459, %div3A_1461 : vector<1x32xf32>
    %dot_general3A_1463 = arith.constant dense<0.000000e+00> : vector<100x200xf32>
    %dot_general3A_1464 = tpu.matmul %convert_element_type3A_1429, %get3A_1358, %dot_general3A_1463 {dimension_numbers = #tpu.dot_dimension_numbers<[1], [0], [0], [1], [0, 0, 1, 1], [], []>, precision = #tpu.contract_precision<fp32>, transpose_lhs_hint = false} : vector<100x200xf32>, vector<200x200xf32>, vector<100x200xf32> -> vector<100x200xf32>
    %dot_general3A_1465 = arith.constant dense<0.000000e+00> : vector<100x100xf32>
    %dot_general3A_1466 = tpu.matmul %dot_general3A_1464, %convert_element_type3A_1429, %dot_general3A_1465 {dimension_numbers = #tpu.dot_dimension_numbers<[1], [1], [0], [0], [0, 0, 1, 0], [], []>, precision = #tpu.contract_precision<fp32>, transpose_lhs_hint = false} : vector<100x200xf32>, vector<100x200xf32>, vector<100x100xf32> -> vector<100x100xf32>
    %add3A_1467 = arith.addf %dot_general3A_1466, %convert_element_type3A_17 : vector<100x100xf32>
    %dot_general3A_1468 = arith.constant dense<0.000000e+00> : vector<100x100xf32>
    %dot_general3A_1469 = tpu.matmul %add3A_1467, %add3A_1467, %dot_general3A_1468 {dimension_numbers = #tpu.dot_dimension_numbers<[1], [0], [0], [1], [0, 0, 1, 1], [], []>, precision = #tpu.contract_precision<fp32>, transpose_lhs_hint = false} : vector<100x100xf32>, vector<100x100xf32>, vector<100x100xf32> -> vector<100x100xf32>
    %sub3A_1470 = arith.constant 1.000000e+00 : f32
    %sub3A_1471 = vector.broadcast %sub3A_1470 : f32 to vector<100x100xf32>
    %sub3A_1472 = arith.subf %sub3A_1471, %convert_element_type3A_17 : vector<100x100xf32>
    %mul3A_1473 = arith.mulf %dot_general3A_1469, %sub3A_1472 : vector<100x100xf32>
    %ne3A_1474 = arith.constant 0.000000e+00 : f32
    %ne3A_1475 = vector.broadcast %ne3A_1474 : f32 to vector<100x100xf32>
    %ne3A_1476 = arith.cmpf one, %mul3A_1473, %ne3A_1475 : vector<100x100xf32>
    %convert_element_type3A_1477 = arith.extui %ne3A_1476 : vector<100x100xi1> to vector<100x100xi32>
    %convert_element_type3A_1478 = arith.sitofp %convert_element_type3A_1477 : vector<100x100xi32> to vector<100x100xf32>
    %reduce_sum3A_1479 = arith.constant dense<0.000000e+00> : vector<100xf32>
    %reduce_sum3A_1480 = vector.multi_reduction <add>, %convert_element_type3A_1478, %reduce_sum3A_1479 [1] : vector<100x100xf32> to vector<100xf32>
    %broadcast_in_dim3A_1481 = vector.shape_cast %reduce_sum3A_1480 : vector<100xf32> to vector<100x1xf32>
    %get3A_1482 = arith.constant 0 : index
    %get3A_1483 = arith.constant 0 : index
    %get3A_1484 = vector.load %arg7[%get3A_1482, %get3A_1483] : memref<32x288xf32, #tpu.memory_space<vmem>>, vector<32x288xf32>
    %dot_general3A_1485 = arith.constant dense<0.000000e+00> : vector<100x288xf32>
    %dot_general3A_1486 = tpu.matmul %dot_general3A_1434, %get3A_1484, %dot_general3A_1485 {dimension_numbers = #tpu.dot_dimension_numbers<[1], [0], [0], [1], [0, 0, 1, 1], [], []>, precision = #tpu.contract_precision<fp32>, transpose_lhs_hint = false} : vector<100x32xf32>, vector<32x288xf32>, vector<100x288xf32> -> vector<100x288xf32>
    %slice3A_1487 = vector.extract_strided_slice %dot_general3A_1486 {offsets = [0, 256], sizes = [100, 32], strides = [1, 1]} : vector<100x288xf32> to vector<100x32xf32>
    %slice3A_1488 = vector.extract_strided_slice %dot_general3A_1439 {offsets = [0, 0], sizes = [100, 1], strides = [1, 1]} : vector<100x8xf32> to vector<100x1xf32>
    %slice3A_1489 = vector.extract_strided_slice %dot_general3A_1486 {offsets = [0, 0], sizes = [100, 32], strides = [1, 1]} : vector<100x288xf32> to vector<100x32xf32>
    %mul3A_1490 = vector.broadcast %slice3A_1488 : vector<100x1xf32> to vector<100x32xf32>
    %mul3A_1491 = arith.mulf %mul3A_1490, %slice3A_1489 : vector<100x32xf32>
    %add3A_1492 = arith.addf %slice3A_1487, %mul3A_1491 : vector<100x32xf32>
    %slice3A_1493 = vector.extract_strided_slice %dot_general3A_1439 {offsets = [0, 1], sizes = [100, 1], strides = [1, 1]} : vector<100x8xf32> to vector<100x1xf32>
    %slice3A_1494 = vector.extract_strided_slice %dot_general3A_1486 {offsets = [0, 32], sizes = [100, 32], strides = [1, 1]} : vector<100x288xf32> to vector<100x32xf32>
    %mul3A_1495 = vector.broadcast %slice3A_1493 : vector<100x1xf32> to vector<100x32xf32>
    %mul3A_1496 = arith.mulf %mul3A_1495, %slice3A_1494 : vector<100x32xf32>
    %add3A_1497 = arith.addf %add3A_1492, %mul3A_1496 : vector<100x32xf32>
    %slice3A_1498 = vector.extract_strided_slice %dot_general3A_1439 {offsets = [0, 2], sizes = [100, 1], strides = [1, 1]} : vector<100x8xf32> to vector<100x1xf32>
    %slice3A_1499 = vector.extract_strided_slice %dot_general3A_1486 {offsets = [0, 64], sizes = [100, 32], strides = [1, 1]} : vector<100x288xf32> to vector<100x32xf32>
    %mul3A_1500 = vector.broadcast %slice3A_1498 : vector<100x1xf32> to vector<100x32xf32>
    %mul3A_1501 = arith.mulf %mul3A_1500, %slice3A_1499 : vector<100x32xf32>
    %add3A_1502 = arith.addf %add3A_1497, %mul3A_1501 : vector<100x32xf32>
    %slice3A_1503 = vector.extract_strided_slice %dot_general3A_1439 {offsets = [0, 3], sizes = [100, 1], strides = [1, 1]} : vector<100x8xf32> to vector<100x1xf32>
    %slice3A_1504 = vector.extract_strided_slice %dot_general3A_1486 {offsets = [0, 96], sizes = [100, 32], strides = [1, 1]} : vector<100x288xf32> to vector<100x32xf32>
    %mul3A_1505 = vector.broadcast %slice3A_1503 : vector<100x1xf32> to vector<100x32xf32>
    %mul3A_1506 = arith.mulf %mul3A_1505, %slice3A_1504 : vector<100x32xf32>
    %add3A_1507 = arith.addf %add3A_1502, %mul3A_1506 : vector<100x32xf32>
    %slice3A_1508 = vector.extract_strided_slice %dot_general3A_1439 {offsets = [0, 4], sizes = [100, 1], strides = [1, 1]} : vector<100x8xf32> to vector<100x1xf32>
    %slice3A_1509 = vector.extract_strided_slice %dot_general3A_1486 {offsets = [0, 128], sizes = [100, 32], strides = [1, 1]} : vector<100x288xf32> to vector<100x32xf32>
    %mul3A_1510 = vector.broadcast %slice3A_1508 : vector<100x1xf32> to vector<100x32xf32>
    %mul3A_1511 = arith.mulf %mul3A_1510, %slice3A_1509 : vector<100x32xf32>
    %add3A_1512 = arith.addf %add3A_1507, %mul3A_1511 : vector<100x32xf32>
    %slice3A_1513 = vector.extract_strided_slice %dot_general3A_1439 {offsets = [0, 5], sizes = [100, 1], strides = [1, 1]} : vector<100x8xf32> to vector<100x1xf32>
    %slice3A_1514 = vector.extract_strided_slice %dot_general3A_1486 {offsets = [0, 160], sizes = [100, 32], strides = [1, 1]} : vector<100x288xf32> to vector<100x32xf32>
    %mul3A_1515 = vector.broadcast %slice3A_1513 : vector<100x1xf32> to vector<100x32xf32>
    %mul3A_1516 = arith.mulf %mul3A_1515, %slice3A_1514 : vector<100x32xf32>
    %add3A_1517 = arith.addf %add3A_1512, %mul3A_1516 : vector<100x32xf32>
    %slice3A_1518 = vector.extract_strided_slice %dot_general3A_1439 {offsets = [0, 6], sizes = [100, 1], strides = [1, 1]} : vector<100x8xf32> to vector<100x1xf32>
    %slice3A_1519 = vector.extract_strided_slice %dot_general3A_1486 {offsets = [0, 192], sizes = [100, 32], strides = [1, 1]} : vector<100x288xf32> to vector<100x32xf32>
    %mul3A_1520 = vector.broadcast %slice3A_1518 : vector<100x1xf32> to vector<100x32xf32>
    %mul3A_1521 = arith.mulf %mul3A_1520, %slice3A_1519 : vector<100x32xf32>
    %add3A_1522 = arith.addf %add3A_1517, %mul3A_1521 : vector<100x32xf32>
    %slice3A_1523 = vector.extract_strided_slice %dot_general3A_1439 {offsets = [0, 7], sizes = [100, 1], strides = [1, 1]} : vector<100x8xf32> to vector<100x1xf32>
    %slice3A_1524 = vector.extract_strided_slice %dot_general3A_1486 {offsets = [0, 224], sizes = [100, 32], strides = [1, 1]} : vector<100x288xf32> to vector<100x32xf32>
    %mul3A_1525 = vector.broadcast %slice3A_1523 : vector<100x1xf32> to vector<100x32xf32>
    %mul3A_1526 = arith.mulf %mul3A_1525, %slice3A_1524 : vector<100x32xf32>
    %add3A_1527 = arith.addf %add3A_1522, %mul3A_1526 : vector<100x32xf32>
    %dot_general3A_1528 = arith.constant dense<0.000000e+00> : vector<100x32xf32>
    %dot_general3A_1529 = tpu.matmul %mul3A_1473, %add3A_1527, %dot_general3A_1528 {dimension_numbers = #tpu.dot_dimension_numbers<[1], [0], [0], [1], [0, 0, 1, 1], [], []>, precision = #tpu.contract_precision<fp32>, transpose_lhs_hint = false} : vector<100x100xf32>, vector<100x32xf32>, vector<100x32xf32> -> vector<100x32xf32>
    %gt3A_1530 = arith.constant 0.000000e+00 : f32
    %gt3A_1531 = vector.broadcast %gt3A_1530 : f32 to vector<100x1xf32>
    %gt3A_1532 = arith.cmpf ogt, %broadcast_in_dim3A_1481, %gt3A_1531 : vector<100x1xf32>
    %max3A_1533 = arith.constant 1.000000e+00 : f32
    %max3A_1534 = vector.broadcast %max3A_1533 : f32 to vector<100x1xf32>
    %max3A_1535 = arith.maximumf %broadcast_in_dim3A_1481, %max3A_1534 : vector<100x1xf32>
    %div3A_1536 = vector.broadcast %max3A_1535 : vector<100x1xf32> to vector<100x32xf32>
    %div3A_1537 = arith.divf %dot_general3A_1529, %div3A_1536 : vector<100x32xf32>
    %jit3A_1538 = arith.constant 0.000000e+00 : f32
    %broadcast_in_dim3A_1539 = vector.shape_cast %gt3A_1532 : vector<100x1xi1> to vector<100x1xi1>
    %broadcast_in_dim3A_1540 = vector.broadcast %broadcast_in_dim3A_1539 : vector<100x1xi1> to vector<100x32xi1>
    %broadcast_in_dim3A_1541 = vector.broadcast %jit3A_1538 : f32 to vector<100x32xf32>
    %select_n3A_1542 = arith.select %broadcast_in_dim3A_1540, %div3A_1537, %broadcast_in_dim3A_1541 : vector<100x32xi1>, vector<100x32xf32>
    %get3A_1543 = arith.constant 0 : index
    %get3A_1544 = arith.constant 0 : index
    %get3A_1545 = vector.load %arg8[%get3A_1543, %get3A_1544] : memref<1x32xf32, #tpu.memory_space<vmem>>, vector<1x32xf32>
    %add3A_1546 = vector.broadcast %get3A_1545 : vector<1x32xf32> to vector<100x32xf32>
    %add3A_1547 = arith.addf %select_n3A_1542, %add3A_1546 : vector<100x32xf32>
    %dot_general3A_1548 = arith.constant dense<0.000000e+00> : vector<1x100xf32>
    %dot_general3A_1549 = tpu.matmul %get3A_8, %add3A_1547, %dot_general3A_1548 {dimension_numbers = #tpu.dot_dimension_numbers<[1], [1], [0], [0], [0, 0, 1, 0], [], []>, precision = #tpu.contract_precision<fp32>, transpose_lhs_hint = false} : vector<1x32xf32>, vector<100x32xf32>, vector<1x100xf32> -> vector<1x100xf32>
    %div3A_1550 = vector.broadcast %sqrt3A_15 : f32 to vector<1x100xf32>
    %div3A_1551 = arith.divf %dot_general3A_1549, %div3A_1550 : vector<1x100xf32>
    %broadcast_in_dim3A_1552 = arith.constant 1.000000e+00 : f32
    %broadcast_in_dim3A_1553 = vector.broadcast %broadcast_in_dim3A_1552 : f32 to vector<1x100xf32>
    %dot_general3A_1554 = arith.constant dense<0.000000e+00> : vector<100x100xf32>
    %dot_general3A_1555 = tpu.matmul %div3A_1551, %broadcast_in_dim3A_1553, %dot_general3A_1554 {dimension_numbers = #tpu.dot_dimension_numbers<[0], [0], [1], [1], [0, 1, 1, 1], [], []>, precision = #tpu.contract_precision<fp32>, transpose_lhs_hint = false} : vector<1x100xf32>, vector<1x100xf32>, vector<100x100xf32> -> vector<100x100xf32>
    %dot_general3A_1556 = arith.constant dense<0.000000e+00> : vector<100x100xf32>
    %dot_general3A_1557 = tpu.matmul %broadcast_in_dim3A_1553, %div3A_1551, %dot_general3A_1556 {dimension_numbers = #tpu.dot_dimension_numbers<[0], [0], [1], [1], [0, 1, 1, 1], [], []>, precision = #tpu.contract_precision<fp32>, transpose_lhs_hint = false} : vector<1x100xf32>, vector<1x100xf32>, vector<100x100xf32> -> vector<100x100xf32>
    %logistic3A_1558 = arith.negf %dot_general3A_1555 : vector<100x100xf32>
    %logistic3A_1559 = math.exp %logistic3A_1558 : vector<100x100xf32>
    %logistic3A_1560 = arith.constant 1.000000e+00 : f32
    %logistic3A_1561 = vector.broadcast %logistic3A_1560 : f32 to vector<100x100xf32>
    %logistic3A_1562 = arith.addf %logistic3A_1561, %logistic3A_1559 : vector<100x100xf32>
    %logistic3A_1563 = arith.divf %logistic3A_1561, %logistic3A_1562 : vector<100x100xf32>
    %logistic3A_1564 = arith.negf %dot_general3A_1557 : vector<100x100xf32>
    %logistic3A_1565 = math.exp %logistic3A_1564 : vector<100x100xf32>
    %logistic3A_1566 = arith.constant 1.000000e+00 : f32
    %logistic3A_1567 = vector.broadcast %logistic3A_1566 : f32 to vector<100x100xf32>
    %logistic3A_1568 = arith.addf %logistic3A_1567, %logistic3A_1565 : vector<100x100xf32>
    %logistic3A_1569 = arith.divf %logistic3A_1567, %logistic3A_1568 : vector<100x100xf32>
    %iota3A_1570 = tpu.iota {dimensions = array<i32: 0>} : vector<100x100xi32>
    %iota3A_1571 = tpu.iota {dimensions = array<i32: 1>} : vector<100x100xi32>
    %gt3A_1572 = arith.cmpf ogt, %logistic3A_1569, %logistic3A_1563 : vector<100x100xf32>
    %eq3A_1573 = arith.cmpf oeq, %logistic3A_1569, %logistic3A_1563 : vector<100x100xf32>
    %lt3A_1574 = arith.cmpi slt, %iota3A_1571, %iota3A_1570 : vector<100x100xi32>
    %and3A_1575 = arith.andi %eq3A_1573, %lt3A_1574 : vector<100x100xi1>
    %or3A_1576 = arith.ori %gt3A_1572, %and3A_1575 : vector<100x100xi1>
    %convert_element_type3A_1577 = arith.extui %or3A_1576 : vector<100x100xi1> to vector<100x100xi32>
    %convert_element_type3A_1578 = arith.sitofp %convert_element_type3A_1577 : vector<100x100xi32> to vector<100x100xf32>
    %reduce_sum3A_1579 = arith.constant dense<0.000000e+00> : vector<100xf32>
    %reduce_sum3A_1580 = vector.multi_reduction <add>, %convert_element_type3A_1578, %reduce_sum3A_1579 [1] : vector<100x100xf32> to vector<100xf32>
    %broadcast_in_dim3A_1581 = vector.shape_cast %reduce_sum3A_1580 : vector<100xf32> to vector<100x1xf32>
    %broadcast_in_dim3A_1582 = arith.constant 1.000000e+00 : f32
    %broadcast_in_dim3A_1583 = vector.broadcast %broadcast_in_dim3A_1582 : f32 to vector<50x1xf32>
    %dot_general3A_1584 = arith.constant dense<0.000000e+00> : vector<50x100xf32>
    %dot_general3A_1585 = tpu.matmul %broadcast_in_dim3A_1583, %broadcast_in_dim3A_1581, %dot_general3A_1584 {dimension_numbers = #tpu.dot_dimension_numbers<[1], [1], [0], [0], [0, 0, 1, 0], [], []>, precision = #tpu.contract_precision<fp32>, transpose_lhs_hint = false} : vector<50x1xf32>, vector<100x1xf32>, vector<50x100xf32> -> vector<50x100xf32>
    %iota3A_1586 = tpu.iota {dimensions = array<i32: 0>} : vector<50x100xi32>
    %convert_element_type3A_1587 = arith.sitofp %iota3A_1586 : vector<50x100xi32> to vector<50x100xf32>
    %eq3A_1588 = arith.cmpf oeq, %dot_general3A_1585, %convert_element_type3A_1587 : vector<50x100xf32>
    %convert_element_type3A_1589 = arith.extui %eq3A_1588 : vector<50x100xi1> to vector<50x100xi32>
    %convert_element_type3A_1590 = arith.sitofp %convert_element_type3A_1589 : vector<50x100xi32> to vector<50x100xf32>
    %slice3A_1591 = vector.extract_strided_slice %logistic3A_1563 {offsets = [0, 0], sizes = [100, 1], strides = [1, 1]} : vector<100x100xf32> to vector<100x1xf32>
    %mul3A_1592 = vector.broadcast %slice3A_1591 : vector<100x1xf32> to vector<100x32xf32>
    %mul3A_1593 = arith.mulf %add3A_1547, %mul3A_1592 : vector<100x32xf32>
    %dot_general3A_1594 = arith.constant dense<0.000000e+00> : vector<50x32xf32>
    %dot_general3A_1595 = tpu.matmul %convert_element_type3A_1590, %mul3A_1593, %dot_general3A_1594 {dimension_numbers = #tpu.dot_dimension_numbers<[1], [0], [0], [1], [0, 0, 1, 1], [], []>, precision = #tpu.contract_precision<fp32>, transpose_lhs_hint = false} : vector<50x100xf32>, vector<100x32xf32>, vector<50x32xf32> -> vector<50x32xf32>
    %dot_general3A_1596 = arith.constant dense<0.000000e+00> : vector<50x1xf32>
    %dot_general3A_1597 = tpu.matmul %convert_element_type3A_1590, %slice3A_1591, %dot_general3A_1596 {dimension_numbers = #tpu.dot_dimension_numbers<[1], [0], [0], [1], [0, 0, 1, 1], [], []>, precision = #tpu.contract_precision<fp32>, transpose_lhs_hint = false} : vector<50x100xf32>, vector<100x1xf32>, vector<50x1xf32> -> vector<50x1xf32>
    %logistic3A_1598 = arith.negf %dot_general3A_1597 : vector<50x1xf32>
    %logistic3A_1599 = math.exp %logistic3A_1598 : vector<50x1xf32>
    %logistic3A_1600 = arith.constant 1.000000e+00 : f32
    %logistic3A_1601 = vector.broadcast %logistic3A_1600 : f32 to vector<50x1xf32>
    %logistic3A_1602 = arith.addf %logistic3A_1601, %logistic3A_1599 : vector<50x1xf32>
    %logistic3A_1603 = arith.divf %logistic3A_1601, %logistic3A_1602 : vector<50x1xf32>
    %swap3A_1604 = arith.constant 4 : index
    %swap3A_1605 = arith.constant 0 : index
    %swap3A_1606 = arith.constant 0 : index
    %swap3A_1607 = vector.load %arg22[%swap3A_1604, %swap3A_1605, %swap3A_1606] : memref<5x50x1xf32, #tpu.memory_space<vmem>>, vector<1x50x1xf32>
    %swap3A_1608 = vector.shape_cast %swap3A_1607 : vector<1x50x1xf32> to vector<50x1xf32>
    %swap3A_1609 = vector.shape_cast %logistic3A_1603 : vector<50x1xf32> to vector<1x50x1xf32>
    tpu.vector_store %arg22[%swap3A_1604, %swap3A_1605, %swap3A_1606], %swap3A_1609 {strides = array<i32>} : memref<5x50x1xf32, #tpu.memory_space<vmem>>, vector<1x50x1xf32>,
    %reduce_max3A_1610 = arith.constant dense<0xFF800000> : vector<32xf32>
    %reduce_max3A_1611 = vector.multi_reduction <maximumf>, %dot_general3A_1595, %reduce_max3A_1610 [0] : vector<50x32xf32> to vector<32xf32>
    %broadcast_in_dim3A_1612 = vector.shape_cast %reduce_max3A_1611 : vector<32xf32> to vector<1x32xf32>
    %reduce_sum3A_1613 = arith.constant dense<0.000000e+00> : vector<32xf32>
    %reduce_sum3A_1614 = vector.multi_reduction <add>, %dot_general3A_1595, %reduce_sum3A_1613 [0] : vector<50x32xf32> to vector<32xf32>
    %broadcast_in_dim3A_1615 = vector.shape_cast %reduce_sum3A_1614 : vector<32xf32> to vector<1x32xf32>
    %div3A_1616 = arith.constant 5.000000e+01 : f32
    %div3A_1617 = vector.broadcast %div3A_1616 : f32 to vector<1x32xf32>
    %div3A_1618 = arith.divf %broadcast_in_dim3A_1615, %div3A_1617 : vector<1x32xf32>
    %concatenate3A_1619 = tpu.concatenate %broadcast_in_dim3A_1456, %div3A_1462, %broadcast_in_dim3A_1612, %div3A_1618 in 1 : vector<1x32xf32>, vector<1x32xf32>, vector<1x32xf32>, vector<1x32xf32> -> vector<1x128xf32>
    %get3A_1620 = arith.constant 0 : index
    %get3A_1621 = arith.constant 0 : index
    %get3A_1622 = vector.load %arg10[%get3A_1620, %get3A_1621] : memref<128x32xf32, #tpu.memory_space<vmem>>, vector<128x32xf32>
    %dot_general3A_1623 = arith.constant dense<0.000000e+00> : vector<1x32xf32>
    %dot_general3A_1624 = tpu.matmul %concatenate3A_1619, %get3A_1622, %dot_general3A_1623 {dimension_numbers = #tpu.dot_dimension_numbers<[1], [0], [0], [1], [0, 0, 1, 1], [], []>, precision = #tpu.contract_precision<fp32>, transpose_lhs_hint = false} : vector<1x128xf32>, vector<128x32xf32>, vector<1x32xf32> -> vector<1x32xf32>
    %get3A_1625 = arith.constant 0 : index
    %get3A_1626 = arith.constant 0 : index
    %get3A_1627 = vector.load %arg11[%get3A_1625, %get3A_1626] : memref<1x32xf32, #tpu.memory_space<vmem>>, vector<1x32xf32>
    %add3A_1628 = arith.addf %dot_general3A_1624, %get3A_1627 : vector<1x32xf32>
    %max3A_1629 = arith.constant 0.000000e+00 : f32
    %max3A_1630 = vector.broadcast %max3A_1629 : f32 to vector<1x32xf32>
    %max3A_1631 = arith.maximumf %add3A_1628, %max3A_1630 : vector<1x32xf32>
    %mul3A_1632 = vector.broadcast %div3A_20 : f32 to vector<1x32xf32>
    %mul3A_1633 = arith.mulf %max3A_1631, %mul3A_1632 : vector<1x32xf32>
    %get3A_1634 = arith.constant 0 : index
    %get3A_1635 = arith.constant 0 : index
    %get3A_1636 = vector.load %arg12[%get3A_1634, %get3A_1635] : memref<1x32xf32, #tpu.memory_space<vmem>>, vector<1x32xf32>
    %mul3A_1637 = arith.mulf %mul3A_1633, %get3A_1636 : vector<1x32xf32>
    %get3A_1638 = arith.constant 0 : index
    %get3A_1639 = arith.constant 0 : index
    %get3A_1640 = vector.load %arg13[%get3A_1638, %get3A_1639] : memref<1x32xf32, #tpu.memory_space<vmem>>, vector<1x32xf32>
    %add3A_1641 = arith.addf %mul3A_1637, %get3A_1640 : vector<1x32xf32>
    %get3A_1642 = arith.constant 0 : index
    %get3A_1643 = arith.constant 0 : index
    %get3A_1644 = vector.load %arg14[%get3A_1642, %get3A_1643] : memref<32x512xf32, #tpu.memory_space<vmem>>, vector<32x512xf32>
    %dot_general3A_1645 = arith.constant dense<0.000000e+00> : vector<1x512xf32>
    %dot_general3A_1646 = tpu.matmul %add3A_1641, %get3A_1644, %dot_general3A_1645 {dimension_numbers = #tpu.dot_dimension_numbers<[1], [0], [0], [1], [0, 0, 1, 1], [], []>, precision = #tpu.contract_precision<fp32>, transpose_lhs_hint = false} : vector<1x32xf32>, vector<32x512xf32>, vector<1x512xf32> -> vector<1x512xf32>
    %get3A_1647 = arith.constant 0 : index
    %get3A_1648 = arith.constant 0 : index
    %get3A_1649 = vector.load %arg15[%get3A_1647, %get3A_1648] : memref<1x512xf32, #tpu.memory_space<vmem>>, vector<1x512xf32>
    %add3A_1650 = arith.addf %dot_general3A_1646, %get3A_1649 : vector<1x512xf32>
    %max3A_1651 = arith.constant 0.000000e+00 : f32
    %max3A_1652 = vector.broadcast %max3A_1651 : f32 to vector<1x512xf32>
    %max3A_1653 = arith.maximumf %add3A_1650, %max3A_1652 : vector<1x512xf32>
    %mul3A_1654 = vector.broadcast %div3A_20 : f32 to vector<1x512xf32>
    %mul3A_1655 = arith.mulf %max3A_1653, %mul3A_1654 : vector<1x512xf32>
    %get3A_1656 = arith.constant 0 : index
    %get3A_1657 = arith.constant 0 : index
    %get3A_1658 = vector.load %arg16[%get3A_1656, %get3A_1657] : memref<1x512xf32, #tpu.memory_space<vmem>>, vector<1x512xf32>
    %mul3A_1659 = arith.mulf %mul3A_1655, %get3A_1658 : vector<1x512xf32>
    %get3A_1660 = arith.constant 0 : index
    %get3A_1661 = arith.constant 0 : index
    %get3A_1662 = vector.load %arg17[%get3A_1660, %get3A_1661] : memref<1x512xf32, #tpu.memory_space<vmem>>, vector<1x512xf32>
    %add3A_1663 = arith.addf %mul3A_1659, %get3A_1662 : vector<1x512xf32>
    %get3A_1664 = arith.constant 0 : index
    %get3A_1665 = arith.constant 0 : index
    %get3A_1666 = vector.load %arg18[%get3A_1664, %get3A_1665] : memref<512x2xf32, #tpu.memory_space<vmem>>, vector<512x2xf32>
    %dot_general3A_1667 = arith.constant dense<0.000000e+00> : vector<1x2xf32>
    %dot_general3A_1668 = tpu.matmul %add3A_1663, %get3A_1666, %dot_general3A_1667 {dimension_numbers = #tpu.dot_dimension_numbers<[1], [0], [0], [1], [0, 0, 1, 1], [], []>, precision = #tpu.contract_precision<fp32>, transpose_lhs_hint = false} : vector<1x512xf32>, vector<512x2xf32>, vector<1x2xf32> -> vector<1x2xf32>
    %get3A_1669 = arith.constant 0 : index
    %get3A_1670 = arith.constant 0 : index
    %get3A_1671 = vector.load %arg19[%get3A_1669, %get3A_1670] : memref<1x2xf32, #tpu.memory_space<vmem>>, vector<1x2xf32>
    %add3A_1672 = arith.addf %dot_general3A_1668, %get3A_1671 : vector<1x2xf32>
    %reduce_max3A_1673 = arith.constant dense<0xFF800000> : vector<1xf32>
    %reduce_max3A_1674 = vector.multi_reduction <maximumf>, %add3A_1672, %reduce_max3A_1673 [1] : vector<1x2xf32> to vector<1xf32>
    %broadcast_in_dim3A_1675 = vector.shape_cast %reduce_max3A_1674 : vector<1xf32> to vector<1x1xf32>
    %sub3A_1676 = vector.broadcast %broadcast_in_dim3A_1675 : vector<1x1xf32> to vector<1x2xf32>
    %sub3A_1677 = arith.subf %add3A_1672, %sub3A_1676 : vector<1x2xf32>
    %exp3A_1678 = math.exp %sub3A_1677 : vector<1x2xf32>
    %reduce_sum3A_1679 = arith.constant dense<0.000000e+00> : vector<1xf32>
    %reduce_sum3A_1680 = vector.multi_reduction <add>, %exp3A_1678, %reduce_sum3A_1679 [1] : vector<1x2xf32> to vector<1xf32>
    %broadcast_in_dim3A_1681 = vector.shape_cast %reduce_sum3A_1680 : vector<1xf32> to vector<1x1xf32>
    %log3A_1682 = math.log %broadcast_in_dim3A_1681 : vector<1x1xf32>
    %add3A_1683 = arith.addf %broadcast_in_dim3A_1675, %log3A_1682 : vector<1x1xf32>
    %sub3A_1684 = vector.broadcast %add3A_1683 : vector<1x1xf32> to vector<1x2xf32>
    %sub3A_1685 = arith.subf %add3A_1672, %sub3A_1684 : vector<1x2xf32>
    %swap3A_1686 = arith.constant 4 : index
    %swap3A_1687 = arith.constant 0 : index
    %swap3A_1688 = arith.constant 0 : index
    %swap3A_1689 = vector.load %arg20[%swap3A_1686, %swap3A_1687, %swap3A_1688] : memref<5x1x2xf32, #tpu.memory_space<vmem>>, vector<1x1x2xf32>
    %swap3A_1690 = vector.shape_cast %swap3A_1689 : vector<1x1x2xf32> to vector<1x2xf32>
    %swap3A_1691 = vector.shape_cast %sub3A_1685 : vector<1x2xf32> to vector<1x1x2xf32>
    tpu.vector_store %arg20[%swap3A_1686, %swap3A_1687, %swap3A_1688], %swap3A_1691 {strides = array<i32>} : memref<5x1x2xf32, #tpu.memory_space<vmem>>, vector<1x1x2xf32>,
    return
  }
  func.func @transform_0(%arg0: i32) -> (i32, i32, i32) {
    %c0_i32 = arith.constant 0 : i32
    %c0_i32_0 = arith.constant 0 : i32
    %c0_i32_1 = arith.constant 0 : i32
    return %arg0, %c0_i32, %c0_i32_0 : i32, i32, i32
  }
  func.func @transform_1(%arg0: i32) -> (i32, i32) {
    %c0_i32 = arith.constant 0 : i32
    %c0_i32_0 = arith.constant 0 : i32
    return %arg0, %c0_i32 : i32, i32
  }
  func.func @transform_2(%arg0: i32) -> (i32, i32, i32) {
    %c0_i32 = arith.constant 0 : i32
    %c0_i32_0 = arith.constant 0 : i32
    %c0_i32_1 = arith.constant 0 : i32
    return %arg0, %c0_i32, %c0_i32_0 : i32, i32, i32
  }
  func.func @transform_3(%arg0: i32) -> (i32, i32) {
    %c0_i32 = arith.constant 0 : i32
    %c0_i32_0 = arith.constant 0 : i32
    return %arg0, %c0_i32 : i32, i32
  }
  func.func @transform_4(%arg0: i32) -> (i32, i32) {
    %c0_i32 = arith.constant 0 : i32
    %c0_i32_0 = arith.constant 0 : i32
    %c0_i32_1 = arith.constant 0 : i32
    return %c0_i32, %c0_i32_0 : i32, i32
  }
  func.func @transform_5(%arg0: i32) -> (i32, i32) {
    %c0_i32 = arith.constant 0 : i32
    %c0_i32_0 = arith.constant 0 : i32
    %c0_i32_1 = arith.constant 0 : i32
    return %c0_i32, %c0_i32_0 : i32, i32
  }
  func.func @transform_6(%arg0: i32) -> (i32, i32) {
    %c0_i32 = arith.constant 0 : i32
    %c0_i32_0 = arith.constant 0 : i32
    %c0_i32_1 = arith.constant 0 : i32
    return %c0_i32, %c0_i32_0 : i32, i32
  }
  func.func @transform_7(%arg0: i32) -> (i32, i32) {
    %c0_i32 = arith.constant 0 : i32
    %c0_i32_0 = arith.constant 0 : i32
    %c0_i32_1 = arith.constant 0 : i32
    return %c0_i32, %c0_i32_0 : i32, i32
  }
  func.func @transform_8(%arg0: i32) -> (i32, i32) {
    %c0_i32 = arith.constant 0 : i32
    %c0_i32_0 = arith.constant 0 : i32
    %c0_i32_1 = arith.constant 0 : i32
    return %c0_i32, %c0_i32_0 : i32, i32
  }
  func.func @transform_9(%arg0: i32) -> (i32, i32) {
    %c0_i32 = arith.constant 0 : i32
    %c0_i32_0 = arith.constant 0 : i32
    %c0_i32_1 = arith.constant 0 : i32
    return %c0_i32, %c0_i32_0 : i32, i32
  }
  func.func @transform_10(%arg0: i32) -> (i32, i32) {
    %c0_i32 = arith.constant 0 : i32
    %c0_i32_0 = arith.constant 0 : i32
    %c0_i32_1 = arith.constant 0 : i32
    return %c0_i32, %c0_i32_0 : i32, i32
  }
  func.func @transform_11(%arg0: i32) -> (i32, i32) {
    %c0_i32 = arith.constant 0 : i32
    %c0_i32_0 = arith.constant 0 : i32
    %c0_i32_1 = arith.constant 0 : i32
    return %c0_i32, %c0_i32_0 : i32, i32
  }
  func.func @transform_12(%arg0: i32) -> (i32, i32) {
    %c0_i32 = arith.constant 0 : i32
    %c0_i32_0 = arith.constant 0 : i32
    %c0_i32_1 = arith.constant 0 : i32
    return %c0_i32, %c0_i32_0 : i32, i32
  }
  func.func @transform_13(%arg0: i32) -> (i32, i32) {
    %c0_i32 = arith.constant 0 : i32
    %c0_i32_0 = arith.constant 0 : i32
    %c0_i32_1 = arith.constant 0 : i32
    return %c0_i32, %c0_i32_0 : i32, i32
  }
  func.func @transform_14(%arg0: i32) -> (i32, i32) {
    %c0_i32 = arith.constant 0 : i32
    %c0_i32_0 = arith.constant 0 : i32
    %c0_i32_1 = arith.constant 0 : i32
    return %c0_i32, %c0_i32_0 : i32, i32
  }
  func.func @transform_15(%arg0: i32) -> (i32, i32) {
    %c0_i32 = arith.constant 0 : i32
    %c0_i32_0 = arith.constant 0 : i32
    %c0_i32_1 = arith.constant 0 : i32
    return %c0_i32, %c0_i32_0 : i32, i32
  }
  func.func @transform_16(%arg0: i32) -> (i32, i32) {
    %c0_i32 = arith.constant 0 : i32
    %c0_i32_0 = arith.constant 0 : i32
    %c0_i32_1 = arith.constant 0 : i32
    return %c0_i32, %c0_i32_0 : i32, i32
  }
  func.func @transform_17(%arg0: i32) -> (i32, i32) {
    %c0_i32 = arith.constant 0 : i32
    %c0_i32_0 = arith.constant 0 : i32
    %c0_i32_1 = arith.constant 0 : i32
    return %c0_i32, %c0_i32_0 : i32, i32
  }
  func.func @transform_18(%arg0: i32) -> (i32, i32) {
    %c0_i32 = arith.constant 0 : i32
    %c0_i32_0 = arith.constant 0 : i32
    %c0_i32_1 = arith.constant 0 : i32
    return %c0_i32, %c0_i32_0 : i32, i32
  }
  func.func @transform_19(%arg0: i32) -> (i32, i32, i32) {
    %c0_i32 = arith.constant 0 : i32
    %c0_i32_0 = arith.constant 0 : i32
    %c0_i32_1 = arith.constant 0 : i32
    return %arg0, %c0_i32, %c0_i32_0 : i32, i32, i32
  }
  func.func @transform_20(%arg0: i32) -> (i32, i32, i32) {
    %c0_i32 = arith.constant 0 : i32
    %c0_i32_0 = arith.constant 0 : i32
    %c0_i32_1 = arith.constant 0 : i32
    return %arg0, %c0_i32, %c0_i32_0 : i32, i32, i32
  }
  func.func @transform_21(%arg0: i32) -> (i32, i32, i32) {
    %c0_i32 = arith.constant 0 : i32
    %c0_i32_0 = arith.constant 0 : i32
    %c0_i32_1 = arith.constant 0 : i32
    return %arg0, %c0_i32, %c0_i32_0 : i32, i32, i32
  }
}

</mosaic_0001>

<sc_bundles>
// kernel: kernel.5.cloned.1.call-start
scs
__scs_entry_jumppad:
0x0: {  	(pc) =	sbr.rel $0x88, $3  }
0x1: {  	(tag) =	ssettag $0x0;
	lr =	simm.s32 $0x1  }
0x2: {  	[smem:$0x3F89] =	sst lr;
	_ =	strace $0xD0000000  }
0x3: {  	_ = 	snop  }
0x4: {  	_ = 	snop  }
0x5: {  	_ = 	snop  }
0x6: {  	_ = 	snop  }
0x7: {  	_ = 	snop  }
__scs_overlays_trampoline_lowered:
0x8: {  	[smem:$0x3F98] =	sst s0  }
0x9: {  	[smem:$0x3F99] =	sst s1  }
0xa: {  	[smem:$0x3F9A] =	sst s2  }
0xb: {  	[smem:$0x3F9B] =	sst s3  }
0xc: {  	[smem:$0x3F9C] =	sst s4  }
0xd: {  	[smem:$0x3F9D] =	sst s5  }
0xe: {  	[smem:$0x3F9E] =	sst s6  }
0xf: {  	[smem:$0x3F9F] =	sst s7  }
0x10: {  	[smem:$0x3FA0] =	sst s8  }
0x11: {  	[smem:$0x3FA1] =	sst s9;
	s0 =	simm.s32 @!p0 $0x0  }
0x12: {  	s1 =	sld [smem:$0x3F87];
	s0 =	simm.s32 @p0 $0x1  }
0x13: {  	[smem:$0x3FA2] =	sst s0;
	s0 =	simm.s32 @!p1 $0x0  }
0x14: {  	s2 =	sld [smem:$0x3F86];
	s0 =	simm.s32 @p1 $0x1  }
0x15: {  	[smem:$0x3FA3] =	sst s0;
	s0 =	simm.s32 @!p2 $0x0  }
0x16: {  	s3 =	sld [smem:$0x3FDB];
	s0 =	simm.s32 @p2 $0x1  }
0x17: {  	s4 =	simm.s32 $0x1BF5;
	[smem:$0x3FA5] =	sst s0  }
0x18: {  	s0 =	sld [smem:$0x3F88];
	_ =	swait.ge [sflag:s4], $0x0  }
0x19: {  	s7 =	sld [smem:$0x3F89]  }
0x1a: {  	s8 =	sadd.s32 $0xFFFFE003, lr  }
0x1b: {  	s9 =	sadd.s32 $0xFFFFFEF7, lr;
	s5 =	simm.s32 $0xFFFFFFFF;
	p2 =	slt.u32 s8, $0xFFFFF086  }
0x1c: {  	p1 =	slt.u32 s9, $0xF7A;
	s5 =	simm.s32 @!p2 $0x0  }
0x1d: {  	s5 =	simm.s32 @p1 $0x1;
	p0 =	seq.s32 s7, s2  }
0x1e: {  	s7 =	smul.u32 @!p0 $0xF7A, s2;
	p2 =	seq.s32 @!p0 s5, $0x0  }
0x1f: {  	s9 =	smul.u32 $0xF7A, s1;
	s8 =	simm.s32 @!p0 $0x1BF5;
	p2 =	por !p2, p0  }
0x20: {  	[sflag:s8] =	ssyncset.s32 @!p0 $0xFFFFF086;
	s6 =	sadd.s32 @!p0 s3, s7;
	s7 =	simm.s32 @!p0 $0x108  }
0x21: {  	s3 =	sadd.s32 s3, s9;
	s6 =	sadd.s32 @!p0 $0x88, s6;
	s7 =	simm.s32 @p2 $0x1082  }
0x22: {  	[simem:s7], [sflag:s8] =	dma.local @!p0 [hbm:s6], $0xF7A  }
0x23: {  	s9 =	sor.u32 $0xD0000000, s2;
	s6 =	simm.s32 $0x108;
	_ =	swait.ge @!p0 [sflag:s8], $0x0  }
0x24: {  	s3 =	sadd.s32 $0x88, s3;
	s6 =	simm.s32 @!p1 $0x1082;
	[sflag:s4] =	ssyncset.s32 $0xFFFFF086  }
0x25: {  	[simem:s6], [sflag:s4] =	dma.local [hbm:s3], $0xF7A  }
0x26: {  	[smem:$0x3F89] =	sst s1;
	(tag) =	ssettag s2;
	_ =	strace s9  }
0x27: {  	s1 =	sld [smem:$0x3F99]  }
0x28: {  	s2 =	sld [smem:$0x3F9A]  }
0x29: {  	s4 =	sld [smem:$0x3F9C]  }
0x2a: {  	p0 =	seq.s32 s5, $0x0;
	s5 =	sld [smem:$0x3F9D]  }
0x2b: {  	s6 =	sld [smem:$0x3F9E]  }
0x2c: {  	s7 =	sld [smem:$0x3F9F]  }
0x2d: {  	s3 =	simm.s32 $0x108;
	s8 =	sld [smem:$0x3FA0]  }
0x2e: {  	s3 =	simm.s32 @!p0 $0x1082;
	s9 =	sld [smem:$0x3FA1]  }
0x2f: {  	lr =	sadd.s32 s0, s3;
	s0 =	sld [smem:$0x3F98]  }
0x30: {  	s3 =	sld [smem:$0x3F9B]  }
0x31: {  	[smem:$0x3FA4] =	sst s10  }
0x32: {  	s10 =	sld [smem:$0x3FA2];
	_ =	sdelay $0x3  }
0x33: {  	p0 =	seq.s32 s10, $0x1;
	s10 =	sld [smem:$0x3FA4];
	_ =	sdelay $0x3  }
0x34: {  	[smem:$0x3FA4] =	sst s10  }
0x35: {  	s10 =	sld [smem:$0x3FA3];
	_ =	sdelay $0x3  }
0x36: {  	p1 =	seq.s32 s10, $0x1;
	s10 =	sld [smem:$0x3FA4];
	_ =	sdelay $0x3  }
0x37: {  	[smem:$0x3FA4] =	sst s10  }
0x38: {  	s10 =	sld [smem:$0x3FA5]  }
0x39: {  	_ = 	snop;
	(pc) =	sbr.ind lr, $3  }
0x3a: {  	_ = 	snop  }
0x3b: {  	_ = 	snop  }
0x3c: {  	p2 =	seq.s32 s10, $0x1;
	s10 =	sld [smem:$0x3FA4]  }
0x3d: {  	_ =	shalt  }
0x3e: {  	_ =	shalt  }
0x3f: {  	_ =	shalt  }
0x40: {  	_ =	shalt  }
0x41: {  	_ =	shalt  }
0x42: {  	_ =	shalt  }
0x43: {  	_ =	shalt  }
0x44: {  	_ =	shalt  }
0x45: {  	_ =	shalt  }
0x46: {  	_ =	shalt  }
0x47: {  	_ =	shalt  }
0x48: {  	_ =	shalt  }
0x49: {  	_ =	shalt  }
0x4a: {  	_ =	shalt  }
0x4b: {  	_ =	shalt  }
0x4c: {  	_ =	shalt  }
0x4d: {  	_ =	shalt  }
0x4e: {  	_ =	shalt  }
0x4f: {  	_ =	shalt  }
0x50: {  	_ =	shalt  }
0x51: {  	_ =	shalt  }
0x52: {  	_ =	shalt  }
0x53: {  	_ =	shalt  }
0x54: {  	_ =	shalt  }
0x55: {  	_ =	shalt  }
0x56: {  	_ =	shalt  }
0x57: {  	_ =	shalt  }
0x58: {  	_ =	shalt  }
0x59: {  	_ =	shalt  }
0x5a: {  	_ =	shalt  }
0x5b: {  	_ =	shalt  }
0x5c: {  	_ =	shalt  }
0x5d: {  	_ =	shalt  }
0x5e: {  	_ =	shalt  }
0x5f: {  	_ =	shalt  }
0x60: {  	_ =	shalt  }
0x61: {  	_ =	shalt  }
0x62: {  	_ =	shalt  }
0x63: {  	_ =	shalt  }
0x64: {  	_ =	shalt  }
0x65: {  	_ =	shalt  }
0x66: {  	_ =	shalt  }
0x67: {  	_ =	shalt  }
0x68: {  	_ =	shalt  }
0x69: {  	_ =	shalt  }
0x6a: {  	_ =	shalt  }
0x6b: {  	_ =	shalt  }
0x6c: {  	_ =	shalt  }
0x6d: {  	_ =	shalt  }
0x6e: {  	_ =	shalt  }
0x6f: {  	_ =	shalt  }
0x70: {  	_ =	shalt  }
0x71: {  	_ =	shalt  }
0x72: {  	_ =	shalt  }
0x73: {  	_ =	shalt  }
0x74: {  	_ =	shalt  }
0x75: {  	_ =	shalt  }
0x76: {  	_ =	shalt  }
0x77: {  	_ =	shalt  }
0x78: {  	_ =	shalt  }
0x79: {  	_ =	shalt  }
0x7a: {  	_ =	shalt  }
0x7b: {  	_ =	shalt  }
0x7c: {  	_ =	shalt  }
0x7d: {  	_ =	shalt  }
0x7e: {  	_ =	shalt  }
0x7f: {  	_ =	shalt  }
0x80: {  	_ =	shalt  }
0x81: {  	_ =	shalt  }
0x82: {  	_ =	shalt  }
0x83: {  	_ =	shalt  }
0x84: {  	_ =	shalt  }
0x85: {  	_ =	shalt  }
0x86: {  	_ =	shalt  }
0x87: {  	_ =	shalt  }
.Lfunc_end0:
.L_simem_size_0:
called_computation_lowered:
.L_overlay_start_0:
0x88: {  	s2 =	sld [smem:$0x3FD9]  }
0x89: {  	s3 =	sld [smem:$0x3FFE];
	_ =	sdelay $0x1  }
0x8a: {  	s1 =	srdreg.scid  }
0x8b: {  	s0 =	sand.u32 $0x1, s1  }
0x8c: {  	s16 =	sshll.u32 s0, $0xA;
	s2 =	sadd.s32 s3, s2  }
0x8d: {  	s2 =	sadd.s32 s2, s16  }
0x8e: {  	[smem:$0x3FB0] =	sst s2  }
0x8f: {  	_ = 	snop  }
0x90: {  	(tm) =	ssettm $0x1  }
0x91: {  	s17 =	sld [smem:$0x3FFB];
	_ =	sdelay $0x3  }
0x92: {  	_ =	strace s17  }
0x93: {  	s2 =	sld [smem:$0x3FFC];
	_ =	sdelay $0x3  }
0x94: {  	_ =	strace s2  }
0x95: {  	s2 =	sld [smem:$0x3FFD];
	_ =	sdelay $0x3  }
0x96: {  	_ =	strace s2  }
0x97: {  	_ =	strace $0x8FFFFFFF  }
0x98: {  	s18 =	sld [smem:$0x3FDB];
	_ =	sdelay $0x1  }
0x99: {  	s19 =	simm.s32 $_scs_section_size  }
0x9a: {  	s4 =	simm.s32 $_size__tile_overlayer_lowered;
	s5 =	simm.s32 $_tile_overlayer_lowered  }
0x9b: {  	s22 =	simm.s32 $0x1BFF;
	s21 =	sshll.u32 s5, $0x1;
	s2 =	sadd.s32 s19, s18  }
0x9c: {  	s6 =	simm.s32 $0x0;
	s20 =	sshll.u32 s4, $0x1;
	s4 =	sadd.s32 s21, s2  }
0x9d: {  	[timem:s6], [sflag:s22] =	dma.local [hbm:s4], s20  }
0x9e: {  	_ =	swait.ge [sflag:s22], s20  }
0x9f: {  	s3 =	ssub.s32 $0x0, s20;
	[sflag:s22] =	ssyncset.done $0x0  }
0xa0: {  	[sflag:s22] =	ssyncadd.s32 s3;
	_ =	sdelay $0x1  }
0xa1: {  	s23 =	simm.s32 $0x1B8B  }
0xa2: {  	_ =	swait.ge [sflag:s23], $0x1  }
0xa3: {  	[sflag:s23] =	ssyncset.done $0x0  }
0xa4: {  	s25 =	simm.s32 $0x1B8E;
	s24 =	sld [smem:$0x3FFE];
	[sflag:s23] =	ssyncadd.s32 $0xFFFFFFFF  }
0xa5: {  	s26 =	simm.s32 $execute0_lowered;
	[smem:$0x3FD2] =	sst s25  }
0xa6: {  	s4 =	sshll.u32 s26, $0x1;
	_ =	strace $0x80000046;
	[dreg:$0x1] =	wrdreg $0xFFFFFFFF  }
0xa7: {  	s28 =	simm.s32 $_size_execute0_lowered;
	s2 =	sadd.s32 s2, s4;
	[dreg:$0x0] =	wrdreg $0x0  }
0xa8: {  	s4 =	sshll.u32 s28, $0x1;
	[dreg:$0x2] =	wrdreg s2  }
0xa9: {  	[dreg:$0x3] =	wrdreg s4  }
0xaa: {  	[dreg:$0x4] =	wrdreg $0xC0  }
0xab: {  	_ =	task [dreg:s6], $0x5FFFF  }
0xac: {  	[dreg:$0x1] =	wrdreg $0xFFFFFFFF  }
0xad: {  	[dreg:$0x0] =	wrdreg $0x60  }
0xae: {  	[dreg:$0x2] =	wrdreg s24  }
0xaf: {  	[dreg:$0x3] =	wrdreg $0x0  }
0xb0: {  	[dreg:$0x4] =	wrdreg $0xF4280  }
0xb1: {  	[dreg:$0x5] =	wrdreg $0x9  }
0xb2: {  	_ =	task.clear_ibuf [dreg:s6], $0x6FFFF;
	_ =	strace $0x90000046  }
0xb3: {  	s29 =	simm.s32 $0x9;
	_ =	strace $0x80000048  }
0xb4: {  	_ =	swait.ge [sflag:s29], $0x1  }
0xb5: {  	[sflag:s29] =	ssyncadd.s32 $0xFFFFFFFF  }
0xb6: {  	_ =	strace $0x90000048  }
0xb7: {  	_ =	sfence  }
0xb8: {  	s30 =	sld [smem:$0x0];
	_ =	sdelay $0x2  }
0xb9: {  	s31 =	sshll.u32 s1, $0xD;
	s1 =	sshrl.u32 s1, $0x2  }
0xba: {  	s3 =	sand.u32 $0x4000, s31;
	s1 =	sadd.s32 s1, s30  }
0xbb: {  	s0 =	sor.u32 s3, s0;
	s1 =	sshll.u32 s1, $0x11  }
0xbc: {  	s0 =	sor.u32 s1, s0  }
0xbd: {  	s0 =	sadd.s32 $0x8F2B, s0  }
0xbe: {  	[sflag:s0] =	ssyncadd.remote.s32 $0x1  }
0xbf: {  	_ =	sfence.sel $0xFFFF  }
0xc0: {  	[dreg:$0x0] =	wrdreg $0xFFFFFFFF;
	(pc) =	sbr.abs _section_cstart, $3  }
0xc1: {  	[dreg:$0x1] =	wrdreg $0xFFFFFFFF  }
0xc2: {  	_ =	task.clear_ibuf [dreg:s6], $0x2FFFF;
	_ =	strace $0x9FFFFFFF  }
0xc3: {  	(tm) =	ssettm $0x7FFFFFFF  }
tec
execute0_lowered:
.L_overlay_start_1:
0x0: {  	(tag) =	ssettag $0x1  }
0x1: {  	s0 =	srdreg.scid;
	s10 =	stileid.u32  }
0x2: {  	s1 =	rddreg [dreg:$0x0];
	s0 =	sand.u32 $0x1, s0;
	s5 =	smul.u32 $0x190, s10  }
0x3: {  	s2 =	rddreg [dreg:$0x1];
	s6 =	smul.u32 $0x27100, s0  }
0x4: {  	s3 =	rddreg [dreg:$0x2];
	s4 =	simm.s32 $0x0;
	s25 =	smul.u32 $0x271, s0  }
0x5: {  	[smem:$0x7FF] =	sst s4;
	s11 =	sadd.s32 $0x20200, s1;
	s9 =	smul.u32 $0xF4240, s0  }
0x6: {  	_ =	strace $0x80000047;
	s26 =	ssub.s32 $0x2, s0;
	s8 =	smul.u32 $0x1E848, s0  }
0x7: {  	s12 =	smul.u32 $0x1388, s0;
	[dreg:$0x5] =	wrdreg s11;
	s7 =	sshrl.u32 s26, $0x1  }
0x8: {  	s5 =	sadd.s32 s5, s6;
	[dreg:$0x4] =	wrdreg s9;
	s9 =	sshrl.u32 s9, $0x3  }
0x9: {  	s6 =	ssub.s32 s26, s7;
	s28 =	sadd.s32 s11, s8;
	[dreg:$0x6] =	wrdreg s12  }
0xa: {  	s7 =	sadd.s32 $0x7EF40, s2;
	s0 =	sadd.s32 s11, s9;
	[dreg:$0x7] =	wrdreg s28  }
0xb: {  	[smem:$0x7E8] =	sst s7;
	s29 =	sadd.s32 $0x1388, s0  }
0xc: {  	s30 =	sadd.s32 $0x2710, s0;
	[dreg:$0x8] =	wrdreg s29  }
0xd: {  	s31 =	sadd.s32 $0x3A98, s0;
	[dreg:$0x9] =	wrdreg s30  }
0xe: {  	s8 =	sadd.s32 $0x4E20, s0;
	[dreg:$0xa] =	wrdreg s31  }
0xf: {  	s9 =	sadd.s32 $0x61A8, s0;
	[dreg:$0xb] =	wrdreg s8  }
0x10: {  	s11 =	sadd.s32 $0x7530, s0;
	[dreg:$0xc] =	wrdreg s9  }
0x11: {  	s13 =	sadd.s32 $0x88B8, s0;
	[dreg:$0xd] =	wrdreg s11  }
0x12: {  	s14 =	sadd.s32 $0x9C40, s0;
	[dreg:$0xe] =	wrdreg s13  }
0x13: {  	s15 =	sadd.s32 $0xAFC8, s0;
	[dreg:$0xf] =	wrdreg s14  }
0x14: {  	s16 =	sadd.s32 $0xC350, s0;
	[dreg:$0x10] =	wrdreg s15  }
0x15: {  	s17 =	sadd.s32 $0xD6D8, s0;
	[dreg:$0x11] =	wrdreg s16  }
0x16: {  	s18 =	sadd.s32 $0xEA60, s0;
	[dreg:$0x12] =	wrdreg s17  }
0x17: {  	s19 =	sadd.s32 $0xFDE8, s0;
	[dreg:$0x13] =	wrdreg s18  }
0x18: {  	s20 =	sadd.s32 $0x11170, s0;
	[dreg:$0x14] =	wrdreg s19  }
0x19: {  	s21 =	sadd.s32 $0x14C08, s0;
	[dreg:$0x16] =	wrdreg s20  }
0x1a: {  	s22 =	sadd.s32 $0x15F90, s0;
	[dreg:$0x17] =	wrdreg s21  }
0x1b: {  	s5 =	sshrl.u32 s5, $0x3;
	s23 =	sadd.s32 $0x17318, s0;
	[dreg:$0x18] =	wrdreg s22  }
0x1c: {  	s5 =	sadd.s32 s5, s1;
	s24 =	sadd.s32 $0x186A0, s0;
	[dreg:$0x19] =	wrdreg s23  }
0x1d: {  	s1 =	sadd.s32 s25, s1;
	s25 =	sadd.s32 $0x19A28, s0;
	[dreg:$0x1a] =	wrdreg s24  }
0x1e: {  	s26 =	sadd.s32 $0x1ADB0, s0;
	[dreg:$0x1b] =	wrdreg s25  }
0x1f: {  	s28 =	sadd.s32 $0x1C138, s0;
	[dreg:$0x1c] =	wrdreg s26  }
0x20: {  	s0 =	sadd.s32 $0x1D4C0, s0;
	[dreg:$0x1d] =	wrdreg s28  }
0x21: {  	s1 =	sadd.s32 $0x5D400, s1;
	[dreg:$0x1e] =	wrdreg s0  }
0x22: {  	s29 =	smax.u32 s6, $0x1;
	[dreg:$0x15] =	wrdreg s1  }
0x23: {  	s30 =	sadd.s32 $0x16400, s5;
	[dreg:$0x1f] =	wrdreg s29  }
0x24: {  	s31 =	sadd.s32 $0x2800, s5;
	[smem:$0x7D7] =	sst s30  }
0x25: {  	s6 =	sadd.s32 $0x88B80, s2;
	[smem:$0x7D8] =	sst s31  }
0x26: {  	s8 =	sadd.s32 $0x75300, s2;
	[smem:$0x7E7] =	sst s6  }
0x27: {  	s9 =	sadd.s32 $0x6B6C0, s2;
	[smem:$0x7E9] =	sst s8  }
0x28: {  	s11 =	sadd.s32 $0x61A80, s2;
	[smem:$0x7EA] =	sst s9  }
0x29: {  	s13 =	sadd.s32 $0x57E40, s2;
	[smem:$0x7EB] =	sst s11  }
0x2a: {  	s14 =	sadd.s32 $0x4E200, s2;
	[smem:$0x7EC] =	sst s13  }
0x2b: {  	p2 =	sgt.s32 s10, $0x1;
	s15 =	sadd.s32 $0x445C0, s2;
	[smem:$0x7ED] =	sst s14  }
0x2c: {  	p3 =	sgt.s32 s10, $0x5;
	s16 =	sadd.s32 $0x3A980, s2;
	[smem:$0x7EE] =	sst s15  }
0x2d: {  	p0 =	seq.s32 @p2 s10, $0x2;
	s17 =	sadd.s32 $0x30D40, s2;
	[smem:$0x7EF] =	sst s16  }
0x2e: {  	p1 =	por !p0, !p2;
	s18 =	sadd.s32 $0x27100, s2;
	[smem:$0x7F0] =	sst s17  }
0x2f: {  	p0 =	por p0, !p2;
	s19 =	sadd.s32 $0x1D4C0, s2;
	[smem:$0x7F1] =	sst s18  }
0x30: {  	s7 =	simm.s32 $0x1;
	s20 =	sadd.s32 $0x13880, s2;
	[smem:$0x7F2] =	sst s19  }
0x31: {  	s0 =	simm.s32 @!p1 $0x0;
	s21 =	sadd.s32 $0x9C40, s2;
	[smem:$0x7F3] =	sst s20  }
0x32: {  	s22 =	sadd.s32 $0x9C400, s2;
	s23 =	sadd.s32 $0xA6040, s2;
	[smem:$0x7F4] =	sst s21  }
0x33: {  	s24 =	sadd.s32 $0xAFC80, s2;
	s25 =	sadd.s32 $0xB98C0, s2;
	[smem:$0x7F5] =	sst s22  }
0x34: {  	s26 =	sadd.s32 $0xC3500, s2;
	s0 =	simm.s32 @p1 $0x1;
	[smem:$0x7F6] =	sst s23  }
0x35: {  	p1 =	seq.s32 @!p2 s10, $0x0;
	[smem:$0x7DA] =	sst s0;
	s0 =	simm.s32 @!p0 $0x0  }
0x36: {  	[smem:$0x7F7] =	sst s24;
	s0 =	simm.s32 @p0 $0x1;
	p0 =	por !p1, p2  }
0x37: {  	s28 =	sadd.s32 $0xCD140, s2;
	[smem:$0x7DB] =	sst s0;
	s0 =	simm.s32 @!p0 $0x0  }
0x38: {  	s1 =	sadd.s32 $0xC600, s5;
	[smem:$0x7F8] =	sst s25;
	s0 =	simm.s32 @p0 $0x1  }
0x39: {  	s5 =	sadd.s32 $0x927C0, s2;
	[smem:$0x7DC] =	sst s0;
	s0 =	simm.s32 @!p2 $0x0  }
0x3a: {  	[smem:$0x7F9] =	sst s26;
	p1 =	por p1, p2;
	s0 =	simm.s32 @p2 $0x1  }
0x3b: {  	p0 =	seq.s32 @p3 s10, $0x6;
	[smem:$0x7DD] =	sst s0;
	s0 =	simm.s32 @!p1 $0x0  }
0x3c: {  	[smem:$0x7FA] =	sst s28;
	s0 =	simm.s32 @p1 $0x1;
	p1 =	por !p0, !p3  }
0x3d: {  	s29 =	sadd.s32 $0xD6D80, s2;
	[smem:$0x7DE] =	sst s0;
	s0 =	simm.s32 @!p1 $0x0  }
0x3e: {  	s30 =	sadd.s32 $0xE09C0, s2;
	p0 =	por p0, !p3;
	s0 =	simm.s32 @p1 $0x1  }
0x3f: {  	p1 =	seq.s32 @!p3 s10, $0x4;
	[smem:$0x7DF] =	sst s0;
	s0 =	simm.s32 @!p0 $0x0  }
0x40: {  	s31 =	sadd.s32 $0xEA600, s2;
	s0 =	simm.s32 @p0 $0x1;
	p0 =	por !p1, p3  }
0x41: {  	s25 =	simm.s32 $0x191E8;
	[smem:$0x7E0] =	sst s0;
	s0 =	simm.s32 @!p0 $0x0  }
0x42: {  	s6 =	simm.s32 $0x193E8;
	[smem:$0x7D9] =	sst s1;
	s0 =	simm.s32 @p0 $0x1  }
0x43: {  	s13 =	simm.s32 $0x195E8;
	[smem:$0x7E1] =	sst s0;
	s0 =	simm.s32 @!p3 $0x0  }
0x44: {  	[smem:$0x7E6] =	sst s5;
	p0 =	por p1, p3;
	s0 =	simm.s32 @p3 $0x1  }
0x45: {  	s14 =	simm.s32 $0x50;
	[smem:$0x7E2] =	sst s0;
	s0 =	simm.s32 @!p0 $0x0  }
0x46: {  	[smem:$0x7FB] =	sst s29;
	s0 =	simm.s32 @p0 $0x1;
	p0 =	sgt.s32 s10, $0x7  }
0x47: {  	s15 =	simm.s32 $0x197E8;
	[smem:$0x7E3] =	sst s0;
	s0 =	simm.s32 @!p0 $0x0  }
0x48: {  	[smem:$0x7FC] =	sst s30;
	s0 =	simm.s32 @p0 $0x1;
	p0 =	sgt.s32 s10, $0x3  }
0x49: {  	s16 =	simm.s32 $0x198E8;
	[smem:$0x7E4] =	sst s0;
	s0 =	simm.s32 @!p0 $0x0  }
0x4a: {  	s17 =	simm.s32 $0x19868;
	[smem:$0x7FD] =	sst s31;
	s0 =	simm.s32 @p0 $0x1  }
0x4b: {  	v1 =	vimm.f32 $0.0e+00;
	v2 =	vimm.f32 $1.000000000e+00;
	v0 =	vmov s12;
	s18 =	simm.s32 $0x19968;
	s1 =	simm.s32 $0x0;
	[smem:$0x7E5] =	sst s0  }
.LBB2_1:
0x4c: {  	[smem:$0x7D6] =	sst s1;
	s0 =	simm.s32 $0x40;
	s1 =	simm.s32 $0x0  }
.LBB2_2:
0x4d: {  	p0 =	sne.s32 s0, $0x270C0;
	[tilespmem:s1+$0xF568] =	vst v1;
	s1 =	smov.u32 s0;
	s0 =	sadd.s32 $0x40, s0  }
.Ltmp0:
0x4e: {  	(pc) =	sbr.rel @p0 .LBB2_2-.Ltmp0, $2  }
0x4f: {  	_ =	sdelay $0x2  }
0x50: {  	s1 =	sshra.s32 s1, $0x2  }
0x51: {  	s0 =	sld [smem:$0x7E4];
	_ =	sdelay $0x2  }
0x52: {  	p0 =	seq.s32 s0, $0x1  }
.Ltmp1:
0x53: {  	_ = 	snop;
	(pc) =	sbr.rel @p0 .LBB2_7-.Ltmp1, $2  }
0x54: {  	_ =	sdelay $0x2  }
0x55: {  	[tilespmem:s1+$0xF568] =	vst v1  }
0x56: {  	s0 =	sld [smem:$0x7E5];
	_ =	sdelay $0x2  }
0x57: {  	p0 =	seq.s32 s0, $0x1  }
.Ltmp2:
0x58: {  	_ = 	snop;
	(pc) =	sbr.rel @p0 .LBB2_6-.Ltmp2, $1  }
0x59: {  	_ =	sdelay $0x3  }
0x5a: {  	s0 =	sld [smem:$0x7DA];
	_ =	sdelay $0x1  }
0x5b: {  	s1 =	sld [smem:$0x7F3]  }
0x5c: {  	p3 =	seq.s32 s0, $0x1  }
0x5d: {  	s0 =	simm.s32 @!p3 $0xF568  }
0x5e: {  	[spmem:s1] =	stream.linear.scatter @!p3 [tilespmem:s0], [sflag:$0x1], $0x9C40, $0x38;
	[tilespmem:$0x199E8] =	vst v63  }
0x5f: {  	s1 =	simm.s32 @!p3 $0x1  }
0x60: {  	_ =	swait.ge @!p3 [sflag:s1], $0x9C40  }
0x61: {  	s5 =	sld [smem:$0x7F7]  }
0x62: {  	[sflag:s1] =	ssyncset.done @!p3 $0x0  }
0x63: {  	[sflag:s1] =	ssyncadd.s32 @!p3 $0xFFFF63C0  }
0x64: {  	[spmem:s5] =	stream.linear.scatter @!p3 [tilespmem:s0], [sflag:$0x1], $0x9C40, $0x38;
	[tilespmem:$0x199E8] =	vst v63  }
0x65: {  	_ =	swait.ge @!p3 [sflag:s1], $0x9C40  }
0x66: {  	s23 =	sld [smem:$0x7DB]  }
0x67: {  	[sflag:s1] =	ssyncset.done @!p3 $0x0  }
0x68: {  	[sflag:s1] =	ssyncadd.s32 @!p3 $0xFFFF63C0;
	s1 =	sld [smem:$0x7F2]  }
0x69: {  	p5 =	seq.s32 s23, $0x1  }
0x6a: {  	s0 =	simm.s32 @!p5 $0xF568  }
0x6b: {  	[spmem:s1] =	stream.linear.scatter @!p5 [tilespmem:s0], [sflag:$0x1], $0x9C40, $0x38;
	[tilespmem:$0x199E8] =	vst v63  }
0x6c: {  	s1 =	simm.s32 @!p5 $0x1  }
0x6d: {  	_ =	swait.ge @!p5 [sflag:s1], $0x9C40  }
0x6e: {  	s5 =	sld [smem:$0x7F8]  }
0x6f: {  	[sflag:s1] =	ssyncset.done @!p5 $0x0  }
0x70: {  	[sflag:s1] =	ssyncadd.s32 @!p5 $0xFFFF63C0  }
0x71: {  	[spmem:s5] =	stream.linear.scatter @!p5 [tilespmem:s0], [sflag:$0x1], $0x9C40, $0x38;
	[tilespmem:$0x199E8] =	vst v63  }
0x72: {  	_ =	swait.ge @!p5 [sflag:s1], $0x9C40  }
0x73: {  	s24 =	sld [smem:$0x7DC];
	_ =	sdelay $0x2  }
0x74: {  	[sflag:s1] =	ssyncset.done @!p5 $0x0;
	p6 =	seq.s32 s24, $0x1  }
0x75: {  	[sflag:s1] =	ssyncadd.s32 @!p5 $0xFFFF63C0;
	s0 =	simm.s32 @!p6 $0xF568;
	s1 =	simm.s32 @!p6 $0x1  }
0x76: {  	[spmem:s2] =	stream.linear.scatter @!p6 [tilespmem:s0], [sflag:$0x1], $0x9C40, $0x38;
	[tilespmem:$0x199E8] =	vst v63  }
0x77: {  	_ =	swait.ge @!p6 [sflag:s1], $0x9C40  }
0x78: {  	s5 =	sld [smem:$0x7F5]  }
0x79: {  	[sflag:s1] =	ssyncset.done @!p6 $0x0  }
0x7a: {  	[sflag:s1] =	ssyncadd.s32 @!p6 $0xFFFF63C0  }
0x7b: {  	[spmem:s5] =	stream.linear.scatter @!p6 [tilespmem:s0], [sflag:$0x1], $0x9C40, $0x38;
	[tilespmem:$0x199E8] =	vst v63  }
0x7c: {  	_ =	swait.ge @!p6 [sflag:s1], $0x9C40  }
0x7d: {  	[sflag:s1] =	ssyncset.done @!p6 $0x0  }
0x7e: {  	[sflag:s1] =	ssyncadd.s32 @!p6 $0xFFFF63C0  }
0x7f: {  	[spmem:s3] =	stream.linear.scatter @!p6 [tilespmem:s0], [sflag:$0x1], $0x1388, $0x38;
	[tilespmem:$0x199E8] =	vst v63  }
0x80: {  	_ =	swait.ge @!p6 [sflag:s1], $0x1388  }
0x81: {  	s26 =	sld [smem:$0x7DE]  }
0x82: {  	[sflag:s1] =	ssyncset.done @!p6 $0x0  }
0x83: {  	[sflag:s1] =	ssyncadd.s32 @!p6 $0xFFFFEC78;
	s1 =	sld [smem:$0x7F4]  }
0x84: {  	p4 =	seq.s32 s26, $0x1  }
0x85: {  	s0 =	simm.s32 @!p4 $0xF568  }
0x86: {  	[spmem:s1] =	stream.linear.scatter @!p4 [tilespmem:s0], [sflag:$0x1], $0x9C40, $0x38;
	[tilespmem:$0x199E8] =	vst v63  }
0x87: {  	s1 =	simm.s32 @!p4 $0x1  }
0x88: {  	_ =	swait.ge @!p4 [sflag:s1], $0x9C40  }
0x89: {  	s5 =	sld [smem:$0x7F6]  }
0x8a: {  	p2 =	por @!p3 $0x0, $0x0;
	p0 =	por @!p5 $0x1, $0x1;
	[sflag:s1] =	ssyncset.done @!p4 $0x0  }
0x8b: {  	p0 =	por @!p3 p2, p2;
	[sflag:s1] =	ssyncadd.s32 @!p4 $0xFFFF63C0  }
0x8c: {  	[spmem:s5] =	stream.linear.scatter @!p4 [tilespmem:s0], [sflag:$0x1], $0x9C40, $0x38;
	[tilespmem:$0x199E8] =	vst v63  }
0x8d: {  	p1 =	por @!p5 $0x0, $0x0;
	s0 =	simm.s32 @!p0 $0x0  }
0x8e: {  	p5 =	por @!p5 $0x0, $0x0;
	s0 =	simm.s32 @p0 $0x1;
	p0 =	por @!p3 $0x1, $0x1  }
0x8f: {  	p1 =	por @!p3 p2, p2;
	p2 =	por @!p4 $0x1, $0x1;
	p5 =	por @!p3 p0, p0  }
0x90: {  	[smem:$0x7D0] =	sst s0;
	p3 =	por @!p6 $0x0, $0x0;
	s0 =	simm.s32 @!p5 $0x0  }
0x91: {  	p2 =	por @!p6 p3, p3;
	s0 =	simm.s32 @p5 $0x1  }
0x92: {  	[smem:$0x7D1] =	sst s0;
	s0 =	simm.s32 @!p2 $0x0  }
0x93: {  	s28 =	sld [smem:$0x7DD];
	s0 =	simm.s32 @p2 $0x1  }
0x94: {  	[smem:$0x7C8] =	sst s0  }
0x95: {  	s29 =	sld [smem:$0x7C8]  }
0x96: {  	p0 =	por @!p4 $0x0, $0x0  }
0x97: {  	p0 =	por @!p6 p3, p3  }
0x98: {  	p5 =	por p1, p1;
	p2 =	seq.s32 s28, $0x1;
	p6 =	seq.s32 s29, $0x1  }
0x99: {  	p5 =	por @!p2 p6, p6  }
0x9a: {  	p3 =	por p1, p1;
	s0 =	simm.s32 @!p5 $0x0  }
0x9b: {  	p3 =	por @!p2 p0, p0;
	s0 =	simm.s32 @p5 $0x1  }
0x9c: {  	p5 =	por p1, p1;
	[smem:$0x7C9] =	sst s0;
	s0 =	simm.s32 @!p3 $0x0  }
0x9d: {  	p5 =	por @!p2 p0, p0;
	s0 =	simm.s32 @p3 $0x1  }
0x9e: {  	p3 =	por p1, p1;
	[smem:$0x7CA] =	sst s0;
	s0 =	simm.s32 @!p5 $0x0  }
0x9f: {  	p3 =	por @!p2 p0, p0;
	s0 =	simm.s32 @p5 $0x1  }
0xa0: {  	p5 =	por p1, p1;
	[smem:$0x7CB] =	sst s0;
	s0 =	simm.s32 @!p3 $0x0  }
0xa1: {  	p5 =	por @!p2 p0, p0;
	s0 =	simm.s32 @p3 $0x1  }
0xa2: {  	p3 =	por p1, p1;
	[smem:$0x7CC] =	sst s0;
	s0 =	simm.s32 @!p5 $0x0  }
0xa3: {  	s30 =	sld [smem:$0x7D0];
	p3 =	por @!p2 p0, p0;
	s0 =	simm.s32 @p5 $0x1  }
0xa4: {  	p5 =	por p1, p1;
	[smem:$0x7CD] =	sst s0;
	s0 =	simm.s32 @!p3 $0x0  }
0xa5: {  	s31 =	sld [smem:$0x7D1];
	p5 =	por @!p2 p0, p0;
	s0 =	simm.s32 @p3 $0x1  }
0xa6: {  	p3 =	seq.s32 s30, $0x1;
	[smem:$0x7CE] =	sst s0;
	s0 =	simm.s32 @!p5 $0x0  }
0xa7: {  	p3 =	por @!p2 p0, p0;
	s0 =	simm.s32 @p5 $0x1  }
0xa8: {  	[smem:$0x7CF] =	sst s0;
	s0 =	simm.s32 @!p3 $0x0  }
0xa9: {  	s0 =	simm.s32 @p3 $0x1;
	p3 =	seq.s32 s31, $0x1  }
0xaa: {  	p3 =	por @!p2 p0, p0  }
0xab: {  	p5 =	por p1, p1;
	[smem:$0x7D0] =	sst s0;
	s0 =	simm.s32 @!p3 $0x0  }
0xac: {  	p5 =	por @!p2 p0, p0;
	s0 =	simm.s32 @p3 $0x1  }
0xad: {  	p3 =	por p1, p1;
	[smem:$0x7D1] =	sst s0;
	s0 =	simm.s32 @!p5 $0x0  }
0xae: {  	p3 =	por @!p2 p0, p0;
	_ =	swait.ge @!p4 [sflag:s1], $0x9C40;
	s0 =	simm.s32 @p5 $0x1  }
0xaf: {  	[smem:$0x7D2] =	sst s0;
	s0 =	simm.s32 @!p3 $0x0  }
0xb0: {  	s0 =	simm.s32 @p3 $0x1;
	p3 =	por p1, p1  }
0xb1: {  	p3 =	por @!p2 p0, p0  }
0xb2: {  	[smem:$0x7D3] =	sst s0;
	s0 =	simm.s32 @!p3 $0x0  }
.Ltmp3:
0xb3: {  	s0 =	simm.s32 @p3 $0x1;
	p3 =	por p1, p1;
	(pc) =	sbr.rel .LBB2_10-.Ltmp3, $4  }
0xb4: {  	p6 =	por p1, p1;
	p3 =	por @!p2 p0, p0  }
0xb5: {  	p6 =	por @!p2 p0, p0;
	[smem:$0x7D4] =	sst s0;
	s0 =	simm.s32 @!p3 $0x0  }
0xb6: {  	[sflag:s1] =	ssyncset.done @!p4 $0x0;
	p1 =	por @!p2 p0, p0;
	s0 =	simm.s32 @p3 $0x1  }
0xb7: {  	[sflag:s1] =	ssyncadd.s32 @!p4 $0xFFFF63C0;
	p2 =	por p1, p1;
	[smem:$0x7D5] =	sst s0  }
.LBB2_7:
0xb8: {  	p0 =	sgt.s32 s10, $0xB  }
.Ltmp4:
0xb9: {  	_ = 	snop;
	(pc) =	sbr.rel @p0 .LBB2_9-.Ltmp4, $1  }
0xba: {  	_ =	sdelay $0x3  }
0xbb: {  	p0 =	sgt.s32 s10, $0x9  }
0xbc: {  	s1 =	sld [smem:$0x7EB];
	p2 =	seq.s32 @p0 s10, $0xA  }
0xbd: {  	p1 =	por !p2, !p0  }
0xbe: {  	s0 =	simm.s32 @!p1 $0xF568  }
0xbf: {  	[spmem:s1] =	stream.linear.scatter @!p1 [tilespmem:s0], [sflag:$0x1], $0x9C40, $0x38;
	[tilespmem:$0x199E8] =	vst v63  }
0xc0: {  	s0 =	simm.s32 @!p1 $0x1  }
0xc1: {  	_ =	swait.ge @!p1 [sflag:s0], $0x9C40  }
0xc2: {  	s1 =	sld [smem:$0x7EA]  }
0xc3: {  	p2 =	por p2, !p0;
	[sflag:s0] =	ssyncset.done @!p1 $0x0  }
0xc4: {  	p3 =	seq.s32 @!p0 s10, $0x8;
	[sflag:s0] =	ssyncadd.s32 @!p1 $0xFFFF63C0;
	s0 =	simm.s32 @!p2 $0xF568  }
0xc5: {  	[spmem:s1] =	stream.linear.scatter @!p2 [tilespmem:s0], [sflag:$0x1], $0x9C40, $0x38;
	[tilespmem:$0x199E8] =	vst v63  }
0xc6: {  	s0 =	simm.s32 @!p2 $0x1;
	s1 =	simm.s32 @!p3 $0x0  }
0xc7: {  	_ =	swait.ge @!p2 [sflag:s0], $0x9C40;
	s1 =	simm.s32 @p3 $0x1  }
0xc8: {  	[smem:$0x7C5] =	sst s1  }
0xc9: {  	s1 =	sld [smem:$0x7ED]  }
0xca: {  	p3 =	por !p3, p0;
	[sflag:s0] =	ssyncset.done @!p2 $0x0  }
0xcb: {  	[sflag:s0] =	ssyncadd.s32 @!p2 $0xFFFF63C0;
	s0 =	simm.s32 @!p3 $0xF568  }
0xcc: {  	[spmem:s1] =	stream.linear.scatter @!p3 [tilespmem:s0], [sflag:$0x1], $0x9C40, $0x38;
	[tilespmem:$0x199E8] =	vst v63  }
0xcd: {  	s1 =	simm.s32 @!p3 $0x1  }
0xce: {  	_ =	swait.ge @!p3 [sflag:s1], $0x9C40  }
0xcf: {  	s5 =	sld [smem:$0x7FD]  }
0xd0: {  	[sflag:s1] =	ssyncset.done @!p3 $0x0;
	s24 =	sld [smem:$0x7C5]  }
0xd1: {  	p6 =	por @!p2 $0x0, $0x0;
	p5 =	por @!p1 $0x0, $0x0;
	[sflag:s1] =	ssyncadd.s32 @!p3 $0xFFFF63C0  }
0xd2: {  	[spmem:s5] =	stream.linear.scatter @!p3 [tilespmem:s0], [sflag:$0x1], $0x9C40, $0x38;
	[tilespmem:$0x199E8] =	vst v63  }
0xd3: {  	p6 =	por @!p1 p5, p5;
	p5 =	seq.s32 s24, $0x1  }
0xd4: {  	p5 =	por p5, p0  }
0xd5: {  	p4 =	por @!p2 $0x0, $0x0;
	s0 =	simm.s32 @!p5 $0x0  }
0xd6: {  	p2 =	por @!p2 $0x1, $0x1;
	s0 =	simm.s32 @p5 $0x1;
	p5 =	por @!p1 $0x0, $0x0  }
0xd7: {  	p2 =	por @!p1 p5, p5  }
0xd8: {  	[smem:$0x7C6] =	sst s0;
	s0 =	simm.s32 @!p2 $0x0  }
0xd9: {  	s0 =	simm.s32 @p2 $0x1;
	p2 =	por @!p1 $0x1, $0x1  }
0xda: {  	p4 =	por @!p1 p2, p2  }
0xdb: {  	[smem:$0x7CC] =	sst s0;
	s0 =	simm.s32 @!p4 $0x0  }
0xdc: {  	s26 =	sld [smem:$0x7C6];
	s0 =	simm.s32 @p4 $0x1  }
0xdd: {  	[smem:$0x7D4] =	sst s0  }
0xde: {  	_ =	swait.ge @!p3 [sflag:s1], $0x9C40  }
0xdf: {  	p5 =	seq.s32 s26, $0x1;
	s28 =	sld [smem:$0x7C6]  }
0xe0: {  	p5 =	por @!p5 $0x0, $0x0  }
0xe1: {  	p1 =	por @!p3 $0x0, $0x0;
	p2 =	por p5, p5  }
0xe2: {  	p2 =	por @!p3 p1, p1;
	p1 =	seq.s32 s28, $0x1  }
0xe3: {  	p4 =	por @!p1 $0x1, $0x1;
	p1 =	por @!p3 $0x0, $0x0  }
0xe4: {  	p4 =	por @!p3 p1, p1;
	p1 =	por @!p3 $0x1, $0x1  }
0xe5: {  	s29 =	sld [smem:$0x7C6];
	p5 =	por @!p3 p1, p1;
	p1 =	por p6, p6  }
0xe6: {  	[sflag:s1] =	ssyncset.done @!p3 $0x0;
	p1 =	por @!p0 p4, p4  }
0xe7: {  	[sflag:s1] =	ssyncadd.s32 @!p3 $0xFFFF63C0;
	s1 =	sld [smem:$0x7EC];
	s0 =	simm.s32 @!p1 $0x0  }
0xe8: {  	p4 =	seq.s32 s29, $0x1;
	s0 =	simm.s32 @p1 $0x1;
	p1 =	por p6, p6  }
0xe9: {  	[smem:$0x7CD] =	sst s0;
	s0 =	simm.s32 @!p4 $0xF568;
	p1 =	por @!p0 p2, p2  }
0xea: {  	[spmem:s1] =	stream.linear.scatter @!p4 [tilespmem:s0], [sflag:$0x1], $0x9C40, $0x38;
	[tilespmem:$0x199E8] =	vst v63  }
0xeb: {  	s0 =	simm.s32 @!p1 $0x0  }
0xec: {  	s30 =	sld [smem:$0x7CC];
	s0 =	simm.s32 @p1 $0x1;
	p1 =	por p6, p6  }
0xed: {  	p1 =	por @!p0 p2, p2  }
0xee: {  	[smem:$0x7CA] =	sst s0;
	s0 =	simm.s32 @!p1 $0x0  }
0xef: {  	s0 =	simm.s32 @p1 $0x1;
	p1 =	seq.s32 s30, $0x1  }
0xf0: {  	p1 =	por @!p0 p2, p2  }
0xf1: {  	p3 =	por p6, p6;
	[smem:$0x7CB] =	sst s0;
	s0 =	simm.s32 @!p1 $0x0  }
0xf2: {  	p3 =	por @!p0 p5, p5;
	s0 =	simm.s32 @p1 $0x1;
	p1 =	por p6, p6  }
0xf3: {  	p5 =	por p3, p3;
	p1 =	por @!p0 p2, p2  }
0xf4: {  	p3 =	por p6, p6;
	[smem:$0x7CC] =	sst s0;
	s0 =	simm.s32 @!p1 $0x0  }
0xf5: {  	p3 =	por @!p0 p2, p2;
	s0 =	simm.s32 @p1 $0x1;
	p1 =	por p6, p6  }
0xf6: {  	[smem:$0x7CE] =	sst s0;
	s0 =	simm.s32 @!p3 $0x0;
	p1 =	por @!p0 p2, p2  }
0xf7: {  	s0 =	simm.s32 @p3 $0x1;
	p3 =	por p6, p6;
	s1 =	simm.s32 @!p1 $0x0  }
0xf8: {  	s1 =	simm.s32 @p1 $0x1;
	p3 =	por @!p0 p2, p2  }
0xf9: {  	[smem:$0x7D0] =	sst s1;
	s1 =	simm.s32 @!p3 $0x0  }
0xfa: {  	s1 =	simm.s32 @p3 $0x1;
	p3 =	por p6, p6  }
0xfb: {  	[smem:$0x7CF] =	sst s0;
	s0 =	simm.s32 @!p4 $0x1;
	p3 =	por @!p0 p2, p2  }
0xfc: {  	p1 =	por p6, p6;
	[smem:$0x7C9] =	sst s1;
	s1 =	simm.s32 @!p3 $0x0  }
0xfd: {  	p1 =	por @!p0 p2, p2;
	_ =	swait.ge @!p4 [sflag:s0], $0x9C40;
	s1 =	simm.s32 @p3 $0x1  }
0xfe: {  	[smem:$0x7D1] =	sst s1;
	s1 =	simm.s32 @!p1 $0x0  }
0xff: {  	s31 =	sld [smem:$0x7D4];
	s1 =	simm.s32 @p1 $0x1;
	p1 =	por p6, p6  }
0x100: {  	p1 =	por @!p0 p2, p2  }
0x101: {  	[smem:$0x7D2] =	sst s1;
	s1 =	simm.s32 @!p1 $0x0  }
0x102: {  	s1 =	simm.s32 @p1 $0x1;
	p1 =	seq.s32 s31, $0x1  }
0x103: {  	p1 =	por @!p0 p2, p2  }
0x104: {  	[smem:$0x7D3] =	sst s1;
	s1 =	simm.s32 @!p1 $0x0  }
.Ltmp5:
0x105: {  	s1 =	simm.s32 @p1 $0x1;
	p1 =	por p6, p6;
	(pc) =	sbr.rel .LBB2_10-.Ltmp5, $4  }
0x106: {  	p1 =	por @!p0 p2, p2  }
0x107: {  	[sflag:s0] =	ssyncset.done @!p4 $0x0;
	[smem:$0x7D4] =	sst s1;
	s1 =	simm.s32 @!p1 $0x0  }
0x108: {  	[sflag:s0] =	ssyncadd.s32 @!p4 $0xFFFF63C0;
	p6 =	por @!p0 p2, p2;
	s1 =	simm.s32 @p1 $0x1  }
0x109: {  	p2 =	por p6, p6;
	p6 =	por p5, p5;
	[smem:$0x7D5] =	sst s1  }
.LBB2_6:
0x10a: {  	s0 =	sld [smem:$0x7DF];
	_ =	sdelay $0x1  }
0x10b: {  	s1 =	sld [smem:$0x7EF]  }
0x10c: {  	p2 =	seq.s32 s0, $0x1  }
0x10d: {  	s0 =	simm.s32 @!p2 $0xF568  }
0x10e: {  	[spmem:s1] =	stream.linear.scatter @!p2 [tilespmem:s0], [sflag:$0x1], $0x9C40, $0x38;
	[tilespmem:$0x199E8] =	vst v63  }
0x10f: {  	s1 =	simm.s32 @!p2 $0x1  }
0x110: {  	_ =	swait.ge @!p2 [sflag:s1], $0x9C40  }
0x111: {  	s5 =	sld [smem:$0x7FB]  }
0x112: {  	[sflag:s1] =	ssyncset.done @!p2 $0x0  }
0x113: {  	[sflag:s1] =	ssyncadd.s32 @!p2 $0xFFFF63C0  }
0x114: {  	[spmem:s5] =	stream.linear.scatter @!p2 [tilespmem:s0], [sflag:$0x1], $0x9C40, $0x38;
	[tilespmem:$0x199E8] =	vst v63  }
0x115: {  	_ =	swait.ge @!p2 [sflag:s1], $0x9C40  }
0x116: {  	s23 =	sld [smem:$0x7E0]  }
0x117: {  	[sflag:s1] =	ssyncset.done @!p2 $0x0  }
0x118: {  	[sflag:s1] =	ssyncadd.s32 @!p2 $0xFFFF63C0;
	s1 =	sld [smem:$0x7EE]  }
0x119: {  	p3 =	seq.s32 s23, $0x1  }
0x11a: {  	s0 =	simm.s32 @!p3 $0xF568  }
0x11b: {  	[spmem:s1] =	stream.linear.scatter @!p3 [tilespmem:s0], [sflag:$0x1], $0x9C40, $0x38;
	[tilespmem:$0x199E8] =	vst v63  }
0x11c: {  	s1 =	simm.s32 @!p3 $0x1  }
0x11d: {  	_ =	swait.ge @!p3 [sflag:s1], $0x9C40  }
0x11e: {  	s5 =	sld [smem:$0x7FC]  }
0x11f: {  	[sflag:s1] =	ssyncset.done @!p3 $0x0  }
0x120: {  	[sflag:s1] =	ssyncadd.s32 @!p3 $0xFFFF63C0  }
0x121: {  	[spmem:s5] =	stream.linear.scatter @!p3 [tilespmem:s0], [sflag:$0x1], $0x9C40, $0x38;
	[tilespmem:$0x199E8] =	vst v63  }
0x122: {  	_ =	swait.ge @!p3 [sflag:s1], $0x9C40  }
0x123: {  	s24 =	sld [smem:$0x7E1]  }
0x124: {  	[sflag:s1] =	ssyncset.done @!p3 $0x0  }
0x125: {  	[sflag:s1] =	ssyncadd.s32 @!p3 $0xFFFF63C0;
	s1 =	sld [smem:$0x7F1]  }
0x126: {  	p4 =	seq.s32 s24, $0x1  }
0x127: {  	s0 =	simm.s32 @!p4 $0xF568  }
0x128: {  	[spmem:s1] =	stream.linear.scatter @!p4 [tilespmem:s0], [sflag:$0x1], $0x9C40, $0x38;
	[tilespmem:$0x199E8] =	vst v63  }
0x129: {  	s1 =	simm.s32 @!p4 $0x1  }
0x12a: {  	_ =	swait.ge @!p4 [sflag:s1], $0x9C40  }
0x12b: {  	s5 =	sld [smem:$0x7F9]  }
0x12c: {  	[sflag:s1] =	ssyncset.done @!p4 $0x0  }
0x12d: {  	[sflag:s1] =	ssyncadd.s32 @!p4 $0xFFFF63C0  }
0x12e: {  	[spmem:s5] =	stream.linear.scatter @!p4 [tilespmem:s0], [sflag:$0x1], $0x9C40, $0x38;
	[tilespmem:$0x199E8] =	vst v63  }
0x12f: {  	_ =	swait.ge @!p4 [sflag:s1], $0x9C40  }
0x130: {  	s26 =	sld [smem:$0x7E3]  }
0x131: {  	p6 =	por @!p2 $0x0, $0x0;
	[sflag:s1] =	ssyncset.done @!p4 $0x0  }
0x132: {  	p0 =	por @!p3 $0x1, $0x1;
	[sflag:s1] =	ssyncadd.s32 @!p4 $0xFFFF63C0;
	s1 =	sld [smem:$0x7F0]  }
0x133: {  	p0 =	por @!p2 p6, p6;
	p1 =	seq.s32 s26, $0x1  }
0x134: {  	p5 =	por @!p3 $0x0, $0x0;
	s5 =	simm.s32 @!p0 $0x0;
	s0 =	simm.s32 @!p1 $0xF568  }
0x135: {  	[spmem:s1] =	stream.linear.scatter @!p1 [tilespmem:s0], [sflag:$0x1], $0x9C40, $0x38;
	[tilespmem:$0x199E8] =	vst v63  }
0x136: {  	s5 =	simm.s32 @p0 $0x1;
	p0 =	por @!p2 $0x1, $0x1;
	s1 =	simm.s32 @!p1 $0x1  }
0x137: {  	p5 =	por @!p2 p0, p0;
	_ =	swait.ge @!p1 [sflag:s1], $0x9C40  }
0x138: {  	[smem:$0x7CE] =	sst s5;
	s5 =	simm.s32 @!p5 $0x0  }
0x139: {  	s5 =	simm.s32 @p5 $0x1  }
0x13a: {  	p3 =	por @!p3 $0x0, $0x0;
	[smem:$0x7D3] =	sst s5  }
0x13b: {  	p3 =	por @!p2 p6, p6;
	s5 =	sld [smem:$0x7FA]  }
0x13c: {  	p2 =	por @!p4 $0x0, $0x0;
	[sflag:s1] =	ssyncset.done @!p1 $0x0;
	p5 =	por @!p1 $0x1, $0x1  }
0x13d: {  	[sflag:s1] =	ssyncadd.s32 @!p1 $0xFFFF63C0;
	p5 =	por @!p4 p2, p2  }
0x13e: {  	[spmem:s5] =	stream.linear.scatter @!p1 [tilespmem:s0], [sflag:$0x1], $0x9C40, $0x38;
	[tilespmem:$0x199E8] =	vst v63  }
0x13f: {  	s0 =	simm.s32 @!p5 $0x0  }
0x140: {  	s28 =	sld [smem:$0x7E2];
	s0 =	simm.s32 @p5 $0x1  }
0x141: {  	[smem:$0x7C7] =	sst s0  }
0x142: {  	p0 =	por @!p1 $0x0, $0x0;
	s29 =	sld [smem:$0x7C7]  }
0x143: {  	p6 =	por @!p4 $0x1, $0x1;
	p0 =	por @!p4 p2, p2;
	p2 =	por @!p1 $0x0, $0x0  }
0x144: {  	p2 =	por @!p4 p6, p6  }
0x145: {  	p4 =	seq.s32 s28, $0x1;
	p5 =	por p3, p3;
	p6 =	seq.s32 s29, $0x1  }
0x146: {  	p5 =	por @!p4 p6, p6  }
0x147: {  	p6 =	por p3, p3;
	s0 =	simm.s32 @!p5 $0x0  }
0x148: {  	p6 =	por @!p4 p2, p2;
	s0 =	simm.s32 @p5 $0x1  }
0x149: {  	p5 =	por p3, p3;
	[smem:$0x7CF] =	sst s0;
	s0 =	simm.s32 @!p6 $0x0  }
0x14a: {  	p5 =	por @!p4 p0, p0;
	s0 =	simm.s32 @p6 $0x1  }
0x14b: {  	p2 =	por p3, p3;
	[smem:$0x7D2] =	sst s0;
	s0 =	simm.s32 @!p5 $0x0  }
0x14c: {  	p2 =	por @!p4 p0, p0;
	s0 =	simm.s32 @p5 $0x1  }
0x14d: {  	p5 =	por p3, p3;
	[smem:$0x7CA] =	sst s0;
	s0 =	simm.s32 @!p2 $0x0  }
0x14e: {  	s30 =	sld [smem:$0x7CE];
	p5 =	por @!p4 p0, p0;
	s0 =	simm.s32 @p2 $0x1  }
0x14f: {  	p2 =	por p3, p3;
	[smem:$0x7CB] =	sst s0;
	s0 =	simm.s32 @!p5 $0x0  }
0x150: {  	p2 =	por @!p4 p0, p0;
	s0 =	simm.s32 @p5 $0x1  }
0x151: {  	[smem:$0x7CC] =	sst s0;
	s0 =	simm.s32 @!p2 $0x0  }
0x152: {  	s0 =	simm.s32 @p2 $0x1;
	p2 =	seq.s32 s30, $0x1  }
0x153: {  	p2 =	por @!p4 p0, p0  }
0x154: {  	[smem:$0x7CD] =	sst s0;
	s0 =	simm.s32 @!p2 $0x0  }
0x155: {  	s0 =	simm.s32 @p2 $0x1;
	p2 =	por p3, p3  }
0x156: {  	p2 =	por @!p4 p0, p0  }
0x157: {  	p5 =	por p3, p3;
	[smem:$0x7CE] =	sst s0;
	s0 =	simm.s32 @!p2 $0x0  }
0x158: {  	p5 =	por @!p4 p0, p0;
	s0 =	simm.s32 @p2 $0x1  }
0x159: {  	[smem:$0x7D0] =	sst s0;
	s0 =	simm.s32 @!p5 $0x0  }
0x15a: {  	s0 =	simm.s32 @p5 $0x1  }
0x15b: {  	[smem:$0x7C9] =	sst s0  }
0x15c: {  	_ =	swait.ge @!p1 [sflag:s1], $0x9C40  }
0x15d: {  	p2 =	por p3, p3;
	s31 =	sld [smem:$0x7D3]  }
0x15e: {  	p2 =	por @!p4 p0, p0  }
0x15f: {  	s0 =	simm.s32 @!p2 $0x0  }
0x160: {  	s0 =	simm.s32 @p2 $0x1;
	p2 =	seq.s32 s31, $0x1  }
0x161: {  	p2 =	por @!p4 p0, p0  }
0x162: {  	p5 =	por p3, p3;
	[smem:$0x7D1] =	sst s0;
	s0 =	simm.s32 @!p2 $0x0  }
0x163: {  	p5 =	por @!p4 p0, p0;
	s0 =	simm.s32 @p2 $0x1;
	p2 =	por p3, p3  }
.Ltmp6:
0x164: {  	[smem:$0x7D3] =	sst s0;
	s0 =	simm.s32 @!p5 $0x0;
	(pc) =	sbr.rel .LBB2_10-.Ltmp6, $4  }
0x165: {  	p6 =	por p3, p3;
	p2 =	por @!p4 p0, p0;
	s0 =	simm.s32 @p5 $0x1  }
0x166: {  	p6 =	por @!p4 p0, p0;
	[smem:$0x7D4] =	sst s0;
	s0 =	simm.s32 @!p2 $0x0  }
0x167: {  	[sflag:s1] =	ssyncset.done @!p1 $0x0;
	p3 =	por @!p4 p0, p0;
	s0 =	simm.s32 @p2 $0x1  }
0x168: {  	[sflag:s1] =	ssyncadd.s32 @!p1 $0xFFFF63C0;
	p2 =	por p3, p3;
	[smem:$0x7D5] =	sst s0  }
.LBB2_9:
0x169: {  	p0 =	sgt.s32 s10, $0xD  }
0x16a: {  	s1 =	sld [smem:$0x7E7];
	p2 =	seq.s32 @p0 s10, $0xE  }
0x16b: {  	p1 =	por !p2, !p0  }
0x16c: {  	s0 =	simm.s32 @!p1 $0xF568  }
0x16d: {  	[spmem:s1] =	stream.linear.scatter @!p1 [tilespmem:s0], [sflag:$0x1], $0x9C40, $0x38;
	[tilespmem:$0x199E8] =	vst v63  }
0x16e: {  	s0 =	simm.s32 @!p1 $0x1  }
0x16f: {  	_ =	swait.ge @!p1 [sflag:s0], $0x9C40  }
0x170: {  	s1 =	sld [smem:$0x7E6]  }
0x171: {  	p2 =	por p2, !p0;
	[sflag:s0] =	ssyncset.done @!p1 $0x0  }
0x172: {  	p3 =	seq.s32 @!p0 s10, $0xC;
	[sflag:s0] =	ssyncadd.s32 @!p1 $0xFFFF63C0;
	s0 =	simm.s32 @!p2 $0xF568  }
0x173: {  	[spmem:s1] =	stream.linear.scatter @!p2 [tilespmem:s0], [sflag:$0x1], $0x9C40, $0x38;
	[tilespmem:$0x199E8] =	vst v63  }
0x174: {  	s0 =	simm.s32 @!p2 $0x1;
	s1 =	simm.s32 @!p3 $0x0  }
0x175: {  	p5 =	por !p3, p0;
	_ =	swait.ge @!p2 [sflag:s0], $0x9C40;
	s1 =	simm.s32 @p3 $0x1  }
0x176: {  	p4 =	por @!p2 $0x1, $0x1;
	p6 =	por @!p1 $0x0, $0x0;
	[smem:$0x7C0] =	sst s1  }
0x177: {  	p4 =	por @!p1 p6, p6;
	p6 =	por @!p1 $0x0, $0x0;
	s1 =	sld [smem:$0x7E9]  }
0x178: {  	p3 =	por @!p2 $0x0, $0x0;
	[sflag:s0] =	ssyncset.done @!p2 $0x0;
	s9 =	sld [smem:$0x7C0]  }
0x179: {  	[sflag:s0] =	ssyncadd.s32 @!p2 $0xFFFF63C0;
	s0 =	simm.s32 @!p5 $0xF568;
	p2 =	por p3, p3  }
0x17a: {  	[spmem:s1] =	stream.linear.scatter @!p5 [tilespmem:s0], [sflag:$0x1], $0x9C40, $0x38;
	[tilespmem:$0x199E8] =	vst v63  }
0x17b: {  	p3 =	por @!p1 p6, p6;
	s0 =	simm.s32 @!p4 $0x0;
	p6 =	seq.s32 s9, $0x1  }
0x17c: {  	s0 =	simm.s32 @p4 $0x1;
	p4 =	por p6, p0;
	p6 =	por @!p1 $0x1, $0x1  }
0x17d: {  	p2 =	por @!p1 p6, p6  }
0x17e: {  	s1 =	simm.s32 @!p2 $0x0  }
0x17f: {  	[smem:$0x7CA] =	sst s0;
	p1 =	por @!p4 $0x0, $0x0;
	s1 =	simm.s32 @p2 $0x1  }
0x180: {  	p6 =	por p4, p4;
	[smem:$0x7C4] =	sst s1;
	s1 =	simm.s32 @!p4 $0x0  }
0x181: {  	p2 =	por p1, p1;
	s1 =	simm.s32 @p4 $0x1;
	p4 =	por @!p5 $0x0, $0x0  }
0x182: {  	p2 =	por @!p5 p4, p4;
	p4 =	por @!p6 $0x1, $0x1;
	p6 =	por @!p5 $0x0, $0x0  }
0x183: {  	s0 =	simm.s32 @!p5 $0x1;
	p4 =	por @!p5 p6, p6;
	p6 =	por @!p5 $0x1, $0x1  }
0x184: {  	_ =	swait.ge @!p5 [sflag:s0], $0x9C40;
	p1 =	por @!p5 p6, p6  }
0x185: {  	[smem:$0x7C2] =	sst s1;
	s1 =	simm.s32 @!p1 $0x0  }
0x186: {  	s11 =	sld [smem:$0x7C2];
	s1 =	simm.s32 @p1 $0x1;
	p1 =	por p3, p3  }
0x187: {  	[sflag:s0] =	ssyncset.done @!p5 $0x0;
	[smem:$0x7C1] =	sst s1;
	p1 =	por @!p0 p4, p4  }
0x188: {  	[sflag:s0] =	ssyncadd.s32 @!p5 $0xFFFF63C0;
	s1 =	sld [smem:$0x7E8];
	s0 =	simm.s32 @!p1 $0x0  }
0x189: {  	p4 =	seq.s32 s11, $0x1;
	s0 =	simm.s32 @p1 $0x1  }
0x18a: {  	[smem:$0x7CB] =	sst s0;
	s0 =	simm.s32 @!p4 $0xF568  }
0x18b: {  	[spmem:s1] =	stream.linear.scatter @!p4 [tilespmem:s0], [sflag:$0x1], $0x9C40, $0x38;
	[tilespmem:$0x199E8] =	vst v63  }
0x18c: {  	s0 =	simm.s32 @!p3 $0x0  }
0x18d: {  	s0 =	simm.s32 @p3 $0x1  }
0x18e: {  	[smem:$0x7CE] =	sst s0;
	s0 =	simm.s32 @!p3 $0x0  }
0x18f: {  	s0 =	simm.s32 @p3 $0x1  }
0x190: {  	[smem:$0x7D0] =	sst s0;
	s0 =	simm.s32 @!p3 $0x0  }
0x191: {  	s0 =	simm.s32 @p3 $0x1  }
0x192: {  	[smem:$0x7C9] =	sst s0;
	s0 =	simm.s32 @!p3 $0x0  }
0x193: {  	s0 =	simm.s32 @p3 $0x1  }
0x194: {  	[smem:$0x7D1] =	sst s0;
	s0 =	simm.s32 @!p3 $0x0  }
0x195: {  	s19 =	sld [smem:$0x7CA];
	s0 =	simm.s32 @p3 $0x1  }
0x196: {  	[smem:$0x7D2] =	sst s0;
	s0 =	simm.s32 @!p3 $0x0  }
0x197: {  	s12 =	sld [smem:$0x7C1];
	s0 =	simm.s32 @p3 $0x1  }
0x198: {  	[smem:$0x7D3] =	sst s0;
	s0 =	simm.s32 @!p3 $0x0  }
0x199: {  	p5 =	por p3, p3;
	p6 =	por p3, p3;
	s0 =	simm.s32 @p3 $0x1  }
0x19a: {  	p1 =	seq.s32 s12, $0x1;
	[smem:$0x7C3] =	sst s0;
	s0 =	simm.s32 @!p3 $0x0  }
0x19b: {  	p4 =	por p3, p3;
	s0 =	simm.s32 @p3 $0x1;
	p3 =	por @!p0 p1, p1  }
0x19c: {  	[smem:$0x7D4] =	sst s0;
	s0 =	simm.s32 @!p3 $0x0  }
0x19d: {  	s22 =	sld [smem:$0x7C2];
	s0 =	simm.s32 @p3 $0x1;
	p3 =	seq.s32 s19, $0x1  }
0x19e: {  	s20 =	sld [smem:$0x7CE];
	p3 =	por @!p0 p2, p2  }
0x19f: {  	p5 =	por @!p0 p2, p2;
	[smem:$0x7D5] =	sst s0;
	s0 =	simm.s32 @!p3 $0x0  }
0x1a0: {  	p4 =	por @!p0 p2, p2;
	s23 =	sld [smem:$0x7D0];
	s0 =	simm.s32 @p3 $0x1  }
0x1a1: {  	p6 =	por @!p0 p2, p2;
	[smem:$0x7CA] =	sst s0;
	s0 =	simm.s32 @!p4 $0x0  }
0x1a2: {  	s24 =	sld [smem:$0x7C9];
	p1 =	seq.s32 s20, $0x1;
	s0 =	simm.s32 @p4 $0x1  }
0x1a3: {  	p4 =	seq.s32 s23, $0x1;
	[smem:$0x7CC] =	sst s0;
	s0 =	simm.s32 @!p5 $0x0  }
0x1a4: {  	p1 =	por @!p0 p2, p2;
	p4 =	por @!p0 p2, p2;
	s0 =	simm.s32 @p5 $0x1  }
0x1a5: {  	s1 =	simm.s32 @!p4 $0x0;
	[smem:$0x7CD] =	sst s0;
	s0 =	simm.s32 @!p1 $0x0  }
0x1a6: {  	s1 =	simm.s32 @p4 $0x1;
	p4 =	seq.s32 s24, $0x1;
	s0 =	simm.s32 @p1 $0x1  }
0x1a7: {  	p4 =	por @!p0 p2, p2;
	[smem:$0x7CE] =	sst s0;
	s0 =	simm.s32 @!p6 $0x0  }
0x1a8: {  	[smem:$0x7D0] =	sst s1;
	s1 =	simm.s32 @!p4 $0x0;
	s0 =	simm.s32 @p6 $0x1  }
0x1a9: {  	p3 =	seq.s32 s22, $0x1;
	s1 =	simm.s32 @p4 $0x1;
	[smem:$0x7CF] =	sst s0  }
0x1aa: {  	s0 =	simm.s32 @!p3 $0x1;
	[smem:$0x7C9] =	sst s1  }
0x1ab: {  	s21 =	sld [smem:$0x7D3];
	_ =	swait.ge @!p3 [sflag:s0], $0x9C40  }
0x1ac: {  	s26 =	sld [smem:$0x7D1];
	_ =	sdelay $0x2  }
0x1ad: {  	s28 =	sld [smem:$0x7D2];
	p4 =	seq.s32 s26, $0x1  }
0x1ae: {  	p4 =	por @!p0 p2, p2  }
0x1af: {  	s1 =	simm.s32 @!p4 $0x0  }
0x1b0: {  	s1 =	simm.s32 @p4 $0x1;
	p4 =	seq.s32 s28, $0x1  }
0x1b1: {  	s30 =	sld [smem:$0x7D4];
	p4 =	por @!p0 p2, p2  }
0x1b2: {  	p1 =	seq.s32 s21, $0x1;
	[smem:$0x7D1] =	sst s1;
	s1 =	simm.s32 @!p4 $0x0  }
0x1b3: {  	p1 =	por @!p0 p2, p2;
	s1 =	simm.s32 @p4 $0x1  }
0x1b4: {  	[smem:$0x7D2] =	sst s1;
	s1 =	simm.s32 @!p1 $0x0  }
0x1b5: {  	s31 =	sld [smem:$0x7C4];
	s1 =	simm.s32 @p1 $0x1;
	p1 =	seq.s32 s30, $0x1  }
0x1b6: {  	s29 =	sld [smem:$0x7C3];
	p1 =	por @!p0 p2, p2  }
0x1b7: {  	[smem:$0x7D3] =	sst s1;
	s1 =	simm.s32 @!p1 $0x0  }
0x1b8: {  	[sflag:s0] =	ssyncset.done @!p3 $0x0;
	s1 =	simm.s32 @p1 $0x1;
	p1 =	seq.s32 s31, $0x1  }
0x1b9: {  	[sflag:s0] =	ssyncadd.s32 @!p3 $0xFFFF63C0;
	p6 =	seq.s32 s29, $0x1;
	p1 =	por @!p0 p2, p2  }
0x1ba: {  	p6 =	por @!p0 p2, p2;
	[smem:$0x7D4] =	sst s1;
	p2 =	por p1, p1  }
.LBB2_10:
0x1bb: {  	[tilespmem:$0x19968] =	vst v2  }
0x1bc: {  	[tilespmem:$0x19978] =	vst v2  }
0x1bd: {  	[tilespmem:$0x19988] =	vst v2  }
0x1be: {  	[tilespmem:$0x19998] =	vst v2  }
0x1bf: {  	[tilespmem:$0x199A8] =	vst v2  }
0x1c0: {  	[bflag:$0x0] =	sbarrier.arrive $0xFFFF  }
0x1c1: {  	s21 =	sld [smem:$0x7D9]  }
0x1c2: {  	s22 =	sld [smem:$0x7D8]  }
0x1c3: {  	s12 =	sld [smem:$0x7D7]  }
0x1c4: {  	s20 =	simm.s32 $0x0;
	s23 =	rddreg [dreg:$0x6]  }
.LBB2_11:
0x1c5: {  	[tilespmem:s25], [sflag:$0x1] =	stream.linear.gather [hbm4b:s21+s4], $0x190, $0x38;
	[tilespmem:$0x199E8] =	vst v63  }
0x1c6: {  	_ =	swait.ge [sflag:s7], $0x190  }
0x1c7: {  	[sflag:s7] =	ssyncset.done $0x0  }
0x1c8: {  	[sflag:s7] =	ssyncadd.s32 $0xFFFFFE70  }
0x1c9: {  	[tilespmem:s6], [sflag:$0x1] =	stream.linear.gather [hbm4b:s22+s4], $0x190, $0x38;
	[tilespmem:$0x199E8] =	vst v63  }
0x1ca: {  	_ =	swait.ge [sflag:s7], $0x190  }
0x1cb: {  	[sflag:s7] =	ssyncset.done $0x0  }
0x1cc: {  	[sflag:s7] =	ssyncadd.s32 $0xFFFFFE70  }
0x1cd: {  	[tilespmem:s13], [sflag:$0x1] =	stream.linear.gather [hbm4b:s12+s4], $0x190, $0x38;
	[tilespmem:$0x199E8] =	vst v63  }
0x1ce: {  	_ =	swait.ge [sflag:s7], $0x190  }
0x1cf: {  	[sflag:s7] =	ssyncset.done $0x0  }
0x1d0: {  	[sflag:s7] =	ssyncadd.s32 $0xFFFFFE70  }
0x1d1: {  	v4 =	vld [tilespmem:$0x193E8]  }
0x1d2: {  	v5 =	vld [tilespmem:$0x191E8]  }
0x1d3: {  	v6 =	vld [tilespmem:$0x193F8]  }
0x1d4: {  	v7 =	vld [tilespmem:$0x195E8]  }
0x1d5: {  	v11 =	vld [tilespmem:$0x195F8]  }
0x1d6: {  	v33 =	vld [tilespmem:$0x19608]  }
0x1d7: {  	v42 =	vld [tilespmem:$0x19618]  }
0x1d8: {  	v46 =	vld [tilespmem:$0x19628]  }
0x1d9: {  	v9 =	vld [tilespmem:$0x191F8];
	[tilespmem:$0x198E8] =	vst v7  }
0x1da: {  	v10 =	vld [tilespmem:$0x19408];
	[tilespmem:$0x198F8] =	vst v11  }
0x1db: {  	v3 =	vmov s23;
	v12 =	vld [tilespmem:$0x19208];
	[tilespmem:$0x19908] =	vst v33  }
0x1dc: {  	v31 =	vld [tilespmem:$0x19418];
	v8 =	vsub.s32 v4, v3;
	[tilespmem:$0x19918] =	vst v42  }
0x1dd: {  	s24 =	ssub.s32 s20, s23;
	v35 =	vld [tilespmem:$0x19218];
	v4 =	vsub.s32 v4, v0;
	[tilespmem:$0x19928] =	vst v46;
	v8 =	vmul.u32 $0xC8, v8  }
0x1de: {  	v37 =	vld [tilespmem:$0x19428];
	v5 =	vadd.s32 s24, v5;
	v29 =	vsub.s32 v6, v3;
	v36 =	vsub.s32 v6, v0;
	[tilespmem:$0x19868] =	vst v4  }
0x1df: {  	v34 =	vsub.s32 v10, v3;
	v30 =	vmul.u32 $0xC8, v29;
	[tilespmem:$0x19878] =	vst v36;
	v5 =	vadd.s32 v8, v5  }
0x1e0: {  	v40 =	vld [tilespmem:$0x19228];
	v32 =	vadd.s32 s24, v9;
	v41 =	vsub.s32 v10, v0;
	[tilespmem:$0x197E8] =	vst v5;
	v5 =	vmul.u32 $0xC8, v34  }
0x1e1: {  	v38 =	vadd.s32 s24, v12;
	v39 =	vsub.s32 v31, v3;
	[tilespmem:$0x19888] =	vst v41;
	v4 =	vadd.s32 v30, v32  }
0x1e2: {  	v45 =	vsub.s32 v31, v0;
	[tilespmem:$0x197F8] =	vst v4;
	v4 =	vadd.s32 v5, v38;
	v5 =	vmul.u32 $0xC8, v39  }
0x1e3: {  	v43 =	vadd.s32 s24, v35;
	v44 =	vsub.s32 v37, v3;
	[tilespmem:$0x19898] =	vst v45  }
0x1e4: {  	v48 =	vsub.s32 v37, v0;
	[tilespmem:$0x19808] =	vst v4;
	v4 =	vadd.s32 v5, v43;
	v5 =	vmul.u32 $0xC8, v44  }
0x1e5: {  	v47 =	vadd.s32 s24, v40;
	[tilespmem:$0x198A8] =	vst v48  }
0x1e6: {  	[tilespmem:$0x19818] =	vst v4;
	v4 =	vadd.s32 v5, v47  }
0x1e7: {  	[tilespmem:$0x19828] =	vst v4  }
0x1e8: {  	[spmem:s2] =	stream.indirect.scatter.add.f32 [tilespmem:s16], [sflag:$0x1], $0x1, s15, s14, $0xb8;
	[tilespmem:$0x199E8] =	vst v63  }
0x1e9: {  	_ =	swait.ge [sflag:s7], $0x50  }
0x1ea: {  	[sflag:s7] =	ssyncset.done $0x0  }
0x1eb: {  	[sflag:s7] =	ssyncadd.s32 $0xFFFFFFB0  }
0x1ec: {  	[spmem:s3] =	stream.indirect.scatter.add.f32 [tilespmem:s18], [sflag:$0x1], $0x1, s17, s14, $0xb8;
	[tilespmem:$0x199E8] =	vst v63  }
0x1ed: {  	_ =	swait.ge [sflag:s7], $0x50  }
0x1ee: {  	[sflag:s7] =	ssyncset.done $0x0  }
0x1ef: {  	[sflag:s7] =	ssyncadd.s32 $0xFFFFFFB0  }
0x1f0: {  	v49 =	vld [tilespmem:$0x19438]  }
0x1f1: {  	v50 =	vld [tilespmem:$0x19238]  }
0x1f2: {  	v51 =	vld [tilespmem:$0x19448]  }
0x1f3: {  	v52 =	vld [tilespmem:$0x19638]  }
0x1f4: {  	v56 =	vld [tilespmem:$0x19648]  }
0x1f5: {  	v62 =	vld [tilespmem:$0x19658]  }
0x1f6: {  	v20 =	vld [tilespmem:$0x19668]  }
0x1f7: {  	v24 =	vld [tilespmem:$0x19678]  }
0x1f8: {  	v54 =	vld [tilespmem:$0x19248];
	[tilespmem:$0x198E8] =	vst v52  }
0x1f9: {  	v55 =	vld [tilespmem:$0x19458];
	[tilespmem:$0x198F8] =	vst v56  }
0x1fa: {  	v58 =	vld [tilespmem:$0x19258];
	[tilespmem:$0x19908] =	vst v62  }
0x1fb: {  	v60 =	vld [tilespmem:$0x19468];
	v53 =	vsub.s32 v49, v3;
	[tilespmem:$0x19918] =	vst v20  }
0x1fc: {  	v13 =	vld [tilespmem:$0x19268];
	v4 =	vsub.s32 v49, v0;
	[tilespmem:$0x19928] =	vst v24;
	v8 =	vmul.u32 $0xC8, v53  }
0x1fd: {  	v15 =	vld [tilespmem:$0x19478];
	v5 =	vadd.s32 s24, v50;
	v57 =	vsub.s32 v51, v3;
	v14 =	vsub.s32 v51, v0;
	[tilespmem:$0x19868] =	vst v4  }
0x1fe: {  	v63 =	vsub.s32 v55, v3;
	v59 =	vmul.u32 $0xC8, v57;
	[tilespmem:$0x19878] =	vst v14;
	v5 =	vadd.s32 v8, v5  }
0x1ff: {  	v18 =	vld [tilespmem:$0x19278];
	v61 =	vadd.s32 s24, v54;
	v19 =	vsub.s32 v55, v0;
	[tilespmem:$0x197E8] =	vst v5;
	v5 =	vmul.u32 $0xC8, v63  }
0x200: {  	v16 =	vadd.s32 s24, v58;
	v17 =	vsub.s32 v60, v3;
	[tilespmem:$0x19888] =	vst v19;
	v4 =	vadd.s32 v59, v61  }
0x201: {  	v23 =	vsub.s32 v60, v0;
	[tilespmem:$0x197F8] =	vst v4;
	v4 =	vadd.s32 v5, v16;
	v5 =	vmul.u32 $0xC8, v17  }
0x202: {  	v21 =	vadd.s32 s24, v13;
	v22 =	vsub.s32 v15, v3;
	[tilespmem:$0x19898] =	vst v23  }
0x203: {  	v26 =	vsub.s32 v15, v0;
	[tilespmem:$0x19808] =	vst v4;
	v4 =	vadd.s32 v5, v21;
	v5 =	vmul.u32 $0xC8, v22  }
0x204: {  	v25 =	vadd.s32 s24, v18;
	[tilespmem:$0x198A8] =	vst v26  }
0x205: {  	[tilespmem:$0x19818] =	vst v4;
	v4 =	vadd.s32 v5, v25  }
0x206: {  	[tilespmem:$0x19828] =	vst v4  }
0x207: {  	[spmem:s2] =	stream.indirect.scatter.add.f32 [tilespmem:s16], [sflag:$0x1], $0x1, s15, s14, $0xb8;
	[tilespmem:$0x199E8] =	vst v63  }
0x208: {  	_ =	swait.ge [sflag:s7], $0x50  }
0x209: {  	[sflag:s7] =	ssyncset.done $0x0  }
0x20a: {  	[sflag:s7] =	ssyncadd.s32 $0xFFFFFFB0  }
0x20b: {  	[spmem:s3] =	stream.indirect.scatter.add.f32 [tilespmem:s18], [sflag:$0x1], $0x1, s17, s14, $0xb8;
	[tilespmem:$0x199E8] =	vst v63  }
0x20c: {  	_ =	swait.ge [sflag:s7], $0x50  }
0x20d: {  	[sflag:s7] =	ssyncset.done $0x0  }
0x20e: {  	[sflag:s7] =	ssyncadd.s32 $0xFFFFFFB0  }
0x20f: {  	v27 =	vld [tilespmem:$0x19488]  }
0x210: {  	v28 =	vld [tilespmem:$0x19288]  }
0x211: {  	v29 =	vld [tilespmem:$0x19498]  }
0x212: {  	v30 =	vld [tilespmem:$0x19688]  }
0x213: {  	v34 =	vld [tilespmem:$0x19698]  }
0x214: {  	v40 =	vld [tilespmem:$0x196A8]  }
0x215: {  	v49 =	vld [tilespmem:$0x196B8]  }
0x216: {  	v53 =	vld [tilespmem:$0x196C8]  }
0x217: {  	v32 =	vld [tilespmem:$0x19298];
	[tilespmem:$0x198E8] =	vst v30  }
0x218: {  	v33 =	vld [tilespmem:$0x194A8];
	[tilespmem:$0x198F8] =	vst v34  }
0x219: {  	v36 =	vld [tilespmem:$0x192A8];
	[tilespmem:$0x19908] =	vst v40  }
0x21a: {  	v38 =	vld [tilespmem:$0x194B8];
	v31 =	vsub.s32 v27, v3;
	[tilespmem:$0x19918] =	vst v49  }
0x21b: {  	v42 =	vld [tilespmem:$0x192B8];
	v4 =	vsub.s32 v27, v0;
	[tilespmem:$0x19928] =	vst v53;
	v8 =	vmul.u32 $0xC8, v31  }
0x21c: {  	v44 =	vld [tilespmem:$0x194C8];
	v5 =	vadd.s32 s24, v28;
	v35 =	vsub.s32 v29, v3;
	v43 =	vsub.s32 v29, v0;
	[tilespmem:$0x19868] =	vst v4  }
0x21d: {  	v41 =	vsub.s32 v33, v3;
	v37 =	vmul.u32 $0xC8, v35;
	[tilespmem:$0x19878] =	vst v43;
	v5 =	vadd.s32 v8, v5  }
0x21e: {  	v47 =	vld [tilespmem:$0x192C8];
	v39 =	vadd.s32 s24, v32;
	v48 =	vsub.s32 v33, v0;
	[tilespmem:$0x197E8] =	vst v5;
	v5 =	vmul.u32 $0xC8, v41  }
0x21f: {  	v45 =	vadd.s32 s24, v36;
	v46 =	vsub.s32 v38, v3;
	[tilespmem:$0x19888] =	vst v48;
	v4 =	vadd.s32 v37, v39  }
0x220: {  	v52 =	vsub.s32 v38, v0;
	[tilespmem:$0x197F8] =	vst v4;
	v4 =	vadd.s32 v5, v45;
	v5 =	vmul.u32 $0xC8, v46  }
0x221: {  	v50 =	vadd.s32 s24, v42;
	v51 =	vsub.s32 v44, v3;
	[tilespmem:$0x19898] =	vst v52  }
0x222: {  	v55 =	vsub.s32 v44, v0;
	[tilespmem:$0x19808] =	vst v4;
	v4 =	vadd.s32 v5, v50;
	v5 =	vmul.u32 $0xC8, v51  }
0x223: {  	v54 =	vadd.s32 s24, v47;
	[tilespmem:$0x198A8] =	vst v55  }
0x224: {  	[tilespmem:$0x19818] =	vst v4;
	v4 =	vadd.s32 v5, v54  }
0x225: {  	[tilespmem:$0x19828] =	vst v4  }
0x226: {  	[spmem:s2] =	stream.indirect.scatter.add.f32 [tilespmem:s16], [sflag:$0x1], $0x1, s15, s14, $0xb8;
	[tilespmem:$0x199E8] =	vst v63  }
0x227: {  	_ =	swait.ge [sflag:s7], $0x50  }
0x228: {  	[sflag:s7] =	ssyncset.done $0x0  }
0x229: {  	[sflag:s7] =	ssyncadd.s32 $0xFFFFFFB0  }
0x22a: {  	[spmem:s3] =	stream.indirect.scatter.add.f32 [tilespmem:s18], [sflag:$0x1], $0x1, s17, s14, $0xb8;
	[tilespmem:$0x199E8] =	vst v63  }
0x22b: {  	_ =	swait.ge [sflag:s7], $0x50  }
0x22c: {  	[sflag:s7] =	ssyncset.done $0x0  }
0x22d: {  	[sflag:s7] =	ssyncadd.s32 $0xFFFFFFB0  }
0x22e: {  	v56 =	vld [tilespmem:$0x194D8]  }
0x22f: {  	v57 =	vld [tilespmem:$0x192D8]  }
0x230: {  	v58 =	vld [tilespmem:$0x194E8]  }
0x231: {  	v59 =	vld [tilespmem:$0x196D8]  }
0x232: {  	v63 =	vld [tilespmem:$0x196E8]  }
0x233: {  	v21 =	vld [tilespmem:$0x196F8]  }
0x234: {  	v30 =	vld [tilespmem:$0x19708]  }
0x235: {  	v34 =	vld [tilespmem:$0x19718]  }
0x236: {  	v61 =	vld [tilespmem:$0x192E8];
	[tilespmem:$0x198E8] =	vst v59  }
0x237: {  	v62 =	vld [tilespmem:$0x194F8];
	[tilespmem:$0x198F8] =	vst v63  }
0x238: {  	v17 =	vld [tilespmem:$0x192F8];
	[tilespmem:$0x19908] =	vst v21  }
0x239: {  	v19 =	vld [tilespmem:$0x19508];
	v60 =	vsub.s32 v56, v3;
	[tilespmem:$0x19918] =	vst v30  }
0x23a: {  	v23 =	vld [tilespmem:$0x19308];
	v4 =	vsub.s32 v56, v0;
	[tilespmem:$0x19928] =	vst v34;
	v8 =	vmul.u32 $0xC8, v60  }
0x23b: {  	v25 =	vld [tilespmem:$0x19518];
	v5 =	vadd.s32 s24, v57;
	v16 =	vsub.s32 v58, v3;
	v24 =	vsub.s32 v58, v0;
	[tilespmem:$0x19868] =	vst v4  }
0x23c: {  	v22 =	vsub.s32 v62, v3;
	v18 =	vmul.u32 $0xC8, v16;
	[tilespmem:$0x19878] =	vst v24;
	v5 =	vadd.s32 v8, v5  }
0x23d: {  	v28 =	vld [tilespmem:$0x19318];
	v20 =	vadd.s32 s24, v61;
	v29 =	vsub.s32 v62, v0;
	[tilespmem:$0x197E8] =	vst v5;
	v5 =	vmul.u32 $0xC8, v22  }
0x23e: {  	v26 =	vadd.s32 s24, v17;
	v27 =	vsub.s32 v19, v3;
	[tilespmem:$0x19888] =	vst v29;
	v4 =	vadd.s32 v18, v20  }
0x23f: {  	v33 =	vsub.s32 v19, v0;
	[tilespmem:$0x197F8] =	vst v4;
	v4 =	vadd.s32 v5, v26;
	v5 =	vmul.u32 $0xC8, v27  }
0x240: {  	v31 =	vadd.s32 s24, v23;
	v32 =	vsub.s32 v25, v3;
	[tilespmem:$0x19898] =	vst v33  }
0x241: {  	v36 =	vsub.s32 v25, v0;
	[tilespmem:$0x19808] =	vst v4;
	v4 =	vadd.s32 v5, v31;
	v5 =	vmul.u32 $0xC8, v32  }
0x242: {  	v35 =	vadd.s32 s24, v28;
	[tilespmem:$0x198A8] =	vst v36  }
0x243: {  	[tilespmem:$0x19818] =	vst v4;
	v4 =	vadd.s32 v5, v35  }
0x244: {  	[tilespmem:$0x19828] =	vst v4  }
0x245: {  	[spmem:s2] =	stream.indirect.scatter.add.f32 [tilespmem:s16], [sflag:$0x1], $0x1, s15, s14, $0xb8;
	[tilespmem:$0x199E8] =	vst v63  }
0x246: {  	_ =	swait.ge [sflag:s7], $0x50  }
0x247: {  	[sflag:s7] =	ssyncset.done $0x0  }
0x248: {  	[sflag:s7] =	ssyncadd.s32 $0xFFFFFFB0  }
0x249: {  	[spmem:s3] =	stream.indirect.scatter.add.f32 [tilespmem:s18], [sflag:$0x1], $0x1, s17, s14, $0xb8;
	[tilespmem:$0x199E8] =	vst v63  }
0x24a: {  	_ =	swait.ge [sflag:s7], $0x50  }
0x24b: {  	[sflag:s7] =	ssyncset.done $0x0  }
0x24c: {  	[sflag:s7] =	ssyncadd.s32 $0xFFFFFFB0  }
0x24d: {  	v37 =	vld [tilespmem:$0x19528]  }
0x24e: {  	v38 =	vld [tilespmem:$0x19328]  }
0x24f: {  	v39 =	vld [tilespmem:$0x19538]  }
0x250: {  	v40 =	vld [tilespmem:$0x19728]  }
0x251: {  	v44 =	vld [tilespmem:$0x19738]  }
0x252: {  	v50 =	vld [tilespmem:$0x19748]  }
0x253: {  	v59 =	vld [tilespmem:$0x19758]  }
0x254: {  	v62 =	vld [tilespmem:$0x19768]  }
0x255: {  	v43 =	vld [tilespmem:$0x19548];
	[tilespmem:$0x198E8] =	vst v40  }
0x256: {  	v48 =	vld [tilespmem:$0x19558];
	[tilespmem:$0x198F8] =	vst v44  }
0x257: {  	v54 =	vld [tilespmem:$0x19568];
	[tilespmem:$0x19908] =	vst v50  }
0x258: {  	v42 =	vld [tilespmem:$0x19338];
	[tilespmem:$0x19918] =	vst v59  }
0x259: {  	v57 =	vld [tilespmem:$0x19368];
	v41 =	vsub.s32 v37, v3;
	v5 =	vadd.s32 s24, v38;
	v4 =	vsub.s32 v37, v0;
	[tilespmem:$0x19928] =	vst v62  }
0x25a: {  	v46 =	vld [tilespmem:$0x19348];
	v45 =	vsub.s32 v39, v3;
	v51 =	vsub.s32 v43, v3;
	v53 =	vsub.s32 v39, v0;
	[tilespmem:$0x19868] =	vst v4  }
0x25b: {  	v56 =	vsub.s32 v48, v3;
	v58 =	vsub.s32 v43, v0;
	v8 =	vmul.u32 $0xC8, v41;
	[tilespmem:$0x19878] =	vst v53  }
0x25c: {  	v52 =	vld [tilespmem:$0x19358];
	v3 =	vsub.s32 v54, v3;
	v61 =	vsub.s32 v48, v0;
	v47 =	vmul.u32 $0xC8, v45;
	[tilespmem:$0x19888] =	vst v58  }
0x25d: {  	v49 =	vadd.s32 s24, v42;
	v3 =	vmul.u32 $0xC8, v3;
	[tilespmem:$0x19898] =	vst v61;
	v5 =	vadd.s32 v8, v5  }
0x25e: {  	v63 =	vadd.s32 s24, v57;
	v4 =	vadd.s32 v47, v49;
	[tilespmem:$0x197E8] =	vst v5;
	v5 =	vmul.u32 $0xC8, v51  }
0x25f: {  	v55 =	vadd.s32 s24, v46;
	v3 =	vadd.s32 v3, v63;
	[tilespmem:$0x197F8] =	vst v4  }
0x260: {  	[tilespmem:$0x19828] =	vst v3;
	v3 =	vsub.s32 v54, v0;
	v4 =	vadd.s32 v5, v55;
	v5 =	vmul.u32 $0xC8, v56  }
0x261: {  	v60 =	vadd.s32 s24, v52;
	[tilespmem:$0x198A8] =	vst v3  }
0x262: {  	[tilespmem:$0x19808] =	vst v4;
	v4 =	vadd.s32 v5, v60  }
0x263: {  	[tilespmem:$0x19818] =	vst v4  }
0x264: {  	[spmem:s2] =	stream.indirect.scatter.add.f32 [tilespmem:s16], [sflag:$0x1], $0x1, s15, s14, $0xb8;
	[tilespmem:$0x199E8] =	vst v63  }
0x265: {  	_ =	swait.ge [sflag:s7], $0x50  }
0x266: {  	p0 =	sne.s32 s20, $0xEA600;
	[sflag:s7] =	ssyncset.done $0x0  }
.Ltmp7:
0x267: {  	[sflag:s7] =	ssyncadd.s32 $0xFFFFFFB0;
	(pc) =	sbr.rel @p0 .LBB2_11-.Ltmp7, $4  }
0x268: {  	[spmem:s3] =	stream.indirect.scatter.add.f32 [tilespmem:s18], [sflag:$0x1], $0x1, s17, s14, $0xb8;
	[tilespmem:$0x199E8] =	vst v63  }
0x269: {  	s23 =	sadd.s32 $0xC8, s23;
	_ =	swait.ge [sflag:s7], $0x50  }
0x26a: {  	s21 =	sadd.s32 $0x320, s21;
	s20 =	sadd.s32 $0x9C40, s20;
	[sflag:s7] =	ssyncset.done $0x0  }
0x26b: {  	s22 =	sadd.s32 $0x320, s22;
	s12 =	sadd.s32 $0x320, s12;
	[sflag:s7] =	ssyncadd.s32 $0xFFFFFFB0  }
0x26c: {  	p0 =	sne.s32 s10, $0x0  }
0x26d: {  	[bflag:$0x0] =	sbarrier.arrive $0xFFFF;
	s0 =	simm.s32 @!p0 $0xF568;
	s1 =	simm.s32 @!p0 $0x1  }
0x26e: {  	[tilespmem:s0], [sflag:$0x1] =	stream.linear.gather @!p0 [spmem:s2], $0x9C40, $0x38;
	[tilespmem:$0x199E8] =	vst v63  }
0x26f: {  	_ =	swait.ge @!p0 [sflag:s1], $0x9C40  }
0x270: {  	[sflag:s1] =	ssyncset.done @!p0 $0x0  }
0x271: {  	s5 =	simm.s32 @!p0 $0x0;
	s8 =	rddreg [dreg:$0x7];
	[sflag:s1] =	ssyncadd.s32 @!p0 $0xFFFF63C0  }
0x272: {  	[hbm4b:s8+s5] =	stream.linear.scatter @!p0 [tilespmem:s0], [sflag:$0x1], $0x9C40, $0x38;
	[tilespmem:$0x199E8] =	vst v63  }
0x273: {  	_ =	swait.ge @!p0 [sflag:s1], $0x9C40  }
0x274: {  	s28 =	sld [smem:$0x7C9];
	_ =	sdelay $0x1  }
0x275: {  	s0 =	simm.s32 @!p0 $0x0;
	[sflag:s1] =	ssyncset.done @!p0 $0x0  }
0x276: {  	s0 =	simm.s32 @p0 $0x1;
	[sflag:s1] =	ssyncadd.s32 @!p0 $0xFFFF63C0;
	p0 =	seq.s32 s28, $0x1  }
0x277: {  	[smem:$0x7BB] =	sst s0;
	s0 =	simm.s32 @!p0 $0x0  }
0x278: {  	s0 =	simm.s32 @p0 $0x1  }
0x279: {  	[smem:$0x7C9] =	sst s0  }
0x27a: {  	s0 =	sld [smem:$0x7F4];
	_ =	sdelay $0x1  }
0x27b: {  	s1 =	simm.s32 @p0 $0xF568;
	s12 =	simm.s32 @p0 $0x1  }
0x27c: {  	[tilespmem:s1], [sflag:$0x1] =	stream.linear.gather @p0 [spmem:s0], $0x9C40, $0x38;
	[tilespmem:$0x199E8] =	vst v63  }
0x27d: {  	_ =	swait.ge @p0 [sflag:s12], $0x9C40  }
0x27e: {  	[sflag:s12] =	ssyncset.done @p0 $0x0  }
0x27f: {  	s5 =	simm.s32 @p0 $0x0;
	s0 =	rddreg [dreg:$0x8];
	[sflag:s12] =	ssyncadd.s32 @p0 $0xFFFF63C0  }
0x280: {  	[hbm4b:s0+s5] =	stream.linear.scatter @p0 [tilespmem:s1], [sflag:$0x1], $0x9C40, $0x38;
	[tilespmem:$0x199E8] =	vst v63  }
0x281: {  	s0 =	simm.s32 @p0 $0x0  }
0x282: {  	[smem:$0x7BC] =	sst s0  }
0x283: {  	_ =	swait.ge @p0 [sflag:s12], $0x9C40  }
0x284: {  	s29 =	sld [smem:$0x7D1];
	_ =	sdelay $0x1  }
0x285: {  	[sflag:s12] =	ssyncset.done @p0 $0x0  }
0x286: {  	s19 =	simm.s32 @p0 $0xF568;
	[sflag:s12] =	ssyncadd.s32 @p0 $0xFFFF63C0;
	p0 =	seq.s32 s29, $0x1  }
0x287: {  	s0 =	simm.s32 @!p0 $0x0  }
0x288: {  	s0 =	simm.s32 @p0 $0x1  }
0x289: {  	[smem:$0x7D1] =	sst s0  }
0x28a: {  	s0 =	sld [smem:$0x7F3];
	_ =	sdelay $0x1  }
0x28b: {  	s1 =	simm.s32 @p0 $0xF568;
	s21 =	simm.s32 @p0 $0x1  }
0x28c: {  	[tilespmem:s1], [sflag:$0x1] =	stream.linear.gather @p0 [spmem:s0], $0x9C40, $0x38;
	[tilespmem:$0x199E8] =	vst v63  }
0x28d: {  	_ =	swait.ge @p0 [sflag:s21], $0x9C40  }
0x28e: {  	[sflag:s21] =	ssyncset.done @p0 $0x0  }
0x28f: {  	s5 =	simm.s32 @p0 $0x0;
	s0 =	rddreg [dreg:$0x9];
	[sflag:s21] =	ssyncadd.s32 @p0 $0xFFFF63C0  }
0x290: {  	[hbm4b:s0+s5] =	stream.linear.scatter @p0 [tilespmem:s1], [sflag:$0x1], $0x9C40, $0x38;
	[tilespmem:$0x199E8] =	vst v63  }
0x291: {  	s0 =	simm.s32 @p0 $0x0  }
0x292: {  	[smem:$0x7BD] =	sst s0  }
0x293: {  	_ =	swait.ge @p0 [sflag:s21], $0x9C40  }
0x294: {  	s30 =	sld [smem:$0x7D0];
	_ =	sdelay $0x1  }
0x295: {  	[sflag:s21] =	ssyncset.done @p0 $0x0  }
0x296: {  	s8 =	simm.s32 @p0 $0xF568;
	[sflag:s21] =	ssyncadd.s32 @p0 $0xFFFF63C0;
	p0 =	seq.s32 s30, $0x1  }
0x297: {  	s0 =	simm.s32 @!p0 $0x0  }
0x298: {  	s0 =	simm.s32 @p0 $0x1  }
0x299: {  	[smem:$0x7D0] =	sst s0  }
0x29a: {  	s0 =	sld [smem:$0x7F2];
	_ =	sdelay $0x1  }
0x29b: {  	s1 =	simm.s32 @p0 $0xF568;
	s23 =	simm.s32 @p0 $0x1  }
0x29c: {  	[tilespmem:s1], [sflag:$0x1] =	stream.linear.gather @p0 [spmem:s0], $0x9C40, $0x38;
	[tilespmem:$0x199E8] =	vst v63  }
0x29d: {  	_ =	swait.ge @p0 [sflag:s23], $0x9C40  }
0x29e: {  	[sflag:s23] =	ssyncset.done @p0 $0x0  }
0x29f: {  	s5 =	simm.s32 @p0 $0x0;
	s0 =	rddreg [dreg:$0xa];
	[sflag:s23] =	ssyncadd.s32 @p0 $0xFFFF63C0  }
0x2a0: {  	[hbm4b:s0+s5] =	stream.linear.scatter @p0 [tilespmem:s1], [sflag:$0x1], $0x9C40, $0x38;
	[tilespmem:$0x199E8] =	vst v63  }
0x2a1: {  	s0 =	simm.s32 @p0 $0x0  }
0x2a2: {  	[smem:$0x7BE] =	sst s0  }
0x2a3: {  	_ =	swait.ge @p0 [sflag:s23], $0x9C40  }
0x2a4: {  	s31 =	sld [smem:$0x7D2];
	_ =	sdelay $0x1  }
0x2a5: {  	[sflag:s23] =	ssyncset.done @p0 $0x0;
	s0 =	sld [smem:$0x7F1]  }
0x2a6: {  	s1 =	simm.s32 @p0 $0xF568;
	[sflag:s23] =	ssyncadd.s32 @p0 $0xFFFF63C0;
	p0 =	seq.s32 s31, $0x1  }
0x2a7: {  	s31 =	simm.s32 @p0 $0xF568;
	s28 =	simm.s32 @p0 $0x1  }
0x2a8: {  	[tilespmem:s31], [sflag:$0x1] =	stream.linear.gather @p0 [spmem:s0], $0x9C40, $0x38;
	[tilespmem:$0x199E8] =	vst v63  }
0x2a9: {  	_ =	swait.ge @p0 [sflag:s28], $0x9C40  }
0x2aa: {  	[sflag:s28] =	ssyncset.done @p0 $0x0  }
0x2ab: {  	s5 =	simm.s32 @p0 $0x0;
	s0 =	rddreg [dreg:$0xb];
	[sflag:s28] =	ssyncadd.s32 @p0 $0xFFFF63C0  }
0x2ac: {  	[hbm4b:s0+s5] =	stream.linear.scatter @p0 [tilespmem:s31], [sflag:$0x1], $0x9C40, $0x38;
	[tilespmem:$0x199E8] =	vst v63  }
0x2ad: {  	_ =	swait.ge @p0 [sflag:s28], $0x9C40  }
0x2ae: {  	s5 =	sld [smem:$0x7CF];
	_ =	sdelay $0x1  }
0x2af: {  	s0 =	sld [smem:$0x7F0]  }
0x2b0: {  	[sflag:s28] =	ssyncset.done @p0 $0x0;
	p5 =	seq.s32 s5, $0x1  }
0x2b1: {  	[sflag:s28] =	ssyncadd.s32 @p0 $0xFFFF63C0;
	s29 =	simm.s32 @p5 $0xF568;
	s5 =	simm.s32 @p5 $0x1  }
0x2b2: {  	[tilespmem:s29], [sflag:$0x1] =	stream.linear.gather @p5 [spmem:s0], $0x9C40, $0x38;
	[tilespmem:$0x199E8] =	vst v63  }
0x2b3: {  	_ =	swait.ge @p5 [sflag:s5], $0x9C40  }
0x2b4: {  	[sflag:s5] =	ssyncset.done @p5 $0x0  }
0x2b5: {  	s9 =	simm.s32 @p5 $0x0;
	s0 =	rddreg [dreg:$0xc];
	[sflag:s5] =	ssyncadd.s32 @p5 $0xFFFF63C0  }
0x2b6: {  	[hbm4b:s0+s9] =	stream.linear.scatter @p5 [tilespmem:s29], [sflag:$0x1], $0x9C40, $0x38;
	[tilespmem:$0x199E8] =	vst v63  }
0x2b7: {  	_ =	swait.ge @p5 [sflag:s5], $0x9C40  }
0x2b8: {  	s9 =	sld [smem:$0x7D3];
	_ =	sdelay $0x2  }
0x2b9: {  	p1 =	seq.s32 s9, $0x1  }
0x2ba: {  	s0 =	simm.s32 @!p1 $0x0  }
0x2bb: {  	s0 =	simm.s32 @p1 $0x1  }
0x2bc: {  	[smem:$0x7D3] =	sst s0  }
0x2bd: {  	s0 =	sld [smem:$0x7EF]  }
0x2be: {  	[sflag:s5] =	ssyncset.done @p5 $0x0  }
0x2bf: {  	[sflag:s5] =	ssyncadd.s32 @p5 $0xFFFF63C0;
	s26 =	simm.s32 @p1 $0xF568;
	s9 =	simm.s32 @p1 $0x1  }
0x2c0: {  	[tilespmem:s26], [sflag:$0x1] =	stream.linear.gather @p1 [spmem:s0], $0x9C40, $0x38;
	[tilespmem:$0x199E8] =	vst v63  }
0x2c1: {  	_ =	swait.ge @p1 [sflag:s9], $0x9C40  }
0x2c2: {  	[sflag:s9] =	ssyncset.done @p1 $0x0  }
0x2c3: {  	s10 =	simm.s32 @p1 $0x0;
	s0 =	rddreg [dreg:$0xd];
	[sflag:s9] =	ssyncadd.s32 @p1 $0xFFFF63C0  }
0x2c4: {  	[hbm4b:s0+s10] =	stream.linear.scatter @p1 [tilespmem:s26], [sflag:$0x1], $0x9C40, $0x38;
	[tilespmem:$0x199E8] =	vst v63  }
0x2c5: {  	s0 =	simm.s32 @p1 $0x0  }
0x2c6: {  	[smem:$0x7BF] =	sst s0  }
0x2c7: {  	_ =	swait.ge @p1 [sflag:s9], $0x9C40  }
0x2c8: {  	s10 =	sld [smem:$0x7CE];
	_ =	sdelay $0x1  }
0x2c9: {  	[sflag:s9] =	ssyncset.done @p1 $0x0;
	s0 =	sld [smem:$0x7EE]  }
0x2ca: {  	[sflag:s9] =	ssyncadd.s32 @p1 $0xFFFF63C0;
	p1 =	seq.s32 s10, $0x1  }
0x2cb: {  	s22 =	simm.s32 @p1 $0xF568  }
0x2cc: {  	[tilespmem:s22], [sflag:$0x1] =	stream.linear.gather @p1 [spmem:s0], $0x9C40, $0x38;
	[tilespmem:$0x199E8] =	vst v63  }
0x2cd: {  	s0 =	simm.s32 @p1 $0x1  }
0x2ce: {  	_ =	swait.ge @p1 [sflag:s0], $0x9C40  }
0x2cf: {  	[sflag:s0] =	ssyncset.done @p1 $0x0  }
0x2d0: {  	s11 =	simm.s32 @p1 $0x0;
	s10 =	rddreg [dreg:$0xe];
	[sflag:s0] =	ssyncadd.s32 @p1 $0xFFFF63C0  }
0x2d1: {  	[hbm4b:s10+s11] =	stream.linear.scatter @p1 [tilespmem:s22], [sflag:$0x1], $0x9C40, $0x38;
	[tilespmem:$0x199E8] =	vst v63  }
0x2d2: {  	_ =	swait.ge @p1 [sflag:s0], $0x9C40  }
0x2d3: {  	s10 =	sld [smem:$0x7ED]  }
0x2d4: {  	[sflag:s0] =	ssyncset.done @p1 $0x0  }
0x2d5: {  	s24 =	simm.s32 @p6 $0x1;
	s11 =	simm.s32 @p6 $0xF568;
	[sflag:s0] =	ssyncadd.s32 @p1 $0xFFFF63C0  }
0x2d6: {  	[tilespmem:s11], [sflag:$0x1] =	stream.linear.gather @p6 [spmem:s10], $0x9C40, $0x38;
	[tilespmem:$0x199E8] =	vst v63  }
0x2d7: {  	_ =	swait.ge @p6 [sflag:s24], $0x9C40  }
0x2d8: {  	[sflag:s24] =	ssyncset.done @p6 $0x0  }
0x2d9: {  	s20 =	simm.s32 @p6 $0x0;
	s10 =	rddreg [dreg:$0xf];
	[sflag:s24] =	ssyncadd.s32 @p6 $0xFFFF63C0  }
0x2da: {  	[hbm4b:s10+s20] =	stream.linear.scatter @p6 [tilespmem:s11], [sflag:$0x1], $0x9C40, $0x38;
	[tilespmem:$0x199E8] =	vst v63  }
0x2db: {  	_ =	swait.ge @p6 [sflag:s24], $0x9C40  }
0x2dc: {  	s11 =	sld [smem:$0x7CD];
	_ =	sdelay $0x1  }
0x2dd: {  	s10 =	sld [smem:$0x7EC]  }
0x2de: {  	[sflag:s24] =	ssyncset.done @p6 $0x0;
	p4 =	seq.s32 s11, $0x1  }
0x2df: {  	[sflag:s24] =	ssyncadd.s32 @p6 $0xFFFF63C0;
	s11 =	simm.s32 @p4 $0xF568;
	s30 =	simm.s32 @p4 $0x1  }
0x2e0: {  	[tilespmem:s11], [sflag:$0x1] =	stream.linear.gather @p4 [spmem:s10], $0x9C40, $0x38;
	[tilespmem:$0x199E8] =	vst v63  }
0x2e1: {  	_ =	swait.ge @p4 [sflag:s30], $0x9C40  }
0x2e2: {  	[sflag:s30] =	ssyncset.done @p4 $0x0  }
0x2e3: {  	s10 =	simm.s32 @p4 $0x0;
	s20 =	rddreg [dreg:$0x10];
	[sflag:s30] =	ssyncadd.s32 @p4 $0xFFFF63C0  }
0x2e4: {  	[hbm4b:s20+s10] =	stream.linear.scatter @p4 [tilespmem:s11], [sflag:$0x1], $0x9C40, $0x38;
	[tilespmem:$0x199E8] =	vst v63  }
0x2e5: {  	_ =	swait.ge @p4 [sflag:s30], $0x9C40  }
0x2e6: {  	s20 =	sld [smem:$0x7D4];
	_ =	sdelay $0x1  }
0x2e7: {  	[sflag:s30] =	ssyncset.done @p4 $0x0;
	s11 =	sld [smem:$0x7EB]  }
0x2e8: {  	[sflag:s30] =	ssyncadd.s32 @p4 $0xFFFF63C0;
	p4 =	seq.s32 s20, $0x1  }
0x2e9: {  	s10 =	simm.s32 @p4 $0xF568  }
0x2ea: {  	[tilespmem:s10], [sflag:$0x1] =	stream.linear.gather @p4 [spmem:s11], $0x9C40, $0x38;
	[tilespmem:$0x199E8] =	vst v63  }
0x2eb: {  	s11 =	simm.s32 @p4 $0x1  }
0x2ec: {  	_ =	swait.ge @p4 [sflag:s11], $0x9C40  }
0x2ed: {  	[sflag:s11] =	ssyncset.done @p4 $0x0  }
0x2ee: {  	s30 =	simm.s32 @p4 $0x0;
	s20 =	rddreg [dreg:$0x11];
	[sflag:s11] =	ssyncadd.s32 @p4 $0xFFFF63C0  }
0x2ef: {  	[hbm4b:s20+s30] =	stream.linear.scatter @p4 [tilespmem:s10], [sflag:$0x1], $0x9C40, $0x38;
	[tilespmem:$0x199E8] =	vst v63  }
0x2f0: {  	_ =	swait.ge @p4 [sflag:s11], $0x9C40  }
0x2f1: {  	s30 =	sld [smem:$0x7CC]  }
0x2f2: {  	[sflag:s11] =	ssyncset.done @p4 $0x0  }
0x2f3: {  	[sflag:s11] =	ssyncadd.s32 @p4 $0xFFFF63C0;
	s11 =	sld [smem:$0x7EA]  }
0x2f4: {  	p4 =	seq.s32 s30, $0x1  }
0x2f5: {  	s10 =	simm.s32 @p4 $0xF568  }
0x2f6: {  	[tilespmem:s10], [sflag:$0x1] =	stream.linear.gather @p4 [spmem:s11], $0x9C40, $0x38;
	[tilespmem:$0x199E8] =	vst v63  }
0x2f7: {  	s11 =	simm.s32 @p4 $0x1  }
0x2f8: {  	_ =	swait.ge @p4 [sflag:s11], $0x9C40  }
0x2f9: {  	[sflag:s11] =	ssyncset.done @p4 $0x0  }
0x2fa: {  	s30 =	simm.s32 @p4 $0x0;
	s20 =	rddreg [dreg:$0x12];
	[sflag:s11] =	ssyncadd.s32 @p4 $0xFFFF63C0  }
0x2fb: {  	[hbm4b:s20+s30] =	stream.linear.scatter @p4 [tilespmem:s10], [sflag:$0x1], $0x9C40, $0x38;
	[tilespmem:$0x199E8] =	vst v63  }
0x2fc: {  	_ =	swait.ge @p4 [sflag:s11], $0x9C40  }
0x2fd: {  	[sflag:s11] =	ssyncset.done @p4 $0x0  }
0x2fe: {  	[sflag:s11] =	ssyncadd.s32 @p4 $0xFFFF63C0;
	s11 =	sld [smem:$0x7D5];
	_ =	sdelay $0x2  }
0x2ff: {  	p4 =	seq.s32 s11, $0x1;
	s11 =	sld [smem:$0x7E9];
	_ =	sdelay $0x1  }
0x300: {  	s10 =	simm.s32 @p4 $0xF568  }
0x301: {  	[tilespmem:s10], [sflag:$0x1] =	stream.linear.gather @p4 [spmem:s11], $0x9C40, $0x38;
	[tilespmem:$0x199E8] =	vst v63  }
0x302: {  	s11 =	simm.s32 @p4 $0x1  }
0x303: {  	_ =	swait.ge @p4 [sflag:s11], $0x9C40  }
0x304: {  	[sflag:s11] =	ssyncset.done @p4 $0x0  }
0x305: {  	s30 =	simm.s32 @p4 $0x0;
	s20 =	rddreg [dreg:$0x13];
	[sflag:s11] =	ssyncadd.s32 @p4 $0xFFFF63C0  }
0x306: {  	[hbm4b:s20+s30] =	stream.linear.scatter @p4 [tilespmem:s10], [sflag:$0x1], $0x9C40, $0x38;
	[tilespmem:$0x199E8] =	vst v63  }
0x307: {  	_ =	swait.ge @p4 [sflag:s11], $0x9C40  }
0x308: {  	s20 =	sld [smem:$0x7CB]  }
0x309: {  	[sflag:s11] =	ssyncset.done @p4 $0x0  }
0x30a: {  	[sflag:s11] =	ssyncadd.s32 @p4 $0xFFFF63C0;
	s11 =	sld [smem:$0x7E8]  }
0x30b: {  	p4 =	seq.s32 s20, $0x1  }
0x30c: {  	s10 =	simm.s32 @p4 $0xF568  }
0x30d: {  	[tilespmem:s10], [sflag:$0x1] =	stream.linear.gather @p4 [spmem:s11], $0x9C40, $0x38;
	[tilespmem:$0x199E8] =	vst v63  }
0x30e: {  	s11 =	simm.s32 @p4 $0x1  }
0x30f: {  	_ =	swait.ge @p4 [sflag:s11], $0x9C40  }
0x310: {  	[sflag:s11] =	ssyncset.done @p4 $0x0  }
0x311: {  	s30 =	simm.s32 @p4 $0x0;
	s20 =	rddreg [dreg:$0x14];
	[sflag:s11] =	ssyncadd.s32 @p4 $0xFFFF63C0  }
0x312: {  	[hbm4b:s20+s30] =	stream.linear.scatter @p4 [tilespmem:s10], [sflag:$0x1], $0x9C40, $0x38;
	[tilespmem:$0x199E8] =	vst v63  }
0x313: {  	_ =	swait.ge @p4 [sflag:s11], $0x9C40  }
0x314: {  	[sflag:s11] =	ssyncset.done @p4 $0x0  }
0x315: {  	[sflag:s11] =	ssyncadd.s32 @p4 $0xFFFF63C0;
	s11 =	sld [smem:$0x7E7];
	_ =	sdelay $0x1  }
0x316: {  	s10 =	simm.s32 @p2 $0xF568  }
0x317: {  	[tilespmem:s10], [sflag:$0x1] =	stream.linear.gather @p2 [spmem:s11], $0x9C40, $0x38;
	[tilespmem:$0x199E8] =	vst v63  }
0x318: {  	s11 =	simm.s32 @p2 $0x1  }
0x319: {  	_ =	swait.ge @p2 [sflag:s11], $0x9C40  }
0x31a: {  	p3 =	por p2, p2;
	[sflag:s11] =	ssyncset.done @p2 $0x0  }
0x31b: {  	s30 =	simm.s32 @p2 $0x0;
	s20 =	rddreg [dreg:$0x16];
	[sflag:s11] =	ssyncadd.s32 @p2 $0xFFFF63C0  }
0x31c: {  	[hbm4b:s20+s30] =	stream.linear.scatter @p2 [tilespmem:s10], [sflag:$0x1], $0x9C40, $0x38;
	[tilespmem:$0x199E8] =	vst v63  }
0x31d: {  	_ =	swait.ge @p3 [sflag:s11], $0x9C40  }
0x31e: {  	s20 =	sld [smem:$0x7CA]  }
0x31f: {  	s30 =	stileid.u32  }
0x320: {  	p2 =	seq.s32 s30, $0x0;
	[sflag:s11] =	ssyncset.done @p3 $0x0;
	s10 =	sld [smem:$0x7E6]  }
0x321: {  	[sflag:s11] =	ssyncadd.s32 @p3 $0xFFFF63C0;
	s11 =	sld [smem:$0x7F5];
	p4 =	seq.s32 s20, $0x1  }
0x322: {  	p2 =	por p4, p2  }
0x323: {  	p4 =	por !p4, !p2  }
0x324: {  	s10 =	smov.u32 @p4 s11;
	s11 =	simm.s32 @p2 $0xF568  }
0x325: {  	[tilespmem:s11], [sflag:$0x1] =	stream.linear.gather @p2 [spmem:s10], $0x9C40, $0x38;
	[tilespmem:$0x199E8] =	vst v63  }
0x326: {  	s10 =	simm.s32 @p2 $0x927C0  }
0x327: {  	s20 =	rddreg [dreg:$0x4];
	s30 =	simm.s32 @p2 $0x1;
	s10 =	simm.s32 @p4 $0x9C400  }
0x328: {  	_ =	swait.ge @p2 [sflag:s30], $0x9C40;
	s10 =	sadd.s32 @p2 s10, s20  }
0x329: {  	[sflag:s30] =	ssyncset.done @p2 $0x0;
	s20 =	rddreg [dreg:$0x5];
	s10 =	sshrl.u32 @p2 s10, $0x3  }
0x32a: {  	[sflag:s30] =	ssyncadd.s32 @p2 $0xFFFF63C0;
	s10 =	sadd.s32 @p2 s20, s10;
	s20 =	simm.s32 @p2 $0x0  }
0x32b: {  	[hbm4b:s10+s20] =	stream.linear.scatter @p2 [tilespmem:s11], [sflag:$0x1], $0x9C40, $0x38;
	[tilespmem:$0x199E8] =	vst v63  }
0x32c: {  	_ =	swait.ge @p2 [sflag:s30], $0x9C40  }
0x32d: {  	[sflag:s30] =	ssyncset.done @p2 $0x0  }
0x32e: {  	[sflag:s30] =	ssyncadd.s32 @p2 $0xFFFF63C0;
	s30 =	sld [smem:$0x7C9]  }
0x32f: {  	s11 =	sld [smem:$0x7F6];
	_ =	sdelay $0x1  }
0x330: {  	p2 =	seq.s32 s30, $0x1  }
0x331: {  	[tilespmem:s19], [sflag:$0x1] =	stream.linear.gather @p2 [spmem:s11], $0x9C40, $0x38;
	[tilespmem:$0x199E8] =	vst v63  }
0x332: {  	_ =	swait.ge @p2 [sflag:s12], $0x9C40  }
0x333: {  	s20 =	sld [smem:$0x7BC]  }
0x334: {  	[sflag:s12] =	ssyncset.done @p2 $0x0  }
0x335: {  	s11 =	rddreg [dreg:$0x17];
	[sflag:s12] =	ssyncadd.s32 @p2 $0xFFFF63C0  }
0x336: {  	[hbm4b:s11+s20] =	stream.linear.scatter @p2 [tilespmem:s19], [sflag:$0x1], $0x9C40, $0x38;
	[tilespmem:$0x199E8] =	vst v63  }
0x337: {  	_ =	swait.ge @p2 [sflag:s12], $0x9C40  }
0x338: {  	s20 =	sld [smem:$0x7D1]  }
0x339: {  	s11 =	sld [smem:$0x7F7]  }
0x33a: {  	[sflag:s12] =	ssyncset.done @p2 $0x0  }
0x33b: {  	[sflag:s12] =	ssyncadd.s32 @p2 $0xFFFF63C0;
	p2 =	seq.s32 s20, $0x1  }
0x33c: {  	[tilespmem:s8], [sflag:$0x1] =	stream.linear.gather @p2 [spmem:s11], $0x9C40, $0x38;
	[tilespmem:$0x199E8] =	vst v63  }
0x33d: {  	_ =	swait.ge @p2 [sflag:s21], $0x9C40  }
0x33e: {  	s12 =	sld [smem:$0x7BD]  }
0x33f: {  	[sflag:s21] =	ssyncset.done @p2 $0x0  }
0x340: {  	s11 =	rddreg [dreg:$0x18];
	[sflag:s21] =	ssyncadd.s32 @p2 $0xFFFF63C0  }
0x341: {  	[hbm4b:s11+s12] =	stream.linear.scatter @p2 [tilespmem:s8], [sflag:$0x1], $0x9C40, $0x38;
	[tilespmem:$0x199E8] =	vst v63  }
0x342: {  	_ =	swait.ge @p2 [sflag:s21], $0x9C40  }
0x343: {  	[sflag:s21] =	ssyncset.done @p2 $0x0  }
0x344: {  	[sflag:s21] =	ssyncadd.s32 @p2 $0xFFFF63C0;
	s21 =	sld [smem:$0x7D0]  }
0x345: {  	s11 =	sld [smem:$0x7F8];
	_ =	sdelay $0x1  }
0x346: {  	p2 =	seq.s32 s21, $0x1  }
0x347: {  	[tilespmem:s1], [sflag:$0x1] =	stream.linear.gather @p2 [spmem:s11], $0x9C40, $0x38;
	[tilespmem:$0x199E8] =	vst v63  }
0x348: {  	_ =	swait.ge @p2 [sflag:s23], $0x9C40  }
0x349: {  	s8 =	sld [smem:$0x7BE]  }
0x34a: {  	[sflag:s23] =	ssyncset.done @p2 $0x0  }
0x34b: {  	s11 =	rddreg [dreg:$0x19];
	[sflag:s23] =	ssyncadd.s32 @p2 $0xFFFF63C0  }
0x34c: {  	[hbm4b:s11+s8] =	stream.linear.scatter @p2 [tilespmem:s1], [sflag:$0x1], $0x9C40, $0x38;
	[tilespmem:$0x199E8] =	vst v63  }
0x34d: {  	_ =	swait.ge @p2 [sflag:s23], $0x9C40  }
0x34e: {  	s11 =	sld [smem:$0x7F9]  }
0x34f: {  	[sflag:s23] =	ssyncset.done @p2 $0x0  }
0x350: {  	[sflag:s23] =	ssyncadd.s32 @p2 $0xFFFF63C0  }
0x351: {  	[tilespmem:s31], [sflag:$0x1] =	stream.linear.gather @p0 [spmem:s11], $0x9C40, $0x38;
	[tilespmem:$0x199E8] =	vst v63  }
0x352: {  	_ =	swait.ge @p0 [sflag:s28], $0x9C40  }
0x353: {  	[sflag:s28] =	ssyncset.done @p0 $0x0  }
0x354: {  	s1 =	simm.s32 @p0 $0x0;
	s11 =	rddreg [dreg:$0x1a];
	[sflag:s28] =	ssyncadd.s32 @p0 $0xFFFF63C0  }
0x355: {  	[hbm4b:s11+s1] =	stream.linear.scatter @p0 [tilespmem:s31], [sflag:$0x1], $0x9C40, $0x38;
	[tilespmem:$0x199E8] =	vst v63  }
0x356: {  	_ =	swait.ge @p0 [sflag:s28], $0x9C40  }
0x357: {  	s11 =	sld [smem:$0x7FA]  }
0x358: {  	[sflag:s28] =	ssyncset.done @p0 $0x0  }
0x359: {  	[sflag:s28] =	ssyncadd.s32 @p0 $0xFFFF63C0  }
0x35a: {  	[tilespmem:s29], [sflag:$0x1] =	stream.linear.gather @p5 [spmem:s11], $0x9C40, $0x38;
	[tilespmem:$0x199E8] =	vst v63  }
0x35b: {  	_ =	swait.ge @p5 [sflag:s5], $0x9C40  }
0x35c: {  	[sflag:s5] =	ssyncset.done @p5 $0x0  }
0x35d: {  	s1 =	simm.s32 @p5 $0x0;
	s11 =	rddreg [dreg:$0x1b];
	[sflag:s5] =	ssyncadd.s32 @p5 $0xFFFF63C0  }
0x35e: {  	[hbm4b:s11+s1] =	stream.linear.scatter @p5 [tilespmem:s29], [sflag:$0x1], $0x9C40, $0x38;
	[tilespmem:$0x199E8] =	vst v63  }
0x35f: {  	_ =	swait.ge @p5 [sflag:s5], $0x9C40  }
0x360: {  	[sflag:s5] =	ssyncset.done @p5 $0x0;
	s29 =	sld [smem:$0x7D3]  }
0x361: {  	[sflag:s5] =	ssyncadd.s32 @p5 $0xFFFF63C0;
	s5 =	sld [smem:$0x7FB];
	_ =	sdelay $0x1  }
0x362: {  	p0 =	seq.s32 s29, $0x1  }
0x363: {  	[tilespmem:s26], [sflag:$0x1] =	stream.linear.gather @p0 [spmem:s5], $0x9C40, $0x38;
	[tilespmem:$0x199E8] =	vst v63  }
0x364: {  	_ =	swait.ge @p0 [sflag:s9], $0x9C40  }
0x365: {  	s1 =	sld [smem:$0x7BF]  }
0x366: {  	[sflag:s9] =	ssyncset.done @p0 $0x0  }
0x367: {  	s5 =	rddreg [dreg:$0x1c];
	[sflag:s9] =	ssyncadd.s32 @p0 $0xFFFF63C0  }
0x368: {  	[hbm4b:s5+s1] =	stream.linear.scatter @p0 [tilespmem:s26], [sflag:$0x1], $0x9C40, $0x38;
	[tilespmem:$0x199E8] =	vst v63  }
0x369: {  	_ =	swait.ge @p0 [sflag:s9], $0x9C40  }
0x36a: {  	s5 =	sld [smem:$0x7FC]  }
0x36b: {  	[sflag:s9] =	ssyncset.done @p0 $0x0  }
0x36c: {  	[sflag:s9] =	ssyncadd.s32 @p0 $0xFFFF63C0  }
0x36d: {  	[tilespmem:s22], [sflag:$0x1] =	stream.linear.gather @p1 [spmem:s5], $0x9C40, $0x38;
	[tilespmem:$0x199E8] =	vst v63  }
0x36e: {  	_ =	swait.ge @p1 [sflag:s0], $0x9C40  }
0x36f: {  	s10 =	stileid.u32;
	[sflag:s0] =	ssyncset.done @p1 $0x0  }
0x370: {  	s1 =	simm.s32 @p1 $0x0;
	s5 =	rddreg [dreg:$0x1d];
	[sflag:s0] =	ssyncadd.s32 @p1 $0xFFFF63C0  }
0x371: {  	[hbm4b:s5+s1] =	stream.linear.scatter @p1 [tilespmem:s22], [sflag:$0x1], $0x9C40, $0x38;
	[tilespmem:$0x199E8] =	vst v63  }
0x372: {  	p2 =	por p1, p1;
	_ =	swait.ge @p1 [sflag:s0], $0x9C40;
	p1 =	sne.s32 @!p6 s10, $0x0  }
0x373: {  	[sflag:s0] =	ssyncset.done @p2 $0x0;
	p1 =	por p1, p6  }
0x374: {  	[sflag:s0] =	ssyncadd.s32 @p2 $0xFFFF63C0;
	s0 =	simm.s32 @!p1 $0xF568;
	s1 =	simm.s32 @!p1 $0x1  }
0x375: {  	[tilespmem:s0], [sflag:$0x1] =	stream.linear.gather @!p1 [spmem:s3], $0x1388, $0x38;
	[tilespmem:$0x199E8] =	vst v63  }
0x376: {  	_ =	swait.ge @!p1 [sflag:s1], $0x1388  }
0x377: {  	[sflag:s1] =	ssyncset.done @!p1 $0x0  }
0x378: {  	s5 =	simm.s32 @!p1 $0x0;
	s8 =	rddreg [dreg:$0x15];
	[sflag:s1] =	ssyncadd.s32 @!p1 $0xFFFFEC78  }
0x379: {  	[hbm4b:s8+s5] =	stream.linear.scatter @!p1 [tilespmem:s0], [sflag:$0x1], $0x1388, $0x38;
	[tilespmem:$0x199E8] =	vst v63  }
0x37a: {  	_ =	swait.ge @!p1 [sflag:s1], $0x1388  }
0x37b: {  	s0 =	sld [smem:$0x7FD]  }
0x37c: {  	[sflag:s1] =	ssyncset.done @!p1 $0x0  }
0x37d: {  	s5 =	simm.s32 @p6 $0xF568;
	[sflag:s1] =	ssyncadd.s32 @!p1 $0xFFFFEC78  }
0x37e: {  	[tilespmem:s5], [sflag:$0x1] =	stream.linear.gather @p6 [spmem:s0], $0x9C40, $0x38;
	[tilespmem:$0x199E8] =	vst v63  }
0x37f: {  	_ =	swait.ge @p6 [sflag:s24], $0x9C40  }
0x380: {  	[sflag:s24] =	ssyncset.done @p6 $0x0  }
0x381: {  	s1 =	simm.s32 @p6 $0x0;
	s0 =	rddreg [dreg:$0x1e];
	[sflag:s24] =	ssyncadd.s32 @p6 $0xFFFF63C0  }
0x382: {  	[hbm4b:s0+s1] =	stream.linear.scatter @p6 [tilespmem:s5], [sflag:$0x1], $0x9C40, $0x38;
	[tilespmem:$0x199E8] =	vst v63  }
0x383: {  	_ =	swait.ge @p6 [sflag:s24], $0x9C40  }
0x384: {  	s30 =	sld [smem:$0x7D6];
	_ =	sdelay $0x2  }
0x385: {  	s31 =	rddreg [dreg:$0x1f];
	s1 =	sadd.s32 $0x1, s30  }
0x386: {  	p1 =	sne.s32 s1, s31  }
.Ltmp8:
0x387: {  	_ = 	snop;
	(pc) =	sbr.rel @p1 .LBB2_1-.Ltmp8, $3  }
0x388: {  	_ =	sdelay $0x1  }
0x389: {  	[sflag:s24] =	ssyncset.done @p6 $0x0  }
0x38a: {  	[sflag:s24] =	ssyncadd.s32 @p6 $0xFFFF63C0  }
0x38b: {  	_ =	sfence.sel $0x180000  }
0x38c: {  	[bflag:$0x0] =	sbarrier.arrive $0xFFFF  }
0x38d: {  	_ =	strace $0x90000047  }
0x38e: {  	[bflag:$0x2] =	sbarrier.arrive $0xFFFF  }
0x38f: {  	s1 =	sld [smem:$0x7BB];
	_ =	sdelay $0x2  }
0x390: {  	s0 =	rddreg [dreg:$0x3];
	p0 =	seq.s32 s1, $0x1  }
0x391: {  	s0 =	sadd.s32 @!p0 $0x100000, s0  }
0x392: {  	[sflag:s0] =	ssyncadd.tile.s32 @!p0 $0x1;
	_ =	shalt  }
.Lfunc_end2:
_tile_overlayer_lowered:
.L_overlay_start_2:
0x393: {  	(tag) =	ssettag $0x2  }
0x394: {  	s0 =	rddreg [dreg:$0x0];
	s2 =	stileid.u32  }
0x395: {  	s1 =	rddreg [dreg:$0x1];
	p0 =	sne.s32 s2, $0x0  }
0x396: {  	s3 =	rddreg [dreg:$0x2];
	[bflag:$0x3] =	sbarrier.arrive $0xFFFF;
	s2 =	simm.s32 @!p0 $0x1C01  }
0x397: {  	[timem:s3], [sflag:s2] =	dma.local @!p0 [hbm:s0], s1  }
0x398: {  	s0 =	simm.s32 @!p0 $0x1  }
0x399: {  	_ =	swait.ge @!p0 [sflag:s0], s1  }
0x39a: {  	s1 =	ssub.s32 @!p0 $0x0, s1;
	[sflag:s0] =	ssyncset.done @!p0 $0x0  }
0x39b: {  	[sflag:s0] =	ssyncadd.s32 @!p0 s1  }
0x39c: {  	[bflag:$0x3] =	sbarrier.arrive $0xFFFF  }
0x39d: {  	_ =	shalt  }

</sc_bundles>
